<compile_context>
chip_gen: v7x
topology: tpu7x:2x2x1
jax: 0.10.2.dev20260603
libtpu: 0.0.44.dev20260713+nightly
codegen_flags: <defaults>
</compile_context>

<pallas_src>
import functools

import jax
import jax.numpy as jnp
from jax import lax
from jax.experimental import pallas as pl
from jax.experimental.pallas import tpu as pltpu
from jax.experimental.pallas import tpu_sc as plsc

VOCAB = 1000000
EMBED_DIM = 64
SEQ = 200
BATCH = 4096
NUM_WORKERS = 32

_MESH = dict(core_axis_name="c", subcore_axis_name="s")
_D_CHUNK = 16


_WV = 128
_N_FULL = VOCAB // _WV
_TAIL = VOCAB - _N_FULL * _WV
_TAIL_WORKER = 5
_UPW = (_N_FULL + NUM_WORKERS - 1) // NUM_WORKERS


@functools.partial(
    pl.kernel,
    mesh=plsc.VectorSubcoreMesh(**_MESH),
    compiler_params=pltpu.CompilerParams(needs_layout_passes=False),
    out_type=jax.ShapeDtypeStruct((VOCAB // 2, 2 * EMBED_DIM), jnp.float32),
    scratch_types=[
        pltpu.VMEM((EMBED_DIM, _WV), jnp.float32),
        pltpu.VMEM((EMBED_DIM, _WV), jnp.float32),
        pltpu.VMEM((_WV // 2, 2 * EMBED_DIM), jnp.float32),
        pltpu.VMEM((_WV // 2, 2 * EMBED_DIM), jnp.float32),
        pltpu.SemaphoreType.DMA,
        pltpu.SemaphoreType.DMA,
    ],
)
def _relayout(emb_t, tail_blk, table_rm, eb0, eb1, ov0, ov1, in_sem, out_sem):
    wid = lax.axis_index("s") * 2 + lax.axis_index("c")
    iota = lax.iota(jnp.int32, 16)
    rows = [lax.shift_right_logical(iota + 16 * m, 1) for m in range(8)]
    colb = [((iota + 16 * m) & 1) * EMBED_DIM for m in range(8)]

    def n_of(u):
        return jnp.minimum(wid * _UPW + u, _N_FULL - 1)

    def start_in(u, eb):
        pltpu.async_copy(emb_t.at[:, pl.ds(n_of(u) * _WV, _WV)], eb, in_sem)

    def wait_in(eb):
        pltpu.make_async_copy(emb_t.at[:, pl.ds(0, _WV)], eb, in_sem).wait()

    def start_out(u, ov):
        pltpu.async_copy(ov, table_rm.at[pl.ds(n_of(u) * (_WV // 2), _WV // 2)],
                         out_sem)

    def wait_out(ov):
        pltpu.make_async_copy(
            ov, table_rm.at[pl.ds(0, _WV // 2)], out_sem).wait()

    def transpose(eb, ov):
        @plsc.parallel_loop(0, EMBED_DIM, unroll=_D_CHUNK)
        def _body(dd):
            for m in range(8):
                vec = eb[dd, pl.ds(16 * m, 16)]
                plsc.store_scatter(ov, [rows[m], colb[m] + dd], vec)

    def unit(u, g, eb, ov, eb_next):
        start_in(u + 1, eb_next)
        wait_in(eb)

        @pl.when(g >= 1)
        def _():
            wait_out(ov)

        transpose(eb, ov)
        start_out(u, ov)

    start_in(0, eb0)

    def pair_body(g, carry):
        unit(2 * g, g, eb0, ov0, eb1)
        unit(2 * g + 1, g, eb1, ov1, eb0)
        return carry

    lax.fori_loop(0, _UPW // 2, pair_body, 0)
    u_last = _UPW - 1
    wait_in(eb0)
    wait_out(ov0)
    transpose(eb0, ov0)
    start_out(u_last, ov0)
    wait_out(ov0)
    wait_out(ov1)

    @pl.when(wid == _TAIL_WORKER)
    def _tail():
        pltpu.sync_copy(tail_blk, ov0.at[pl.ds(0, _TAIL // 2)])
        pltpu.sync_copy(ov0.at[pl.ds(0, _TAIL // 2)],
                        table_rm.at[pl.ds(_N_FULL * (_WV // 2), _TAIL // 2)])



_BW = 128


@functools.partial(
    pl.kernel,
    mesh=plsc.VectorSubcoreMesh(**_MESH),
    compiler_params=pltpu.CompilerParams(needs_layout_passes=False),
    out_type=jax.ShapeDtypeStruct((SEQ, EMBED_DIM, BATCH), jnp.float32),
    scratch_types=[
        pltpu.VMEM((SEQ, _BW), jnp.int32),
        pltpu.VMEM((_BW,), jnp.int32),
        pltpu.VMEM((_BW,), jnp.int32),
        pltpu.VMEM((_BW,), jnp.int32),
        pltpu.VMEM((_BW,), jnp.int32),
        pltpu.VMEM((_BW, 2 * EMBED_DIM), jnp.float32),
        pltpu.VMEM((_BW, 2 * EMBED_DIM), jnp.float32),
        pltpu.VMEM((EMBED_DIM, _BW), jnp.float32),
        pltpu.VMEM((EMBED_DIM, _BW), jnp.float32),
        pltpu.SemaphoreType.DMA,
        pltpu.SemaphoreType.DMA,
    ],
)
def _gather(idx_t, table_rm, out, idxw_v, ip0, ip1, cb0, cb1, r0, r1, ob0, ob1,
            in_sem, out_sem):
    wid = lax.axis_index("s") * 2 + lax.axis_index("c")
    b0 = wid * _BW
    pltpu.sync_copy(idx_t.at[:, pl.ds(b0, _BW)], idxw_v)
    iota = lax.iota(jnp.int32, 16)
    rows = [iota + 16 * m for m in range(8)]

    def prep(u, ip, cb):
        t = jnp.minimum(u, SEQ - 1)
        for k in range(_BW // 16):
            v = idxw_v[t, pl.ds(16 * k, 16)]
            ip[pl.ds(16 * k, 16)] = lax.shift_right_logical(v, 1)
            cb[pl.ds(16 * k, 16)] = (v & 1) * EMBED_DIM

    def start_gather(ip, rv):
        pltpu.async_copy(table_rm.at[ip], rv, in_sem)

    def wait_gather(ip, rv):
        pltpu.make_async_copy(table_rm.at[ip], rv, in_sem).wait()

    def start_out(u, ob):
        pltpu.async_copy(ob, out.at[u, :, pl.ds(b0, _BW)], out_sem)

    def wait_out(ob):
        pltpu.make_async_copy(ob, out.at[0, :, pl.ds(b0, _BW)], out_sem).wait()

    def transpose(rv, cb, ob):
        colb = [cb[pl.ds(16 * m, 16)] for m in range(8)]

        @plsc.parallel_loop(0, EMBED_DIM, unroll=_D_CHUNK)
        def _body(dd):
            for m in range(8):
                vec = plsc.load_gather(rv, [rows[m], colb[m] + dd])
                ob[dd, pl.ds(16 * m, 16)] = vec

    def unit(u, g, ip, cb, rv, ob, ip_n, cb_n, rv_n):
        prep(u + 1, ip_n, cb_n)
        start_gather(ip_n, rv_n)
        wait_gather(ip, rv)

        @pl.when(g >= 1)
        def _():
            wait_out(ob)

        transpose(rv, cb, ob)
        start_out(u, ob)

    prep(0, ip0, cb0)
    start_gather(ip0, r0)

    def pair_body(g, carry):
        unit(2 * g, g, ip0, cb0, r0, ob0, ip1, cb1, r1)
        unit(2 * g + 1, g, ip1, cb1, r1, ob1, ip0, cb0, r0)
        return carry

    lax.fori_loop(0, SEQ // 2, pair_body, 0)
    wait_gather(ip0, r0)
    wait_out(ob0)
    wait_out(ob1)


def kernel(inputs, embeddings):
    emb_t = embeddings.T
    idx_t = inputs.T
    tail_blk = jnp.reshape(
        lax.slice(embeddings, (VOCAB - _TAIL, 0), (VOCAB, EMBED_DIM)),
        (_TAIL // 2, 2 * EMBED_DIM))
    table_rm = _relayout(emb_t, tail_blk)
    out_t = _gather(idx_t, table_rm)
    return jnp.transpose(out_t, (2, 0, 1))

# --- scband reference (transcript-rebuilt; emitter-appended) ---
"""Pipeline reference for scband-on-device-embedding-6184752906516 (READ-ONLY COPY).

The authoritative reference and input builder live on the scoring server;
editing this copy changes nothing except your own understanding.
"""

import jax, jax.numpy as jnp
import numpy as np

VOCAB_SIZE = 1000000
EMBED_DIM = 64

def setup_inputs(seed: int = 0) -> dict:
    key = jax.random.key(seed)
    k_idx, k_emb = jax.random.split(key)
    inputs = jax.random.randint(k_idx, (4096, 200), 0, VOCAB_SIZE, dtype=jnp.int64 if jax.config.read('jax_enable_x64') else jnp.int32)
    # glorot_uniform init for embedding table
    limit = np.sqrt(6.0 / (VOCAB_SIZE + EMBED_DIM))
    embeddings = jax.random.uniform(k_emb, (VOCAB_SIZE, EMBED_DIM), dtype=jnp.float32, minval=-limit, maxval=limit)
    return {"inputs": inputs, "embeddings": embeddings}

def reference(inputs, embeddings):
    # Faithful translation of OnDeviceEmbedding.call with use_one_hot=False, use_scale=False
    flat_inputs = jnp.reshape(inputs, (-1,))
    emb = jnp.take(embeddings, flat_inputs, axis=0)
    out = jnp.reshape(emb, inputs.shape + (EMBED_DIM,))
    return out

if __name__ == "__main__":
    import jax
    _d = setup_inputs()
    print(jax.jit(kernel)(*tuple(_d.values())))

</pallas_src>

<mosaic_0001>
#map = affine_map<(d0, d1) -> (0, 0)>
module attributes {stable_mosaic.version = 14 : i64} {
  func.func @_relayout(%arg0: i32, %arg1: i32, %arg2: memref<64x1000000xf32, #tpu.memory_space<hbm>>, %arg3: memref<32x128xf32, #tpu.memory_space<hbm>>, %arg4: memref<500000x128xf32, #tpu.memory_space<hbm>>, %arg5: memref<64x128xf32, #tpu.memory_space<vmem>>, %arg6: memref<64x128xf32, #tpu.memory_space<vmem>>, %arg7: memref<64x128xf32, #tpu.memory_space<vmem>>, %arg8: memref<64x128xf32, #tpu.memory_space<vmem>>, %arg9: memref<!tpu.dma_semaphore, #tpu.memory_space<semaphore_mem>>, %arg10: memref<!tpu.dma_semaphore, #tpu.memory_space<semaphore_mem>>) attributes {dimension_semantics = [#tpu.dimension_semantics<core_parallel>, #tpu.dimension_semantics<subcore_parallel>], iteration_bounds = array<i64: 2, 16>, scalar_prefetch = 0 : i64, scratch_operands = 6 : i64, tpu.core_type = #tpu.core_type<sc_vector_subcore>, window_params = [{transform_indices = #map}, {transform_indices = #map}, {transform_indices = #map}]} {
    %mul3A = arith.constant 2 : i32
    %mul3A_0 = arith.muli %arg1, %mul3A : i32
    %add3A = arith.addi %mul3A_0, %arg0 : i32
    %iota3A = tpu.iota {dimensions = array<i32: 0>} : vector<16xi32>
    %add3A_1 = arith.constant 0 : i32
    %add3A_2 = vector.broadcast %add3A_1 : i32 to vector<16xi32>
    %add3A_3 = arith.addi %iota3A, %add3A_2 : vector<16xi32>
    %shift_right_logical3A = arith.constant 1 : i32
    %shift_right_logical3A_4 = vector.broadcast %shift_right_logical3A : i32 to vector<16xi32>
    %shift_right_logical3A_5 = arith.shrui %add3A_3, %shift_right_logical3A_4 : vector<16xi32>
    %add3A_6 = arith.constant 16 : i32
    %add3A_7 = vector.broadcast %add3A_6 : i32 to vector<16xi32>
    %add3A_8 = arith.addi %iota3A, %add3A_7 : vector<16xi32>
    %shift_right_logical3A_9 = arith.constant 1 : i32
    %shift_right_logical3A_10 = vector.broadcast %shift_right_logical3A_9 : i32 to vector<16xi32>
    %shift_right_logical3A_11 = arith.shrui %add3A_8, %shift_right_logical3A_10 : vector<16xi32>
    %add3A_12 = arith.constant 32 : i32
    %add3A_13 = vector.broadcast %add3A_12 : i32 to vector<16xi32>
    %add3A_14 = arith.addi %iota3A, %add3A_13 : vector<16xi32>
    %shift_right_logical3A_15 = arith.constant 1 : i32
    %shift_right_logical3A_16 = vector.broadcast %shift_right_logical3A_15 : i32 to vector<16xi32>
    %shift_right_logical3A_17 = arith.shrui %add3A_14, %shift_right_logical3A_16 : vector<16xi32>
    %add3A_18 = arith.constant 48 : i32
    %add3A_19 = vector.broadcast %add3A_18 : i32 to vector<16xi32>
    %add3A_20 = arith.addi %iota3A, %add3A_19 : vector<16xi32>
    %shift_right_logical3A_21 = arith.constant 1 : i32
    %shift_right_logical3A_22 = vector.broadcast %shift_right_logical3A_21 : i32 to vector<16xi32>
    %shift_right_logical3A_23 = arith.shrui %add3A_20, %shift_right_logical3A_22 : vector<16xi32>
    %add3A_24 = arith.constant 64 : i32
    %add3A_25 = vector.broadcast %add3A_24 : i32 to vector<16xi32>
    %add3A_26 = arith.addi %iota3A, %add3A_25 : vector<16xi32>
    %shift_right_logical3A_27 = arith.constant 1 : i32
    %shift_right_logical3A_28 = vector.broadcast %shift_right_logical3A_27 : i32 to vector<16xi32>
    %shift_right_logical3A_29 = arith.shrui %add3A_26, %shift_right_logical3A_28 : vector<16xi32>
    %add3A_30 = arith.constant 80 : i32
    %add3A_31 = vector.broadcast %add3A_30 : i32 to vector<16xi32>
    %add3A_32 = arith.addi %iota3A, %add3A_31 : vector<16xi32>
    %shift_right_logical3A_33 = arith.constant 1 : i32
    %shift_right_logical3A_34 = vector.broadcast %shift_right_logical3A_33 : i32 to vector<16xi32>
    %shift_right_logical3A_35 = arith.shrui %add3A_32, %shift_right_logical3A_34 : vector<16xi32>
    %add3A_36 = arith.constant 96 : i32
    %add3A_37 = vector.broadcast %add3A_36 : i32 to vector<16xi32>
    %add3A_38 = arith.addi %iota3A, %add3A_37 : vector<16xi32>
    %shift_right_logical3A_39 = arith.constant 1 : i32
    %shift_right_logical3A_40 = vector.broadcast %shift_right_logical3A_39 : i32 to vector<16xi32>
    %shift_right_logical3A_41 = arith.shrui %add3A_38, %shift_right_logical3A_40 : vector<16xi32>
    %add3A_42 = arith.constant 112 : i32
    %add3A_43 = vector.broadcast %add3A_42 : i32 to vector<16xi32>
    %add3A_44 = arith.addi %iota3A, %add3A_43 : vector<16xi32>
    %shift_right_logical3A_45 = arith.constant 1 : i32
    %shift_right_logical3A_46 = vector.broadcast %shift_right_logical3A_45 : i32 to vector<16xi32>
    %shift_right_logical3A_47 = arith.shrui %add3A_44, %shift_right_logical3A_46 : vector<16xi32>
    %add3A_48 = arith.constant 0 : i32
    %add3A_49 = vector.broadcast %add3A_48 : i32 to vector<16xi32>
    %add3A_50 = arith.addi %iota3A, %add3A_49 : vector<16xi32>
    %and3A = arith.constant 1 : i32
    %and3A_51 = vector.broadcast %and3A : i32 to vector<16xi32>
    %and3A_52 = arith.andi %add3A_50, %and3A_51 : vector<16xi32>
    %mul3A_53 = arith.constant 64 : i32
    %mul3A_54 = vector.broadcast %mul3A_53 : i32 to vector<16xi32>
    %mul3A_55 = arith.muli %and3A_52, %mul3A_54 : vector<16xi32>
    %add3A_56 = arith.constant 16 : i32
    %add3A_57 = vector.broadcast %add3A_56 : i32 to vector<16xi32>
    %add3A_58 = arith.addi %iota3A, %add3A_57 : vector<16xi32>
    %and3A_59 = arith.constant 1 : i32
    %and3A_60 = vector.broadcast %and3A_59 : i32 to vector<16xi32>
    %and3A_61 = arith.andi %add3A_58, %and3A_60 : vector<16xi32>
    %mul3A_62 = arith.constant 64 : i32
    %mul3A_63 = vector.broadcast %mul3A_62 : i32 to vector<16xi32>
    %mul3A_64 = arith.muli %and3A_61, %mul3A_63 : vector<16xi32>
    %add3A_65 = arith.constant 32 : i32
    %add3A_66 = vector.broadcast %add3A_65 : i32 to vector<16xi32>
    %add3A_67 = arith.addi %iota3A, %add3A_66 : vector<16xi32>
    %and3A_68 = arith.constant 1 : i32
    %and3A_69 = vector.broadcast %and3A_68 : i32 to vector<16xi32>
    %and3A_70 = arith.andi %add3A_67, %and3A_69 : vector<16xi32>
    %mul3A_71 = arith.constant 64 : i32
    %mul3A_72 = vector.broadcast %mul3A_71 : i32 to vector<16xi32>
    %mul3A_73 = arith.muli %and3A_70, %mul3A_72 : vector<16xi32>
    %add3A_74 = arith.constant 48 : i32
    %add3A_75 = vector.broadcast %add3A_74 : i32 to vector<16xi32>
    %add3A_76 = arith.addi %iota3A, %add3A_75 : vector<16xi32>
    %and3A_77 = arith.constant 1 : i32
    %and3A_78 = vector.broadcast %and3A_77 : i32 to vector<16xi32>
    %and3A_79 = arith.andi %add3A_76, %and3A_78 : vector<16xi32>
    %mul3A_80 = arith.constant 64 : i32
    %mul3A_81 = vector.broadcast %mul3A_80 : i32 to vector<16xi32>
    %mul3A_82 = arith.muli %and3A_79, %mul3A_81 : vector<16xi32>
    %add3A_83 = arith.constant 64 : i32
    %add3A_84 = vector.broadcast %add3A_83 : i32 to vector<16xi32>
    %add3A_85 = arith.addi %iota3A, %add3A_84 : vector<16xi32>
    %and3A_86 = arith.constant 1 : i32
    %and3A_87 = vector.broadcast %and3A_86 : i32 to vector<16xi32>
    %and3A_88 = arith.andi %add3A_85, %and3A_87 : vector<16xi32>
    %mul3A_89 = arith.constant 64 : i32
    %mul3A_90 = vector.broadcast %mul3A_89 : i32 to vector<16xi32>
    %mul3A_91 = arith.muli %and3A_88, %mul3A_90 : vector<16xi32>
    %add3A_92 = arith.constant 80 : i32
    %add3A_93 = vector.broadcast %add3A_92 : i32 to vector<16xi32>
    %add3A_94 = arith.addi %iota3A, %add3A_93 : vector<16xi32>
    %and3A_95 = arith.constant 1 : i32
    %and3A_96 = vector.broadcast %and3A_95 : i32 to vector<16xi32>
    %and3A_97 = arith.andi %add3A_94, %and3A_96 : vector<16xi32>
    %mul3A_98 = arith.constant 64 : i32
    %mul3A_99 = vector.broadcast %mul3A_98 : i32 to vector<16xi32>
    %mul3A_100 = arith.muli %and3A_97, %mul3A_99 : vector<16xi32>
    %add3A_101 = arith.constant 96 : i32
    %add3A_102 = vector.broadcast %add3A_101 : i32 to vector<16xi32>
    %add3A_103 = arith.addi %iota3A, %add3A_102 : vector<16xi32>
    %and3A_104 = arith.constant 1 : i32
    %and3A_105 = vector.broadcast %and3A_104 : i32 to vector<16xi32>
    %and3A_106 = arith.andi %add3A_103, %and3A_105 : vector<16xi32>
    %mul3A_107 = arith.constant 64 : i32
    %mul3A_108 = vector.broadcast %mul3A_107 : i32 to vector<16xi32>
    %mul3A_109 = arith.muli %and3A_106, %mul3A_108 : vector<16xi32>
    %add3A_110 = arith.constant 112 : i32
    %add3A_111 = vector.broadcast %add3A_110 : i32 to vector<16xi32>
    %add3A_112 = arith.addi %iota3A, %add3A_111 : vector<16xi32>
    %and3A_113 = arith.constant 1 : i32
    %and3A_114 = vector.broadcast %and3A_113 : i32 to vector<16xi32>
    %and3A_115 = arith.andi %add3A_112, %and3A_114 : vector<16xi32>
    %mul3A_116 = arith.constant 64 : i32
    %mul3A_117 = vector.broadcast %mul3A_116 : i32 to vector<16xi32>
    %mul3A_118 = arith.muli %and3A_115, %mul3A_117 : vector<16xi32>
    %mul3A_119 = arith.constant 245 : i32
    %mul3A_120 = arith.muli %add3A, %mul3A_119 : i32
    %add3A_121 = arith.constant 0 : i32
    %add3A_122 = arith.addi %mul3A_120, %add3A_121 : i32
    %min3A = arith.constant 7811 : i32
    %min3A_123 = arith.minsi %add3A_122, %min3A : i32
    %mul3A_124 = arith.constant 128 : i32
    %mul3A_125 = arith.muli %min3A_123, %mul3A_124 : i32
    %dma_start3A = arith.constant 0 : i32
    %dma_start3A_126 = tpu.memref_slice %arg2[%dma_start3A, %mul3A_125] : memref<64x1000000xf32, #tpu.memory_space<hbm>> -> memref<64x128xf32, #tpu.memory_space<hbm>>
    %dma_start3A_127 = arith.constant 0 : i32
    %dma_start3A_128 = tpu.memref_slice %arg2[%dma_start3A_127, %mul3A_125] : memref<64x1000000xf32, #tpu.memory_space<hbm>> -> memref<64x128xf32, #tpu.memory_space<hbm>>
    tpu.enqueue_dma source(%dma_start3A_128 : memref<64x128xf32, #tpu.memory_space<hbm>>) target(%arg5 : memref<64x128xf32, #tpu.memory_space<vmem>>) target_semaphore(%arg9 : memref<!tpu.dma_semaphore, #tpu.memory_space<semaphore_mem>>)
    %scan3A = arith.constant 0 : i32
    %scan3A_129 = arith.constant 0 : i32
    %scan3A_130 = arith.constant 122 : i32
    %scan3A_131 = arith.addi %scan3A_129, %scan3A_130 : i32
    %scan3A_132 = arith.constant 1 : i32
    scf.for %scan3A_173 = %scan3A_129 to %scan3A_131 step %scan3A_132  : i32 {
      %mul3A_174 = arith.constant 2 : i32
      %mul3A_175 = arith.muli %mul3A_174, %scan3A_173 : i32
      %add3A_176 = arith.constant 1 : i32
      %add3A_177 = arith.addi %mul3A_175, %add3A_176 : i32
      %mul3A_178 = arith.constant 245 : i32
      %mul3A_179 = arith.muli %add3A, %mul3A_178 : i32
      %add3A_180 = arith.addi %mul3A_179, %add3A_177 : i32
      %min3A_181 = arith.constant 7811 : i32
      %min3A_182 = arith.minsi %add3A_180, %min3A_181 : i32
      %mul3A_183 = arith.constant 128 : i32
      %mul3A_184 = arith.muli %min3A_182, %mul3A_183 : i32
      %dma_start3A_185 = arith.constant 0 : i32
      %dma_start3A_186 = tpu.memref_slice %arg2[%dma_start3A_185, %mul3A_184] : memref<64x1000000xf32, #tpu.memory_space<hbm>> -> memref<64x128xf32, #tpu.memory_space<hbm>>
      %dma_start3A_187 = arith.constant 0 : i32
      %dma_start3A_188 = tpu.memref_slice %arg2[%dma_start3A_187, %mul3A_184] : memref<64x1000000xf32, #tpu.memory_space<hbm>> -> memref<64x128xf32, #tpu.memory_space<hbm>>
      tpu.enqueue_dma source(%dma_start3A_188 : memref<64x128xf32, #tpu.memory_space<hbm>>) target(%arg6 : memref<64x128xf32, #tpu.memory_space<vmem>>) target_semaphore(%arg9 : memref<!tpu.dma_semaphore, #tpu.memory_space<semaphore_mem>>)
      %dma_wait3A_189 = arith.constant 0 : i32
      %dma_wait3A_190 = arith.constant 0 : i32
      %dma_wait3A_191 = tpu.memref_slice %arg2[%dma_wait3A_189, %dma_wait3A_190] : memref<64x1000000xf32, #tpu.memory_space<hbm>> -> memref<64x128xf32, #tpu.memory_space<hbm>>
      %dma_wait3A_192 = arith.constant 0 : i32
      %dma_wait3A_193 = arith.constant 0 : i32
      %dma_wait3A_194 = tpu.memref_slice %arg2[%dma_wait3A_192, %dma_wait3A_193] : memref<64x1000000xf32, #tpu.memory_space<hbm>> -> memref<64x128xf32, #tpu.memory_space<hbm>>
      tpu.wait_dma2 semaphore(%arg9 : memref<!tpu.dma_semaphore, #tpu.memory_space<semaphore_mem>>) src(%dma_wait3A_194 : memref<64x128xf32, #tpu.memory_space<hbm>>) dst(%arg5 : memref<64x128xf32, #tpu.memory_space<vmem>>)
      %ge3A = arith.constant 1 : i32
      %ge3A_195 = arith.cmpi sge, %scan3A_173, %ge3A : i32
      %convert_element_type3A_196 = arith.extui %ge3A_195 : i1 to i32
      %cond3A_197 = arith.constant 0 : i32
      %cond3A_198 = arith.cmpi ne, %convert_element_type3A_196, %cond3A_197 : i32
      scf.if %cond3A_198 {
        %dma_wait3A_255 = arith.constant 0 : i32
        %dma_wait3A_256 = arith.constant 0 : i32
        %dma_wait3A_257 = tpu.memref_slice %arg4[%dma_wait3A_255, %dma_wait3A_256] : memref<500000x128xf32, #tpu.memory_space<hbm>> -> memref<64x128xf32, #tpu.memory_space<hbm>>
        %dma_wait3A_258 = arith.constant 0 : i32
        %dma_wait3A_259 = arith.constant 0 : i32
        %dma_wait3A_260 = tpu.memref_slice %arg4[%dma_wait3A_258, %dma_wait3A_259] : memref<500000x128xf32, #tpu.memory_space<hbm>> -> memref<64x128xf32, #tpu.memory_space<hbm>>
        tpu.wait_dma2 semaphore(%arg10 : memref<!tpu.dma_semaphore, #tpu.memory_space<semaphore_mem>>) src(%arg7 : memref<64x128xf32, #tpu.memory_space<vmem>>) dst(%dma_wait3A_260 : memref<64x128xf32, #tpu.memory_space<hbm>>)
      } else {
      }
      %parallel_loop3A_199 = arith.constant 0 : i32
      %parallel_loop3A_200 = arith.constant 64 : i32
      %parallel_loop3A_201 = arith.constant 1 : i32
      scf.for %parallel_loop3A_255 = %parallel_loop3A_199 to %parallel_loop3A_200 step %parallel_loop3A_201  : i32 {
        %parallel_loop3A_256 = arith.index_cast %parallel_loop3A_255 : i32 to index
        %parallel_loop3A_257 = arith.constant 0 : index
        %parallel_loop3A_258 = tpu.vector_load %arg5[%parallel_loop3A_256, %parallel_loop3A_257] {strides = array<i32>} : memref<64x128xf32, #tpu.memory_space<vmem>>, vector<16xf32>,
        %parallel_loop3A_259 = vector.broadcast %parallel_loop3A_255 : i32 to vector<16xi32>
        %parallel_loop3A_260 = arith.addi %mul3A_55, %parallel_loop3A_259 : vector<16xi32>
        tpu.vector_store_idx %arg7[%shift_right_logical3A_5, %parallel_loop3A_260], %parallel_loop3A_258 : memref<64x128xf32, #tpu.memory_space<vmem>>[vector<16xi32>, vector<16xi32>], vector<16xf32>,
        %parallel_loop3A_261 = arith.index_cast %parallel_loop3A_255 : i32 to index
        %parallel_loop3A_262 = arith.constant 16 : index
        %parallel_loop3A_263 = tpu.vector_load %arg5[%parallel_loop3A_261, %parallel_loop3A_262] {strides = array<i32>} : memref<64x128xf32, #tpu.memory_space<vmem>>, vector<16xf32>,
        %parallel_loop3A_264 = vector.broadcast %parallel_loop3A_255 : i32 to vector<16xi32>
        %parallel_loop3A_265 = arith.addi %mul3A_64, %parallel_loop3A_264 : vector<16xi32>
        tpu.vector_store_idx %arg7[%shift_right_logical3A_11, %parallel_loop3A_265], %parallel_loop3A_263 : memref<64x128xf32, #tpu.memory_space<vmem>>[vector<16xi32>, vector<16xi32>], vector<16xf32>,
        %parallel_loop3A_266 = arith.index_cast %parallel_loop3A_255 : i32 to index
        %parallel_loop3A_267 = arith.constant 32 : index
        %parallel_loop3A_268 = tpu.vector_load %arg5[%parallel_loop3A_266, %parallel_loop3A_267] {strides = array<i32>} : memref<64x128xf32, #tpu.memory_space<vmem>>, vector<16xf32>,
        %parallel_loop3A_269 = vector.broadcast %parallel_loop3A_255 : i32 to vector<16xi32>
        %parallel_loop3A_270 = arith.addi %mul3A_73, %parallel_loop3A_269 : vector<16xi32>
        tpu.vector_store_idx %arg7[%shift_right_logical3A_17, %parallel_loop3A_270], %parallel_loop3A_268 : memref<64x128xf32, #tpu.memory_space<vmem>>[vector<16xi32>, vector<16xi32>], vector<16xf32>,
        %parallel_loop3A_271 = arith.index_cast %parallel_loop3A_255 : i32 to index
        %parallel_loop3A_272 = arith.constant 48 : index
        %parallel_loop3A_273 = tpu.vector_load %arg5[%parallel_loop3A_271, %parallel_loop3A_272] {strides = array<i32>} : memref<64x128xf32, #tpu.memory_space<vmem>>, vector<16xf32>,
        %parallel_loop3A_274 = vector.broadcast %parallel_loop3A_255 : i32 to vector<16xi32>
        %parallel_loop3A_275 = arith.addi %mul3A_82, %parallel_loop3A_274 : vector<16xi32>
        tpu.vector_store_idx %arg7[%shift_right_logical3A_23, %parallel_loop3A_275], %parallel_loop3A_273 : memref<64x128xf32, #tpu.memory_space<vmem>>[vector<16xi32>, vector<16xi32>], vector<16xf32>,
        %parallel_loop3A_276 = arith.index_cast %parallel_loop3A_255 : i32 to index
        %parallel_loop3A_277 = arith.constant 64 : index
        %parallel_loop3A_278 = tpu.vector_load %arg5[%parallel_loop3A_276, %parallel_loop3A_277] {strides = array<i32>} : memref<64x128xf32, #tpu.memory_space<vmem>>, vector<16xf32>,
        %parallel_loop3A_279 = vector.broadcast %parallel_loop3A_255 : i32 to vector<16xi32>
        %parallel_loop3A_280 = arith.addi %mul3A_91, %parallel_loop3A_279 : vector<16xi32>
        tpu.vector_store_idx %arg7[%shift_right_logical3A_29, %parallel_loop3A_280], %parallel_loop3A_278 : memref<64x128xf32, #tpu.memory_space<vmem>>[vector<16xi32>, vector<16xi32>], vector<16xf32>,
        %parallel_loop3A_281 = arith.index_cast %parallel_loop3A_255 : i32 to index
        %parallel_loop3A_282 = arith.constant 80 : index
        %parallel_loop3A_283 = tpu.vector_load %arg5[%parallel_loop3A_281, %parallel_loop3A_282] {strides = array<i32>} : memref<64x128xf32, #tpu.memory_space<vmem>>, vector<16xf32>,
        %parallel_loop3A_284 = vector.broadcast %parallel_loop3A_255 : i32 to vector<16xi32>
        %parallel_loop3A_285 = arith.addi %mul3A_100, %parallel_loop3A_284 : vector<16xi32>
        tpu.vector_store_idx %arg7[%shift_right_logical3A_35, %parallel_loop3A_285], %parallel_loop3A_283 : memref<64x128xf32, #tpu.memory_space<vmem>>[vector<16xi32>, vector<16xi32>], vector<16xf32>,
        %parallel_loop3A_286 = arith.index_cast %parallel_loop3A_255 : i32 to index
        %parallel_loop3A_287 = arith.constant 96 : index
        %parallel_loop3A_288 = tpu.vector_load %arg5[%parallel_loop3A_286, %parallel_loop3A_287] {strides = array<i32>} : memref<64x128xf32, #tpu.memory_space<vmem>>, vector<16xf32>,
        %parallel_loop3A_289 = vector.broadcast %parallel_loop3A_255 : i32 to vector<16xi32>
        %parallel_loop3A_290 = arith.addi %mul3A_109, %parallel_loop3A_289 : vector<16xi32>
        tpu.vector_store_idx %arg7[%shift_right_logical3A_41, %parallel_loop3A_290], %parallel_loop3A_288 : memref<64x128xf32, #tpu.memory_space<vmem>>[vector<16xi32>, vector<16xi32>], vector<16xf32>,
        %parallel_loop3A_291 = arith.index_cast %parallel_loop3A_255 : i32 to index
        %parallel_loop3A_292 = arith.constant 112 : index
        %parallel_loop3A_293 = tpu.vector_load %arg5[%parallel_loop3A_291, %parallel_loop3A_292] {strides = array<i32>} : memref<64x128xf32, #tpu.memory_space<vmem>>, vector<16xf32>,
        %parallel_loop3A_294 = vector.broadcast %parallel_loop3A_255 : i32 to vector<16xi32>
        %parallel_loop3A_295 = arith.addi %mul3A_118, %parallel_loop3A_294 : vector<16xi32>
        tpu.vector_store_idx %arg7[%shift_right_logical3A_47, %parallel_loop3A_295], %parallel_loop3A_293 : memref<64x128xf32, #tpu.memory_space<vmem>>[vector<16xi32>, vector<16xi32>], vector<16xf32>,
      } {sc.loop_unroll_factor = 16 : i64, sc.parallel_access}
      %mul3A_202 = arith.constant 245 : i32
      %mul3A_203 = arith.muli %add3A, %mul3A_202 : i32
      %add3A_204 = arith.addi %mul3A_203, %mul3A_175 : i32
      %min3A_205 = arith.constant 7811 : i32
      %min3A_206 = arith.minsi %add3A_204, %min3A_205 : i32
      %mul3A_207 = arith.constant 64 : i32
      %mul3A_208 = arith.muli %min3A_206, %mul3A_207 : i32
      %dma_start3A_209 = arith.constant 0 : i32
      %dma_start3A_210 = tpu.memref_slice %arg4[%mul3A_208, %dma_start3A_209] : memref<500000x128xf32, #tpu.memory_space<hbm>> -> memref<64x128xf32, #tpu.memory_space<hbm>>
      %dma_start3A_211 = arith.constant 0 : i32
      %dma_start3A_212 = tpu.memref_slice %arg4[%mul3A_208, %dma_start3A_211] : memref<500000x128xf32, #tpu.memory_space<hbm>> -> memref<64x128xf32, #tpu.memory_space<hbm>>
      tpu.enqueue_dma source(%arg7 : memref<64x128xf32, #tpu.memory_space<vmem>>) target(%dma_start3A_212 : memref<64x128xf32, #tpu.memory_space<hbm>>) target_semaphore(%arg10 : memref<!tpu.dma_semaphore, #tpu.memory_space<semaphore_mem>>)
      %mul3A_213 = arith.constant 2 : i32
      %mul3A_214 = arith.muli %mul3A_213, %scan3A_173 : i32
      %add3A_215 = arith.constant 1 : i32
      %add3A_216 = arith.addi %mul3A_214, %add3A_215 : i32
      %add3A_217 = arith.constant 1 : i32
      %add3A_218 = arith.addi %add3A_216, %add3A_217 : i32
      %mul3A_219 = arith.constant 245 : i32
      %mul3A_220 = arith.muli %add3A, %mul3A_219 : i32
      %add3A_221 = arith.addi %mul3A_220, %add3A_218 : i32
      %min3A_222 = arith.constant 7811 : i32
      %min3A_223 = arith.minsi %add3A_221, %min3A_222 : i32
      %mul3A_224 = arith.constant 128 : i32
      %mul3A_225 = arith.muli %min3A_223, %mul3A_224 : i32
      %dma_start3A_226 = arith.constant 0 : i32
      %dma_start3A_227 = tpu.memref_slice %arg2[%dma_start3A_226, %mul3A_225] : memref<64x1000000xf32, #tpu.memory_space<hbm>> -> memref<64x128xf32, #tpu.memory_space<hbm>>
      %dma_start3A_228 = arith.constant 0 : i32
      %dma_start3A_229 = tpu.memref_slice %arg2[%dma_start3A_228, %mul3A_225] : memref<64x1000000xf32, #tpu.memory_space<hbm>> -> memref<64x128xf32, #tpu.memory_space<hbm>>
      tpu.enqueue_dma source(%dma_start3A_229 : memref<64x128xf32, #tpu.memory_space<hbm>>) target(%arg5 : memref<64x128xf32, #tpu.memory_space<vmem>>) target_semaphore(%arg9 : memref<!tpu.dma_semaphore, #tpu.memory_space<semaphore_mem>>)
      %dma_wait3A_230 = arith.constant 0 : i32
      %dma_wait3A_231 = arith.constant 0 : i32
      %dma_wait3A_232 = tpu.memref_slice %arg2[%dma_wait3A_230, %dma_wait3A_231] : memref<64x1000000xf32, #tpu.memory_space<hbm>> -> memref<64x128xf32, #tpu.memory_space<hbm>>
      %dma_wait3A_233 = arith.constant 0 : i32
      %dma_wait3A_234 = arith.constant 0 : i32
      %dma_wait3A_235 = tpu.memref_slice %arg2[%dma_wait3A_233, %dma_wait3A_234] : memref<64x1000000xf32, #tpu.memory_space<hbm>> -> memref<64x128xf32, #tpu.memory_space<hbm>>
      tpu.wait_dma2 semaphore(%arg9 : memref<!tpu.dma_semaphore, #tpu.memory_space<semaphore_mem>>) src(%dma_wait3A_235 : memref<64x128xf32, #tpu.memory_space<hbm>>) dst(%arg6 : memref<64x128xf32, #tpu.memory_space<vmem>>)
      %ge3A_236 = arith.constant 1 : i32
      %ge3A_237 = arith.cmpi sge, %scan3A_173, %ge3A_236 : i32
      %convert_element_type3A_238 = arith.extui %ge3A_237 : i1 to i32
      %cond3A_239 = arith.constant 0 : i32
      %cond3A_240 = arith.cmpi ne, %convert_element_type3A_238, %cond3A_239 : i32
      scf.if %cond3A_240 {
        %dma_wait3A_255 = arith.constant 0 : i32
        %dma_wait3A_256 = arith.constant 0 : i32
        %dma_wait3A_257 = tpu.memref_slice %arg4[%dma_wait3A_255, %dma_wait3A_256] : memref<500000x128xf32, #tpu.memory_space<hbm>> -> memref<64x128xf32, #tpu.memory_space<hbm>>
        %dma_wait3A_258 = arith.constant 0 : i32
        %dma_wait3A_259 = arith.constant 0 : i32
        %dma_wait3A_260 = tpu.memref_slice %arg4[%dma_wait3A_258, %dma_wait3A_259] : memref<500000x128xf32, #tpu.memory_space<hbm>> -> memref<64x128xf32, #tpu.memory_space<hbm>>
        tpu.wait_dma2 semaphore(%arg10 : memref<!tpu.dma_semaphore, #tpu.memory_space<semaphore_mem>>) src(%arg8 : memref<64x128xf32, #tpu.memory_space<vmem>>) dst(%dma_wait3A_260 : memref<64x128xf32, #tpu.memory_space<hbm>>)
      } else {
      }
      %parallel_loop3A_241 = arith.constant 0 : i32
      %parallel_loop3A_242 = arith.constant 64 : i32
      %parallel_loop3A_243 = arith.constant 1 : i32
      scf.for %parallel_loop3A_255 = %parallel_loop3A_241 to %parallel_loop3A_242 step %parallel_loop3A_243  : i32 {
        %parallel_loop3A_256 = arith.index_cast %parallel_loop3A_255 : i32 to index
        %parallel_loop3A_257 = arith.constant 0 : index
        %parallel_loop3A_258 = tpu.vector_load %arg6[%parallel_loop3A_256, %parallel_loop3A_257] {strides = array<i32>} : memref<64x128xf32, #tpu.memory_space<vmem>>, vector<16xf32>,
        %parallel_loop3A_259 = vector.broadcast %parallel_loop3A_255 : i32 to vector<16xi32>
        %parallel_loop3A_260 = arith.addi %mul3A_55, %parallel_loop3A_259 : vector<16xi32>
        tpu.vector_store_idx %arg8[%shift_right_logical3A_5, %parallel_loop3A_260], %parallel_loop3A_258 : memref<64x128xf32, #tpu.memory_space<vmem>>[vector<16xi32>, vector<16xi32>], vector<16xf32>,
        %parallel_loop3A_261 = arith.index_cast %parallel_loop3A_255 : i32 to index
        %parallel_loop3A_262 = arith.constant 16 : index
        %parallel_loop3A_263 = tpu.vector_load %arg6[%parallel_loop3A_261, %parallel_loop3A_262] {strides = array<i32>} : memref<64x128xf32, #tpu.memory_space<vmem>>, vector<16xf32>,
        %parallel_loop3A_264 = vector.broadcast %parallel_loop3A_255 : i32 to vector<16xi32>
        %parallel_loop3A_265 = arith.addi %mul3A_64, %parallel_loop3A_264 : vector<16xi32>
        tpu.vector_store_idx %arg8[%shift_right_logical3A_11, %parallel_loop3A_265], %parallel_loop3A_263 : memref<64x128xf32, #tpu.memory_space<vmem>>[vector<16xi32>, vector<16xi32>], vector<16xf32>,
        %parallel_loop3A_266 = arith.index_cast %parallel_loop3A_255 : i32 to index
        %parallel_loop3A_267 = arith.constant 32 : index
        %parallel_loop3A_268 = tpu.vector_load %arg6[%parallel_loop3A_266, %parallel_loop3A_267] {strides = array<i32>} : memref<64x128xf32, #tpu.memory_space<vmem>>, vector<16xf32>,
        %parallel_loop3A_269 = vector.broadcast %parallel_loop3A_255 : i32 to vector<16xi32>
        %parallel_loop3A_270 = arith.addi %mul3A_73, %parallel_loop3A_269 : vector<16xi32>
        tpu.vector_store_idx %arg8[%shift_right_logical3A_17, %parallel_loop3A_270], %parallel_loop3A_268 : memref<64x128xf32, #tpu.memory_space<vmem>>[vector<16xi32>, vector<16xi32>], vector<16xf32>,
        %parallel_loop3A_271 = arith.index_cast %parallel_loop3A_255 : i32 to index
        %parallel_loop3A_272 = arith.constant 48 : index
        %parallel_loop3A_273 = tpu.vector_load %arg6[%parallel_loop3A_271, %parallel_loop3A_272] {strides = array<i32>} : memref<64x128xf32, #tpu.memory_space<vmem>>, vector<16xf32>,
        %parallel_loop3A_274 = vector.broadcast %parallel_loop3A_255 : i32 to vector<16xi32>
        %parallel_loop3A_275 = arith.addi %mul3A_82, %parallel_loop3A_274 : vector<16xi32>
        tpu.vector_store_idx %arg8[%shift_right_logical3A_23, %parallel_loop3A_275], %parallel_loop3A_273 : memref<64x128xf32, #tpu.memory_space<vmem>>[vector<16xi32>, vector<16xi32>], vector<16xf32>,
        %parallel_loop3A_276 = arith.index_cast %parallel_loop3A_255 : i32 to index
        %parallel_loop3A_277 = arith.constant 64 : index
        %parallel_loop3A_278 = tpu.vector_load %arg6[%parallel_loop3A_276, %parallel_loop3A_277] {strides = array<i32>} : memref<64x128xf32, #tpu.memory_space<vmem>>, vector<16xf32>,
        %parallel_loop3A_279 = vector.broadcast %parallel_loop3A_255 : i32 to vector<16xi32>
        %parallel_loop3A_280 = arith.addi %mul3A_91, %parallel_loop3A_279 : vector<16xi32>
        tpu.vector_store_idx %arg8[%shift_right_logical3A_29, %parallel_loop3A_280], %parallel_loop3A_278 : memref<64x128xf32, #tpu.memory_space<vmem>>[vector<16xi32>, vector<16xi32>], vector<16xf32>,
        %parallel_loop3A_281 = arith.index_cast %parallel_loop3A_255 : i32 to index
        %parallel_loop3A_282 = arith.constant 80 : index
        %parallel_loop3A_283 = tpu.vector_load %arg6[%parallel_loop3A_281, %parallel_loop3A_282] {strides = array<i32>} : memref<64x128xf32, #tpu.memory_space<vmem>>, vector<16xf32>,
        %parallel_loop3A_284 = vector.broadcast %parallel_loop3A_255 : i32 to vector<16xi32>
        %parallel_loop3A_285 = arith.addi %mul3A_100, %parallel_loop3A_284 : vector<16xi32>
        tpu.vector_store_idx %arg8[%shift_right_logical3A_35, %parallel_loop3A_285], %parallel_loop3A_283 : memref<64x128xf32, #tpu.memory_space<vmem>>[vector<16xi32>, vector<16xi32>], vector<16xf32>,
        %parallel_loop3A_286 = arith.index_cast %parallel_loop3A_255 : i32 to index
        %parallel_loop3A_287 = arith.constant 96 : index
        %parallel_loop3A_288 = tpu.vector_load %arg6[%parallel_loop3A_286, %parallel_loop3A_287] {strides = array<i32>} : memref<64x128xf32, #tpu.memory_space<vmem>>, vector<16xf32>,
        %parallel_loop3A_289 = vector.broadcast %parallel_loop3A_255 : i32 to vector<16xi32>
        %parallel_loop3A_290 = arith.addi %mul3A_109, %parallel_loop3A_289 : vector<16xi32>
        tpu.vector_store_idx %arg8[%shift_right_logical3A_41, %parallel_loop3A_290], %parallel_loop3A_288 : memref<64x128xf32, #tpu.memory_space<vmem>>[vector<16xi32>, vector<16xi32>], vector<16xf32>,
        %parallel_loop3A_291 = arith.index_cast %parallel_loop3A_255 : i32 to index
        %parallel_loop3A_292 = arith.constant 112 : index
        %parallel_loop3A_293 = tpu.vector_load %arg6[%parallel_loop3A_291, %parallel_loop3A_292] {strides = array<i32>} : memref<64x128xf32, #tpu.memory_space<vmem>>, vector<16xf32>,
        %parallel_loop3A_294 = vector.broadcast %parallel_loop3A_255 : i32 to vector<16xi32>
        %parallel_loop3A_295 = arith.addi %mul3A_118, %parallel_loop3A_294 : vector<16xi32>
        tpu.vector_store_idx %arg8[%shift_right_logical3A_47, %parallel_loop3A_295], %parallel_loop3A_293 : memref<64x128xf32, #tpu.memory_space<vmem>>[vector<16xi32>, vector<16xi32>], vector<16xf32>,
      } {sc.loop_unroll_factor = 16 : i64, sc.parallel_access}
      %mul3A_244 = arith.constant 245 : i32
      %mul3A_245 = arith.muli %add3A, %mul3A_244 : i32
      %add3A_246 = arith.addi %mul3A_245, %add3A_216 : i32
      %min3A_247 = arith.constant 7811 : i32
      %min3A_248 = arith.minsi %add3A_246, %min3A_247 : i32
      %mul3A_249 = arith.constant 64 : i32
      %mul3A_250 = arith.muli %min3A_248, %mul3A_249 : i32
      %dma_start3A_251 = arith.constant 0 : i32
      %dma_start3A_252 = tpu.memref_slice %arg4[%mul3A_250, %dma_start3A_251] : memref<500000x128xf32, #tpu.memory_space<hbm>> -> memref<64x128xf32, #tpu.memory_space<hbm>>
      %dma_start3A_253 = arith.constant 0 : i32
      %dma_start3A_254 = tpu.memref_slice %arg4[%mul3A_250, %dma_start3A_253] : memref<500000x128xf32, #tpu.memory_space<hbm>> -> memref<64x128xf32, #tpu.memory_space<hbm>>
      tpu.enqueue_dma source(%arg8 : memref<64x128xf32, #tpu.memory_space<vmem>>) target(%dma_start3A_254 : memref<64x128xf32, #tpu.memory_space<hbm>>) target_semaphore(%arg10 : memref<!tpu.dma_semaphore, #tpu.memory_space<semaphore_mem>>)
    }
    %scan3A_133 = arith.constant 122 : i32
    %dma_wait3A = arith.constant 0 : i32
    %dma_wait3A_134 = arith.constant 0 : i32
    %dma_wait3A_135 = tpu.memref_slice %arg2[%dma_wait3A, %dma_wait3A_134] : memref<64x1000000xf32, #tpu.memory_space<hbm>> -> memref<64x128xf32, #tpu.memory_space<hbm>>
    %dma_wait3A_136 = arith.constant 0 : i32
    %dma_wait3A_137 = arith.constant 0 : i32
    %dma_wait3A_138 = tpu.memref_slice %arg2[%dma_wait3A_136, %dma_wait3A_137] : memref<64x1000000xf32, #tpu.memory_space<hbm>> -> memref<64x128xf32, #tpu.memory_space<hbm>>
    tpu.wait_dma2 semaphore(%arg9 : memref<!tpu.dma_semaphore, #tpu.memory_space<semaphore_mem>>) src(%dma_wait3A_138 : memref<64x128xf32, #tpu.memory_space<hbm>>) dst(%arg5 : memref<64x128xf32, #tpu.memory_space<vmem>>)
    %dma_wait3A_139 = arith.constant 0 : i32
    %dma_wait3A_140 = arith.constant 0 : i32
    %dma_wait3A_141 = tpu.memref_slice %arg4[%dma_wait3A_139, %dma_wait3A_140] : memref<500000x128xf32, #tpu.memory_space<hbm>> -> memref<64x128xf32, #tpu.memory_space<hbm>>
    %dma_wait3A_142 = arith.constant 0 : i32
    %dma_wait3A_143 = arith.constant 0 : i32
    %dma_wait3A_144 = tpu.memref_slice %arg4[%dma_wait3A_142, %dma_wait3A_143] : memref<500000x128xf32, #tpu.memory_space<hbm>> -> memref<64x128xf32, #tpu.memory_space<hbm>>
    tpu.wait_dma2 semaphore(%arg10 : memref<!tpu.dma_semaphore, #tpu.memory_space<semaphore_mem>>) src(%arg7 : memref<64x128xf32, #tpu.memory_space<vmem>>) dst(%dma_wait3A_144 : memref<64x128xf32, #tpu.memory_space<hbm>>)
    %parallel_loop3A = arith.constant 0 : i32
    %parallel_loop3A_145 = arith.constant 64 : i32
    %parallel_loop3A_146 = arith.constant 1 : i32
    scf.for %parallel_loop3A_173 = %parallel_loop3A to %parallel_loop3A_145 step %parallel_loop3A_146  : i32 {
      %parallel_loop3A_174 = arith.index_cast %parallel_loop3A_173 : i32 to index
      %parallel_loop3A_175 = arith.constant 0 : index
      %parallel_loop3A_176 = tpu.vector_load %arg5[%parallel_loop3A_174, %parallel_loop3A_175] {strides = array<i32>} : memref<64x128xf32, #tpu.memory_space<vmem>>, vector<16xf32>,
      %parallel_loop3A_177 = vector.broadcast %parallel_loop3A_173 : i32 to vector<16xi32>
      %parallel_loop3A_178 = arith.addi %mul3A_55, %parallel_loop3A_177 : vector<16xi32>
      tpu.vector_store_idx %arg7[%shift_right_logical3A_5, %parallel_loop3A_178], %parallel_loop3A_176 : memref<64x128xf32, #tpu.memory_space<vmem>>[vector<16xi32>, vector<16xi32>], vector<16xf32>,
      %parallel_loop3A_179 = arith.index_cast %parallel_loop3A_173 : i32 to index
      %parallel_loop3A_180 = arith.constant 16 : index
      %parallel_loop3A_181 = tpu.vector_load %arg5[%parallel_loop3A_179, %parallel_loop3A_180] {strides = array<i32>} : memref<64x128xf32, #tpu.memory_space<vmem>>, vector<16xf32>,
      %parallel_loop3A_182 = vector.broadcast %parallel_loop3A_173 : i32 to vector<16xi32>
      %parallel_loop3A_183 = arith.addi %mul3A_64, %parallel_loop3A_182 : vector<16xi32>
      tpu.vector_store_idx %arg7[%shift_right_logical3A_11, %parallel_loop3A_183], %parallel_loop3A_181 : memref<64x128xf32, #tpu.memory_space<vmem>>[vector<16xi32>, vector<16xi32>], vector<16xf32>,
      %parallel_loop3A_184 = arith.index_cast %parallel_loop3A_173 : i32 to index
      %parallel_loop3A_185 = arith.constant 32 : index
      %parallel_loop3A_186 = tpu.vector_load %arg5[%parallel_loop3A_184, %parallel_loop3A_185] {strides = array<i32>} : memref<64x128xf32, #tpu.memory_space<vmem>>, vector<16xf32>,
      %parallel_loop3A_187 = vector.broadcast %parallel_loop3A_173 : i32 to vector<16xi32>
      %parallel_loop3A_188 = arith.addi %mul3A_73, %parallel_loop3A_187 : vector<16xi32>
      tpu.vector_store_idx %arg7[%shift_right_logical3A_17, %parallel_loop3A_188], %parallel_loop3A_186 : memref<64x128xf32, #tpu.memory_space<vmem>>[vector<16xi32>, vector<16xi32>], vector<16xf32>,
      %parallel_loop3A_189 = arith.index_cast %parallel_loop3A_173 : i32 to index
      %parallel_loop3A_190 = arith.constant 48 : index
      %parallel_loop3A_191 = tpu.vector_load %arg5[%parallel_loop3A_189, %parallel_loop3A_190] {strides = array<i32>} : memref<64x128xf32, #tpu.memory_space<vmem>>, vector<16xf32>,
      %parallel_loop3A_192 = vector.broadcast %parallel_loop3A_173 : i32 to vector<16xi32>
      %parallel_loop3A_193 = arith.addi %mul3A_82, %parallel_loop3A_192 : vector<16xi32>
      tpu.vector_store_idx %arg7[%shift_right_logical3A_23, %parallel_loop3A_193], %parallel_loop3A_191 : memref<64x128xf32, #tpu.memory_space<vmem>>[vector<16xi32>, vector<16xi32>], vector<16xf32>,
      %parallel_loop3A_194 = arith.index_cast %parallel_loop3A_173 : i32 to index
      %parallel_loop3A_195 = arith.constant 64 : index
      %parallel_loop3A_196 = tpu.vector_load %arg5[%parallel_loop3A_194, %parallel_loop3A_195] {strides = array<i32>} : memref<64x128xf32, #tpu.memory_space<vmem>>, vector<16xf32>,
      %parallel_loop3A_197 = vector.broadcast %parallel_loop3A_173 : i32 to vector<16xi32>
      %parallel_loop3A_198 = arith.addi %mul3A_91, %parallel_loop3A_197 : vector<16xi32>
      tpu.vector_store_idx %arg7[%shift_right_logical3A_29, %parallel_loop3A_198], %parallel_loop3A_196 : memref<64x128xf32, #tpu.memory_space<vmem>>[vector<16xi32>, vector<16xi32>], vector<16xf32>,
      %parallel_loop3A_199 = arith.index_cast %parallel_loop3A_173 : i32 to index
      %parallel_loop3A_200 = arith.constant 80 : index
      %parallel_loop3A_201 = tpu.vector_load %arg5[%parallel_loop3A_199, %parallel_loop3A_200] {strides = array<i32>} : memref<64x128xf32, #tpu.memory_space<vmem>>, vector<16xf32>,
      %parallel_loop3A_202 = vector.broadcast %parallel_loop3A_173 : i32 to vector<16xi32>
      %parallel_loop3A_203 = arith.addi %mul3A_100, %parallel_loop3A_202 : vector<16xi32>
      tpu.vector_store_idx %arg7[%shift_right_logical3A_35, %parallel_loop3A_203], %parallel_loop3A_201 : memref<64x128xf32, #tpu.memory_space<vmem>>[vector<16xi32>, vector<16xi32>], vector<16xf32>,
      %parallel_loop3A_204 = arith.index_cast %parallel_loop3A_173 : i32 to index
      %parallel_loop3A_205 = arith.constant 96 : index
      %parallel_loop3A_206 = tpu.vector_load %arg5[%parallel_loop3A_204, %parallel_loop3A_205] {strides = array<i32>} : memref<64x128xf32, #tpu.memory_space<vmem>>, vector<16xf32>,
      %parallel_loop3A_207 = vector.broadcast %parallel_loop3A_173 : i32 to vector<16xi32>
      %parallel_loop3A_208 = arith.addi %mul3A_109, %parallel_loop3A_207 : vector<16xi32>
      tpu.vector_store_idx %arg7[%shift_right_logical3A_41, %parallel_loop3A_208], %parallel_loop3A_206 : memref<64x128xf32, #tpu.memory_space<vmem>>[vector<16xi32>, vector<16xi32>], vector<16xf32>,
      %parallel_loop3A_209 = arith.index_cast %parallel_loop3A_173 : i32 to index
      %parallel_loop3A_210 = arith.constant 112 : index
      %parallel_loop3A_211 = tpu.vector_load %arg5[%parallel_loop3A_209, %parallel_loop3A_210] {strides = array<i32>} : memref<64x128xf32, #tpu.memory_space<vmem>>, vector<16xf32>,
      %parallel_loop3A_212 = vector.broadcast %parallel_loop3A_173 : i32 to vector<16xi32>
      %parallel_loop3A_213 = arith.addi %mul3A_118, %parallel_loop3A_212 : vector<16xi32>
      tpu.vector_store_idx %arg7[%shift_right_logical3A_47, %parallel_loop3A_213], %parallel_loop3A_211 : memref<64x128xf32, #tpu.memory_space<vmem>>[vector<16xi32>, vector<16xi32>], vector<16xf32>,
    } {sc.loop_unroll_factor = 16 : i64, sc.parallel_access}
    %mul3A_147 = arith.constant 245 : i32
    %mul3A_148 = arith.muli %add3A, %mul3A_147 : i32
    %add3A_149 = arith.constant 244 : i32
    %add3A_150 = arith.addi %mul3A_148, %add3A_149 : i32
    %min3A_151 = arith.constant 7811 : i32
    %min3A_152 = arith.minsi %add3A_150, %min3A_151 : i32
    %mul3A_153 = arith.constant 64 : i32
    %mul3A_154 = arith.muli %min3A_152, %mul3A_153 : i32
    %dma_start3A_155 = arith.constant 0 : i32
    %dma_start3A_156 = tpu.memref_slice %arg4[%mul3A_154, %dma_start3A_155] : memref<500000x128xf32, #tpu.memory_space<hbm>> -> memref<64x128xf32, #tpu.memory_space<hbm>>
    %dma_start3A_157 = arith.constant 0 : i32
    %dma_start3A_158 = tpu.memref_slice %arg4[%mul3A_154, %dma_start3A_157] : memref<500000x128xf32, #tpu.memory_space<hbm>> -> memref<64x128xf32, #tpu.memory_space<hbm>>
    tpu.enqueue_dma source(%arg7 : memref<64x128xf32, #tpu.memory_space<vmem>>) target(%dma_start3A_158 : memref<64x128xf32, #tpu.memory_space<hbm>>) target_semaphore(%arg10 : memref<!tpu.dma_semaphore, #tpu.memory_space<semaphore_mem>>)
    %dma_wait3A_159 = arith.constant 0 : i32
    %dma_wait3A_160 = arith.constant 0 : i32
    %dma_wait3A_161 = tpu.memref_slice %arg4[%dma_wait3A_159, %dma_wait3A_160] : memref<500000x128xf32, #tpu.memory_space<hbm>> -> memref<64x128xf32, #tpu.memory_space<hbm>>
    %dma_wait3A_162 = arith.constant 0 : i32
    %dma_wait3A_163 = arith.constant 0 : i32
    %dma_wait3A_164 = tpu.memref_slice %arg4[%dma_wait3A_162, %dma_wait3A_163] : memref<500000x128xf32, #tpu.memory_space<hbm>> -> memref<64x128xf32, #tpu.memory_space<hbm>>
    tpu.wait_dma2 semaphore(%arg10 : memref<!tpu.dma_semaphore, #tpu.memory_space<semaphore_mem>>) src(%arg7 : memref<64x128xf32, #tpu.memory_space<vmem>>) dst(%dma_wait3A_164 : memref<64x128xf32, #tpu.memory_space<hbm>>)
    %dma_wait3A_165 = arith.constant 0 : i32
    %dma_wait3A_166 = arith.constant 0 : i32
    %dma_wait3A_167 = tpu.memref_slice %arg4[%dma_wait3A_165, %dma_wait3A_166] : memref<500000x128xf32, #tpu.memory_space<hbm>> -> memref<64x128xf32, #tpu.memory_space<hbm>>
    %dma_wait3A_168 = arith.constant 0 : i32
    %dma_wait3A_169 = arith.constant 0 : i32
    %dma_wait3A_170 = tpu.memref_slice %arg4[%dma_wait3A_168, %dma_wait3A_169] : memref<500000x128xf32, #tpu.memory_space<hbm>> -> memref<64x128xf32, #tpu.memory_space<hbm>>
    tpu.wait_dma2 semaphore(%arg10 : memref<!tpu.dma_semaphore, #tpu.memory_space<semaphore_mem>>) src(%arg8 : memref<64x128xf32, #tpu.memory_space<vmem>>) dst(%dma_wait3A_170 : memref<64x128xf32, #tpu.memory_space<hbm>>)
    %eq3A = arith.constant 5 : i32
    %eq3A_171 = arith.cmpi eq, %add3A, %eq3A : i32
    %convert_element_type3A = arith.extui %eq3A_171 : i1 to i32
    %cond3A = arith.constant 0 : i32
    %cond3A_172 = arith.cmpi ne, %convert_element_type3A, %cond3A : i32
    scf.if %cond3A_172 {
      "tpu.region"() ({
        %run_scoped3A = tpu.sem_alloc : memref<!tpu.dma_semaphore, #tpu.memory_space<semaphore_mem>>
        %dma_start3A_173 = arith.constant 0 : i32
        %dma_start3A_174 = arith.constant 0 : i32
        %dma_start3A_175 = tpu.memref_slice %arg7[%dma_start3A_173, %dma_start3A_174] : memref<64x128xf32, #tpu.memory_space<vmem>> -> memref<32x128xf32, #tpu.memory_space<vmem>>
        %dma_start3A_176 = arith.constant 0 : i32
        %dma_start3A_177 = arith.constant 0 : i32
        %dma_start3A_178 = tpu.memref_slice %arg7[%dma_start3A_176, %dma_start3A_177] : memref<64x128xf32, #tpu.memory_space<vmem>> -> memref<32x128xf32, #tpu.memory_space<vmem>>
        tpu.enqueue_dma source(%arg3 : memref<32x128xf32, #tpu.memory_space<hbm>>) target(%dma_start3A_178 : memref<32x128xf32, #tpu.memory_space<vmem>>) target_semaphore(%run_scoped3A : memref<!tpu.dma_semaphore, #tpu.memory_space<semaphore_mem>>)
        %dma_wait3A_179 = arith.constant 0 : i32
        %dma_wait3A_180 = arith.constant 0 : i32
        %dma_wait3A_181 = tpu.memref_slice %arg7[%dma_wait3A_179, %dma_wait3A_180] : memref<64x128xf32, #tpu.memory_space<vmem>> -> memref<32x128xf32, #tpu.memory_space<vmem>>
        %dma_wait3A_182 = arith.constant 0 : i32
        %dma_wait3A_183 = arith.constant 0 : i32
        %dma_wait3A_184 = tpu.memref_slice %arg7[%dma_wait3A_182, %dma_wait3A_183] : memref<64x128xf32, #tpu.memory_space<vmem>> -> memref<32x128xf32, #tpu.memory_space<vmem>>
        tpu.wait_dma2 semaphore(%run_scoped3A : memref<!tpu.dma_semaphore, #tpu.memory_space<semaphore_mem>>) src(%arg3 : memref<32x128xf32, #tpu.memory_space<hbm>>) dst(%dma_wait3A_184 : memref<32x128xf32, #tpu.memory_space<vmem>>)
        tpu.yield
      }) : () -> ()
      "tpu.region"() ({
        %run_scoped3A = tpu.sem_alloc : memref<!tpu.dma_semaphore, #tpu.memory_space<semaphore_mem>>
        %dma_start3A_173 = arith.constant 0 : i32
        %dma_start3A_174 = arith.constant 0 : i32
        %dma_start3A_175 = tpu.memref_slice %arg7[%dma_start3A_173, %dma_start3A_174] : memref<64x128xf32, #tpu.memory_space<vmem>> -> memref<32x128xf32, #tpu.memory_space<vmem>>
        %dma_start3A_176 = arith.constant 499968 : i32
        %dma_start3A_177 = arith.constant 0 : i32
        %dma_start3A_178 = tpu.memref_slice %arg4[%dma_start3A_176, %dma_start3A_177] : memref<500000x128xf32, #tpu.memory_space<hbm>> -> memref<32x128xf32, #tpu.memory_space<hbm>>
        %dma_start3A_179 = arith.constant 499968 : i32
        %dma_start3A_180 = arith.constant 0 : i32
        %dma_start3A_181 = tpu.memref_slice %arg4[%dma_start3A_179, %dma_start3A_180] : memref<500000x128xf32, #tpu.memory_space<hbm>> -> memref<32x128xf32, #tpu.memory_space<hbm>>
        %dma_start3A_182 = arith.constant 0 : i32
        %dma_start3A_183 = arith.constant 0 : i32
        %dma_start3A_184 = tpu.memref_slice %arg7[%dma_start3A_182, %dma_start3A_183] : memref<64x128xf32, #tpu.memory_space<vmem>> -> memref<32x128xf32, #tpu.memory_space<vmem>>
        tpu.enqueue_dma source(%dma_start3A_184 : memref<32x128xf32, #tpu.memory_space<vmem>>) target(%dma_start3A_181 : memref<32x128xf32, #tpu.memory_space<hbm>>) target_semaphore(%run_scoped3A : memref<!tpu.dma_semaphore, #tpu.memory_space<semaphore_mem>>)
        %dma_wait3A_185 = arith.constant 0 : i32
        %dma_wait3A_186 = arith.constant 0 : i32
        %dma_wait3A_187 = tpu.memref_slice %arg7[%dma_wait3A_185, %dma_wait3A_186] : memref<64x128xf32, #tpu.memory_space<vmem>> -> memref<32x128xf32, #tpu.memory_space<vmem>>
        %dma_wait3A_188 = arith.constant 499968 : i32
        %dma_wait3A_189 = arith.constant 0 : i32
        %dma_wait3A_190 = tpu.memref_slice %arg4[%dma_wait3A_188, %dma_wait3A_189] : memref<500000x128xf32, #tpu.memory_space<hbm>> -> memref<32x128xf32, #tpu.memory_space<hbm>>
        %dma_wait3A_191 = arith.constant 499968 : i32
        %dma_wait3A_192 = arith.constant 0 : i32
        %dma_wait3A_193 = tpu.memref_slice %arg4[%dma_wait3A_191, %dma_wait3A_192] : memref<500000x128xf32, #tpu.memory_space<hbm>> -> memref<32x128xf32, #tpu.memory_space<hbm>>
        %dma_wait3A_194 = arith.constant 0 : i32
        %dma_wait3A_195 = arith.constant 0 : i32
        %dma_wait3A_196 = tpu.memref_slice %arg7[%dma_wait3A_194, %dma_wait3A_195] : memref<64x128xf32, #tpu.memory_space<vmem>> -> memref<32x128xf32, #tpu.memory_space<vmem>>
        tpu.wait_dma2 semaphore(%run_scoped3A : memref<!tpu.dma_semaphore, #tpu.memory_space<semaphore_mem>>) src(%dma_wait3A_196 : memref<32x128xf32, #tpu.memory_space<vmem>>) dst(%dma_wait3A_193 : memref<32x128xf32, #tpu.memory_space<hbm>>)
        tpu.yield
      }) : () -> ()
    } else {
    }
    return
  }
}

#map = affine_map<(d0, d1) -> (0, 0)>
#map1 = affine_map<(d0, d1) -> (0, 0, 0)>
module attributes {stable_mosaic.version = 14 : i64} {
  func.func @_gather(%arg0: i32, %arg1: i32, %arg2: memref<200x4096xi32, #tpu.memory_space<hbm>>, %arg3: memref<500000x128xf32, #tpu.memory_space<hbm>>, %arg4: memref<200x64x4096xf32, #tpu.memory_space<hbm>>, %arg5: memref<200x128xi32, #tpu.memory_space<vmem>>, %arg6: memref<128xi32, #tpu.memory_space<vmem>>, %arg7: memref<128xi32, #tpu.memory_space<vmem>>, %arg8: memref<128xi32, #tpu.memory_space<vmem>>, %arg9: memref<128xi32, #tpu.memory_space<vmem>>, %arg10: memref<128x128xf32, #tpu.memory_space<vmem>>, %arg11: memref<128x128xf32, #tpu.memory_space<vmem>>, %arg12: memref<64x128xf32, #tpu.memory_space<vmem>>, %arg13: memref<64x128xf32, #tpu.memory_space<vmem>>, %arg14: memref<!tpu.dma_semaphore, #tpu.memory_space<semaphore_mem>>, %arg15: memref<!tpu.dma_semaphore, #tpu.memory_space<semaphore_mem>>) attributes {dimension_semantics = [#tpu.dimension_semantics<core_parallel>, #tpu.dimension_semantics<subcore_parallel>], iteration_bounds = array<i64: 2, 16>, scalar_prefetch = 0 : i64, scratch_operands = 11 : i64, tpu.core_type = #tpu.core_type<sc_vector_subcore>, window_params = [{transform_indices = #map}, {transform_indices = #map}, {transform_indices = #map1}]} {
    %mul3A = arith.constant 2 : i32
    %mul3A_0 = arith.muli %arg1, %mul3A : i32
    %add3A = arith.addi %mul3A_0, %arg0 : i32
    %mul3A_1 = arith.constant 128 : i32
    %mul3A_2 = arith.muli %add3A, %mul3A_1 : i32
    "tpu.region"() ({
      %run_scoped3A = tpu.sem_alloc : memref<!tpu.dma_semaphore, #tpu.memory_space<semaphore_mem>>
      %dma_start3A_176 = arith.constant 0 : i32
      %dma_start3A_177 = tpu.memref_slice %arg2[%dma_start3A_176, %mul3A_2] : memref<200x4096xi32, #tpu.memory_space<hbm>> -> memref<200x128xi32, #tpu.memory_space<hbm>>
      %dma_start3A_178 = arith.constant 0 : i32
      %dma_start3A_179 = tpu.memref_slice %arg2[%dma_start3A_178, %mul3A_2] : memref<200x4096xi32, #tpu.memory_space<hbm>> -> memref<200x128xi32, #tpu.memory_space<hbm>>
      tpu.enqueue_dma source(%dma_start3A_179 : memref<200x128xi32, #tpu.memory_space<hbm>>) target(%arg5 : memref<200x128xi32, #tpu.memory_space<vmem>>) target_semaphore(%run_scoped3A : memref<!tpu.dma_semaphore, #tpu.memory_space<semaphore_mem>>)
      %dma_wait3A_180 = arith.constant 0 : i32
      %dma_wait3A_181 = tpu.memref_slice %arg2[%dma_wait3A_180, %mul3A_2] : memref<200x4096xi32, #tpu.memory_space<hbm>> -> memref<200x128xi32, #tpu.memory_space<hbm>>
      %dma_wait3A_182 = arith.constant 0 : i32
      %dma_wait3A_183 = tpu.memref_slice %arg2[%dma_wait3A_182, %mul3A_2] : memref<200x4096xi32, #tpu.memory_space<hbm>> -> memref<200x128xi32, #tpu.memory_space<hbm>>
      tpu.wait_dma2 semaphore(%run_scoped3A : memref<!tpu.dma_semaphore, #tpu.memory_space<semaphore_mem>>) src(%dma_wait3A_183 : memref<200x128xi32, #tpu.memory_space<hbm>>) dst(%arg5 : memref<200x128xi32, #tpu.memory_space<vmem>>)
      tpu.yield
    }) : () -> ()
    %iota3A = tpu.iota {dimensions = array<i32: 0>} : vector<16xi32>
    %add3A_3 = arith.constant 0 : i32
    %add3A_4 = vector.broadcast %add3A_3 : i32 to vector<16xi32>
    %add3A_5 = arith.addi %iota3A, %add3A_4 : vector<16xi32>
    %add3A_6 = arith.constant 16 : i32
    %add3A_7 = vector.broadcast %add3A_6 : i32 to vector<16xi32>
    %add3A_8 = arith.addi %iota3A, %add3A_7 : vector<16xi32>
    %add3A_9 = arith.constant 32 : i32
    %add3A_10 = vector.broadcast %add3A_9 : i32 to vector<16xi32>
    %add3A_11 = arith.addi %iota3A, %add3A_10 : vector<16xi32>
    %add3A_12 = arith.constant 48 : i32
    %add3A_13 = vector.broadcast %add3A_12 : i32 to vector<16xi32>
    %add3A_14 = arith.addi %iota3A, %add3A_13 : vector<16xi32>
    %add3A_15 = arith.constant 64 : i32
    %add3A_16 = vector.broadcast %add3A_15 : i32 to vector<16xi32>
    %add3A_17 = arith.addi %iota3A, %add3A_16 : vector<16xi32>
    %add3A_18 = arith.constant 80 : i32
    %add3A_19 = vector.broadcast %add3A_18 : i32 to vector<16xi32>
    %add3A_20 = arith.addi %iota3A, %add3A_19 : vector<16xi32>
    %add3A_21 = arith.constant 96 : i32
    %add3A_22 = vector.broadcast %add3A_21 : i32 to vector<16xi32>
    %add3A_23 = arith.addi %iota3A, %add3A_22 : vector<16xi32>
    %add3A_24 = arith.constant 112 : i32
    %add3A_25 = vector.broadcast %add3A_24 : i32 to vector<16xi32>
    %add3A_26 = arith.addi %iota3A, %add3A_25 : vector<16xi32>
    %min3A = arith.constant 0 : i32
    %min3A_27 = arith.constant 199 : i32
    %min3A_28 = arith.minsi %min3A, %min3A_27 : i32
    %get3A = arith.index_cast %min3A_28 : i32 to index
    %get3A_29 = arith.constant 0 : index
    %get3A_30 = tpu.vector_load %arg5[%get3A, %get3A_29] {strides = array<i32>} : memref<200x128xi32, #tpu.memory_space<vmem>>, vector<16xi32>,
    %shift_right_logical3A = arith.constant 1 : i32
    %shift_right_logical3A_31 = vector.broadcast %shift_right_logical3A : i32 to vector<16xi32>
    %shift_right_logical3A_32 = arith.shrui %get3A_30, %shift_right_logical3A_31 : vector<16xi32>
    %swap3A = arith.constant 0 : index
    %swap3A_33 = tpu.vector_load %arg6[%swap3A] {strides = array<i32>} : memref<128xi32, #tpu.memory_space<vmem>>, vector<16xi32>,
    tpu.vector_store %arg6[%swap3A], %shift_right_logical3A_32 {strides = array<i32>} : memref<128xi32, #tpu.memory_space<vmem>>, vector<16xi32>,
    %and3A = arith.constant 1 : i32
    %and3A_34 = vector.broadcast %and3A : i32 to vector<16xi32>
    %and3A_35 = arith.andi %get3A_30, %and3A_34 : vector<16xi32>
    %mul3A_36 = arith.constant 64 : i32
    %mul3A_37 = vector.broadcast %mul3A_36 : i32 to vector<16xi32>
    %mul3A_38 = arith.muli %and3A_35, %mul3A_37 : vector<16xi32>
    %swap3A_39 = arith.constant 0 : index
    %swap3A_40 = tpu.vector_load %arg8[%swap3A_39] {strides = array<i32>} : memref<128xi32, #tpu.memory_space<vmem>>, vector<16xi32>,
    tpu.vector_store %arg8[%swap3A_39], %mul3A_38 {strides = array<i32>} : memref<128xi32, #tpu.memory_space<vmem>>, vector<16xi32>,
    %get3A_41 = arith.index_cast %min3A_28 : i32 to index
    %get3A_42 = arith.constant 16 : index
    %get3A_43 = tpu.vector_load %arg5[%get3A_41, %get3A_42] {strides = array<i32>} : memref<200x128xi32, #tpu.memory_space<vmem>>, vector<16xi32>,
    %shift_right_logical3A_44 = arith.constant 1 : i32
    %shift_right_logical3A_45 = vector.broadcast %shift_right_logical3A_44 : i32 to vector<16xi32>
    %shift_right_logical3A_46 = arith.shrui %get3A_43, %shift_right_logical3A_45 : vector<16xi32>
    %swap3A_47 = arith.constant 16 : index
    %swap3A_48 = tpu.vector_load %arg6[%swap3A_47] {strides = array<i32>} : memref<128xi32, #tpu.memory_space<vmem>>, vector<16xi32>,
    tpu.vector_store %arg6[%swap3A_47], %shift_right_logical3A_46 {strides = array<i32>} : memref<128xi32, #tpu.memory_space<vmem>>, vector<16xi32>,
    %and3A_49 = arith.constant 1 : i32
    %and3A_50 = vector.broadcast %and3A_49 : i32 to vector<16xi32>
    %and3A_51 = arith.andi %get3A_43, %and3A_50 : vector<16xi32>
    %mul3A_52 = arith.constant 64 : i32
    %mul3A_53 = vector.broadcast %mul3A_52 : i32 to vector<16xi32>
    %mul3A_54 = arith.muli %and3A_51, %mul3A_53 : vector<16xi32>
    %swap3A_55 = arith.constant 16 : index
    %swap3A_56 = tpu.vector_load %arg8[%swap3A_55] {strides = array<i32>} : memref<128xi32, #tpu.memory_space<vmem>>, vector<16xi32>,
    tpu.vector_store %arg8[%swap3A_55], %mul3A_54 {strides = array<i32>} : memref<128xi32, #tpu.memory_space<vmem>>, vector<16xi32>,
    %get3A_57 = arith.index_cast %min3A_28 : i32 to index
    %get3A_58 = arith.constant 32 : index
    %get3A_59 = tpu.vector_load %arg5[%get3A_57, %get3A_58] {strides = array<i32>} : memref<200x128xi32, #tpu.memory_space<vmem>>, vector<16xi32>,
    %shift_right_logical3A_60 = arith.constant 1 : i32
    %shift_right_logical3A_61 = vector.broadcast %shift_right_logical3A_60 : i32 to vector<16xi32>
    %shift_right_logical3A_62 = arith.shrui %get3A_59, %shift_right_logical3A_61 : vector<16xi32>
    %swap3A_63 = arith.constant 32 : index
    %swap3A_64 = tpu.vector_load %arg6[%swap3A_63] {strides = array<i32>} : memref<128xi32, #tpu.memory_space<vmem>>, vector<16xi32>,
    tpu.vector_store %arg6[%swap3A_63], %shift_right_logical3A_62 {strides = array<i32>} : memref<128xi32, #tpu.memory_space<vmem>>, vector<16xi32>,
    %and3A_65 = arith.constant 1 : i32
    %and3A_66 = vector.broadcast %and3A_65 : i32 to vector<16xi32>
    %and3A_67 = arith.andi %get3A_59, %and3A_66 : vector<16xi32>
    %mul3A_68 = arith.constant 64 : i32
    %mul3A_69 = vector.broadcast %mul3A_68 : i32 to vector<16xi32>
    %mul3A_70 = arith.muli %and3A_67, %mul3A_69 : vector<16xi32>
    %swap3A_71 = arith.constant 32 : index
    %swap3A_72 = tpu.vector_load %arg8[%swap3A_71] {strides = array<i32>} : memref<128xi32, #tpu.memory_space<vmem>>, vector<16xi32>,
    tpu.vector_store %arg8[%swap3A_71], %mul3A_70 {strides = array<i32>} : memref<128xi32, #tpu.memory_space<vmem>>, vector<16xi32>,
    %get3A_73 = arith.index_cast %min3A_28 : i32 to index
    %get3A_74 = arith.constant 48 : index
    %get3A_75 = tpu.vector_load %arg5[%get3A_73, %get3A_74] {strides = array<i32>} : memref<200x128xi32, #tpu.memory_space<vmem>>, vector<16xi32>,
    %shift_right_logical3A_76 = arith.constant 1 : i32
    %shift_right_logical3A_77 = vector.broadcast %shift_right_logical3A_76 : i32 to vector<16xi32>
    %shift_right_logical3A_78 = arith.shrui %get3A_75, %shift_right_logical3A_77 : vector<16xi32>
    %swap3A_79 = arith.constant 48 : index
    %swap3A_80 = tpu.vector_load %arg6[%swap3A_79] {strides = array<i32>} : memref<128xi32, #tpu.memory_space<vmem>>, vector<16xi32>,
    tpu.vector_store %arg6[%swap3A_79], %shift_right_logical3A_78 {strides = array<i32>} : memref<128xi32, #tpu.memory_space<vmem>>, vector<16xi32>,
    %and3A_81 = arith.constant 1 : i32
    %and3A_82 = vector.broadcast %and3A_81 : i32 to vector<16xi32>
    %and3A_83 = arith.andi %get3A_75, %and3A_82 : vector<16xi32>
    %mul3A_84 = arith.constant 64 : i32
    %mul3A_85 = vector.broadcast %mul3A_84 : i32 to vector<16xi32>
    %mul3A_86 = arith.muli %and3A_83, %mul3A_85 : vector<16xi32>
    %swap3A_87 = arith.constant 48 : index
    %swap3A_88 = tpu.vector_load %arg8[%swap3A_87] {strides = array<i32>} : memref<128xi32, #tpu.memory_space<vmem>>, vector<16xi32>,
    tpu.vector_store %arg8[%swap3A_87], %mul3A_86 {strides = array<i32>} : memref<128xi32, #tpu.memory_space<vmem>>, vector<16xi32>,
    %get3A_89 = arith.index_cast %min3A_28 : i32 to index
    %get3A_90 = arith.constant 64 : index
    %get3A_91 = tpu.vector_load %arg5[%get3A_89, %get3A_90] {strides = array<i32>} : memref<200x128xi32, #tpu.memory_space<vmem>>, vector<16xi32>,
    %shift_right_logical3A_92 = arith.constant 1 : i32
    %shift_right_logical3A_93 = vector.broadcast %shift_right_logical3A_92 : i32 to vector<16xi32>
    %shift_right_logical3A_94 = arith.shrui %get3A_91, %shift_right_logical3A_93 : vector<16xi32>
    %swap3A_95 = arith.constant 64 : index
    %swap3A_96 = tpu.vector_load %arg6[%swap3A_95] {strides = array<i32>} : memref<128xi32, #tpu.memory_space<vmem>>, vector<16xi32>,
    tpu.vector_store %arg6[%swap3A_95], %shift_right_logical3A_94 {strides = array<i32>} : memref<128xi32, #tpu.memory_space<vmem>>, vector<16xi32>,
    %and3A_97 = arith.constant 1 : i32
    %and3A_98 = vector.broadcast %and3A_97 : i32 to vector<16xi32>
    %and3A_99 = arith.andi %get3A_91, %and3A_98 : vector<16xi32>
    %mul3A_100 = arith.constant 64 : i32
    %mul3A_101 = vector.broadcast %mul3A_100 : i32 to vector<16xi32>
    %mul3A_102 = arith.muli %and3A_99, %mul3A_101 : vector<16xi32>
    %swap3A_103 = arith.constant 64 : index
    %swap3A_104 = tpu.vector_load %arg8[%swap3A_103] {strides = array<i32>} : memref<128xi32, #tpu.memory_space<vmem>>, vector<16xi32>,
    tpu.vector_store %arg8[%swap3A_103], %mul3A_102 {strides = array<i32>} : memref<128xi32, #tpu.memory_space<vmem>>, vector<16xi32>,
    %get3A_105 = arith.index_cast %min3A_28 : i32 to index
    %get3A_106 = arith.constant 80 : index
    %get3A_107 = tpu.vector_load %arg5[%get3A_105, %get3A_106] {strides = array<i32>} : memref<200x128xi32, #tpu.memory_space<vmem>>, vector<16xi32>,
    %shift_right_logical3A_108 = arith.constant 1 : i32
    %shift_right_logical3A_109 = vector.broadcast %shift_right_logical3A_108 : i32 to vector<16xi32>
    %shift_right_logical3A_110 = arith.shrui %get3A_107, %shift_right_logical3A_109 : vector<16xi32>
    %swap3A_111 = arith.constant 80 : index
    %swap3A_112 = tpu.vector_load %arg6[%swap3A_111] {strides = array<i32>} : memref<128xi32, #tpu.memory_space<vmem>>, vector<16xi32>,
    tpu.vector_store %arg6[%swap3A_111], %shift_right_logical3A_110 {strides = array<i32>} : memref<128xi32, #tpu.memory_space<vmem>>, vector<16xi32>,
    %and3A_113 = arith.constant 1 : i32
    %and3A_114 = vector.broadcast %and3A_113 : i32 to vector<16xi32>
    %and3A_115 = arith.andi %get3A_107, %and3A_114 : vector<16xi32>
    %mul3A_116 = arith.constant 64 : i32
    %mul3A_117 = vector.broadcast %mul3A_116 : i32 to vector<16xi32>
    %mul3A_118 = arith.muli %and3A_115, %mul3A_117 : vector<16xi32>
    %swap3A_119 = arith.constant 80 : index
    %swap3A_120 = tpu.vector_load %arg8[%swap3A_119] {strides = array<i32>} : memref<128xi32, #tpu.memory_space<vmem>>, vector<16xi32>,
    tpu.vector_store %arg8[%swap3A_119], %mul3A_118 {strides = array<i32>} : memref<128xi32, #tpu.memory_space<vmem>>, vector<16xi32>,
    %get3A_121 = arith.index_cast %min3A_28 : i32 to index
    %get3A_122 = arith.constant 96 : index
    %get3A_123 = tpu.vector_load %arg5[%get3A_121, %get3A_122] {strides = array<i32>} : memref<200x128xi32, #tpu.memory_space<vmem>>, vector<16xi32>,
    %shift_right_logical3A_124 = arith.constant 1 : i32
    %shift_right_logical3A_125 = vector.broadcast %shift_right_logical3A_124 : i32 to vector<16xi32>
    %shift_right_logical3A_126 = arith.shrui %get3A_123, %shift_right_logical3A_125 : vector<16xi32>
    %swap3A_127 = arith.constant 96 : index
    %swap3A_128 = tpu.vector_load %arg6[%swap3A_127] {strides = array<i32>} : memref<128xi32, #tpu.memory_space<vmem>>, vector<16xi32>,
    tpu.vector_store %arg6[%swap3A_127], %shift_right_logical3A_126 {strides = array<i32>} : memref<128xi32, #tpu.memory_space<vmem>>, vector<16xi32>,
    %and3A_129 = arith.constant 1 : i32
    %and3A_130 = vector.broadcast %and3A_129 : i32 to vector<16xi32>
    %and3A_131 = arith.andi %get3A_123, %and3A_130 : vector<16xi32>
    %mul3A_132 = arith.constant 64 : i32
    %mul3A_133 = vector.broadcast %mul3A_132 : i32 to vector<16xi32>
    %mul3A_134 = arith.muli %and3A_131, %mul3A_133 : vector<16xi32>
    %swap3A_135 = arith.constant 96 : index
    %swap3A_136 = tpu.vector_load %arg8[%swap3A_135] {strides = array<i32>} : memref<128xi32, #tpu.memory_space<vmem>>, vector<16xi32>,
    tpu.vector_store %arg8[%swap3A_135], %mul3A_134 {strides = array<i32>} : memref<128xi32, #tpu.memory_space<vmem>>, vector<16xi32>,
    %get3A_137 = arith.index_cast %min3A_28 : i32 to index
    %get3A_138 = arith.constant 112 : index
    %get3A_139 = tpu.vector_load %arg5[%get3A_137, %get3A_138] {strides = array<i32>} : memref<200x128xi32, #tpu.memory_space<vmem>>, vector<16xi32>,
    %shift_right_logical3A_140 = arith.constant 1 : i32
    %shift_right_logical3A_141 = vector.broadcast %shift_right_logical3A_140 : i32 to vector<16xi32>
    %shift_right_logical3A_142 = arith.shrui %get3A_139, %shift_right_logical3A_141 : vector<16xi32>
    %swap3A_143 = arith.constant 112 : index
    %swap3A_144 = tpu.vector_load %arg6[%swap3A_143] {strides = array<i32>} : memref<128xi32, #tpu.memory_space<vmem>>, vector<16xi32>,
    tpu.vector_store %arg6[%swap3A_143], %shift_right_logical3A_142 {strides = array<i32>} : memref<128xi32, #tpu.memory_space<vmem>>, vector<16xi32>,
    %and3A_145 = arith.constant 1 : i32
    %and3A_146 = vector.broadcast %and3A_145 : i32 to vector<16xi32>
    %and3A_147 = arith.andi %get3A_139, %and3A_146 : vector<16xi32>
    %mul3A_148 = arith.constant 64 : i32
    %mul3A_149 = vector.broadcast %mul3A_148 : i32 to vector<16xi32>
    %mul3A_150 = arith.muli %and3A_147, %mul3A_149 : vector<16xi32>
    %swap3A_151 = arith.constant 112 : index
    %swap3A_152 = tpu.vector_load %arg8[%swap3A_151] {strides = array<i32>} : memref<128xi32, #tpu.memory_space<vmem>>, vector<16xi32>,
    tpu.vector_store %arg8[%swap3A_151], %mul3A_150 {strides = array<i32>} : memref<128xi32, #tpu.memory_space<vmem>>, vector<16xi32>,
    %dma_start3A = arith.constant 0 : i32
    %dma_start3A_153 = arith.constant 0 : i32
    %dma_start3A_154 = tpu.memref_slice %arg3[%dma_start3A, %dma_start3A_153] : memref<500000x128xf32, #tpu.memory_space<hbm>> -> memref<500000x128xf32, #tpu.memory_space<hbm>>
    tpu.enqueue_indirect_dma source(%dma_start3A_154 : memref<500000x128xf32, #tpu.memory_space<hbm>>) target(%arg10 : memref<128x128xf32, #tpu.memory_space<vmem>>) offsets(%arg6 : memref<128xi32, #tpu.memory_space<vmem>>) semaphore(%arg14 : memref<!tpu.dma_semaphore, #tpu.memory_space<semaphore_mem>>)
    %scan3A = arith.constant 0 : i32
    %scan3A_155 = arith.constant 0 : i32
    %scan3A_156 = arith.constant 100 : i32
    %scan3A_157 = arith.addi %scan3A_155, %scan3A_156 : i32
    %scan3A_158 = arith.constant 1 : i32
    scf.for %scan3A_176 = %scan3A_155 to %scan3A_157 step %scan3A_158  : i32 {
      %mul3A_177 = arith.constant 2 : i32
      %mul3A_178 = arith.muli %mul3A_177, %scan3A_176 : i32
      %add3A_179 = arith.constant 1 : i32
      %add3A_180 = arith.addi %mul3A_178, %add3A_179 : i32
      %min3A_181 = arith.constant 199 : i32
      %min3A_182 = arith.minsi %add3A_180, %min3A_181 : i32
      %get3A_183 = arith.index_cast %min3A_182 : i32 to index
      %get3A_184 = arith.constant 0 : index
      %get3A_185 = tpu.vector_load %arg5[%get3A_183, %get3A_184] {strides = array<i32>} : memref<200x128xi32, #tpu.memory_space<vmem>>, vector<16xi32>,
      %shift_right_logical3A_186 = arith.constant 1 : i32
      %shift_right_logical3A_187 = vector.broadcast %shift_right_logical3A_186 : i32 to vector<16xi32>
      %shift_right_logical3A_188 = arith.shrui %get3A_185, %shift_right_logical3A_187 : vector<16xi32>
      %swap3A_189 = arith.constant 0 : index
      %swap3A_190 = tpu.vector_load %arg7[%swap3A_189] {strides = array<i32>} : memref<128xi32, #tpu.memory_space<vmem>>, vector<16xi32>,
      tpu.vector_store %arg7[%swap3A_189], %shift_right_logical3A_188 {strides = array<i32>} : memref<128xi32, #tpu.memory_space<vmem>>, vector<16xi32>,
      %and3A_191 = arith.constant 1 : i32
      %and3A_192 = vector.broadcast %and3A_191 : i32 to vector<16xi32>
      %and3A_193 = arith.andi %get3A_185, %and3A_192 : vector<16xi32>
      %mul3A_194 = arith.constant 64 : i32
      %mul3A_195 = vector.broadcast %mul3A_194 : i32 to vector<16xi32>
      %mul3A_196 = arith.muli %and3A_193, %mul3A_195 : vector<16xi32>
      %swap3A_197 = arith.constant 0 : index
      %swap3A_198 = tpu.vector_load %arg9[%swap3A_197] {strides = array<i32>} : memref<128xi32, #tpu.memory_space<vmem>>, vector<16xi32>,
      tpu.vector_store %arg9[%swap3A_197], %mul3A_196 {strides = array<i32>} : memref<128xi32, #tpu.memory_space<vmem>>, vector<16xi32>,
      %get3A_199 = arith.index_cast %min3A_182 : i32 to index
      %get3A_200 = arith.constant 16 : index
      %get3A_201 = tpu.vector_load %arg5[%get3A_199, %get3A_200] {strides = array<i32>} : memref<200x128xi32, #tpu.memory_space<vmem>>, vector<16xi32>,
      %shift_right_logical3A_202 = arith.constant 1 : i32
      %shift_right_logical3A_203 = vector.broadcast %shift_right_logical3A_202 : i32 to vector<16xi32>
      %shift_right_logical3A_204 = arith.shrui %get3A_201, %shift_right_logical3A_203 : vector<16xi32>
      %swap3A_205 = arith.constant 16 : index
      %swap3A_206 = tpu.vector_load %arg7[%swap3A_205] {strides = array<i32>} : memref<128xi32, #tpu.memory_space<vmem>>, vector<16xi32>,
      tpu.vector_store %arg7[%swap3A_205], %shift_right_logical3A_204 {strides = array<i32>} : memref<128xi32, #tpu.memory_space<vmem>>, vector<16xi32>,
      %and3A_207 = arith.constant 1 : i32
      %and3A_208 = vector.broadcast %and3A_207 : i32 to vector<16xi32>
      %and3A_209 = arith.andi %get3A_201, %and3A_208 : vector<16xi32>
      %mul3A_210 = arith.constant 64 : i32
      %mul3A_211 = vector.broadcast %mul3A_210 : i32 to vector<16xi32>
      %mul3A_212 = arith.muli %and3A_209, %mul3A_211 : vector<16xi32>
      %swap3A_213 = arith.constant 16 : index
      %swap3A_214 = tpu.vector_load %arg9[%swap3A_213] {strides = array<i32>} : memref<128xi32, #tpu.memory_space<vmem>>, vector<16xi32>,
      tpu.vector_store %arg9[%swap3A_213], %mul3A_212 {strides = array<i32>} : memref<128xi32, #tpu.memory_space<vmem>>, vector<16xi32>,
      %get3A_215 = arith.index_cast %min3A_182 : i32 to index
      %get3A_216 = arith.constant 32 : index
      %get3A_217 = tpu.vector_load %arg5[%get3A_215, %get3A_216] {strides = array<i32>} : memref<200x128xi32, #tpu.memory_space<vmem>>, vector<16xi32>,
      %shift_right_logical3A_218 = arith.constant 1 : i32
      %shift_right_logical3A_219 = vector.broadcast %shift_right_logical3A_218 : i32 to vector<16xi32>
      %shift_right_logical3A_220 = arith.shrui %get3A_217, %shift_right_logical3A_219 : vector<16xi32>
      %swap3A_221 = arith.constant 32 : index
      %swap3A_222 = tpu.vector_load %arg7[%swap3A_221] {strides = array<i32>} : memref<128xi32, #tpu.memory_space<vmem>>, vector<16xi32>,
      tpu.vector_store %arg7[%swap3A_221], %shift_right_logical3A_220 {strides = array<i32>} : memref<128xi32, #tpu.memory_space<vmem>>, vector<16xi32>,
      %and3A_223 = arith.constant 1 : i32
      %and3A_224 = vector.broadcast %and3A_223 : i32 to vector<16xi32>
      %and3A_225 = arith.andi %get3A_217, %and3A_224 : vector<16xi32>
      %mul3A_226 = arith.constant 64 : i32
      %mul3A_227 = vector.broadcast %mul3A_226 : i32 to vector<16xi32>
      %mul3A_228 = arith.muli %and3A_225, %mul3A_227 : vector<16xi32>
      %swap3A_229 = arith.constant 32 : index
      %swap3A_230 = tpu.vector_load %arg9[%swap3A_229] {strides = array<i32>} : memref<128xi32, #tpu.memory_space<vmem>>, vector<16xi32>,
      tpu.vector_store %arg9[%swap3A_229], %mul3A_228 {strides = array<i32>} : memref<128xi32, #tpu.memory_space<vmem>>, vector<16xi32>,
      %get3A_231 = arith.index_cast %min3A_182 : i32 to index
      %get3A_232 = arith.constant 48 : index
      %get3A_233 = tpu.vector_load %arg5[%get3A_231, %get3A_232] {strides = array<i32>} : memref<200x128xi32, #tpu.memory_space<vmem>>, vector<16xi32>,
      %shift_right_logical3A_234 = arith.constant 1 : i32
      %shift_right_logical3A_235 = vector.broadcast %shift_right_logical3A_234 : i32 to vector<16xi32>
      %shift_right_logical3A_236 = arith.shrui %get3A_233, %shift_right_logical3A_235 : vector<16xi32>
      %swap3A_237 = arith.constant 48 : index
      %swap3A_238 = tpu.vector_load %arg7[%swap3A_237] {strides = array<i32>} : memref<128xi32, #tpu.memory_space<vmem>>, vector<16xi32>,
      tpu.vector_store %arg7[%swap3A_237], %shift_right_logical3A_236 {strides = array<i32>} : memref<128xi32, #tpu.memory_space<vmem>>, vector<16xi32>,
      %and3A_239 = arith.constant 1 : i32
      %and3A_240 = vector.broadcast %and3A_239 : i32 to vector<16xi32>
      %and3A_241 = arith.andi %get3A_233, %and3A_240 : vector<16xi32>
      %mul3A_242 = arith.constant 64 : i32
      %mul3A_243 = vector.broadcast %mul3A_242 : i32 to vector<16xi32>
      %mul3A_244 = arith.muli %and3A_241, %mul3A_243 : vector<16xi32>
      %swap3A_245 = arith.constant 48 : index
      %swap3A_246 = tpu.vector_load %arg9[%swap3A_245] {strides = array<i32>} : memref<128xi32, #tpu.memory_space<vmem>>, vector<16xi32>,
      tpu.vector_store %arg9[%swap3A_245], %mul3A_244 {strides = array<i32>} : memref<128xi32, #tpu.memory_space<vmem>>, vector<16xi32>,
      %get3A_247 = arith.index_cast %min3A_182 : i32 to index
      %get3A_248 = arith.constant 64 : index
      %get3A_249 = tpu.vector_load %arg5[%get3A_247, %get3A_248] {strides = array<i32>} : memref<200x128xi32, #tpu.memory_space<vmem>>, vector<16xi32>,
      %shift_right_logical3A_250 = arith.constant 1 : i32
      %shift_right_logical3A_251 = vector.broadcast %shift_right_logical3A_250 : i32 to vector<16xi32>
      %shift_right_logical3A_252 = arith.shrui %get3A_249, %shift_right_logical3A_251 : vector<16xi32>
      %swap3A_253 = arith.constant 64 : index
      %swap3A_254 = tpu.vector_load %arg7[%swap3A_253] {strides = array<i32>} : memref<128xi32, #tpu.memory_space<vmem>>, vector<16xi32>,
      tpu.vector_store %arg7[%swap3A_253], %shift_right_logical3A_252 {strides = array<i32>} : memref<128xi32, #tpu.memory_space<vmem>>, vector<16xi32>,
      %and3A_255 = arith.constant 1 : i32
      %and3A_256 = vector.broadcast %and3A_255 : i32 to vector<16xi32>
      %and3A_257 = arith.andi %get3A_249, %and3A_256 : vector<16xi32>
      %mul3A_258 = arith.constant 64 : i32
      %mul3A_259 = vector.broadcast %mul3A_258 : i32 to vector<16xi32>
      %mul3A_260 = arith.muli %and3A_257, %mul3A_259 : vector<16xi32>
      %swap3A_261 = arith.constant 64 : index
      %swap3A_262 = tpu.vector_load %arg9[%swap3A_261] {strides = array<i32>} : memref<128xi32, #tpu.memory_space<vmem>>, vector<16xi32>,
      tpu.vector_store %arg9[%swap3A_261], %mul3A_260 {strides = array<i32>} : memref<128xi32, #tpu.memory_space<vmem>>, vector<16xi32>,
      %get3A_263 = arith.index_cast %min3A_182 : i32 to index
      %get3A_264 = arith.constant 80 : index
      %get3A_265 = tpu.vector_load %arg5[%get3A_263, %get3A_264] {strides = array<i32>} : memref<200x128xi32, #tpu.memory_space<vmem>>, vector<16xi32>,
      %shift_right_logical3A_266 = arith.constant 1 : i32
      %shift_right_logical3A_267 = vector.broadcast %shift_right_logical3A_266 : i32 to vector<16xi32>
      %shift_right_logical3A_268 = arith.shrui %get3A_265, %shift_right_logical3A_267 : vector<16xi32>
      %swap3A_269 = arith.constant 80 : index
      %swap3A_270 = tpu.vector_load %arg7[%swap3A_269] {strides = array<i32>} : memref<128xi32, #tpu.memory_space<vmem>>, vector<16xi32>,
      tpu.vector_store %arg7[%swap3A_269], %shift_right_logical3A_268 {strides = array<i32>} : memref<128xi32, #tpu.memory_space<vmem>>, vector<16xi32>,
      %and3A_271 = arith.constant 1 : i32
      %and3A_272 = vector.broadcast %and3A_271 : i32 to vector<16xi32>
      %and3A_273 = arith.andi %get3A_265, %and3A_272 : vector<16xi32>
      %mul3A_274 = arith.constant 64 : i32
      %mul3A_275 = vector.broadcast %mul3A_274 : i32 to vector<16xi32>
      %mul3A_276 = arith.muli %and3A_273, %mul3A_275 : vector<16xi32>
      %swap3A_277 = arith.constant 80 : index
      %swap3A_278 = tpu.vector_load %arg9[%swap3A_277] {strides = array<i32>} : memref<128xi32, #tpu.memory_space<vmem>>, vector<16xi32>,
      tpu.vector_store %arg9[%swap3A_277], %mul3A_276 {strides = array<i32>} : memref<128xi32, #tpu.memory_space<vmem>>, vector<16xi32>,
      %get3A_279 = arith.index_cast %min3A_182 : i32 to index
      %get3A_280 = arith.constant 96 : index
      %get3A_281 = tpu.vector_load %arg5[%get3A_279, %get3A_280] {strides = array<i32>} : memref<200x128xi32, #tpu.memory_space<vmem>>, vector<16xi32>,
      %shift_right_logical3A_282 = arith.constant 1 : i32
      %shift_right_logical3A_283 = vector.broadcast %shift_right_logical3A_282 : i32 to vector<16xi32>
      %shift_right_logical3A_284 = arith.shrui %get3A_281, %shift_right_logical3A_283 : vector<16xi32>
      %swap3A_285 = arith.constant 96 : index
      %swap3A_286 = tpu.vector_load %arg7[%swap3A_285] {strides = array<i32>} : memref<128xi32, #tpu.memory_space<vmem>>, vector<16xi32>,
      tpu.vector_store %arg7[%swap3A_285], %shift_right_logical3A_284 {strides = array<i32>} : memref<128xi32, #tpu.memory_space<vmem>>, vector<16xi32>,
      %and3A_287 = arith.constant 1 : i32
      %and3A_288 = vector.broadcast %and3A_287 : i32 to vector<16xi32>
      %and3A_289 = arith.andi %get3A_281, %and3A_288 : vector<16xi32>
      %mul3A_290 = arith.constant 64 : i32
      %mul3A_291 = vector.broadcast %mul3A_290 : i32 to vector<16xi32>
      %mul3A_292 = arith.muli %and3A_289, %mul3A_291 : vector<16xi32>
      %swap3A_293 = arith.constant 96 : index
      %swap3A_294 = tpu.vector_load %arg9[%swap3A_293] {strides = array<i32>} : memref<128xi32, #tpu.memory_space<vmem>>, vector<16xi32>,
      tpu.vector_store %arg9[%swap3A_293], %mul3A_292 {strides = array<i32>} : memref<128xi32, #tpu.memory_space<vmem>>, vector<16xi32>,
      %get3A_295 = arith.index_cast %min3A_182 : i32 to index
      %get3A_296 = arith.constant 112 : index
      %get3A_297 = tpu.vector_load %arg5[%get3A_295, %get3A_296] {strides = array<i32>} : memref<200x128xi32, #tpu.memory_space<vmem>>, vector<16xi32>,
      %shift_right_logical3A_298 = arith.constant 1 : i32
      %shift_right_logical3A_299 = vector.broadcast %shift_right_logical3A_298 : i32 to vector<16xi32>
      %shift_right_logical3A_300 = arith.shrui %get3A_297, %shift_right_logical3A_299 : vector<16xi32>
      %swap3A_301 = arith.constant 112 : index
      %swap3A_302 = tpu.vector_load %arg7[%swap3A_301] {strides = array<i32>} : memref<128xi32, #tpu.memory_space<vmem>>, vector<16xi32>,
      tpu.vector_store %arg7[%swap3A_301], %shift_right_logical3A_300 {strides = array<i32>} : memref<128xi32, #tpu.memory_space<vmem>>, vector<16xi32>,
      %and3A_303 = arith.constant 1 : i32
      %and3A_304 = vector.broadcast %and3A_303 : i32 to vector<16xi32>
      %and3A_305 = arith.andi %get3A_297, %and3A_304 : vector<16xi32>
      %mul3A_306 = arith.constant 64 : i32
      %mul3A_307 = vector.broadcast %mul3A_306 : i32 to vector<16xi32>
      %mul3A_308 = arith.muli %and3A_305, %mul3A_307 : vector<16xi32>
      %swap3A_309 = arith.constant 112 : index
      %swap3A_310 = tpu.vector_load %arg9[%swap3A_309] {strides = array<i32>} : memref<128xi32, #tpu.memory_space<vmem>>, vector<16xi32>,
      tpu.vector_store %arg9[%swap3A_309], %mul3A_308 {strides = array<i32>} : memref<128xi32, #tpu.memory_space<vmem>>, vector<16xi32>,
      %dma_start3A_311 = arith.constant 0 : i32
      %dma_start3A_312 = arith.constant 0 : i32
      %dma_start3A_313 = tpu.memref_slice %arg3[%dma_start3A_311, %dma_start3A_312] : memref<500000x128xf32, #tpu.memory_space<hbm>> -> memref<500000x128xf32, #tpu.memory_space<hbm>>
      tpu.enqueue_indirect_dma source(%dma_start3A_313 : memref<500000x128xf32, #tpu.memory_space<hbm>>) target(%arg11 : memref<128x128xf32, #tpu.memory_space<vmem>>) offsets(%arg7 : memref<128xi32, #tpu.memory_space<vmem>>) semaphore(%arg14 : memref<!tpu.dma_semaphore, #tpu.memory_space<semaphore_mem>>)
      %dma_wait3A_314 = arith.constant 0 : i32
      %dma_wait3A_315 = arith.constant 0 : i32
      %dma_wait3A_316 = tpu.memref_slice %arg3[%dma_wait3A_314, %dma_wait3A_315] : memref<500000x128xf32, #tpu.memory_space<hbm>> -> memref<500000x128xf32, #tpu.memory_space<hbm>>
      tpu.wait_indirect_dma semaphore(%arg14 : memref<!tpu.dma_semaphore, #tpu.memory_space<semaphore_mem>>) src(%dma_wait3A_316 : memref<500000x128xf32, #tpu.memory_space<hbm>>) dst(%arg10 : memref<128x128xf32, #tpu.memory_space<vmem>>)
      %ge3A = arith.constant 1 : i32
      %ge3A_317 = arith.cmpi sge, %scan3A_176, %ge3A : i32
      %convert_element_type3A = arith.extui %ge3A_317 : i1 to i32
      %cond3A = arith.constant 0 : i32
      %cond3A_318 = arith.cmpi ne, %convert_element_type3A, %cond3A : i32
      scf.if %cond3A_318 {
        %dma_wait3A_515 = arith.constant 0 : i32
        %dma_wait3A_516 = arith.constant 0 : i32
        %dma_wait3A_517 = tpu.memref_slice %arg4[%dma_wait3A_515, %dma_wait3A_516, %mul3A_2] : memref<200x64x4096xf32, #tpu.memory_space<hbm>> -> memref<1x64x128xf32, #tpu.memory_space<hbm>>
        %dma_wait3A_518 = tpu.memref_squeeze %dma_wait3A_517 : memref<1x64x128xf32, #tpu.memory_space<hbm>> -> memref<64x128xf32, #tpu.memory_space<hbm>>
        %dma_wait3A_519 = arith.constant 0 : i32
        %dma_wait3A_520 = tpu.memref_slice %arg4[%dma_wait3A_515, %dma_wait3A_519, %mul3A_2] : memref<200x64x4096xf32, #tpu.memory_space<hbm>> -> memref<1x64x128xf32, #tpu.memory_space<hbm>>
        %dma_wait3A_521 = tpu.memref_squeeze %dma_wait3A_520 : memref<1x64x128xf32, #tpu.memory_space<hbm>> -> memref<64x128xf32, #tpu.memory_space<hbm>>
        tpu.wait_dma2 semaphore(%arg15 : memref<!tpu.dma_semaphore, #tpu.memory_space<semaphore_mem>>) src(%arg12 : memref<64x128xf32, #tpu.memory_space<vmem>>) dst(%dma_wait3A_521 : memref<64x128xf32, #tpu.memory_space<hbm>>)
      } else {
      }
      %get3A_319 = arith.constant 0 : index
      %get3A_320 = tpu.vector_load %arg8[%get3A_319] {strides = array<i32>} : memref<128xi32, #tpu.memory_space<vmem>>, vector<16xi32>,
      %get3A_321 = arith.constant 16 : index
      %get3A_322 = tpu.vector_load %arg8[%get3A_321] {strides = array<i32>} : memref<128xi32, #tpu.memory_space<vmem>>, vector<16xi32>,
      %get3A_323 = arith.constant 32 : index
      %get3A_324 = tpu.vector_load %arg8[%get3A_323] {strides = array<i32>} : memref<128xi32, #tpu.memory_space<vmem>>, vector<16xi32>,
      %get3A_325 = arith.constant 48 : index
      %get3A_326 = tpu.vector_load %arg8[%get3A_325] {strides = array<i32>} : memref<128xi32, #tpu.memory_space<vmem>>, vector<16xi32>,
      %get3A_327 = arith.constant 64 : index
      %get3A_328 = tpu.vector_load %arg8[%get3A_327] {strides = array<i32>} : memref<128xi32, #tpu.memory_space<vmem>>, vector<16xi32>,
      %get3A_329 = arith.constant 80 : index
      %get3A_330 = tpu.vector_load %arg8[%get3A_329] {strides = array<i32>} : memref<128xi32, #tpu.memory_space<vmem>>, vector<16xi32>,
      %get3A_331 = arith.constant 96 : index
      %get3A_332 = tpu.vector_load %arg8[%get3A_331] {strides = array<i32>} : memref<128xi32, #tpu.memory_space<vmem>>, vector<16xi32>,
      %get3A_333 = arith.constant 112 : index
      %get3A_334 = tpu.vector_load %arg8[%get3A_333] {strides = array<i32>} : memref<128xi32, #tpu.memory_space<vmem>>, vector<16xi32>,
      %parallel_loop3A = arith.constant 0 : i32
      %parallel_loop3A_335 = arith.constant 64 : i32
      %parallel_loop3A_336 = arith.constant 1 : i32
      scf.for %parallel_loop3A_515 = %parallel_loop3A to %parallel_loop3A_335 step %parallel_loop3A_336  : i32 {
        %parallel_loop3A_516 = vector.broadcast %parallel_loop3A_515 : i32 to vector<16xi32>
        %parallel_loop3A_517 = arith.addi %get3A_320, %parallel_loop3A_516 : vector<16xi32>
        %parallel_loop3A_518 = tpu.vector_load_idx %arg10[%add3A_5, %parallel_loop3A_517] : memref<128x128xf32, #tpu.memory_space<vmem>>[vector<16xi32>, vector<16xi32>], vector<16xf32>,
        %parallel_loop3A_519 = arith.index_cast %parallel_loop3A_515 : i32 to index
        %parallel_loop3A_520 = arith.constant 0 : index
        %parallel_loop3A_521 = tpu.vector_load %arg12[%parallel_loop3A_519, %parallel_loop3A_520] {strides = array<i32>} : memref<64x128xf32, #tpu.memory_space<vmem>>, vector<16xf32>,
        tpu.vector_store %arg12[%parallel_loop3A_519, %parallel_loop3A_520], %parallel_loop3A_518 {strides = array<i32>} : memref<64x128xf32, #tpu.memory_space<vmem>>, vector<16xf32>,
        %parallel_loop3A_522 = vector.broadcast %parallel_loop3A_515 : i32 to vector<16xi32>
        %parallel_loop3A_523 = arith.addi %get3A_322, %parallel_loop3A_522 : vector<16xi32>
        %parallel_loop3A_524 = tpu.vector_load_idx %arg10[%add3A_8, %parallel_loop3A_523] : memref<128x128xf32, #tpu.memory_space<vmem>>[vector<16xi32>, vector<16xi32>], vector<16xf32>,
        %parallel_loop3A_525 = arith.index_cast %parallel_loop3A_515 : i32 to index
        %parallel_loop3A_526 = arith.constant 16 : index
        %parallel_loop3A_527 = tpu.vector_load %arg12[%parallel_loop3A_525, %parallel_loop3A_526] {strides = array<i32>} : memref<64x128xf32, #tpu.memory_space<vmem>>, vector<16xf32>,
        tpu.vector_store %arg12[%parallel_loop3A_525, %parallel_loop3A_526], %parallel_loop3A_524 {strides = array<i32>} : memref<64x128xf32, #tpu.memory_space<vmem>>, vector<16xf32>,
        %parallel_loop3A_528 = vector.broadcast %parallel_loop3A_515 : i32 to vector<16xi32>
        %parallel_loop3A_529 = arith.addi %get3A_324, %parallel_loop3A_528 : vector<16xi32>
        %parallel_loop3A_530 = tpu.vector_load_idx %arg10[%add3A_11, %parallel_loop3A_529] : memref<128x128xf32, #tpu.memory_space<vmem>>[vector<16xi32>, vector<16xi32>], vector<16xf32>,
        %parallel_loop3A_531 = arith.index_cast %parallel_loop3A_515 : i32 to index
        %parallel_loop3A_532 = arith.constant 32 : index
        %parallel_loop3A_533 = tpu.vector_load %arg12[%parallel_loop3A_531, %parallel_loop3A_532] {strides = array<i32>} : memref<64x128xf32, #tpu.memory_space<vmem>>, vector<16xf32>,
        tpu.vector_store %arg12[%parallel_loop3A_531, %parallel_loop3A_532], %parallel_loop3A_530 {strides = array<i32>} : memref<64x128xf32, #tpu.memory_space<vmem>>, vector<16xf32>,
        %parallel_loop3A_534 = vector.broadcast %parallel_loop3A_515 : i32 to vector<16xi32>
        %parallel_loop3A_535 = arith.addi %get3A_326, %parallel_loop3A_534 : vector<16xi32>
        %parallel_loop3A_536 = tpu.vector_load_idx %arg10[%add3A_14, %parallel_loop3A_535] : memref<128x128xf32, #tpu.memory_space<vmem>>[vector<16xi32>, vector<16xi32>], vector<16xf32>,
        %parallel_loop3A_537 = arith.index_cast %parallel_loop3A_515 : i32 to index
        %parallel_loop3A_538 = arith.constant 48 : index
        %parallel_loop3A_539 = tpu.vector_load %arg12[%parallel_loop3A_537, %parallel_loop3A_538] {strides = array<i32>} : memref<64x128xf32, #tpu.memory_space<vmem>>, vector<16xf32>,
        tpu.vector_store %arg12[%parallel_loop3A_537, %parallel_loop3A_538], %parallel_loop3A_536 {strides = array<i32>} : memref<64x128xf32, #tpu.memory_space<vmem>>, vector<16xf32>,
        %parallel_loop3A_540 = vector.broadcast %parallel_loop3A_515 : i32 to vector<16xi32>
        %parallel_loop3A_541 = arith.addi %get3A_328, %parallel_loop3A_540 : vector<16xi32>
        %parallel_loop3A_542 = tpu.vector_load_idx %arg10[%add3A_17, %parallel_loop3A_541] : memref<128x128xf32, #tpu.memory_space<vmem>>[vector<16xi32>, vector<16xi32>], vector<16xf32>,
        %parallel_loop3A_543 = arith.index_cast %parallel_loop3A_515 : i32 to index
        %parallel_loop3A_544 = arith.constant 64 : index
        %parallel_loop3A_545 = tpu.vector_load %arg12[%parallel_loop3A_543, %parallel_loop3A_544] {strides = array<i32>} : memref<64x128xf32, #tpu.memory_space<vmem>>, vector<16xf32>,
        tpu.vector_store %arg12[%parallel_loop3A_543, %parallel_loop3A_544], %parallel_loop3A_542 {strides = array<i32>} : memref<64x128xf32, #tpu.memory_space<vmem>>, vector<16xf32>,
        %parallel_loop3A_546 = vector.broadcast %parallel_loop3A_515 : i32 to vector<16xi32>
        %parallel_loop3A_547 = arith.addi %get3A_330, %parallel_loop3A_546 : vector<16xi32>
        %parallel_loop3A_548 = tpu.vector_load_idx %arg10[%add3A_20, %parallel_loop3A_547] : memref<128x128xf32, #tpu.memory_space<vmem>>[vector<16xi32>, vector<16xi32>], vector<16xf32>,
        %parallel_loop3A_549 = arith.index_cast %parallel_loop3A_515 : i32 to index
        %parallel_loop3A_550 = arith.constant 80 : index
        %parallel_loop3A_551 = tpu.vector_load %arg12[%parallel_loop3A_549, %parallel_loop3A_550] {strides = array<i32>} : memref<64x128xf32, #tpu.memory_space<vmem>>, vector<16xf32>,
        tpu.vector_store %arg12[%parallel_loop3A_549, %parallel_loop3A_550], %parallel_loop3A_548 {strides = array<i32>} : memref<64x128xf32, #tpu.memory_space<vmem>>, vector<16xf32>,
        %parallel_loop3A_552 = vector.broadcast %parallel_loop3A_515 : i32 to vector<16xi32>
        %parallel_loop3A_553 = arith.addi %get3A_332, %parallel_loop3A_552 : vector<16xi32>
        %parallel_loop3A_554 = tpu.vector_load_idx %arg10[%add3A_23, %parallel_loop3A_553] : memref<128x128xf32, #tpu.memory_space<vmem>>[vector<16xi32>, vector<16xi32>], vector<16xf32>,
        %parallel_loop3A_555 = arith.index_cast %parallel_loop3A_515 : i32 to index
        %parallel_loop3A_556 = arith.constant 96 : index
        %parallel_loop3A_557 = tpu.vector_load %arg12[%parallel_loop3A_555, %parallel_loop3A_556] {strides = array<i32>} : memref<64x128xf32, #tpu.memory_space<vmem>>, vector<16xf32>,
        tpu.vector_store %arg12[%parallel_loop3A_555, %parallel_loop3A_556], %parallel_loop3A_554 {strides = array<i32>} : memref<64x128xf32, #tpu.memory_space<vmem>>, vector<16xf32>,
        %parallel_loop3A_558 = vector.broadcast %parallel_loop3A_515 : i32 to vector<16xi32>
        %parallel_loop3A_559 = arith.addi %get3A_334, %parallel_loop3A_558 : vector<16xi32>
        %parallel_loop3A_560 = tpu.vector_load_idx %arg10[%add3A_26, %parallel_loop3A_559] : memref<128x128xf32, #tpu.memory_space<vmem>>[vector<16xi32>, vector<16xi32>], vector<16xf32>,
        %parallel_loop3A_561 = arith.index_cast %parallel_loop3A_515 : i32 to index
        %parallel_loop3A_562 = arith.constant 112 : index
        %parallel_loop3A_563 = tpu.vector_load %arg12[%parallel_loop3A_561, %parallel_loop3A_562] {strides = array<i32>} : memref<64x128xf32, #tpu.memory_space<vmem>>, vector<16xf32>,
        tpu.vector_store %arg12[%parallel_loop3A_561, %parallel_loop3A_562], %parallel_loop3A_560 {strides = array<i32>} : memref<64x128xf32, #tpu.memory_space<vmem>>, vector<16xf32>,
      } {sc.loop_unroll_factor = 16 : i64, sc.parallel_access}
      %dma_start3A_337 = arith.constant 0 : i32
      %dma_start3A_338 = tpu.memref_slice %arg4[%mul3A_178, %dma_start3A_337, %mul3A_2] : memref<200x64x4096xf32, #tpu.memory_space<hbm>> -> memref<1x64x128xf32, #tpu.memory_space<hbm>>
      %dma_start3A_339 = tpu.memref_squeeze %dma_start3A_338 : memref<1x64x128xf32, #tpu.memory_space<hbm>> -> memref<64x128xf32, #tpu.memory_space<hbm>>
      %dma_start3A_340 = arith.constant 0 : i32
      %dma_start3A_341 = tpu.memref_slice %arg4[%mul3A_178, %dma_start3A_340, %mul3A_2] : memref<200x64x4096xf32, #tpu.memory_space<hbm>> -> memref<1x64x128xf32, #tpu.memory_space<hbm>>
      %dma_start3A_342 = tpu.memref_squeeze %dma_start3A_341 : memref<1x64x128xf32, #tpu.memory_space<hbm>> -> memref<64x128xf32, #tpu.memory_space<hbm>>
      tpu.enqueue_dma source(%arg12 : memref<64x128xf32, #tpu.memory_space<vmem>>) target(%dma_start3A_342 : memref<64x128xf32, #tpu.memory_space<hbm>>) target_semaphore(%arg15 : memref<!tpu.dma_semaphore, #tpu.memory_space<semaphore_mem>>)
      %mul3A_343 = arith.constant 2 : i32
      %mul3A_344 = arith.muli %mul3A_343, %scan3A_176 : i32
      %add3A_345 = arith.constant 1 : i32
      %add3A_346 = arith.addi %mul3A_344, %add3A_345 : i32
      %add3A_347 = arith.constant 1 : i32
      %add3A_348 = arith.addi %add3A_346, %add3A_347 : i32
      %min3A_349 = arith.constant 199 : i32
      %min3A_350 = arith.minsi %add3A_348, %min3A_349 : i32
      %get3A_351 = arith.index_cast %min3A_350 : i32 to index
      %get3A_352 = arith.constant 0 : index
      %get3A_353 = tpu.vector_load %arg5[%get3A_351, %get3A_352] {strides = array<i32>} : memref<200x128xi32, #tpu.memory_space<vmem>>, vector<16xi32>,
      %shift_right_logical3A_354 = arith.constant 1 : i32
      %shift_right_logical3A_355 = vector.broadcast %shift_right_logical3A_354 : i32 to vector<16xi32>
      %shift_right_logical3A_356 = arith.shrui %get3A_353, %shift_right_logical3A_355 : vector<16xi32>
      %swap3A_357 = arith.constant 0 : index
      %swap3A_358 = tpu.vector_load %arg6[%swap3A_357] {strides = array<i32>} : memref<128xi32, #tpu.memory_space<vmem>>, vector<16xi32>,
      tpu.vector_store %arg6[%swap3A_357], %shift_right_logical3A_356 {strides = array<i32>} : memref<128xi32, #tpu.memory_space<vmem>>, vector<16xi32>,
      %and3A_359 = arith.constant 1 : i32
      %and3A_360 = vector.broadcast %and3A_359 : i32 to vector<16xi32>
      %and3A_361 = arith.andi %get3A_353, %and3A_360 : vector<16xi32>
      %mul3A_362 = arith.constant 64 : i32
      %mul3A_363 = vector.broadcast %mul3A_362 : i32 to vector<16xi32>
      %mul3A_364 = arith.muli %and3A_361, %mul3A_363 : vector<16xi32>
      %swap3A_365 = arith.constant 0 : index
      %swap3A_366 = tpu.vector_load %arg8[%swap3A_365] {strides = array<i32>} : memref<128xi32, #tpu.memory_space<vmem>>, vector<16xi32>,
      tpu.vector_store %arg8[%swap3A_365], %mul3A_364 {strides = array<i32>} : memref<128xi32, #tpu.memory_space<vmem>>, vector<16xi32>,
      %get3A_367 = arith.index_cast %min3A_350 : i32 to index
      %get3A_368 = arith.constant 16 : index
      %get3A_369 = tpu.vector_load %arg5[%get3A_367, %get3A_368] {strides = array<i32>} : memref<200x128xi32, #tpu.memory_space<vmem>>, vector<16xi32>,
      %shift_right_logical3A_370 = arith.constant 1 : i32
      %shift_right_logical3A_371 = vector.broadcast %shift_right_logical3A_370 : i32 to vector<16xi32>
      %shift_right_logical3A_372 = arith.shrui %get3A_369, %shift_right_logical3A_371 : vector<16xi32>
      %swap3A_373 = arith.constant 16 : index
      %swap3A_374 = tpu.vector_load %arg6[%swap3A_373] {strides = array<i32>} : memref<128xi32, #tpu.memory_space<vmem>>, vector<16xi32>,
      tpu.vector_store %arg6[%swap3A_373], %shift_right_logical3A_372 {strides = array<i32>} : memref<128xi32, #tpu.memory_space<vmem>>, vector<16xi32>,
      %and3A_375 = arith.constant 1 : i32
      %and3A_376 = vector.broadcast %and3A_375 : i32 to vector<16xi32>
      %and3A_377 = arith.andi %get3A_369, %and3A_376 : vector<16xi32>
      %mul3A_378 = arith.constant 64 : i32
      %mul3A_379 = vector.broadcast %mul3A_378 : i32 to vector<16xi32>
      %mul3A_380 = arith.muli %and3A_377, %mul3A_379 : vector<16xi32>
      %swap3A_381 = arith.constant 16 : index
      %swap3A_382 = tpu.vector_load %arg8[%swap3A_381] {strides = array<i32>} : memref<128xi32, #tpu.memory_space<vmem>>, vector<16xi32>,
      tpu.vector_store %arg8[%swap3A_381], %mul3A_380 {strides = array<i32>} : memref<128xi32, #tpu.memory_space<vmem>>, vector<16xi32>,
      %get3A_383 = arith.index_cast %min3A_350 : i32 to index
      %get3A_384 = arith.constant 32 : index
      %get3A_385 = tpu.vector_load %arg5[%get3A_383, %get3A_384] {strides = array<i32>} : memref<200x128xi32, #tpu.memory_space<vmem>>, vector<16xi32>,
      %shift_right_logical3A_386 = arith.constant 1 : i32
      %shift_right_logical3A_387 = vector.broadcast %shift_right_logical3A_386 : i32 to vector<16xi32>
      %shift_right_logical3A_388 = arith.shrui %get3A_385, %shift_right_logical3A_387 : vector<16xi32>
      %swap3A_389 = arith.constant 32 : index
      %swap3A_390 = tpu.vector_load %arg6[%swap3A_389] {strides = array<i32>} : memref<128xi32, #tpu.memory_space<vmem>>, vector<16xi32>,
      tpu.vector_store %arg6[%swap3A_389], %shift_right_logical3A_388 {strides = array<i32>} : memref<128xi32, #tpu.memory_space<vmem>>, vector<16xi32>,
      %and3A_391 = arith.constant 1 : i32
      %and3A_392 = vector.broadcast %and3A_391 : i32 to vector<16xi32>
      %and3A_393 = arith.andi %get3A_385, %and3A_392 : vector<16xi32>
      %mul3A_394 = arith.constant 64 : i32
      %mul3A_395 = vector.broadcast %mul3A_394 : i32 to vector<16xi32>
      %mul3A_396 = arith.muli %and3A_393, %mul3A_395 : vector<16xi32>
      %swap3A_397 = arith.constant 32 : index
      %swap3A_398 = tpu.vector_load %arg8[%swap3A_397] {strides = array<i32>} : memref<128xi32, #tpu.memory_space<vmem>>, vector<16xi32>,
      tpu.vector_store %arg8[%swap3A_397], %mul3A_396 {strides = array<i32>} : memref<128xi32, #tpu.memory_space<vmem>>, vector<16xi32>,
      %get3A_399 = arith.index_cast %min3A_350 : i32 to index
      %get3A_400 = arith.constant 48 : index
      %get3A_401 = tpu.vector_load %arg5[%get3A_399, %get3A_400] {strides = array<i32>} : memref<200x128xi32, #tpu.memory_space<vmem>>, vector<16xi32>,
      %shift_right_logical3A_402 = arith.constant 1 : i32
      %shift_right_logical3A_403 = vector.broadcast %shift_right_logical3A_402 : i32 to vector<16xi32>
      %shift_right_logical3A_404 = arith.shrui %get3A_401, %shift_right_logical3A_403 : vector<16xi32>
      %swap3A_405 = arith.constant 48 : index
      %swap3A_406 = tpu.vector_load %arg6[%swap3A_405] {strides = array<i32>} : memref<128xi32, #tpu.memory_space<vmem>>, vector<16xi32>,
      tpu.vector_store %arg6[%swap3A_405], %shift_right_logical3A_404 {strides = array<i32>} : memref<128xi32, #tpu.memory_space<vmem>>, vector<16xi32>,
      %and3A_407 = arith.constant 1 : i32
      %and3A_408 = vector.broadcast %and3A_407 : i32 to vector<16xi32>
      %and3A_409 = arith.andi %get3A_401, %and3A_408 : vector<16xi32>
      %mul3A_410 = arith.constant 64 : i32
      %mul3A_411 = vector.broadcast %mul3A_410 : i32 to vector<16xi32>
      %mul3A_412 = arith.muli %and3A_409, %mul3A_411 : vector<16xi32>
      %swap3A_413 = arith.constant 48 : index
      %swap3A_414 = tpu.vector_load %arg8[%swap3A_413] {strides = array<i32>} : memref<128xi32, #tpu.memory_space<vmem>>, vector<16xi32>,
      tpu.vector_store %arg8[%swap3A_413], %mul3A_412 {strides = array<i32>} : memref<128xi32, #tpu.memory_space<vmem>>, vector<16xi32>,
      %get3A_415 = arith.index_cast %min3A_350 : i32 to index
      %get3A_416 = arith.constant 64 : index
      %get3A_417 = tpu.vector_load %arg5[%get3A_415, %get3A_416] {strides = array<i32>} : memref<200x128xi32, #tpu.memory_space<vmem>>, vector<16xi32>,
      %shift_right_logical3A_418 = arith.constant 1 : i32
      %shift_right_logical3A_419 = vector.broadcast %shift_right_logical3A_418 : i32 to vector<16xi32>
      %shift_right_logical3A_420 = arith.shrui %get3A_417, %shift_right_logical3A_419 : vector<16xi32>
      %swap3A_421 = arith.constant 64 : index
      %swap3A_422 = tpu.vector_load %arg6[%swap3A_421] {strides = array<i32>} : memref<128xi32, #tpu.memory_space<vmem>>, vector<16xi32>,
      tpu.vector_store %arg6[%swap3A_421], %shift_right_logical3A_420 {strides = array<i32>} : memref<128xi32, #tpu.memory_space<vmem>>, vector<16xi32>,
      %and3A_423 = arith.constant 1 : i32
      %and3A_424 = vector.broadcast %and3A_423 : i32 to vector<16xi32>
      %and3A_425 = arith.andi %get3A_417, %and3A_424 : vector<16xi32>
      %mul3A_426 = arith.constant 64 : i32
      %mul3A_427 = vector.broadcast %mul3A_426 : i32 to vector<16xi32>
      %mul3A_428 = arith.muli %and3A_425, %mul3A_427 : vector<16xi32>
      %swap3A_429 = arith.constant 64 : index
      %swap3A_430 = tpu.vector_load %arg8[%swap3A_429] {strides = array<i32>} : memref<128xi32, #tpu.memory_space<vmem>>, vector<16xi32>,
      tpu.vector_store %arg8[%swap3A_429], %mul3A_428 {strides = array<i32>} : memref<128xi32, #tpu.memory_space<vmem>>, vector<16xi32>,
      %get3A_431 = arith.index_cast %min3A_350 : i32 to index
      %get3A_432 = arith.constant 80 : index
      %get3A_433 = tpu.vector_load %arg5[%get3A_431, %get3A_432] {strides = array<i32>} : memref<200x128xi32, #tpu.memory_space<vmem>>, vector<16xi32>,
      %shift_right_logical3A_434 = arith.constant 1 : i32
      %shift_right_logical3A_435 = vector.broadcast %shift_right_logical3A_434 : i32 to vector<16xi32>
      %shift_right_logical3A_436 = arith.shrui %get3A_433, %shift_right_logical3A_435 : vector<16xi32>
      %swap3A_437 = arith.constant 80 : index
      %swap3A_438 = tpu.vector_load %arg6[%swap3A_437] {strides = array<i32>} : memref<128xi32, #tpu.memory_space<vmem>>, vector<16xi32>,
      tpu.vector_store %arg6[%swap3A_437], %shift_right_logical3A_436 {strides = array<i32>} : memref<128xi32, #tpu.memory_space<vmem>>, vector<16xi32>,
      %and3A_439 = arith.constant 1 : i32
      %and3A_440 = vector.broadcast %and3A_439 : i32 to vector<16xi32>
      %and3A_441 = arith.andi %get3A_433, %and3A_440 : vector<16xi32>
      %mul3A_442 = arith.constant 64 : i32
      %mul3A_443 = vector.broadcast %mul3A_442 : i32 to vector<16xi32>
      %mul3A_444 = arith.muli %and3A_441, %mul3A_443 : vector<16xi32>
      %swap3A_445 = arith.constant 80 : index
      %swap3A_446 = tpu.vector_load %arg8[%swap3A_445] {strides = array<i32>} : memref<128xi32, #tpu.memory_space<vmem>>, vector<16xi32>,
      tpu.vector_store %arg8[%swap3A_445], %mul3A_444 {strides = array<i32>} : memref<128xi32, #tpu.memory_space<vmem>>, vector<16xi32>,
      %get3A_447 = arith.index_cast %min3A_350 : i32 to index
      %get3A_448 = arith.constant 96 : index
      %get3A_449 = tpu.vector_load %arg5[%get3A_447, %get3A_448] {strides = array<i32>} : memref<200x128xi32, #tpu.memory_space<vmem>>, vector<16xi32>,
      %shift_right_logical3A_450 = arith.constant 1 : i32
      %shift_right_logical3A_451 = vector.broadcast %shift_right_logical3A_450 : i32 to vector<16xi32>
      %shift_right_logical3A_452 = arith.shrui %get3A_449, %shift_right_logical3A_451 : vector<16xi32>
      %swap3A_453 = arith.constant 96 : index
      %swap3A_454 = tpu.vector_load %arg6[%swap3A_453] {strides = array<i32>} : memref<128xi32, #tpu.memory_space<vmem>>, vector<16xi32>,
      tpu.vector_store %arg6[%swap3A_453], %shift_right_logical3A_452 {strides = array<i32>} : memref<128xi32, #tpu.memory_space<vmem>>, vector<16xi32>,
      %and3A_455 = arith.constant 1 : i32
      %and3A_456 = vector.broadcast %and3A_455 : i32 to vector<16xi32>
      %and3A_457 = arith.andi %get3A_449, %and3A_456 : vector<16xi32>
      %mul3A_458 = arith.constant 64 : i32
      %mul3A_459 = vector.broadcast %mul3A_458 : i32 to vector<16xi32>
      %mul3A_460 = arith.muli %and3A_457, %mul3A_459 : vector<16xi32>
      %swap3A_461 = arith.constant 96 : index
      %swap3A_462 = tpu.vector_load %arg8[%swap3A_461] {strides = array<i32>} : memref<128xi32, #tpu.memory_space<vmem>>, vector<16xi32>,
      tpu.vector_store %arg8[%swap3A_461], %mul3A_460 {strides = array<i32>} : memref<128xi32, #tpu.memory_space<vmem>>, vector<16xi32>,
      %get3A_463 = arith.index_cast %min3A_350 : i32 to index
      %get3A_464 = arith.constant 112 : index
      %get3A_465 = tpu.vector_load %arg5[%get3A_463, %get3A_464] {strides = array<i32>} : memref<200x128xi32, #tpu.memory_space<vmem>>, vector<16xi32>,
      %shift_right_logical3A_466 = arith.constant 1 : i32
      %shift_right_logical3A_467 = vector.broadcast %shift_right_logical3A_466 : i32 to vector<16xi32>
      %shift_right_logical3A_468 = arith.shrui %get3A_465, %shift_right_logical3A_467 : vector<16xi32>
      %swap3A_469 = arith.constant 112 : index
      %swap3A_470 = tpu.vector_load %arg6[%swap3A_469] {strides = array<i32>} : memref<128xi32, #tpu.memory_space<vmem>>, vector<16xi32>,
      tpu.vector_store %arg6[%swap3A_469], %shift_right_logical3A_468 {strides = array<i32>} : memref<128xi32, #tpu.memory_space<vmem>>, vector<16xi32>,
      %and3A_471 = arith.constant 1 : i32
      %and3A_472 = vector.broadcast %and3A_471 : i32 to vector<16xi32>
      %and3A_473 = arith.andi %get3A_465, %and3A_472 : vector<16xi32>
      %mul3A_474 = arith.constant 64 : i32
      %mul3A_475 = vector.broadcast %mul3A_474 : i32 to vector<16xi32>
      %mul3A_476 = arith.muli %and3A_473, %mul3A_475 : vector<16xi32>
      %swap3A_477 = arith.constant 112 : index
      %swap3A_478 = tpu.vector_load %arg8[%swap3A_477] {strides = array<i32>} : memref<128xi32, #tpu.memory_space<vmem>>, vector<16xi32>,
      tpu.vector_store %arg8[%swap3A_477], %mul3A_476 {strides = array<i32>} : memref<128xi32, #tpu.memory_space<vmem>>, vector<16xi32>,
      %dma_start3A_479 = arith.constant 0 : i32
      %dma_start3A_480 = arith.constant 0 : i32
      %dma_start3A_481 = tpu.memref_slice %arg3[%dma_start3A_479, %dma_start3A_480] : memref<500000x128xf32, #tpu.memory_space<hbm>> -> memref<500000x128xf32, #tpu.memory_space<hbm>>
      tpu.enqueue_indirect_dma source(%dma_start3A_481 : memref<500000x128xf32, #tpu.memory_space<hbm>>) target(%arg10 : memref<128x128xf32, #tpu.memory_space<vmem>>) offsets(%arg6 : memref<128xi32, #tpu.memory_space<vmem>>) semaphore(%arg14 : memref<!tpu.dma_semaphore, #tpu.memory_space<semaphore_mem>>)
      %dma_wait3A_482 = arith.constant 0 : i32
      %dma_wait3A_483 = arith.constant 0 : i32
      %dma_wait3A_484 = tpu.memref_slice %arg3[%dma_wait3A_482, %dma_wait3A_483] : memref<500000x128xf32, #tpu.memory_space<hbm>> -> memref<500000x128xf32, #tpu.memory_space<hbm>>
      tpu.wait_indirect_dma semaphore(%arg14 : memref<!tpu.dma_semaphore, #tpu.memory_space<semaphore_mem>>) src(%dma_wait3A_484 : memref<500000x128xf32, #tpu.memory_space<hbm>>) dst(%arg11 : memref<128x128xf32, #tpu.memory_space<vmem>>)
      %ge3A_485 = arith.constant 1 : i32
      %ge3A_486 = arith.cmpi sge, %scan3A_176, %ge3A_485 : i32
      %convert_element_type3A_487 = arith.extui %ge3A_486 : i1 to i32
      %cond3A_488 = arith.constant 0 : i32
      %cond3A_489 = arith.cmpi ne, %convert_element_type3A_487, %cond3A_488 : i32
      scf.if %cond3A_489 {
        %dma_wait3A_515 = arith.constant 0 : i32
        %dma_wait3A_516 = arith.constant 0 : i32
        %dma_wait3A_517 = tpu.memref_slice %arg4[%dma_wait3A_515, %dma_wait3A_516, %mul3A_2] : memref<200x64x4096xf32, #tpu.memory_space<hbm>> -> memref<1x64x128xf32, #tpu.memory_space<hbm>>
        %dma_wait3A_518 = tpu.memref_squeeze %dma_wait3A_517 : memref<1x64x128xf32, #tpu.memory_space<hbm>> -> memref<64x128xf32, #tpu.memory_space<hbm>>
        %dma_wait3A_519 = arith.constant 0 : i32
        %dma_wait3A_520 = tpu.memref_slice %arg4[%dma_wait3A_515, %dma_wait3A_519, %mul3A_2] : memref<200x64x4096xf32, #tpu.memory_space<hbm>> -> memref<1x64x128xf32, #tpu.memory_space<hbm>>
        %dma_wait3A_521 = tpu.memref_squeeze %dma_wait3A_520 : memref<1x64x128xf32, #tpu.memory_space<hbm>> -> memref<64x128xf32, #tpu.memory_space<hbm>>
        tpu.wait_dma2 semaphore(%arg15 : memref<!tpu.dma_semaphore, #tpu.memory_space<semaphore_mem>>) src(%arg13 : memref<64x128xf32, #tpu.memory_space<vmem>>) dst(%dma_wait3A_521 : memref<64x128xf32, #tpu.memory_space<hbm>>)
      } else {
      }
      %get3A_490 = arith.constant 0 : index
      %get3A_491 = tpu.vector_load %arg9[%get3A_490] {strides = array<i32>} : memref<128xi32, #tpu.memory_space<vmem>>, vector<16xi32>,
      %get3A_492 = arith.constant 16 : index
      %get3A_493 = tpu.vector_load %arg9[%get3A_492] {strides = array<i32>} : memref<128xi32, #tpu.memory_space<vmem>>, vector<16xi32>,
      %get3A_494 = arith.constant 32 : index
      %get3A_495 = tpu.vector_load %arg9[%get3A_494] {strides = array<i32>} : memref<128xi32, #tpu.memory_space<vmem>>, vector<16xi32>,
      %get3A_496 = arith.constant 48 : index
      %get3A_497 = tpu.vector_load %arg9[%get3A_496] {strides = array<i32>} : memref<128xi32, #tpu.memory_space<vmem>>, vector<16xi32>,
      %get3A_498 = arith.constant 64 : index
      %get3A_499 = tpu.vector_load %arg9[%get3A_498] {strides = array<i32>} : memref<128xi32, #tpu.memory_space<vmem>>, vector<16xi32>,
      %get3A_500 = arith.constant 80 : index
      %get3A_501 = tpu.vector_load %arg9[%get3A_500] {strides = array<i32>} : memref<128xi32, #tpu.memory_space<vmem>>, vector<16xi32>,
      %get3A_502 = arith.constant 96 : index
      %get3A_503 = tpu.vector_load %arg9[%get3A_502] {strides = array<i32>} : memref<128xi32, #tpu.memory_space<vmem>>, vector<16xi32>,
      %get3A_504 = arith.constant 112 : index
      %get3A_505 = tpu.vector_load %arg9[%get3A_504] {strides = array<i32>} : memref<128xi32, #tpu.memory_space<vmem>>, vector<16xi32>,
      %parallel_loop3A_506 = arith.constant 0 : i32
      %parallel_loop3A_507 = arith.constant 64 : i32
      %parallel_loop3A_508 = arith.constant 1 : i32
      scf.for %parallel_loop3A_515 = %parallel_loop3A_506 to %parallel_loop3A_507 step %parallel_loop3A_508  : i32 {
        %parallel_loop3A_516 = vector.broadcast %parallel_loop3A_515 : i32 to vector<16xi32>
        %parallel_loop3A_517 = arith.addi %get3A_491, %parallel_loop3A_516 : vector<16xi32>
        %parallel_loop3A_518 = tpu.vector_load_idx %arg11[%add3A_5, %parallel_loop3A_517] : memref<128x128xf32, #tpu.memory_space<vmem>>[vector<16xi32>, vector<16xi32>], vector<16xf32>,
        %parallel_loop3A_519 = arith.index_cast %parallel_loop3A_515 : i32 to index
        %parallel_loop3A_520 = arith.constant 0 : index
        %parallel_loop3A_521 = tpu.vector_load %arg13[%parallel_loop3A_519, %parallel_loop3A_520] {strides = array<i32>} : memref<64x128xf32, #tpu.memory_space<vmem>>, vector<16xf32>,
        tpu.vector_store %arg13[%parallel_loop3A_519, %parallel_loop3A_520], %parallel_loop3A_518 {strides = array<i32>} : memref<64x128xf32, #tpu.memory_space<vmem>>, vector<16xf32>,
        %parallel_loop3A_522 = vector.broadcast %parallel_loop3A_515 : i32 to vector<16xi32>
        %parallel_loop3A_523 = arith.addi %get3A_493, %parallel_loop3A_522 : vector<16xi32>
        %parallel_loop3A_524 = tpu.vector_load_idx %arg11[%add3A_8, %parallel_loop3A_523] : memref<128x128xf32, #tpu.memory_space<vmem>>[vector<16xi32>, vector<16xi32>], vector<16xf32>,
        %parallel_loop3A_525 = arith.index_cast %parallel_loop3A_515 : i32 to index
        %parallel_loop3A_526 = arith.constant 16 : index
        %parallel_loop3A_527 = tpu.vector_load %arg13[%parallel_loop3A_525, %parallel_loop3A_526] {strides = array<i32>} : memref<64x128xf32, #tpu.memory_space<vmem>>, vector<16xf32>,
        tpu.vector_store %arg13[%parallel_loop3A_525, %parallel_loop3A_526], %parallel_loop3A_524 {strides = array<i32>} : memref<64x128xf32, #tpu.memory_space<vmem>>, vector<16xf32>,
        %parallel_loop3A_528 = vector.broadcast %parallel_loop3A_515 : i32 to vector<16xi32>
        %parallel_loop3A_529 = arith.addi %get3A_495, %parallel_loop3A_528 : vector<16xi32>
        %parallel_loop3A_530 = tpu.vector_load_idx %arg11[%add3A_11, %parallel_loop3A_529] : memref<128x128xf32, #tpu.memory_space<vmem>>[vector<16xi32>, vector<16xi32>], vector<16xf32>,
        %parallel_loop3A_531 = arith.index_cast %parallel_loop3A_515 : i32 to index
        %parallel_loop3A_532 = arith.constant 32 : index
        %parallel_loop3A_533 = tpu.vector_load %arg13[%parallel_loop3A_531, %parallel_loop3A_532] {strides = array<i32>} : memref<64x128xf32, #tpu.memory_space<vmem>>, vector<16xf32>,
        tpu.vector_store %arg13[%parallel_loop3A_531, %parallel_loop3A_532], %parallel_loop3A_530 {strides = array<i32>} : memref<64x128xf32, #tpu.memory_space<vmem>>, vector<16xf32>,
        %parallel_loop3A_534 = vector.broadcast %parallel_loop3A_515 : i32 to vector<16xi32>
        %parallel_loop3A_535 = arith.addi %get3A_497, %parallel_loop3A_534 : vector<16xi32>
        %parallel_loop3A_536 = tpu.vector_load_idx %arg11[%add3A_14, %parallel_loop3A_535] : memref<128x128xf32, #tpu.memory_space<vmem>>[vector<16xi32>, vector<16xi32>], vector<16xf32>,
        %parallel_loop3A_537 = arith.index_cast %parallel_loop3A_515 : i32 to index
        %parallel_loop3A_538 = arith.constant 48 : index
        %parallel_loop3A_539 = tpu.vector_load %arg13[%parallel_loop3A_537, %parallel_loop3A_538] {strides = array<i32>} : memref<64x128xf32, #tpu.memory_space<vmem>>, vector<16xf32>,
        tpu.vector_store %arg13[%parallel_loop3A_537, %parallel_loop3A_538], %parallel_loop3A_536 {strides = array<i32>} : memref<64x128xf32, #tpu.memory_space<vmem>>, vector<16xf32>,
        %parallel_loop3A_540 = vector.broadcast %parallel_loop3A_515 : i32 to vector<16xi32>
        %parallel_loop3A_541 = arith.addi %get3A_499, %parallel_loop3A_540 : vector<16xi32>
        %parallel_loop3A_542 = tpu.vector_load_idx %arg11[%add3A_17, %parallel_loop3A_541] : memref<128x128xf32, #tpu.memory_space<vmem>>[vector<16xi32>, vector<16xi32>], vector<16xf32>,
        %parallel_loop3A_543 = arith.index_cast %parallel_loop3A_515 : i32 to index
        %parallel_loop3A_544 = arith.constant 64 : index
        %parallel_loop3A_545 = tpu.vector_load %arg13[%parallel_loop3A_543, %parallel_loop3A_544] {strides = array<i32>} : memref<64x128xf32, #tpu.memory_space<vmem>>, vector<16xf32>,
        tpu.vector_store %arg13[%parallel_loop3A_543, %parallel_loop3A_544], %parallel_loop3A_542 {strides = array<i32>} : memref<64x128xf32, #tpu.memory_space<vmem>>, vector<16xf32>,
        %parallel_loop3A_546 = vector.broadcast %parallel_loop3A_515 : i32 to vector<16xi32>
        %parallel_loop3A_547 = arith.addi %get3A_501, %parallel_loop3A_546 : vector<16xi32>
        %parallel_loop3A_548 = tpu.vector_load_idx %arg11[%add3A_20, %parallel_loop3A_547] : memref<128x128xf32, #tpu.memory_space<vmem>>[vector<16xi32>, vector<16xi32>], vector<16xf32>,
        %parallel_loop3A_549 = arith.index_cast %parallel_loop3A_515 : i32 to index
        %parallel_loop3A_550 = arith.constant 80 : index
        %parallel_loop3A_551 = tpu.vector_load %arg13[%parallel_loop3A_549, %parallel_loop3A_550] {strides = array<i32>} : memref<64x128xf32, #tpu.memory_space<vmem>>, vector<16xf32>,
        tpu.vector_store %arg13[%parallel_loop3A_549, %parallel_loop3A_550], %parallel_loop3A_548 {strides = array<i32>} : memref<64x128xf32, #tpu.memory_space<vmem>>, vector<16xf32>,
        %parallel_loop3A_552 = vector.broadcast %parallel_loop3A_515 : i32 to vector<16xi32>
        %parallel_loop3A_553 = arith.addi %get3A_503, %parallel_loop3A_552 : vector<16xi32>
        %parallel_loop3A_554 = tpu.vector_load_idx %arg11[%add3A_23, %parallel_loop3A_553] : memref<128x128xf32, #tpu.memory_space<vmem>>[vector<16xi32>, vector<16xi32>], vector<16xf32>,
        %parallel_loop3A_555 = arith.index_cast %parallel_loop3A_515 : i32 to index
        %parallel_loop3A_556 = arith.constant 96 : index
        %parallel_loop3A_557 = tpu.vector_load %arg13[%parallel_loop3A_555, %parallel_loop3A_556] {strides = array<i32>} : memref<64x128xf32, #tpu.memory_space<vmem>>, vector<16xf32>,
        tpu.vector_store %arg13[%parallel_loop3A_555, %parallel_loop3A_556], %parallel_loop3A_554 {strides = array<i32>} : memref<64x128xf32, #tpu.memory_space<vmem>>, vector<16xf32>,
        %parallel_loop3A_558 = vector.broadcast %parallel_loop3A_515 : i32 to vector<16xi32>
        %parallel_loop3A_559 = arith.addi %get3A_505, %parallel_loop3A_558 : vector<16xi32>
        %parallel_loop3A_560 = tpu.vector_load_idx %arg11[%add3A_26, %parallel_loop3A_559] : memref<128x128xf32, #tpu.memory_space<vmem>>[vector<16xi32>, vector<16xi32>], vector<16xf32>,
        %parallel_loop3A_561 = arith.index_cast %parallel_loop3A_515 : i32 to index
        %parallel_loop3A_562 = arith.constant 112 : index
        %parallel_loop3A_563 = tpu.vector_load %arg13[%parallel_loop3A_561, %parallel_loop3A_562] {strides = array<i32>} : memref<64x128xf32, #tpu.memory_space<vmem>>, vector<16xf32>,
        tpu.vector_store %arg13[%parallel_loop3A_561, %parallel_loop3A_562], %parallel_loop3A_560 {strides = array<i32>} : memref<64x128xf32, #tpu.memory_space<vmem>>, vector<16xf32>,
      } {sc.loop_unroll_factor = 16 : i64, sc.parallel_access}
      %dma_start3A_509 = arith.constant 0 : i32
      %dma_start3A_510 = tpu.memref_slice %arg4[%add3A_346, %dma_start3A_509, %mul3A_2] : memref<200x64x4096xf32, #tpu.memory_space<hbm>> -> memref<1x64x128xf32, #tpu.memory_space<hbm>>
      %dma_start3A_511 = tpu.memref_squeeze %dma_start3A_510 : memref<1x64x128xf32, #tpu.memory_space<hbm>> -> memref<64x128xf32, #tpu.memory_space<hbm>>
      %dma_start3A_512 = arith.constant 0 : i32
      %dma_start3A_513 = tpu.memref_slice %arg4[%add3A_346, %dma_start3A_512, %mul3A_2] : memref<200x64x4096xf32, #tpu.memory_space<hbm>> -> memref<1x64x128xf32, #tpu.memory_space<hbm>>
      %dma_start3A_514 = tpu.memref_squeeze %dma_start3A_513 : memref<1x64x128xf32, #tpu.memory_space<hbm>> -> memref<64x128xf32, #tpu.memory_space<hbm>>
      tpu.enqueue_dma source(%arg13 : memref<64x128xf32, #tpu.memory_space<vmem>>) target(%dma_start3A_514 : memref<64x128xf32, #tpu.memory_space<hbm>>) target_semaphore(%arg15 : memref<!tpu.dma_semaphore, #tpu.memory_space<semaphore_mem>>)
    }
    %scan3A_159 = arith.constant 100 : i32
    %dma_wait3A = arith.constant 0 : i32
    %dma_wait3A_160 = arith.constant 0 : i32
    %dma_wait3A_161 = tpu.memref_slice %arg3[%dma_wait3A, %dma_wait3A_160] : memref<500000x128xf32, #tpu.memory_space<hbm>> -> memref<500000x128xf32, #tpu.memory_space<hbm>>
    tpu.wait_indirect_dma semaphore(%arg14 : memref<!tpu.dma_semaphore, #tpu.memory_space<semaphore_mem>>) src(%dma_wait3A_161 : memref<500000x128xf32, #tpu.memory_space<hbm>>) dst(%arg10 : memref<128x128xf32, #tpu.memory_space<vmem>>)
    %dma_wait3A_162 = arith.constant 0 : i32
    %dma_wait3A_163 = arith.constant 0 : i32
    %dma_wait3A_164 = tpu.memref_slice %arg4[%dma_wait3A_162, %dma_wait3A_163, %mul3A_2] : memref<200x64x4096xf32, #tpu.memory_space<hbm>> -> memref<1x64x128xf32, #tpu.memory_space<hbm>>
    %dma_wait3A_165 = tpu.memref_squeeze %dma_wait3A_164 : memref<1x64x128xf32, #tpu.memory_space<hbm>> -> memref<64x128xf32, #tpu.memory_space<hbm>>
    %dma_wait3A_166 = arith.constant 0 : i32
    %dma_wait3A_167 = tpu.memref_slice %arg4[%dma_wait3A_162, %dma_wait3A_166, %mul3A_2] : memref<200x64x4096xf32, #tpu.memory_space<hbm>> -> memref<1x64x128xf32, #tpu.memory_space<hbm>>
    %dma_wait3A_168 = tpu.memref_squeeze %dma_wait3A_167 : memref<1x64x128xf32, #tpu.memory_space<hbm>> -> memref<64x128xf32, #tpu.memory_space<hbm>>
    tpu.wait_dma2 semaphore(%arg15 : memref<!tpu.dma_semaphore, #tpu.memory_space<semaphore_mem>>) src(%arg12 : memref<64x128xf32, #tpu.memory_space<vmem>>) dst(%dma_wait3A_168 : memref<64x128xf32, #tpu.memory_space<hbm>>)
    %dma_wait3A_169 = arith.constant 0 : i32
    %dma_wait3A_170 = arith.constant 0 : i32
    %dma_wait3A_171 = tpu.memref_slice %arg4[%dma_wait3A_169, %dma_wait3A_170, %mul3A_2] : memref<200x64x4096xf32, #tpu.memory_space<hbm>> -> memref<1x64x128xf32, #tpu.memory_space<hbm>>
    %dma_wait3A_172 = tpu.memref_squeeze %dma_wait3A_171 : memref<1x64x128xf32, #tpu.memory_space<hbm>> -> memref<64x128xf32, #tpu.memory_space<hbm>>
    %dma_wait3A_173 = arith.constant 0 : i32
    %dma_wait3A_174 = tpu.memref_slice %arg4[%dma_wait3A_169, %dma_wait3A_173, %mul3A_2] : memref<200x64x4096xf32, #tpu.memory_space<hbm>> -> memref<1x64x128xf32, #tpu.memory_space<hbm>>
    %dma_wait3A_175 = tpu.memref_squeeze %dma_wait3A_174 : memref<1x64x128xf32, #tpu.memory_space<hbm>> -> memref<64x128xf32, #tpu.memory_space<hbm>>
    tpu.wait_dma2 semaphore(%arg15 : memref<!tpu.dma_semaphore, #tpu.memory_space<semaphore_mem>>) src(%arg13 : memref<64x128xf32, #tpu.memory_space<vmem>>) dst(%dma_wait3A_175 : memref<64x128xf32, #tpu.memory_space<hbm>>)
    return
  }
}

</mosaic_0001>

<sc_bundles>
// kernel: kernel.4.cloned.1.call-start
scs
__scs_entry_jumppad:
0x0: {  	(pc) =	sbr.rel $0x88, $3  }
0x1: {  	(tag) =	ssettag $0x0;
	lr =	simm.s32 $0x1  }
0x2: {  	[smem:$0x3F9F] =	sst lr;
	_ =	strace $0xD0000000  }
0x3: {  	_ = 	snop  }
0x4: {  	_ = 	snop  }
0x5: {  	_ = 	snop  }
0x6: {  	_ = 	snop  }
0x7: {  	_ = 	snop  }
__scs_overlays_trampoline_lowered:
0x8: {  	[smem:$0x3FAE] =	sst s0  }
0x9: {  	[smem:$0x3FAF] =	sst s1  }
0xa: {  	[smem:$0x3FB0] =	sst s2  }
0xb: {  	[smem:$0x3FB1] =	sst s3  }
0xc: {  	[smem:$0x3FB2] =	sst s4  }
0xd: {  	[smem:$0x3FB3] =	sst s5  }
0xe: {  	[smem:$0x3FB4] =	sst s6  }
0xf: {  	[smem:$0x3FB5] =	sst s7  }
0x10: {  	[smem:$0x3FB6] =	sst s8  }
0x11: {  	[smem:$0x3FB7] =	sst s9;
	s0 =	simm.s32 @!p0 $0x0  }
0x12: {  	s1 =	sld [smem:$0x3F9D];
	s0 =	simm.s32 @p0 $0x1  }
0x13: {  	[smem:$0x3FB8] =	sst s0;
	s0 =	simm.s32 @!p1 $0x0  }
0x14: {  	s2 =	sld [smem:$0x3F9C];
	s0 =	simm.s32 @p1 $0x1  }
0x15: {  	[smem:$0x3FB9] =	sst s0;
	s0 =	simm.s32 @!p2 $0x0  }
0x16: {  	s3 =	sld [smem:$0x3FDB];
	s0 =	simm.s32 @p2 $0x1  }
0x17: {  	s4 =	simm.s32 $0x1BF5;
	[smem:$0x3FBB] =	sst s0  }
0x18: {  	s0 =	sld [smem:$0x3F9E];
	_ =	swait.ge [sflag:s4], $0x0  }
0x19: {  	s7 =	sld [smem:$0x3F9F]  }
0x1a: {  	s8 =	sadd.s32 $0xFFFFE003, lr  }
0x1b: {  	s9 =	sadd.s32 $0xFFFFFEF7, lr;
	s5 =	simm.s32 $0xFFFFFFFF;
	p2 =	slt.u32 s8, $0xFFFFF086  }
0x1c: {  	p1 =	slt.u32 s9, $0xF7A;
	s5 =	simm.s32 @!p2 $0x0  }
0x1d: {  	s5 =	simm.s32 @p1 $0x1;
	p0 =	seq.s32 s7, s2  }
0x1e: {  	s7 =	smul.u32 @!p0 $0xF7A, s2;
	p2 =	seq.s32 @!p0 s5, $0x0  }
0x1f: {  	s9 =	smul.u32 $0xF7A, s1;
	s8 =	simm.s32 @!p0 $0x1BF5;
	p2 =	por !p2, p0  }
0x20: {  	[sflag:s8] =	ssyncset.s32 @!p0 $0xFFFFF086;
	s6 =	sadd.s32 @!p0 s3, s7;
	s7 =	simm.s32 @!p0 $0x108  }
0x21: {  	s3 =	sadd.s32 s3, s9;
	s6 =	sadd.s32 @!p0 $0x88, s6;
	s7 =	simm.s32 @p2 $0x1082  }
0x22: {  	[simem:s7], [sflag:s8] =	dma.local @!p0 [hbm:s6], $0xF7A  }
0x23: {  	s9 =	sor.u32 $0xD0000000, s2;
	s6 =	simm.s32 $0x108;
	_ =	swait.ge @!p0 [sflag:s8], $0x0  }
0x24: {  	s3 =	sadd.s32 $0x88, s3;
	s6 =	simm.s32 @!p1 $0x1082;
	[sflag:s4] =	ssyncset.s32 $0xFFFFF086  }
0x25: {  	[simem:s6], [sflag:s4] =	dma.local [hbm:s3], $0xF7A  }
0x26: {  	[smem:$0x3F9F] =	sst s1;
	(tag) =	ssettag s2;
	_ =	strace s9  }
0x27: {  	s1 =	sld [smem:$0x3FAF]  }
0x28: {  	s2 =	sld [smem:$0x3FB0]  }
0x29: {  	s4 =	sld [smem:$0x3FB2]  }
0x2a: {  	p0 =	seq.s32 s5, $0x0;
	s5 =	sld [smem:$0x3FB3]  }
0x2b: {  	s6 =	sld [smem:$0x3FB4]  }
0x2c: {  	s7 =	sld [smem:$0x3FB5]  }
0x2d: {  	s3 =	simm.s32 $0x108;
	s8 =	sld [smem:$0x3FB6]  }
0x2e: {  	s3 =	simm.s32 @!p0 $0x1082;
	s9 =	sld [smem:$0x3FB7]  }
0x2f: {  	lr =	sadd.s32 s0, s3;
	s0 =	sld [smem:$0x3FAE]  }
0x30: {  	s3 =	sld [smem:$0x3FB1]  }
0x31: {  	[smem:$0x3FBA] =	sst s10  }
0x32: {  	s10 =	sld [smem:$0x3FB8];
	_ =	sdelay $0x3  }
0x33: {  	p0 =	seq.s32 s10, $0x1;
	s10 =	sld [smem:$0x3FBA];
	_ =	sdelay $0x3  }
0x34: {  	[smem:$0x3FBA] =	sst s10  }
0x35: {  	s10 =	sld [smem:$0x3FB9];
	_ =	sdelay $0x3  }
0x36: {  	p1 =	seq.s32 s10, $0x1;
	s10 =	sld [smem:$0x3FBA];
	_ =	sdelay $0x3  }
0x37: {  	[smem:$0x3FBA] =	sst s10  }
0x38: {  	s10 =	sld [smem:$0x3FBB]  }
0x39: {  	_ = 	snop;
	(pc) =	sbr.ind lr, $3  }
0x3a: {  	_ = 	snop  }
0x3b: {  	_ = 	snop  }
0x3c: {  	p2 =	seq.s32 s10, $0x1;
	s10 =	sld [smem:$0x3FBA]  }
0x3d: {  	_ =	shalt  }
0x3e: {  	_ =	shalt  }
0x3f: {  	_ =	shalt  }
0x40: {  	_ =	shalt  }
0x41: {  	_ =	shalt  }
0x42: {  	_ =	shalt  }
0x43: {  	_ =	shalt  }
0x44: {  	_ =	shalt  }
0x45: {  	_ =	shalt  }
0x46: {  	_ =	shalt  }
0x47: {  	_ =	shalt  }
0x48: {  	_ =	shalt  }
0x49: {  	_ =	shalt  }
0x4a: {  	_ =	shalt  }
0x4b: {  	_ =	shalt  }
0x4c: {  	_ =	shalt  }
0x4d: {  	_ =	shalt  }
0x4e: {  	_ =	shalt  }
0x4f: {  	_ =	shalt  }
0x50: {  	_ =	shalt  }
0x51: {  	_ =	shalt  }
0x52: {  	_ =	shalt  }
0x53: {  	_ =	shalt  }
0x54: {  	_ =	shalt  }
0x55: {  	_ =	shalt  }
0x56: {  	_ =	shalt  }
0x57: {  	_ =	shalt  }
0x58: {  	_ =	shalt  }
0x59: {  	_ =	shalt  }
0x5a: {  	_ =	shalt  }
0x5b: {  	_ =	shalt  }
0x5c: {  	_ =	shalt  }
0x5d: {  	_ =	shalt  }
0x5e: {  	_ =	shalt  }
0x5f: {  	_ =	shalt  }
0x60: {  	_ =	shalt  }
0x61: {  	_ =	shalt  }
0x62: {  	_ =	shalt  }
0x63: {  	_ =	shalt  }
0x64: {  	_ =	shalt  }
0x65: {  	_ =	shalt  }
0x66: {  	_ =	shalt  }
0x67: {  	_ =	shalt  }
0x68: {  	_ =	shalt  }
0x69: {  	_ =	shalt  }
0x6a: {  	_ =	shalt  }
0x6b: {  	_ =	shalt  }
0x6c: {  	_ =	shalt  }
0x6d: {  	_ =	shalt  }
0x6e: {  	_ =	shalt  }
0x6f: {  	_ =	shalt  }
0x70: {  	_ =	shalt  }
0x71: {  	_ =	shalt  }
0x72: {  	_ =	shalt  }
0x73: {  	_ =	shalt  }
0x74: {  	_ =	shalt  }
0x75: {  	_ =	shalt  }
0x76: {  	_ =	shalt  }
0x77: {  	_ =	shalt  }
0x78: {  	_ =	shalt  }
0x79: {  	_ =	shalt  }
0x7a: {  	_ =	shalt  }
0x7b: {  	_ =	shalt  }
0x7c: {  	_ =	shalt  }
0x7d: {  	_ =	shalt  }
0x7e: {  	_ =	shalt  }
0x7f: {  	_ =	shalt  }
0x80: {  	_ =	shalt  }
0x81: {  	_ =	shalt  }
0x82: {  	_ =	shalt  }
0x83: {  	_ =	shalt  }
0x84: {  	_ =	shalt  }
0x85: {  	_ =	shalt  }
0x86: {  	_ =	shalt  }
0x87: {  	_ =	shalt  }
.Lfunc_end0:
.L_simem_size_0:
called_computation_lowered:
.L_overlay_start_0:
0x88: {  	s2 =	sld [smem:$0x3FD9]  }
0x89: {  	s3 =	sld [smem:$0x3FFE];
	_ =	sdelay $0x1  }
0x8a: {  	s1 =	srdreg.scid  }
0x8b: {  	s0 =	sand.u32 $0x1, s1  }
0x8c: {  	s17 =	sshll.u32 s0, $0xA;
	s2 =	sadd.s32 s3, s2  }
0x8d: {  	s2 =	sadd.s32 s2, s17  }
0x8e: {  	[smem:$0x3FC6] =	sst s2  }
0x8f: {  	_ = 	snop  }
0x90: {  	s2 =	sld [smem:$0x3FC8]  }
0x91: {  	s18 =	sld [smem:$0x3FD0];
	(tm) =	ssettm $0x1  }
0x92: {  	s4 =	sld [smem:$0x3FFB];
	_ =	sdelay $0x3  }
0x93: {  	_ =	strace s4  }
0x94: {  	s4 =	sld [smem:$0x3FFC];
	_ =	sdelay $0x3  }
0x95: {  	_ =	strace s4  }
0x96: {  	s4 =	sld [smem:$0x3FFD];
	_ =	sdelay $0x3  }
0x97: {  	_ =	strace s4  }
0x98: {  	_ =	strace $0x8FFFFFFF  }
0x99: {  	s19 =	sld [smem:$0x3FDB];
	_ =	sdelay $0x1  }
0x9a: {  	s5 =	simm.s32 $_scs_section_size  }
0x9b: {  	s6 =	simm.s32 $_size__tile_overlayer_lowered;
	s7 =	simm.s32 $_tile_overlayer_lowered  }
0x9c: {  	s22 =	simm.s32 $0x1BFF;
	s21 =	sshll.u32 s7, $0x1;
	s4 =	sadd.s32 s5, s19  }
0x9d: {  	s8 =	simm.s32 $0x0;
	s20 =	sshll.u32 s6, $0x1;
	s6 =	sadd.s32 s21, s4  }
0x9e: {  	[timem:s8], [sflag:s22] =	dma.local [hbm:s6], s20  }
0x9f: {  	_ =	swait.ge [sflag:s22], s20  }
0xa0: {  	s5 =	ssub.s32 $0x0, s20;
	[sflag:s22] =	ssyncset.done $0x0  }
0xa1: {  	[sflag:s22] =	ssyncadd.s32 s5;
	_ =	sdelay $0x1  }
0xa2: {  	s23 =	simm.s32 $0x1B8B  }
0xa3: {  	_ =	swait.ge [sflag:s23], $0x1  }
0xa4: {  	[sflag:s23] =	ssyncset.done $0x0  }
0xa5: {  	s25 =	simm.s32 $0x1B8E;
	s24 =	sld [smem:$0x3FFE];
	[sflag:s23] =	ssyncadd.s32 $0xFFFFFFFF  }
0xa6: {  	s26 =	simm.s32 $execute0_lowered;
	[smem:$0x3FD2] =	sst s25  }
0xa7: {  	s6 =	sshll.u32 s26, $0x1;
	_ =	strace $0x80000046;
	[dreg:$0x1] =	wrdreg $0xFFFFFFFF  }
0xa8: {  	s28 =	simm.s32 $_size_execute0_lowered;
	s4 =	sadd.s32 s4, s6;
	[dreg:$0x0] =	wrdreg $0x0  }
0xa9: {  	s6 =	sshll.u32 s28, $0x1;
	[dreg:$0x2] =	wrdreg s4  }
0xaa: {  	[dreg:$0x3] =	wrdreg s6  }
0xab: {  	[dreg:$0x4] =	wrdreg $0xC0  }
0xac: {  	_ =	task [dreg:s8], $0x5FFFF  }
0xad: {  	[dreg:$0x1] =	wrdreg $0xFFFFFFFF  }
0xae: {  	[dreg:$0x0] =	wrdreg $0x60  }
0xaf: {  	[dreg:$0x2] =	wrdreg s2  }
0xb0: {  	[dreg:$0x3] =	wrdreg s18  }
0xb1: {  	[dreg:$0x4] =	wrdreg s24  }
0xb2: {  	[dreg:$0x5] =	wrdreg $0x9  }
0xb3: {  	_ =	task.clear_ibuf [dreg:s8], $0x6FFFF;
	_ =	strace $0x90000046  }
0xb4: {  	s29 =	simm.s32 $0x9;
	_ =	strace $0x80000048  }
0xb5: {  	_ =	swait.ge [sflag:s29], $0x1  }
0xb6: {  	[sflag:s29] =	ssyncadd.s32 $0xFFFFFFFF  }
0xb7: {  	_ =	strace $0x90000048  }
0xb8: {  	_ =	sfence  }
0xb9: {  	s30 =	sld [smem:$0x0];
	_ =	sdelay $0x2  }
0xba: {  	s31 =	sshll.u32 s1, $0xD;
	s1 =	sshrl.u32 s1, $0x2  }
0xbb: {  	s3 =	sand.u32 $0x4000, s31;
	s1 =	sadd.s32 s1, s30  }
0xbc: {  	s0 =	sor.u32 s3, s0;
	s1 =	sshll.u32 s1, $0x11  }
0xbd: {  	s0 =	sor.u32 s1, s0  }
0xbe: {  	s0 =	sadd.s32 $0x8F2B, s0  }
0xbf: {  	[sflag:s0] =	ssyncadd.remote.s32 $0x1  }
0xc0: {  	_ =	sfence.sel $0xFFFF  }
0xc1: {  	[dreg:$0x0] =	wrdreg $0xFFFFFFFF;
	(pc) =	sbr.abs _section_cstart, $3  }
0xc2: {  	[dreg:$0x1] =	wrdreg $0xFFFFFFFF  }
0xc3: {  	_ =	task.clear_ibuf [dreg:s8], $0x2FFFF;
	_ =	strace $0x9FFFFFFF  }
0xc4: {  	(tm) =	ssettm $0x7FFFFFFF  }
0xc5: {  	_ =	shalt  }
tec
execute0_lowered:
.L_overlay_start_1:
0x0: {  	(tag) =	ssettag $0x1  }
0x1: {  	s10 =	rddreg [dreg:$0x0]  }
0x2: {  	s0 =	srdreg.scid;
	s2 =	stileid.u32  }
0x3: {  	s1 =	rddreg [dreg:$0x2];
	s4 =	simm.s32 $0x0;
	s13 =	simm.s32 $0x400  }
0x4: {  	s14 =	simm.s32 $0x7A1400;
	s16 =	simm.s32 $0x1;
	s17 =	simm.s32 $0x4000  }
0x5: {  	s18 =	simm.s32 $0x6000;
	s0 =	sand.u32 $0x1, s0;
	s2 =	sshll.u32 s2, $0x1  }
0x6: {  	[smem:$0x7FF] =	sst s4;
	s6 =	sadd.s32 $0x800, s1;
	s2 =	sor.u32 s0, s2  }
0x7: {  	s1 =	sadd.s32 $0x7A1800, s1;
	s0 =	ssub.s32 $0x2, s0;
	s3 =	smul.u32 $0x7A80, s2  }
0x8: {  	_ =	strace $0x80000047;
	s5 =	smul.u32 $0xF5, s2;
	s7 =	sshrl.u32 s0, $0x1  }
0x9: {  	v0 =	vlaneseq.u32;
	[dreg:$0x8] =	wrdreg s1;
	s0 =	ssub.s32 s0, s7;
	s3 =	sadd.s32 s10, s3  }
0xa: {  	v0 =	vmul.u32 $0x40, v0;
	s8 =	smin.u32 s5, $0x1D8F;
	s30 =	sadd.s32 $0x1, s5;
	[dreg:$0x4] =	wrdreg s3  }
0xb: {  	s31 =	sadd.s32 $0x2, s5;
	s29 =	sshll.u32 s8, $0xA;
	[dreg:$0x5] =	wrdreg s30  }
0xc: {  	v1 =	vor.u32 $0x400, v0;
	s0 =	smax.u32 s0, $0x1;
	[dreg:$0x6] =	wrdreg s31;
	s3 =	sadd.s32 s29, s6  }
0xd: {  	s9 =	smov.u32 s10;
	v2 =	vor.u32 $0x800, v0;
	v3 =	vor.u32 $0xC00, v0;
	v4 =	vor.u32 $0x1000, v0;
	[dreg:$0x9] =	wrdreg s0;
	s3 =	sadd.s32 $0x3D000, s3  }
0xe: {  	s1 =	simm.s32 $0x0;
	v5 =	vor.u32 $0x1400, v0;
	v6 =	vor.u32 $0x1800, v0;
	v7 =	vor.u32 $0x1C00, v0;
	p0 =	sne.s32 s2, $0x5;
	[dreg:$0x7] =	wrdreg s3  }
.LBB2_1:
0xf: {  	[dreg:$0xa] =	wrdreg s1  }
0x10: {  	s0 =	rddreg [dreg:$0x4];
	s21 =	simm.s32 $0x0  }
0x11: {  	[tilespmem:s4], [sflag:$0x1] =	stream.strided.gather [hbm4b:s0+s13], $0x2000, s14, s13, $0x38;
	[tilespmem:$0x8000] =	vst v63  }
.LBB2_2:
0x12: {  	s23 =	sshll.u32 s21, $0x1;
	s0 =	rddreg [dreg:$0x5]  }
0x13: {  	s0 =	sadd.s32 s23, s0  }
0x14: {  	s22 =	smin.u32 s0, $0x1E83  }
0x15: {  	s0 =	sshll.u32 s22, $0x7  }
0x16: {  	s1 =	simm.s32 $0x2000;
	s0 =	sadd.s32 s9, s0  }
0x17: {  	[tilespmem:s1], [sflag:$0x1] =	stream.strided.gather [hbm4b:s0+s13], $0x2000, s14, s13, $0x38;
	[tilespmem:$0x8000] =	vst v63  }
0x18: {  	_ =	swait.ge [sflag:s16], $0x2000  }
0x19: {  	p1 =	seq.s32 s21, $0x0;
	[sflag:s16] =	ssyncset.done $0x0  }
0x1a: {  	s0 =	simm.s32 @!p1 $0x2;
	[sflag:s16] =	ssyncadd.s32 $0xFFFFE000  }
0x1b: {  	_ =	swait.ge @!p1 [sflag:s0], $0x2000  }
0x1c: {  	[sflag:s0] =	ssyncset.done @!p1 $0x0  }
0x1d: {  	s30 =	simm.s32 $0x400;
	s29 =	simm.s32 $0xF;
	[sflag:s0] =	ssyncadd.s32 @!p1 $0xFFFFE000  }
0x1e: {  	s31 =	simm.s32 $0x1;
	v9 =	vor.u32 s29, v0;
	v8 =	vld [tilespmem:s30+$0x380]  }
0x1f: {  	s2 =	simm.s32 $0x2;
	v11 =	vor.u32 s31, v0;
	v10 =	vld [tilespmem:s30+$0xFFFFFC80]  }
0x20: {  	s3 =	simm.s32 $0x3;
	v13 =	vor.u32 s2, v0;
	v12 =	vld [tilespmem:s30+$0xFFFFFD00]  }
0x21: {  	s7 =	simm.s32 $0x4;
	v15 =	vor.u32 s3, v0;
	v14 =	vld [tilespmem:s30+$0xFFFFFD80]  }
0x22: {  	s10 =	simm.s32 $0x5;
	v17 =	vor.u32 s7, v0;
	v16 =	vld [tilespmem:s30+$0xFFFFFE00]  }
0x23: {  	s11 =	simm.s32 $0x6;
	v19 =	vor.u32 s10, v0;
	v18 =	vld [tilespmem:s30+$0xFFFFFE80];
	[tilespmem:v9+s17+$0x0] =	vst.idx.msk $0xffff, v8  }
0x24: {  	s8 =	simm.s32 $0x7;
	[tilespmem:v11+s17+$0x0] =	vst.idx.msk $0xffff, v10;
	v10 =	vld [tilespmem:s30+$0xFFFFFF00];
	v11 =	vor.u32 s11, v0  }
0x25: {  	s12 =	simm.s32 $0x8;
	[tilespmem:v13+s17+$0x0] =	vst.idx.msk $0xffff, v12;
	v12 =	vld [tilespmem:s30+$0xFFFFFF80];
	v13 =	vor.u32 s8, v0  }
0x26: {  	s19 =	simm.s32 $0x9;
	[tilespmem:v15+s17+$0x0] =	vst.idx.msk $0xffff, v14;
	v14 =	vld [tilespmem:s30+$0x0];
	v15 =	vor.u32 s12, v0  }
0x27: {  	s20 =	simm.s32 $0xA;
	[tilespmem:v17+s17+$0x0] =	vst.idx.msk $0xffff, v16;
	v16 =	vld [tilespmem:s30+$0x80];
	v17 =	vor.u32 s19, v0  }
0x28: {  	[tilespmem:v19+s17+$0x0] =	vst.idx.msk $0xffff, v18;
	v18 =	vld [tilespmem:s30+$0x100];
	v19 =	vor.u32 s20, v0  }
0x29: {  	s15 =	simm.s32 $0xB;
	v9 =	vor.u32 s29, v1;
	v8 =	vld [tilespmem:s30+$0x390];
	[tilespmem:v11+s17+$0x0] =	vst.idx.msk $0xffff, v10  }
0x2a: {  	s24 =	simm.s32 $0xC;
	[tilespmem:v13+s17+$0x0] =	vst.idx.msk $0xffff, v12;
	v10 =	vld [tilespmem:s30+$0x180];
	v11 =	vor.u32 s15, v0  }
0x2b: {  	s26 =	simm.s32 $0xD;
	[tilespmem:v15+s17+$0x0] =	vst.idx.msk $0xffff, v14;
	v12 =	vld [tilespmem:s30+$0x200];
	v13 =	vor.u32 s24, v0  }
0x2c: {  	s28 =	simm.s32 $0xE;
	[tilespmem:v17+s17+$0x0] =	vst.idx.msk $0xffff, v16;
	v14 =	vld [tilespmem:s30+$0x280];
	v15 =	vor.u32 s26, v0  }
0x2d: {  	s25 =	simm.s32 $0x0;
	[tilespmem:v19+s17+$0x0] =	vst.idx.msk $0xffff, v18;
	v16 =	vld [tilespmem:s30+$0x300];
	v17 =	vor.u32 s28, v0  }
0x2e: {  	v18 =	vld [tilespmem:s30+$0xFFFFFC00];
	v19 =	vor.u32 s25, v0;
	[tilespmem:v9+s17+$0x0] =	vst.idx.msk $0xffff, v8  }
0x2f: {  	v9 =	vor.u32 s29, v2;
	v8 =	vld [tilespmem:s30+$0x3A0];
	[tilespmem:v11+s17+$0x0] =	vst.idx.msk $0xffff, v10  }
0x30: {  	v10 =	vld [tilespmem:s30+$0xFFFFFC90];
	v11 =	vor.u32 s31, v1;
	[tilespmem:v13+s17+$0x0] =	vst.idx.msk $0xffff, v12  }
0x31: {  	v12 =	vld [tilespmem:s30+$0xFFFFFD10];
	v13 =	vor.u32 s2, v1;
	[tilespmem:v15+s17+$0x0] =	vst.idx.msk $0xffff, v14  }
0x32: {  	v14 =	vld [tilespmem:s30+$0xFFFFFD90];
	v15 =	vor.u32 s3, v1;
	[tilespmem:v17+s17+$0x0] =	vst.idx.msk $0xffff, v16  }
0x33: {  	[tilespmem:v19+s17+$0x0] =	vst.idx.msk $0xffff, v18;
	v16 =	vld [tilespmem:s30+$0xFFFFFE10];
	v17 =	vor.u32 s7, v1  }
0x34: {  	v18 =	vld [tilespmem:s30+$0xFFFFFE90];
	v19 =	vor.u32 s10, v1;
	[tilespmem:v9+s17+$0x0] =	vst.idx.msk $0xffff, v8  }
0x35: {  	v9 =	vor.u32 s29, v3;
	v8 =	vld [tilespmem:s30+$0x3B0];
	[tilespmem:v11+s17+$0x0] =	vst.idx.msk $0xffff, v10  }
0x36: {  	[tilespmem:v13+s17+$0x0] =	vst.idx.msk $0xffff, v12;
	v10 =	vld [tilespmem:s30+$0xFFFFFF10];
	v11 =	vor.u32 s11, v1  }
0x37: {  	[tilespmem:v15+s17+$0x0] =	vst.idx.msk $0xffff, v14;
	v12 =	vld [tilespmem:s30+$0xFFFFFF90];
	v13 =	vor.u32 s8, v1  }
0x38: {  	[tilespmem:v17+s17+$0x0] =	vst.idx.msk $0xffff, v16;
	v14 =	vld [tilespmem:s30+$0x10];
	v15 =	vor.u32 s12, v1  }
0x39: {  	[tilespmem:v19+s17+$0x0] =	vst.idx.msk $0xffff, v18;
	v16 =	vld [tilespmem:s30+$0x90];
	v17 =	vor.u32 s19, v1  }
0x3a: {  	v18 =	vld [tilespmem:s30+$0x110];
	v19 =	vor.u32 s20, v1;
	[tilespmem:v9+s17+$0x0] =	vst.idx.msk $0xffff, v8  }
0x3b: {  	v9 =	vor.u32 s29, v4;
	v8 =	vld [tilespmem:s30+$0x3C0];
	[tilespmem:v11+s17+$0x0] =	vst.idx.msk $0xffff, v10  }
0x3c: {  	[tilespmem:v13+s17+$0x0] =	vst.idx.msk $0xffff, v12;
	v10 =	vld [tilespmem:s30+$0x190];
	v11 =	vor.u32 s15, v1  }
0x3d: {  	[tilespmem:v15+s17+$0x0] =	vst.idx.msk $0xffff, v14;
	v12 =	vld [tilespmem:s30+$0x210];
	v13 =	vor.u32 s24, v1  }
0x3e: {  	[tilespmem:v17+s17+$0x0] =	vst.idx.msk $0xffff, v16;
	v14 =	vld [tilespmem:s30+$0x290];
	v15 =	vor.u32 s26, v1  }
0x3f: {  	[tilespmem:v19+s17+$0x0] =	vst.idx.msk $0xffff, v18;
	v16 =	vld [tilespmem:s30+$0x310];
	v17 =	vor.u32 s28, v1  }
0x40: {  	v18 =	vld [tilespmem:s30+$0xFFFFFC10];
	v19 =	vor.u32 s25, v1;
	[tilespmem:v9+s17+$0x0] =	vst.idx.msk $0xffff, v8  }
0x41: {  	v9 =	vor.u32 s29, v5;
	v8 =	vld [tilespmem:s30+$0x3D0];
	[tilespmem:v11+s17+$0x0] =	vst.idx.msk $0xffff, v10  }
0x42: {  	v10 =	vld [tilespmem:s30+$0xFFFFFCA0];
	v11 =	vor.u32 s31, v2;
	[tilespmem:v13+s17+$0x0] =	vst.idx.msk $0xffff, v12  }
0x43: {  	v12 =	vld [tilespmem:s30+$0xFFFFFD20];
	v13 =	vor.u32 s2, v2;
	[tilespmem:v15+s17+$0x0] =	vst.idx.msk $0xffff, v14  }
0x44: {  	v14 =	vld [tilespmem:s30+$0xFFFFFDA0];
	v15 =	vor.u32 s3, v2;
	[tilespmem:v17+s17+$0x0] =	vst.idx.msk $0xffff, v16  }
0x45: {  	[tilespmem:v19+s17+$0x0] =	vst.idx.msk $0xffff, v18;
	v16 =	vld [tilespmem:s30+$0xFFFFFE20];
	v17 =	vor.u32 s7, v2  }
0x46: {  	v18 =	vld [tilespmem:s30+$0xFFFFFEA0];
	v19 =	vor.u32 s10, v2;
	[tilespmem:v9+s17+$0x0] =	vst.idx.msk $0xffff, v8  }
0x47: {  	[tilespmem:v11+s17+$0x0] =	vst.idx.msk $0xffff, v10;
	v10 =	vld [tilespmem:s30+$0xFFFFFF20];
	v11 =	vor.u32 s11, v2  }
0x48: {  	[tilespmem:v13+s17+$0x0] =	vst.idx.msk $0xffff, v12;
	v12 =	vld [tilespmem:s30+$0xFFFFFFA0];
	v13 =	vor.u32 s8, v2  }
0x49: {  	[tilespmem:v15+s17+$0x0] =	vst.idx.msk $0xffff, v14;
	v14 =	vld [tilespmem:s30+$0x20];
	v15 =	vor.u32 s12, v2  }
0x4a: {  	[tilespmem:v17+s17+$0x0] =	vst.idx.msk $0xffff, v16;
	v16 =	vld [tilespmem:s30+$0xA0];
	v17 =	vor.u32 s19, v2  }
0x4b: {  	v9 =	vor.u32 s29, v6;
	[tilespmem:v19+s17+$0x0] =	vst.idx.msk $0xffff, v18;
	v8 =	vld [tilespmem:s30+$0x3E0]  }
0x4c: {  	v18 =	vld [tilespmem:s30+$0x120];
	v19 =	vor.u32 s20, v2;
	[tilespmem:v11+s17+$0x0] =	vst.idx.msk $0xffff, v10  }
0x4d: {  	[tilespmem:v13+s17+$0x0] =	vst.idx.msk $0xffff, v12;
	v10 =	vld [tilespmem:s30+$0x220];
	v11 =	vor.u32 s24, v2  }
0x4e: {  	[tilespmem:v15+s17+$0x0] =	vst.idx.msk $0xffff, v14;
	v12 =	vld [tilespmem:s30+$0x2A0];
	v13 =	vor.u32 s26, v2  }
0x4f: {  	[tilespmem:v17+s17+$0x0] =	vst.idx.msk $0xffff, v16;
	v14 =	vld [tilespmem:s30+$0x320];
	v15 =	vor.u32 s28, v2  }
0x50: {  	v16 =	vld [tilespmem:s30+$0xFFFFFC20];
	v17 =	vor.u32 s25, v2;
	[tilespmem:v9+s17+$0x0] =	vst.idx.msk $0xffff, v8  }
0x51: {  	[tilespmem:v19+s17+$0x0] =	vst.idx.msk $0xffff, v18;
	v8 =	vor.u32 s29, v7;
	v9 =	vld [tilespmem:s30+$0x3F0]  }
0x52: {  	v18 =	vld [tilespmem:s30+$0xFFFFFCB0];
	v19 =	vor.u32 s31, v3;
	[tilespmem:v11+s17+$0x0] =	vst.idx.msk $0xffff, v10  }
0x53: {  	v10 =	vld [tilespmem:s30+$0xFFFFFDB0];
	v11 =	vor.u32 s3, v3;
	[tilespmem:v13+s17+$0x0] =	vst.idx.msk $0xffff, v12  }
0x54: {  	v12 =	vld [tilespmem:s30+$0xFFFFFE30];
	v13 =	vor.u32 s7, v3;
	[tilespmem:v15+s17+$0x0] =	vst.idx.msk $0xffff, v14  }
0x55: {  	[tilespmem:v17+s17+$0x0] =	vst.idx.msk $0xffff, v16;
	v14 =	vld [tilespmem:s30+$0xFFFFFEB0];
	v15 =	vor.u32 s10, v3  }
0x56: {  	[tilespmem:v8+s17+$0x0] =	vst.idx.msk $0xffff, v9;
	v8 =	vld [tilespmem:s30+$0x1A0];
	v9 =	vor.u32 s15, v2  }
0x57: {  	[tilespmem:v19+s17+$0x0] =	vst.idx.msk $0xffff, v18;
	v19 =	vor.u32 s25, v3;
	v18 =	vld [tilespmem:s30+$0xFFFFFC30]  }
0x58: {  	v16 =	vld [tilespmem:s30+$0xFFFFFF30];
	v17 =	vor.u32 s11, v3;
	[tilespmem:v11+s17+$0x0] =	vst.idx.msk $0xffff, v10  }
0x59: {  	v10 =	vld [tilespmem:s30+$0x30];
	v11 =	vor.u32 s12, v3;
	[tilespmem:v13+s17+$0x0] =	vst.idx.msk $0xffff, v12  }
0x5a: {  	v12 =	vld [tilespmem:s30+$0xB0];
	v13 =	vor.u32 s19, v3;
	[tilespmem:v15+s17+$0x0] =	vst.idx.msk $0xffff, v14  }
0x5b: {  	[tilespmem:v9+s17+$0x0] =	vst.idx.msk $0xffff, v8;
	v8 =	vld [tilespmem:s30+$0xFFFFFD30];
	v9 =	vor.u32 s2, v3  }
0x5c: {  	v14 =	vld [tilespmem:s30+$0x130];
	v15 =	vor.u32 s20, v3;
	[tilespmem:v19+s17+$0x0] =	vst.idx.msk $0xffff, v18  }
0x5d: {  	[tilespmem:v17+s17+$0x0] =	vst.idx.msk $0xffff, v16;
	v19 =	vor.u32 s25, v4;
	v18 =	vld [tilespmem:s30+$0xFFFFFC40]  }
0x5e: {  	v17 =	vor.u32 s15, v3;
	v16 =	vld [tilespmem:s30+$0x1B0];
	[tilespmem:v11+s17+$0x0] =	vst.idx.msk $0xffff, v10  }
0x5f: {  	v10 =	vld [tilespmem:s30+$0x2B0];
	v11 =	vor.u32 s26, v3;
	[tilespmem:v13+s17+$0x0] =	vst.idx.msk $0xffff, v12  }
0x60: {  	[tilespmem:v9+s17+$0x0] =	vst.idx.msk $0xffff, v8;
	v8 =	vld [tilespmem:s30+$0xFFFFFFB0];
	v9 =	vor.u32 s8, v3  }
0x61: {  	v12 =	vld [tilespmem:s30+$0x330];
	v13 =	vor.u32 s28, v3;
	[tilespmem:v15+s17+$0x0] =	vst.idx.msk $0xffff, v14  }
0x62: {  	v14 =	vld [tilespmem:s30+$0xFFFFFCC0];
	v15 =	vor.u32 s31, v4;
	[tilespmem:v19+s17+$0x0] =	vst.idx.msk $0xffff, v18  }
0x63: {  	[tilespmem:v17+s17+$0x0] =	vst.idx.msk $0xffff, v16;
	v16 =	vld [tilespmem:s30+$0xFFFFFD40];
	v17 =	vor.u32 s2, v4  }
0x64: {  	v19 =	vor.u32 s25, v5;
	v18 =	vld [tilespmem:s30+$0xFFFFFC50];
	[tilespmem:v11+s17+$0x0] =	vst.idx.msk $0xffff, v10  }
0x65: {  	[tilespmem:v9+s17+$0x0] =	vst.idx.msk $0xffff, v8;
	v8 =	vld [tilespmem:s30+$0x230];
	v9 =	vor.u32 s24, v3  }
0x66: {  	v10 =	vld [tilespmem:s30+$0xFFFFFE40];
	v11 =	vor.u32 s7, v4;
	[tilespmem:v13+s17+$0x0] =	vst.idx.msk $0xffff, v12  }
0x67: {  	v12 =	vld [tilespmem:s30+$0xFFFFFEC0];
	v13 =	vor.u32 s10, v4;
	[tilespmem:v15+s17+$0x0] =	vst.idx.msk $0xffff, v14  }
0x68: {  	v14 =	vld [tilespmem:s30+$0xFFFFFF40];
	v15 =	vor.u32 s11, v4;
	[tilespmem:v17+s17+$0x0] =	vst.idx.msk $0xffff, v16  }
0x69: {  	v16 =	vld [tilespmem:s30+$0xFFFFFFC0];
	v17 =	vor.u32 s8, v4;
	[tilespmem:v19+s17+$0x0] =	vst.idx.msk $0xffff, v18  }
0x6a: {  	[tilespmem:v9+s17+$0x0] =	vst.idx.msk $0xffff, v8;
	v8 =	vld [tilespmem:s30+$0xFFFFFDC0];
	v9 =	vor.u32 s3, v4  }
0x6b: {  	v19 =	vor.u32 s25, v6;
	v18 =	vld [tilespmem:s30+$0xFFFFFC60];
	[tilespmem:v11+s17+$0x0] =	vst.idx.msk $0xffff, v10  }
0x6c: {  	v10 =	vld [tilespmem:s30+$0xC0];
	v11 =	vor.u32 s19, v4;
	[tilespmem:v13+s17+$0x0] =	vst.idx.msk $0xffff, v12  }
0x6d: {  	v12 =	vld [tilespmem:s30+$0x140];
	v13 =	vor.u32 s20, v4;
	[tilespmem:v15+s17+$0x0] =	vst.idx.msk $0xffff, v14  }
0x6e: {  	v14 =	vld [tilespmem:s30+$0x1C0];
	v15 =	vor.u32 s15, v4;
	[tilespmem:v17+s17+$0x0] =	vst.idx.msk $0xffff, v16  }
0x6f: {  	[tilespmem:v9+s17+$0x0] =	vst.idx.msk $0xffff, v8;
	v8 =	vld [tilespmem:s30+$0x40];
	v9 =	vor.u32 s12, v4  }
0x70: {  	v16 =	vld [tilespmem:s30+$0x240];
	v17 =	vor.u32 s24, v4;
	[tilespmem:v19+s17+$0x0] =	vst.idx.msk $0xffff, v18  }
0x71: {  	[tilespmem:v11+s17+$0x0] =	vst.idx.msk $0xffff, v10;
	v10 =	vld [tilespmem:s30+$0x340];
	v11 =	vor.u32 s28, v4  }
0x72: {  	[tilespmem:v13+s17+$0x0] =	vst.idx.msk $0xffff, v12;
	v12 =	vld [tilespmem:s30+$0xFFFFFCD0];
	v13 =	vor.u32 s31, v5  }
0x73: {  	[tilespmem:v15+s17+$0x0] =	vst.idx.msk $0xffff, v14;
	v14 =	vld [tilespmem:s30+$0xFFFFFD50];
	v15 =	vor.u32 s2, v5  }
0x74: {  	[tilespmem:v9+s17+$0x0] =	vst.idx.msk $0xffff, v8;
	v8 =	vld [tilespmem:s30+$0x2C0];
	v9 =	vor.u32 s26, v4  }
0x75: {  	[tilespmem:v17+s17+$0x0] =	vst.idx.msk $0xffff, v16;
	v16 =	vld [tilespmem:s30+$0xFFFFFDD0];
	v17 =	vor.u32 s3, v5  }
0x76: {  	[tilespmem:v11+s17+$0x0] =	vst.idx.msk $0xffff, v10;
	v10 =	vld [tilespmem:s30+$0xFFFFFED0];
	v11 =	vor.u32 s10, v5  }
0x77: {  	[tilespmem:v13+s17+$0x0] =	vst.idx.msk $0xffff, v12;
	v12 =	vld [tilespmem:s30+$0xFFFFFF50];
	v13 =	vor.u32 s11, v5  }
0x78: {  	[tilespmem:v15+s17+$0x0] =	vst.idx.msk $0xffff, v14;
	v14 =	vld [tilespmem:s30+$0xFFFFFFD0];
	v15 =	vor.u32 s8, v5  }
0x79: {  	[tilespmem:v9+s17+$0x0] =	vst.idx.msk $0xffff, v8;
	v8 =	vld [tilespmem:s30+$0xFFFFFE50];
	v9 =	vor.u32 s7, v5  }
0x7a: {  	[tilespmem:v17+s17+$0x0] =	vst.idx.msk $0xffff, v16;
	v16 =	vld [tilespmem:s30+$0x50];
	v17 =	vor.u32 s12, v5  }
0x7b: {  	[tilespmem:v11+s17+$0x0] =	vst.idx.msk $0xffff, v10;
	v10 =	vld [tilespmem:s30+$0x150];
	v11 =	vor.u32 s20, v5  }
0x7c: {  	[tilespmem:v13+s17+$0x0] =	vst.idx.msk $0xffff, v12;
	v12 =	vld [tilespmem:s30+$0x1D0];
	v13 =	vor.u32 s15, v5  }
0x7d: {  	[tilespmem:v15+s17+$0x0] =	vst.idx.msk $0xffff, v14;
	v14 =	vld [tilespmem:s30+$0x250];
	v15 =	vor.u32 s24, v5  }
0x7e: {  	[tilespmem:v9+s17+$0x0] =	vst.idx.msk $0xffff, v8;
	v8 =	vld [tilespmem:s30+$0xD0];
	v9 =	vor.u32 s19, v5  }
0x7f: {  	[tilespmem:v17+s17+$0x0] =	vst.idx.msk $0xffff, v16;
	v16 =	vld [tilespmem:s30+$0x2D0];
	v17 =	vor.u32 s26, v5  }
0x80: {  	[tilespmem:v11+s17+$0x0] =	vst.idx.msk $0xffff, v10;
	v10 =	vld [tilespmem:s30+$0xFFFFFCE0];
	v11 =	vor.u32 s31, v6  }
0x81: {  	[tilespmem:v13+s17+$0x0] =	vst.idx.msk $0xffff, v12;
	v12 =	vld [tilespmem:s30+$0xFFFFFD60];
	v13 =	vor.u32 s2, v6  }
0x82: {  	[tilespmem:v15+s17+$0x0] =	vst.idx.msk $0xffff, v14;
	v14 =	vld [tilespmem:s30+$0xFFFFFDE0];
	v15 =	vor.u32 s3, v6  }
0x83: {  	[tilespmem:v9+s17+$0x0] =	vst.idx.msk $0xffff, v8;
	v8 =	vld [tilespmem:s30+$0x350];
	v9 =	vor.u32 s28, v5  }
0x84: {  	[tilespmem:v17+s17+$0x0] =	vst.idx.msk $0xffff, v16;
	v16 =	vld [tilespmem:s30+$0xFFFFFE60];
	v17 =	vor.u32 s7, v6  }
0x85: {  	[tilespmem:v11+s17+$0x0] =	vst.idx.msk $0xffff, v10;
	v10 =	vld [tilespmem:s30+$0xFFFFFF60];
	v11 =	vor.u32 s11, v6  }
0x86: {  	[tilespmem:v13+s17+$0x0] =	vst.idx.msk $0xffff, v12;
	v12 =	vld [tilespmem:s30+$0xFFFFFFE0];
	v13 =	vor.u32 s8, v6  }
0x87: {  	[tilespmem:v15+s17+$0x0] =	vst.idx.msk $0xffff, v14;
	v14 =	vld [tilespmem:s30+$0x60];
	v15 =	vor.u32 s12, v6  }
0x88: {  	[tilespmem:v9+s17+$0x0] =	vst.idx.msk $0xffff, v8;
	v8 =	vld [tilespmem:s30+$0xFFFFFEE0];
	v9 =	vor.u32 s10, v6  }
0x89: {  	[tilespmem:v17+s17+$0x0] =	vst.idx.msk $0xffff, v16;
	v16 =	vld [tilespmem:s30+$0xE0];
	v17 =	vor.u32 s19, v6  }
0x8a: {  	[tilespmem:v11+s17+$0x0] =	vst.idx.msk $0xffff, v10;
	v10 =	vld [tilespmem:s30+$0x1E0];
	v11 =	vor.u32 s15, v6  }
0x8b: {  	[tilespmem:v13+s17+$0x0] =	vst.idx.msk $0xffff, v12;
	v12 =	vld [tilespmem:s30+$0x260];
	v13 =	vor.u32 s24, v6  }
0x8c: {  	[tilespmem:v15+s17+$0x0] =	vst.idx.msk $0xffff, v14;
	v14 =	vld [tilespmem:s30+$0x2E0];
	v15 =	vor.u32 s26, v6  }
0x8d: {  	[tilespmem:v9+s17+$0x0] =	vst.idx.msk $0xffff, v8;
	v8 =	vld [tilespmem:s30+$0x160];
	v9 =	vor.u32 s20, v6  }
0x8e: {  	[tilespmem:v17+s17+$0x0] =	vst.idx.msk $0xffff, v16;
	v16 =	vld [tilespmem:s30+$0x360];
	v17 =	vor.u32 s28, v6  }
0x8f: {  	[tilespmem:v11+s17+$0x0] =	vst.idx.msk $0xffff, v10;
	v10 =	vor.u32 s2, v7;
	v11 =	vld [tilespmem:s30+$0xFFFFFD70]  }
0x90: {  	[tilespmem:v13+s17+$0x0] =	vst.idx.msk $0xffff, v12;
	v12 =	vor.u32 s3, v7;
	v13 =	vld [tilespmem:s30+$0xFFFFFDF0]  }
0x91: {  	[tilespmem:v15+s17+$0x0] =	vst.idx.msk $0xffff, v14;
	v14 =	vor.u32 s7, v7;
	v15 =	vld [tilespmem:s30+$0xFFFFFE70]  }
0x92: {  	[tilespmem:v9+s17+$0x0] =	vst.idx.msk $0xffff, v8;
	v8 =	vor.u32 s31, v7;
	v9 =	vld [tilespmem:s30+$0xFFFFFCF0]  }
0x93: {  	[tilespmem:v17+s17+$0x0] =	vst.idx.msk $0xffff, v16  }
0x94: {  	v16 =	vor.u32 s10, v7;
	v17 =	vld [tilespmem:s30+$0xFFFFFEF0];
	[tilespmem:v10+s17+$0x0] =	vst.idx.msk $0xffff, v11  }
0x95: {  	v11 =	vor.u32 s12, v7;
	[tilespmem:v12+s17+$0x0] =	vst.idx.msk $0xffff, v13;
	v13 =	vld [tilespmem:s30+$0x70]  }
0x96: {  	v19 =	vor.u32 s19, v7;
	[tilespmem:v14+s17+$0x0] =	vst.idx.msk $0xffff, v15;
	v14 =	vld [tilespmem:s30+$0xF0]  }
0x97: {  	v18 =	vor.u32 s11, v7;
	[tilespmem:v8+s17+$0x0] =	vst.idx.msk $0xffff, v9;
	v8 =	vld [tilespmem:s30+$0xFFFFFF70]  }
0x98: {  	v10 =	vld [tilespmem:s30+$0xFFFFFFF0];
	v9 =	vor.u32 s8, v7  }
0x99: {  	v20 =	vor.u32 s20, v7;
	[tilespmem:v16+s17+$0x0] =	vst.idx.msk $0xffff, v17;
	v21 =	vld [tilespmem:s30+$0x170]  }
0x9a: {  	v15 =	vld [tilespmem:s30+$0x1F0];
	v17 =	vor.u32 s15, v7;
	[tilespmem:v11+s17+$0x0] =	vst.idx.msk $0xffff, v13  }
0x9b: {  	v12 =	vld [tilespmem:s30+$0x270];
	v16 =	vor.u32 s24, v7;
	[tilespmem:v19+s17+$0x0] =	vst.idx.msk $0xffff, v14  }
0x9c: {  	v13 =	vor.u32 s26, v7;
	[tilespmem:v18+s17+$0x0] =	vst.idx.msk $0xffff, v8;
	v8 =	vld [tilespmem:s30+$0x2F0]  }
0x9d: {  	s24 =	simm.s32 $0x10;
	v11 =	vor.u32 s28, v7;
	[tilespmem:v9+s17+$0x0] =	vst.idx.msk $0xffff, v10;
	v9 =	vld [tilespmem:s30+$0x370]  }
0x9e: {  	s26 =	simm.s32 $0x20;
	v14 =	vor.u32 s25, v7;
	s25 =	simm.s32 $0xC00;
	s8 =	simm.s32 $0x1F;
	[tilespmem:v20+s17+$0x0] =	vst.idx.msk $0xffff, v21;
	v10 =	vld [tilespmem:s30+$0xFFFFFC70]  }
.LBB2_3:
0x9f: {  	p2 =	slt.u32 s26, $0x30;
	s29 =	sadd.s32 $0x1, s24;
	v18 =	vld [tilespmem:s25+$0x380];
	v19 =	vor.u32 s8, v0;
	[tilespmem:v17+s17+$0x0] =	vst.idx.msk $0xffff, v15;
	s28 =	smov.u32 s24  }
0xa0: {  	s24 =	smov.u32 s26;
	v15 =	vld [tilespmem:s25+$0xFFFFFC80];
	v17 =	vor.u32 s29, v0;
	s30 =	sadd.s32 $0x2, s28;
	[tilespmem:v16+s17+$0x0] =	vst.idx.msk $0xffff, v12  }
0xa1: {  	s31 =	sadd.s32 $0x3, s28;
	v12 =	vld [tilespmem:s25+$0xFFFFFD00];
	v16 =	vor.u32 s30, v0;
	[tilespmem:v13+s17+$0x0] =	vst.idx.msk $0xffff, v8  }
0xa2: {  	s2 =	sadd.s32 $0x4, s28;
	v13 =	vor.u32 s31, v0;
	v8 =	vld [tilespmem:s25+$0xFFFFFD80];
	[tilespmem:v11+s17+$0x0] =	vst.idx.msk $0xffff, v9  }
0xa3: {  	s0 =	sadd.s32 $0x5, s28;
	v11 =	vor.u32 s2, v0;
	v9 =	vld [tilespmem:s25+$0xFFFFFE00];
	[tilespmem:v14+s17+$0x0] =	vst.idx.msk $0xffff, v10  }
0xa4: {  	v14 =	vor.u32 s0, v0;
	v10 =	vld [tilespmem:s25+$0xFFFFFE80];
	[tilespmem:v19+s17+$0x0] =	vst.idx.msk $0xffff, v18  }
0xa5: {  	s3 =	sadd.s32 $0x6, s28;
	[tilespmem:v17+s17+$0x0] =	vst.idx.msk $0xffff, v15;
	v15 =	vld [tilespmem:s25+$0x390];
	v17 =	vor.u32 s8, v1  }
0xa6: {  	s7 =	sadd.s32 $0x7, s28;
	[tilespmem:v16+s17+$0x0] =	vst.idx.msk $0xffff, v12;
	v12 =	vld [tilespmem:s25+$0xFFFFFF00];
	v16 =	vor.u32 s3, v0  }
0xa7: {  	s10 =	sadd.s32 $0x8, s28;
	[tilespmem:v13+s17+$0x0] =	vst.idx.msk $0xffff, v8;
	v8 =	vld [tilespmem:s25+$0xFFFFFF80];
	v13 =	vor.u32 s7, v0  }
0xa8: {  	s11 =	sadd.s32 $0x9, s28;
	[tilespmem:v11+s17+$0x0] =	vst.idx.msk $0xffff, v9;
	v9 =	vld [tilespmem:s25+$0x0];
	v11 =	vor.u32 s10, v0  }
0xa9: {  	s12 =	sadd.s32 $0xA, s28;
	[tilespmem:v14+s17+$0x0] =	vst.idx.msk $0xffff, v10;
	v10 =	vld [tilespmem:s25+$0x80];
	v14 =	vor.u32 s11, v0  }
0xaa: {  	v19 =	vor.u32 s12, v0;
	v18 =	vld [tilespmem:s25+$0x100];
	[tilespmem:v17+s17+$0x0] =	vst.idx.msk $0xffff, v15  }
0xab: {  	s19 =	sadd.s32 $0xB, s28;
	v15 =	vor.u32 s8, v2;
	[tilespmem:v16+s17+$0x0] =	vst.idx.msk $0xffff, v12;
	v12 =	vld [tilespmem:s25+$0x3A0]  }
0xac: {  	s20 =	sadd.s32 $0xC, s28;
	[tilespmem:v13+s17+$0x0] =	vst.idx.msk $0xffff, v8;
	v8 =	vld [tilespmem:s25+$0x180];
	v13 =	vor.u32 s19, v0  }
0xad: {  	s15 =	sadd.s32 $0xD, s28;
	[tilespmem:v11+s17+$0x0] =	vst.idx.msk $0xffff, v9;
	v9 =	vld [tilespmem:s25+$0x200];
	v11 =	vor.u32 s20, v0  }
0xae: {  	s1 =	sadd.s32 $0xE, s28;
	[tilespmem:v14+s17+$0x0] =	vst.idx.msk $0xffff, v10;
	v10 =	vld [tilespmem:s25+$0x280];
	v14 =	vor.u32 s15, v0  }
0xaf: {  	v17 =	vor.u32 s1, v0;
	[tilespmem:v19+s17+$0x0] =	vst.idx.msk $0xffff, v18;
	v16 =	vld [tilespmem:s25+$0x300]  }
0xb0: {  	v19 =	vor.u32 s28, v0;
	v18 =	vld [tilespmem:s25+$0xFFFFFC00];
	[tilespmem:v15+s17+$0x0] =	vst.idx.msk $0xffff, v12  }
0xb1: {  	v12 =	vor.u32 s8, v3;
	[tilespmem:v13+s17+$0x0] =	vst.idx.msk $0xffff, v8;
	v8 =	vld [tilespmem:s25+$0x3B0]  }
0xb2: {  	v15 =	vor.u32 s29, v1;
	v13 =	vld [tilespmem:s25+$0xFFFFFC90];
	[tilespmem:v11+s17+$0x0] =	vst.idx.msk $0xffff, v9  }
0xb3: {  	v11 =	vor.u32 s30, v1;
	v9 =	vld [tilespmem:s25+$0xFFFFFD10];
	[tilespmem:v14+s17+$0x0] =	vst.idx.msk $0xffff, v10  }
0xb4: {  	v14 =	vor.u32 s31, v1;
	v10 =	vld [tilespmem:s25+$0xFFFFFD90];
	[tilespmem:v17+s17+$0x0] =	vst.idx.msk $0xffff, v16  }
0xb5: {  	v17 =	vor.u32 s2, v1;
	[tilespmem:v19+s17+$0x0] =	vst.idx.msk $0xffff, v18;
	v16 =	vld [tilespmem:s25+$0xFFFFFE10]  }
0xb6: {  	v19 =	vor.u32 s0, v1;
	v18 =	vld [tilespmem:s25+$0xFFFFFE90];
	[tilespmem:v12+s17+$0x0] =	vst.idx.msk $0xffff, v8  }
0xb7: {  	v12 =	vor.u32 s8, v4;
	[tilespmem:v15+s17+$0x0] =	vst.idx.msk $0xffff, v13;
	v8 =	vld [tilespmem:s25+$0x3C0]  }
0xb8: {  	[tilespmem:v11+s17+$0x0] =	vst.idx.msk $0xffff, v9;
	v9 =	vld [tilespmem:s25+$0xFFFFFF10];
	v11 =	vor.u32 s3, v1  }
0xb9: {  	v13 =	vor.u32 s7, v1;
	[tilespmem:v14+s17+$0x0] =	vst.idx.msk $0xffff, v10;
	v10 =	vld [tilespmem:s25+$0xFFFFFF90]  }
0xba: {  	v15 =	vor.u32 s10, v1;
	[tilespmem:v17+s17+$0x0] =	vst.idx.msk $0xffff, v16;
	v14 =	vld [tilespmem:s25+$0x10]  }
0xbb: {  	v17 =	vor.u32 s11, v1;
	[tilespmem:v19+s17+$0x0] =	vst.idx.msk $0xffff, v18;
	v16 =	vld [tilespmem:s25+$0x90]  }
0xbc: {  	v19 =	vor.u32 s12, v1;
	v18 =	vld [tilespmem:s25+$0x110];
	[tilespmem:v12+s17+$0x0] =	vst.idx.msk $0xffff, v8  }
0xbd: {  	[tilespmem:v11+s17+$0x0] =	vst.idx.msk $0xffff, v9;
	v8 =	vld [tilespmem:s25+$0x3D0];
	v9 =	vor.u32 s8, v5  }
0xbe: {  	v11 =	vor.u32 s19, v1;
	[tilespmem:v13+s17+$0x0] =	vst.idx.msk $0xffff, v10;
	v10 =	vld [tilespmem:s25+$0x190]  }
0xbf: {  	v13 =	vor.u32 s20, v1;
	[tilespmem:v15+s17+$0x0] =	vst.idx.msk $0xffff, v14;
	v12 =	vld [tilespmem:s25+$0x210]  }
0xc0: {  	v15 =	vor.u32 s15, v1;
	[tilespmem:v17+s17+$0x0] =	vst.idx.msk $0xffff, v16;
	v14 =	vld [tilespmem:s25+$0x290]  }
0xc1: {  	v17 =	vor.u32 s1, v1;
	[tilespmem:v19+s17+$0x0] =	vst.idx.msk $0xffff, v18;
	v16 =	vld [tilespmem:s25+$0x310]  }
0xc2: {  	v19 =	vor.u32 s28, v1;
	v18 =	vld [tilespmem:s25+$0xFFFFFC10];
	[tilespmem:v9+s17+$0x0] =	vst.idx.msk $0xffff, v8  }
0xc3: {  	v9 =	vor.u32 s8, v6;
	[tilespmem:v11+s17+$0x0] =	vst.idx.msk $0xffff, v10;
	v8 =	vld [tilespmem:s25+$0x3E0]  }
0xc4: {  	v11 =	vor.u32 s29, v2;
	v10 =	vld [tilespmem:s25+$0xFFFFFCA0];
	[tilespmem:v13+s17+$0x0] =	vst.idx.msk $0xffff, v12  }
0xc5: {  	v13 =	vor.u32 s30, v2;
	v12 =	vld [tilespmem:s25+$0xFFFFFD20];
	[tilespmem:v15+s17+$0x0] =	vst.idx.msk $0xffff, v14  }
0xc6: {  	v15 =	vor.u32 s31, v2;
	v14 =	vld [tilespmem:s25+$0xFFFFFDA0];
	[tilespmem:v17+s17+$0x0] =	vst.idx.msk $0xffff, v16  }
0xc7: {  	v17 =	vor.u32 s2, v2;
	[tilespmem:v19+s17+$0x0] =	vst.idx.msk $0xffff, v18;
	v16 =	vld [tilespmem:s25+$0xFFFFFE20]  }
0xc8: {  	v19 =	vor.u32 s0, v2;
	v18 =	vld [tilespmem:s25+$0xFFFFFEA0];
	[tilespmem:v9+s17+$0x0] =	vst.idx.msk $0xffff, v8  }
0xc9: {  	v9 =	vor.u32 s8, v7;
	[tilespmem:v11+s17+$0x0] =	vst.idx.msk $0xffff, v10;
	v8 =	vld [tilespmem:s25+$0x3F0]  }
0xca: {  	v11 =	vor.u32 s3, v2;
	[tilespmem:v13+s17+$0x0] =	vst.idx.msk $0xffff, v12;
	v10 =	vld [tilespmem:s25+$0xFFFFFF20]  }
0xcb: {  	v13 =	vor.u32 s7, v2;
	[tilespmem:v15+s17+$0x0] =	vst.idx.msk $0xffff, v14;
	v12 =	vld [tilespmem:s25+$0xFFFFFFA0]  }
0xcc: {  	v15 =	vor.u32 s10, v2;
	[tilespmem:v17+s17+$0x0] =	vst.idx.msk $0xffff, v16;
	v14 =	vld [tilespmem:s25+$0x20]  }
0xcd: {  	v17 =	vor.u32 s11, v2;
	[tilespmem:v19+s17+$0x0] =	vst.idx.msk $0xffff, v18;
	v16 =	vld [tilespmem:s25+$0xA0]  }
0xce: {  	v19 =	vor.u32 s12, v2;
	v18 =	vld [tilespmem:s25+$0x120];
	[tilespmem:v9+s17+$0x0] =	vst.idx.msk $0xffff, v8  }
0xcf: {  	v9 =	vor.u32 s19, v2;
	[tilespmem:v11+s17+$0x0] =	vst.idx.msk $0xffff, v10;
	v8 =	vld [tilespmem:s25+$0x1A0]  }
0xd0: {  	v11 =	vor.u32 s20, v2;
	[tilespmem:v13+s17+$0x0] =	vst.idx.msk $0xffff, v12;
	v10 =	vld [tilespmem:s25+$0x220]  }
0xd1: {  	v13 =	vor.u32 s15, v2;
	[tilespmem:v15+s17+$0x0] =	vst.idx.msk $0xffff, v14;
	v12 =	vld [tilespmem:s25+$0x2A0]  }
0xd2: {  	v15 =	vor.u32 s1, v2;
	[tilespmem:v17+s17+$0x0] =	vst.idx.msk $0xffff, v16;
	v14 =	vld [tilespmem:s25+$0x320]  }
0xd3: {  	v17 =	vor.u32 s28, v2;
	v16 =	vld [tilespmem:s25+$0xFFFFFC20];
	[tilespmem:v19+s17+$0x0] =	vst.idx.msk $0xffff, v18  }
0xd4: {  	v19 =	vor.u32 s29, v3;
	v18 =	vld [tilespmem:s25+$0xFFFFFCB0];
	[tilespmem:v9+s17+$0x0] =	vst.idx.msk $0xffff, v8  }
0xd5: {  	v9 =	vor.u32 s30, v3;
	v8 =	vld [tilespmem:s25+$0xFFFFFD30];
	[tilespmem:v11+s17+$0x0] =	vst.idx.msk $0xffff, v10  }
0xd6: {  	v11 =	vor.u32 s31, v3;
	v10 =	vld [tilespmem:s25+$0xFFFFFDB0];
	[tilespmem:v13+s17+$0x0] =	vst.idx.msk $0xffff, v12  }
0xd7: {  	v13 =	vor.u32 s2, v3;
	v12 =	vld [tilespmem:s25+$0xFFFFFE30];
	[tilespmem:v15+s17+$0x0] =	vst.idx.msk $0xffff, v14  }
0xd8: {  	v15 =	vor.u32 s0, v3;
	[tilespmem:v17+s17+$0x0] =	vst.idx.msk $0xffff, v16;
	v14 =	vld [tilespmem:s25+$0xFFFFFEB0]  }
0xd9: {  	v17 =	vor.u32 s3, v3;
	[tilespmem:v19+s17+$0x0] =	vst.idx.msk $0xffff, v18;
	v16 =	vld [tilespmem:s25+$0xFFFFFF30]  }
0xda: {  	[tilespmem:v9+s17+$0x0] =	vst.idx.msk $0xffff, v8;
	v8 =	vld [tilespmem:s25+$0xFFFFFFB0];
	v9 =	vor.u32 s7, v3  }
0xdb: {  	[tilespmem:v11+s17+$0x0] =	vst.idx.msk $0xffff, v10;
	v10 =	vld [tilespmem:s25+$0x30];
	v11 =	vor.u32 s10, v3  }
0xdc: {  	[tilespmem:v13+s17+$0x0] =	vst.idx.msk $0xffff, v12;
	v12 =	vld [tilespmem:s25+$0xB0];
	v13 =	vor.u32 s11, v3  }
0xdd: {  	[tilespmem:v15+s17+$0x0] =	vst.idx.msk $0xffff, v14;
	v14 =	vld [tilespmem:s25+$0x130];
	v15 =	vor.u32 s12, v3  }
0xde: {  	[tilespmem:v17+s17+$0x0] =	vst.idx.msk $0xffff, v16;
	v16 =	vld [tilespmem:s25+$0x1B0];
	v17 =	vor.u32 s19, v3  }
0xdf: {  	[tilespmem:v9+s17+$0x0] =	vst.idx.msk $0xffff, v8;
	v8 =	vld [tilespmem:s25+$0x230];
	v9 =	vor.u32 s20, v3  }
0xe0: {  	[tilespmem:v11+s17+$0x0] =	vst.idx.msk $0xffff, v10;
	v10 =	vld [tilespmem:s25+$0x2B0];
	v11 =	vor.u32 s15, v3  }
0xe1: {  	[tilespmem:v13+s17+$0x0] =	vst.idx.msk $0xffff, v12;
	v12 =	vld [tilespmem:s25+$0x330];
	v13 =	vor.u32 s1, v3  }
0xe2: {  	v19 =	vor.u32 s28, v3;
	v18 =	vld [tilespmem:s25+$0xFFFFFC30];
	[tilespmem:v15+s17+$0x0] =	vst.idx.msk $0xffff, v14  }
0xe3: {  	v15 =	vor.u32 s29, v4;
	v14 =	vld [tilespmem:s25+$0xFFFFFCC0];
	[tilespmem:v17+s17+$0x0] =	vst.idx.msk $0xffff, v16  }
0xe4: {  	v17 =	vor.u32 s30, v4;
	v16 =	vld [tilespmem:s25+$0xFFFFFD40];
	[tilespmem:v9+s17+$0x0] =	vst.idx.msk $0xffff, v8  }
0xe5: {  	v9 =	vor.u32 s31, v4;
	v8 =	vld [tilespmem:s25+$0xFFFFFDC0];
	[tilespmem:v11+s17+$0x0] =	vst.idx.msk $0xffff, v10  }
0xe6: {  	v11 =	vor.u32 s2, v4;
	v10 =	vld [tilespmem:s25+$0xFFFFFE40];
	[tilespmem:v13+s17+$0x0] =	vst.idx.msk $0xffff, v12  }
0xe7: {  	v13 =	vor.u32 s0, v4;
	[tilespmem:v19+s17+$0x0] =	vst.idx.msk $0xffff, v18;
	v12 =	vld [tilespmem:s25+$0xFFFFFEC0]  }
0xe8: {  	[tilespmem:v15+s17+$0x0] =	vst.idx.msk $0xffff, v14;
	v14 =	vld [tilespmem:s25+$0xFFFFFF40];
	v15 =	vor.u32 s3, v4  }
0xe9: {  	[tilespmem:v17+s17+$0x0] =	vst.idx.msk $0xffff, v16;
	v16 =	vld [tilespmem:s25+$0xFFFFFFC0];
	v17 =	vor.u32 s7, v4  }
0xea: {  	[tilespmem:v9+s17+$0x0] =	vst.idx.msk $0xffff, v8;
	v8 =	vld [tilespmem:s25+$0x40];
	v9 =	vor.u32 s10, v4  }
0xeb: {  	[tilespmem:v11+s17+$0x0] =	vst.idx.msk $0xffff, v10;
	v10 =	vld [tilespmem:s25+$0xC0];
	v11 =	vor.u32 s11, v4  }
0xec: {  	[tilespmem:v13+s17+$0x0] =	vst.idx.msk $0xffff, v12;
	v12 =	vld [tilespmem:s25+$0x140];
	v13 =	vor.u32 s12, v4  }
0xed: {  	[tilespmem:v15+s17+$0x0] =	vst.idx.msk $0xffff, v14;
	v14 =	vld [tilespmem:s25+$0x1C0];
	v15 =	vor.u32 s19, v4  }
0xee: {  	[tilespmem:v17+s17+$0x0] =	vst.idx.msk $0xffff, v16;
	v16 =	vld [tilespmem:s25+$0x240];
	v17 =	vor.u32 s20, v4  }
0xef: {  	[tilespmem:v9+s17+$0x0] =	vst.idx.msk $0xffff, v8;
	v8 =	vld [tilespmem:s25+$0x2C0];
	v9 =	vor.u32 s15, v4  }
0xf0: {  	[tilespmem:v11+s17+$0x0] =	vst.idx.msk $0xffff, v10;
	v10 =	vld [tilespmem:s25+$0x340];
	v11 =	vor.u32 s1, v4  }
0xf1: {  	v19 =	vor.u32 s28, v4;
	v18 =	vld [tilespmem:s25+$0xFFFFFC40];
	[tilespmem:v13+s17+$0x0] =	vst.idx.msk $0xffff, v12  }
0xf2: {  	v13 =	vor.u32 s29, v5;
	v12 =	vld [tilespmem:s25+$0xFFFFFCD0];
	[tilespmem:v15+s17+$0x0] =	vst.idx.msk $0xffff, v14  }
0xf3: {  	v15 =	vor.u32 s30, v5;
	v14 =	vld [tilespmem:s25+$0xFFFFFD50];
	[tilespmem:v17+s17+$0x0] =	vst.idx.msk $0xffff, v16  }
0xf4: {  	v17 =	vor.u32 s31, v5;
	v16 =	vld [tilespmem:s25+$0xFFFFFDD0];
	[tilespmem:v9+s17+$0x0] =	vst.idx.msk $0xffff, v8  }
0xf5: {  	v9 =	vor.u32 s2, v5;
	v8 =	vld [tilespmem:s25+$0xFFFFFE50];
	[tilespmem:v11+s17+$0x0] =	vst.idx.msk $0xffff, v10  }
0xf6: {  	v11 =	vor.u32 s0, v5;
	[tilespmem:v19+s17+$0x0] =	vst.idx.msk $0xffff, v18;
	v10 =	vld [tilespmem:s25+$0xFFFFFED0]  }
0xf7: {  	[tilespmem:v13+s17+$0x0] =	vst.idx.msk $0xffff, v12;
	v12 =	vld [tilespmem:s25+$0xFFFFFF50];
	v13 =	vor.u32 s3, v5  }
0xf8: {  	[tilespmem:v15+s17+$0x0] =	vst.idx.msk $0xffff, v14;
	v14 =	vld [tilespmem:s25+$0xFFFFFFD0];
	v15 =	vor.u32 s7, v5  }
0xf9: {  	[tilespmem:v17+s17+$0x0] =	vst.idx.msk $0xffff, v16;
	v16 =	vld [tilespmem:s25+$0x50];
	v17 =	vor.u32 s10, v5  }
0xfa: {  	[tilespmem:v9+s17+$0x0] =	vst.idx.msk $0xffff, v8;
	v8 =	vld [tilespmem:s25+$0xD0];
	v9 =	vor.u32 s11, v5  }
0xfb: {  	[tilespmem:v11+s17+$0x0] =	vst.idx.msk $0xffff, v10;
	v10 =	vld [tilespmem:s25+$0x150];
	v11 =	vor.u32 s12, v5  }
0xfc: {  	[tilespmem:v13+s17+$0x0] =	vst.idx.msk $0xffff, v12;
	v12 =	vld [tilespmem:s25+$0x1D0];
	v13 =	vor.u32 s19, v5  }
0xfd: {  	[tilespmem:v15+s17+$0x0] =	vst.idx.msk $0xffff, v14;
	v14 =	vld [tilespmem:s25+$0x250];
	v15 =	vor.u32 s20, v5  }
0xfe: {  	[tilespmem:v17+s17+$0x0] =	vst.idx.msk $0xffff, v16;
	v16 =	vld [tilespmem:s25+$0x2D0];
	v17 =	vor.u32 s15, v5  }
0xff: {  	[tilespmem:v9+s17+$0x0] =	vst.idx.msk $0xffff, v8;
	v8 =	vld [tilespmem:s25+$0x350];
	v9 =	vor.u32 s1, v5  }
0x100: {  	v19 =	vor.u32 s28, v5;
	v18 =	vld [tilespmem:s25+$0xFFFFFC50];
	[tilespmem:v11+s17+$0x0] =	vst.idx.msk $0xffff, v10  }
0x101: {  	v11 =	vor.u32 s29, v6;
	v10 =	vld [tilespmem:s25+$0xFFFFFCE0];
	[tilespmem:v13+s17+$0x0] =	vst.idx.msk $0xffff, v12  }
0x102: {  	v13 =	vor.u32 s30, v6;
	v12 =	vld [tilespmem:s25+$0xFFFFFD60];
	[tilespmem:v15+s17+$0x0] =	vst.idx.msk $0xffff, v14  }
0x103: {  	v15 =	vor.u32 s31, v6;
	v14 =	vld [tilespmem:s25+$0xFFFFFDE0];
	[tilespmem:v17+s17+$0x0] =	vst.idx.msk $0xffff, v16  }
0x104: {  	v17 =	vor.u32 s2, v6;
	v16 =	vld [tilespmem:s25+$0xFFFFFE60];
	[tilespmem:v9+s17+$0x0] =	vst.idx.msk $0xffff, v8  }
0x105: {  	v9 =	vor.u32 s0, v6;
	[tilespmem:v19+s17+$0x0] =	vst.idx.msk $0xffff, v18;
	v8 =	vld [tilespmem:s25+$0xFFFFFEE0]  }
0x106: {  	[tilespmem:v11+s17+$0x0] =	vst.idx.msk $0xffff, v10;
	v10 =	vld [tilespmem:s25+$0xFFFFFF60];
	v11 =	vor.u32 s3, v6  }
0x107: {  	[tilespmem:v13+s17+$0x0] =	vst.idx.msk $0xffff, v12;
	v12 =	vld [tilespmem:s25+$0xFFFFFFE0];
	v13 =	vor.u32 s7, v6  }
0x108: {  	[tilespmem:v15+s17+$0x0] =	vst.idx.msk $0xffff, v14;
	v14 =	vld [tilespmem:s25+$0x60];
	v15 =	vor.u32 s10, v6  }
0x109: {  	[tilespmem:v17+s17+$0x0] =	vst.idx.msk $0xffff, v16;
	v16 =	vld [tilespmem:s25+$0xE0];
	v17 =	vor.u32 s11, v6  }
0x10a: {  	[tilespmem:v9+s17+$0x0] =	vst.idx.msk $0xffff, v8;
	v8 =	vld [tilespmem:s25+$0x160];
	v9 =	vor.u32 s12, v6  }
0x10b: {  	[tilespmem:v11+s17+$0x0] =	vst.idx.msk $0xffff, v10;
	v10 =	vld [tilespmem:s25+$0x1E0];
	v11 =	vor.u32 s19, v6  }
0x10c: {  	[tilespmem:v13+s17+$0x0] =	vst.idx.msk $0xffff, v12;
	v12 =	vld [tilespmem:s25+$0x260];
	v13 =	vor.u32 s20, v6  }
0x10d: {  	[tilespmem:v15+s17+$0x0] =	vst.idx.msk $0xffff, v14;
	v14 =	vld [tilespmem:s25+$0x2E0];
	v15 =	vor.u32 s15, v6  }
0x10e: {  	[tilespmem:v17+s17+$0x0] =	vst.idx.msk $0xffff, v16;
	v16 =	vld [tilespmem:s25+$0x360];
	v17 =	vor.u32 s1, v6  }
0x10f: {  	v19 =	vor.u32 s28, v6;
	v18 =	vld [tilespmem:s25+$0xFFFFFC60];
	[tilespmem:v9+s17+$0x0] =	vst.idx.msk $0xffff, v8  }
0x110: {  	v9 =	vor.u32 s29, v7;
	v8 =	vld [tilespmem:s25+$0xFFFFFCF0];
	[tilespmem:v11+s17+$0x0] =	vst.idx.msk $0xffff, v10  }
0x111: {  	v11 =	vor.u32 s30, v7;
	v10 =	vld [tilespmem:s25+$0xFFFFFD70];
	[tilespmem:v13+s17+$0x0] =	vst.idx.msk $0xffff, v12  }
0x112: {  	v13 =	vor.u32 s31, v7;
	v12 =	vld [tilespmem:s25+$0xFFFFFDF0];
	[tilespmem:v15+s17+$0x0] =	vst.idx.msk $0xffff, v14  }
0x113: {  	v15 =	vor.u32 s2, v7;
	v14 =	vld [tilespmem:s25+$0xFFFFFE70];
	[tilespmem:v17+s17+$0x0] =	vst.idx.msk $0xffff, v16  }
0x114: {  	v17 =	vor.u32 s0, v7;
	[tilespmem:v19+s17+$0x0] =	vst.idx.msk $0xffff, v18;
	v16 =	vld [tilespmem:s25+$0xFFFFFEF0]  }
0x115: {  	[tilespmem:v9+s17+$0x0] =	vst.idx.msk $0xffff, v8;
	v8 =	vld [tilespmem:s25+$0xFFFFFF70];
	v9 =	vor.u32 s3, v7  }
0x116: {  	[tilespmem:v11+s17+$0x0] =	vst.idx.msk $0xffff, v10;
	v10 =	vld [tilespmem:s25+$0xFFFFFFF0];
	v11 =	vor.u32 s7, v7  }
0x117: {  	v18 =	vor.u32 s10, v7;
	[tilespmem:v13+s17+$0x0] =	vst.idx.msk $0xffff, v12;
	v13 =	vld [tilespmem:s25+$0x70]  }
0x118: {  	v19 =	vor.u32 s11, v7;
	[tilespmem:v15+s17+$0x0] =	vst.idx.msk $0xffff, v14;
	v14 =	vld [tilespmem:s25+$0xF0]  }
0x119: {  	v21 =	vor.u32 s12, v7;
	[tilespmem:v17+s17+$0x0] =	vst.idx.msk $0xffff, v16;
	v20 =	vld [tilespmem:s25+$0x170]  }
.Ltmp0:
0x11a: {  	v17 =	vor.u32 s19, v7;
	[tilespmem:v9+s17+$0x0] =	vst.idx.msk $0xffff, v8;
	v15 =	vld [tilespmem:s25+$0x1F0];
	(pc) =	sbr.rel @p2 .LBB2_3-.Ltmp0, $4  }
0x11b: {  	v16 =	vor.u32 s20, v7;
	[tilespmem:v11+s17+$0x0] =	vst.idx.msk $0xffff, v10;
	v12 =	vld [tilespmem:s25+$0x270]  }
0x11c: {  	[tilespmem:v18+s17+$0x0] =	vst.idx.msk $0xffff, v13;
	v8 =	vld [tilespmem:s25+$0x2F0];
	v13 =	vor.u32 s15, v7  }
0x11d: {  	v11 =	vor.u32 s1, v7;
	[tilespmem:v19+s17+$0x0] =	vst.idx.msk $0xffff, v14;
	v9 =	vld [tilespmem:s25+$0x370]  }
0x11e: {  	s26 =	sadd.s32 $0x10, s26;
	s8 =	sadd.s32 $0xF, s24;
	v14 =	vor.u32 s28, v7;
	v10 =	vld [tilespmem:s25+$0xFFFFFC70];
	[tilespmem:v21+s17+$0x0] =	vst.idx.msk $0xffff, v20;
	s25 =	sadd.s32 $0x800, s25  }
0x11f: {  	_ =	sdelay $0x3  }
0x120: {  	s0 =	sadd.s32 $0x1, s24;
	v18 =	vld [tilespmem:s25+$0x380];
	v19 =	vor.u32 s8, v0;
	[tilespmem:v17+s17+$0x0] =	vst.idx.msk $0xffff, v15  }
0x121: {  	v15 =	vld [tilespmem:s25+$0xFFFFFC80];
	s1 =	sadd.s32 $0x2, s24;
	v17 =	vor.u32 s0, v0;
	[tilespmem:v16+s17+$0x0] =	vst.idx.msk $0xffff, v12  }
0x122: {  	s2 =	sadd.s32 $0x3, s24;
	v12 =	vld [tilespmem:s25+$0xFFFFFD00];
	v16 =	vor.u32 s1, v0;
	[tilespmem:v13+s17+$0x0] =	vst.idx.msk $0xffff, v8  }
0x123: {  	s3 =	sadd.s32 $0x4, s24;
	v8 =	vld [tilespmem:s25+$0xFFFFFD80];
	v13 =	vor.u32 s2, v0;
	[tilespmem:v11+s17+$0x0] =	vst.idx.msk $0xffff, v9  }
0x124: {  	v9 =	vld [tilespmem:s25+$0xFFFFFE00];
	v11 =	vor.u32 s3, v0;
	[tilespmem:v14+s17+$0x0] =	vst.idx.msk $0xffff, v10  }
0x125: {  	s7 =	sadd.s32 $0x5, s24;
	[tilespmem:v19+s17+$0x0] =	vst.idx.msk $0xffff, v18  }
0x126: {  	v10 =	vld [tilespmem:s25+$0xFFFFFE80];
	v14 =	vor.u32 s7, v0;
	[tilespmem:v17+s17+$0x0] =	vst.idx.msk $0xffff, v15  }
0x127: {  	s10 =	sadd.s32 $0x6, s24;
	v15 =	vld [tilespmem:s25+$0x390];
	v17 =	vor.u32 s8, v1;
	[tilespmem:v16+s17+$0x0] =	vst.idx.msk $0xffff, v12  }
0x128: {  	s11 =	sadd.s32 $0x7, s24;
	v12 =	vld [tilespmem:s25+$0xFFFFFF00];
	v16 =	vor.u32 s10, v0;
	[tilespmem:v13+s17+$0x0] =	vst.idx.msk $0xffff, v8  }
0x129: {  	s12 =	sadd.s32 $0x8, s24;
	v8 =	vld [tilespmem:s25+$0xFFFFFF80];
	v13 =	vor.u32 s11, v0;
	[tilespmem:v11+s17+$0x0] =	vst.idx.msk $0xffff, v9  }
0x12a: {  	s15 =	sadd.s32 $0x9, s24;
	v11 =	vor.u32 s12, v0;
	v9 =	vld [tilespmem:s25+$0x0]  }
0x12b: {  	s19 =	sadd.s32 $0xA, s24;
	[tilespmem:v14+s17+$0x0] =	vst.idx.msk $0xffff, v10;
	v10 =	vld [tilespmem:s25+$0x80];
	v14 =	vor.u32 s15, v0  }
0x12c: {  	s29 =	sadd.s32 $0xE, s24;
	v19 =	vor.u32 s19, v0;
	v18 =	vld [tilespmem:s25+$0x100];
	[tilespmem:v17+s17+$0x0] =	vst.idx.msk $0xffff, v15  }
0x12d: {  	[tilespmem:v16+s17+$0x0] =	vst.idx.msk $0xffff, v12;
	v16 =	vld [tilespmem:s25+$0x300];
	v17 =	vor.u32 s29, v0  }
0x12e: {  	s20 =	sadd.s32 $0xB, s24;
	v15 =	vor.u32 s8, v2;
	v12 =	vld [tilespmem:s25+$0x3A0];
	[tilespmem:v13+s17+$0x0] =	vst.idx.msk $0xffff, v8  }
0x12f: {  	s26 =	sadd.s32 $0xC, s24;
	v8 =	vld [tilespmem:s25+$0x180];
	v13 =	vor.u32 s20, v0;
	[tilespmem:v11+s17+$0x0] =	vst.idx.msk $0xffff, v9  }
0x130: {  	s28 =	sadd.s32 $0xD, s24;
	v9 =	vld [tilespmem:s25+$0x200];
	v11 =	vor.u32 s26, v0;
	[tilespmem:v14+s17+$0x0] =	vst.idx.msk $0xffff, v10  }
0x131: {  	v10 =	vld [tilespmem:s25+$0x280];
	v14 =	vor.u32 s28, v0;
	[tilespmem:v19+s17+$0x0] =	vst.idx.msk $0xffff, v18  }
0x132: {  	v18 =	vld [tilespmem:s25+$0xFFFFFC00];
	v19 =	vor.u32 s24, v0;
	[tilespmem:v17+s17+$0x0] =	vst.idx.msk $0xffff, v16  }
0x133: {  	v16 =	vld [tilespmem:s25+$0xFFFFFE10];
	v17 =	vor.u32 s3, v1;
	[tilespmem:v15+s17+$0x0] =	vst.idx.msk $0xffff, v12  }
0x134: {  	[tilespmem:v13+s17+$0x0] =	vst.idx.msk $0xffff, v8;
	v13 =	vld [tilespmem:s25+$0xFFFFFC90];
	v15 =	vor.u32 s0, v1  }
0x135: {  	v12 =	vor.u32 s8, v3;
	v8 =	vld [tilespmem:s25+$0x3B0];
	[tilespmem:v11+s17+$0x0] =	vst.idx.msk $0xffff, v9  }
0x136: {  	v9 =	vld [tilespmem:s25+$0xFFFFFD10];
	v11 =	vor.u32 s1, v1;
	[tilespmem:v14+s17+$0x0] =	vst.idx.msk $0xffff, v10  }
0x137: {  	v10 =	vld [tilespmem:s25+$0xFFFFFD90];
	v14 =	vor.u32 s2, v1;
	[tilespmem:v19+s17+$0x0] =	vst.idx.msk $0xffff, v18  }
0x138: {  	[tilespmem:v17+s17+$0x0] =	vst.idx.msk $0xffff, v16  }
0x139: {  	v18 =	vld [tilespmem:s25+$0xFFFFFE90];
	v19 =	vor.u32 s7, v1;
	[tilespmem:v15+s17+$0x0] =	vst.idx.msk $0xffff, v13  }
0x13a: {  	v16 =	vld [tilespmem:s25+$0x90];
	v17 =	vor.u32 s15, v1;
	[tilespmem:v12+s17+$0x0] =	vst.idx.msk $0xffff, v8  }
0x13b: {  	[tilespmem:v11+s17+$0x0] =	vst.idx.msk $0xffff, v9;
	v9 =	vld [tilespmem:s25+$0xFFFFFF10];
	v11 =	vor.u32 s10, v1  }
0x13c: {  	v13 =	vor.u32 s11, v1;
	[tilespmem:v14+s17+$0x0] =	vst.idx.msk $0xffff, v10;
	v10 =	vld [tilespmem:s25+$0xFFFFFF90]  }
0x13d: {  	v12 =	vor.u32 s8, v4;
	v8 =	vld [tilespmem:s25+$0x3C0]  }
0x13e: {  	v15 =	vor.u32 s12, v1;
	v14 =	vld [tilespmem:s25+$0x10];
	[tilespmem:v19+s17+$0x0] =	vst.idx.msk $0xffff, v18  }
0x13f: {  	v18 =	vld [tilespmem:s25+$0x110];
	v19 =	vor.u32 s19, v1;
	[tilespmem:v17+s17+$0x0] =	vst.idx.msk $0xffff, v16  }
0x140: {  	v16 =	vld [tilespmem:s25+$0x310];
	v17 =	vor.u32 s29, v1;
	[tilespmem:v11+s17+$0x0] =	vst.idx.msk $0xffff, v9  }
0x141: {  	[tilespmem:v13+s17+$0x0] =	vst.idx.msk $0xffff, v10;
	v10 =	vld [tilespmem:s25+$0x190];
	v11 =	vor.u32 s20, v1  }
0x142: {  	[tilespmem:v12+s17+$0x0] =	vst.idx.msk $0xffff, v8;
	v12 =	vld [tilespmem:s25+$0x210];
	v13 =	vor.u32 s26, v1  }
0x143: {  	[tilespmem:v15+s17+$0x0] =	vst.idx.msk $0xffff, v14;
	v14 =	vld [tilespmem:s25+$0x290];
	v15 =	vor.u32 s28, v1  }
0x144: {  	[tilespmem:v19+s17+$0x0] =	vst.idx.msk $0xffff, v18;
	v18 =	vld [tilespmem:s25+$0xFFFFFC10];
	v19 =	vor.u32 s24, v1  }
0x145: {  	v9 =	vor.u32 s8, v5;
	v8 =	vld [tilespmem:s25+$0x3D0];
	[tilespmem:v17+s17+$0x0] =	vst.idx.msk $0xffff, v16  }
0x146: {  	v16 =	vld [tilespmem:s25+$0xFFFFFE20];
	v17 =	vor.u32 s3, v2;
	[tilespmem:v11+s17+$0x0] =	vst.idx.msk $0xffff, v10  }
0x147: {  	v10 =	vld [tilespmem:s25+$0xFFFFFCA0];
	v11 =	vor.u32 s0, v2;
	[tilespmem:v13+s17+$0x0] =	vst.idx.msk $0xffff, v12  }
0x148: {  	v12 =	vld [tilespmem:s25+$0xFFFFFD20];
	v13 =	vor.u32 s1, v2;
	[tilespmem:v15+s17+$0x0] =	vst.idx.msk $0xffff, v14  }
0x149: {  	v14 =	vld [tilespmem:s25+$0xFFFFFDA0];
	v15 =	vor.u32 s2, v2;
	[tilespmem:v19+s17+$0x0] =	vst.idx.msk $0xffff, v18  }
0x14a: {  	v18 =	vld [tilespmem:s25+$0xFFFFFEA0];
	v19 =	vor.u32 s7, v2;
	[tilespmem:v9+s17+$0x0] =	vst.idx.msk $0xffff, v8  }
0x14b: {  	v9 =	vor.u32 s8, v6;
	v8 =	vld [tilespmem:s25+$0x3E0];
	[tilespmem:v17+s17+$0x0] =	vst.idx.msk $0xffff, v16  }
0x14c: {  	v16 =	vld [tilespmem:s25+$0xA0];
	v17 =	vor.u32 s15, v2;
	[tilespmem:v11+s17+$0x0] =	vst.idx.msk $0xffff, v10  }
0x14d: {  	[tilespmem:v13+s17+$0x0] =	vst.idx.msk $0xffff, v12;
	v10 =	vld [tilespmem:s25+$0xFFFFFF20];
	v11 =	vor.u32 s10, v2  }
0x14e: {  	[tilespmem:v15+s17+$0x0] =	vst.idx.msk $0xffff, v14;
	v12 =	vld [tilespmem:s25+$0xFFFFFFA0];
	v13 =	vor.u32 s11, v2  }
0x14f: {  	v14 =	vld [tilespmem:s25+$0x20];
	v15 =	vor.u32 s12, v2;
	[tilespmem:v19+s17+$0x0] =	vst.idx.msk $0xffff, v18  }
0x150: {  	v18 =	vld [tilespmem:s25+$0x120];
	v19 =	vor.u32 s19, v2;
	[tilespmem:v9+s17+$0x0] =	vst.idx.msk $0xffff, v8  }
0x151: {  	[tilespmem:v17+s17+$0x0] =	vst.idx.msk $0xffff, v16;
	v16 =	vld [tilespmem:s25+$0xFFFFFC20];
	v17 =	vor.u32 s24, v2  }
0x152: {  	v8 =	vor.u32 s8, v7;
	v9 =	vld [tilespmem:s25+$0x3F0];
	[tilespmem:v11+s17+$0x0] =	vst.idx.msk $0xffff, v10  }
0x153: {  	[tilespmem:v13+s17+$0x0] =	vst.idx.msk $0xffff, v12;
	v10 =	vld [tilespmem:s25+$0x220];
	v11 =	vor.u32 s26, v2  }
0x154: {  	[tilespmem:v15+s17+$0x0] =	vst.idx.msk $0xffff, v14;
	v12 =	vld [tilespmem:s25+$0x2A0];
	v13 =	vor.u32 s28, v2  }
0x155: {  	v14 =	vld [tilespmem:s25+$0x320];
	v15 =	vor.u32 s29, v2;
	[tilespmem:v19+s17+$0x0] =	vst.idx.msk $0xffff, v18  }
0x156: {  	v18 =	vld [tilespmem:s25+$0xFFFFFCB0];
	v19 =	vor.u32 s0, v3;
	[tilespmem:v17+s17+$0x0] =	vst.idx.msk $0xffff, v16  }
0x157: {  	v16 =	vld [tilespmem:s25+$0xFFFFFF30];
	v17 =	vor.u32 s10, v3;
	[tilespmem:v8+s17+$0x0] =	vst.idx.msk $0xffff, v9  }
0x158: {  	v8 =	vld [tilespmem:s25+$0x1A0];
	v9 =	vor.u32 s20, v2;
	[tilespmem:v11+s17+$0x0] =	vst.idx.msk $0xffff, v10  }
0x159: {  	v10 =	vld [tilespmem:s25+$0xFFFFFDB0];
	v11 =	vor.u32 s2, v3;
	[tilespmem:v13+s17+$0x0] =	vst.idx.msk $0xffff, v12  }
0x15a: {  	v12 =	vld [tilespmem:s25+$0xFFFFFE30];
	v13 =	vor.u32 s3, v3;
	[tilespmem:v15+s17+$0x0] =	vst.idx.msk $0xffff, v14  }
0x15b: {  	v14 =	vld [tilespmem:s25+$0xFFFFFEB0];
	v15 =	vor.u32 s7, v3;
	[tilespmem:v19+s17+$0x0] =	vst.idx.msk $0xffff, v18  }
0x15c: {  	v18 =	vld [tilespmem:s25+$0xFFFFFC30];
	v19 =	vor.u32 s24, v3;
	[tilespmem:v17+s17+$0x0] =	vst.idx.msk $0xffff, v16  }
0x15d: {  	[tilespmem:v9+s17+$0x0] =	vst.idx.msk $0xffff, v8;
	v8 =	vld [tilespmem:s25+$0xFFFFFD30];
	v9 =	vor.u32 s1, v3  }
0x15e: {  	v17 =	vor.u32 s20, v3;
	v16 =	vld [tilespmem:s25+$0x1B0];
	[tilespmem:v11+s17+$0x0] =	vst.idx.msk $0xffff, v10  }
0x15f: {  	v10 =	vld [tilespmem:s25+$0x30];
	v11 =	vor.u32 s12, v3;
	[tilespmem:v13+s17+$0x0] =	vst.idx.msk $0xffff, v12  }
0x160: {  	v12 =	vld [tilespmem:s25+$0xB0];
	v13 =	vor.u32 s15, v3;
	[tilespmem:v15+s17+$0x0] =	vst.idx.msk $0xffff, v14  }
0x161: {  	v14 =	vld [tilespmem:s25+$0x130];
	v15 =	vor.u32 s19, v3;
	[tilespmem:v19+s17+$0x0] =	vst.idx.msk $0xffff, v18  }
0x162: {  	v19 =	vor.u32 s24, v4;
	v18 =	vld [tilespmem:s25+$0xFFFFFC40];
	[tilespmem:v9+s17+$0x0] =	vst.idx.msk $0xffff, v8  }
0x163: {  	v8 =	vld [tilespmem:s25+$0xFFFFFFB0];
	v9 =	vor.u32 s11, v3;
	[tilespmem:v17+s17+$0x0] =	vst.idx.msk $0xffff, v16  }
0x164: {  	v16 =	vld [tilespmem:s25+$0xFFFFFD40];
	v17 =	vor.u32 s1, v4;
	[tilespmem:v11+s17+$0x0] =	vst.idx.msk $0xffff, v10  }
0x165: {  	v10 =	vld [tilespmem:s25+$0x2B0];
	v11 =	vor.u32 s28, v3;
	[tilespmem:v13+s17+$0x0] =	vst.idx.msk $0xffff, v12  }
0x166: {  	v12 =	vld [tilespmem:s25+$0x330];
	v13 =	vor.u32 s29, v3;
	[tilespmem:v15+s17+$0x0] =	vst.idx.msk $0xffff, v14  }
0x167: {  	v14 =	vld [tilespmem:s25+$0xFFFFFCC0];
	v15 =	vor.u32 s0, v4;
	[tilespmem:v19+s17+$0x0] =	vst.idx.msk $0xffff, v18  }
0x168: {  	v19 =	vor.u32 s24, v5;
	v18 =	vld [tilespmem:s25+$0xFFFFFC50];
	[tilespmem:v9+s17+$0x0] =	vst.idx.msk $0xffff, v8  }
0x169: {  	v8 =	vld [tilespmem:s25+$0x230];
	v9 =	vor.u32 s26, v3;
	[tilespmem:v17+s17+$0x0] =	vst.idx.msk $0xffff, v16  }
0x16a: {  	v16 =	vld [tilespmem:s25+$0xFFFFFFC0];
	v17 =	vor.u32 s11, v4;
	[tilespmem:v11+s17+$0x0] =	vst.idx.msk $0xffff, v10  }
0x16b: {  	v10 =	vld [tilespmem:s25+$0xFFFFFE40];
	v11 =	vor.u32 s3, v4;
	[tilespmem:v13+s17+$0x0] =	vst.idx.msk $0xffff, v12  }
0x16c: {  	v12 =	vld [tilespmem:s25+$0xFFFFFEC0];
	v13 =	vor.u32 s7, v4;
	[tilespmem:v15+s17+$0x0] =	vst.idx.msk $0xffff, v14  }
0x16d: {  	v14 =	vld [tilespmem:s25+$0xFFFFFF40];
	v15 =	vor.u32 s10, v4;
	[tilespmem:v19+s17+$0x0] =	vst.idx.msk $0xffff, v18  }
0x16e: {  	[tilespmem:v9+s17+$0x0] =	vst.idx.msk $0xffff, v8;
	v8 =	vld [tilespmem:s25+$0xFFFFFDC0];
	v9 =	vor.u32 s2, v4  }
0x16f: {  	v19 =	vor.u32 s24, v6;
	v18 =	vld [tilespmem:s25+$0xFFFFFC60];
	[tilespmem:v17+s17+$0x0] =	vst.idx.msk $0xffff, v16  }
0x170: {  	v16 =	vld [tilespmem:s25+$0x240];
	v17 =	vor.u32 s26, v4;
	[tilespmem:v11+s17+$0x0] =	vst.idx.msk $0xffff, v10  }
0x171: {  	v10 =	vld [tilespmem:s25+$0xC0];
	v11 =	vor.u32 s15, v4;
	[tilespmem:v13+s17+$0x0] =	vst.idx.msk $0xffff, v12  }
0x172: {  	v12 =	vld [tilespmem:s25+$0x140];
	v13 =	vor.u32 s19, v4;
	[tilespmem:v15+s17+$0x0] =	vst.idx.msk $0xffff, v14  }
0x173: {  	v14 =	vld [tilespmem:s25+$0x1C0];
	v15 =	vor.u32 s20, v4;
	[tilespmem:v9+s17+$0x0] =	vst.idx.msk $0xffff, v8  }
0x174: {  	v8 =	vld [tilespmem:s25+$0x40];
	v9 =	vor.u32 s12, v4;
	[tilespmem:v19+s17+$0x0] =	vst.idx.msk $0xffff, v18  }
0x175: {  	[tilespmem:v17+s17+$0x0] =	vst.idx.msk $0xffff, v16;
	v16 =	vld [tilespmem:s25+$0xFFFFFDD0];
	v17 =	vor.u32 s2, v5  }
0x176: {  	[tilespmem:v11+s17+$0x0] =	vst.idx.msk $0xffff, v10;
	v10 =	vld [tilespmem:s25+$0x340];
	v11 =	vor.u32 s29, v4  }
0x177: {  	[tilespmem:v13+s17+$0x0] =	vst.idx.msk $0xffff, v12;
	v12 =	vld [tilespmem:s25+$0xFFFFFCD0];
	v13 =	vor.u32 s0, v5  }
0x178: {  	[tilespmem:v15+s17+$0x0] =	vst.idx.msk $0xffff, v14;
	v14 =	vld [tilespmem:s25+$0xFFFFFD50];
	v15 =	vor.u32 s1, v5  }
0x179: {  	[tilespmem:v9+s17+$0x0] =	vst.idx.msk $0xffff, v8;
	v8 =	vld [tilespmem:s25+$0x2C0];
	v9 =	vor.u32 s28, v4  }
0x17a: {  	v19 =	vor.u32 s24, v7;
	v18 =	vld [tilespmem:s25+$0xFFFFFC70];
	[tilespmem:v17+s17+$0x0] =	vst.idx.msk $0xffff, v16  }
0x17b: {  	[tilespmem:v11+s17+$0x0] =	vst.idx.msk $0xffff, v10;
	v10 =	vld [tilespmem:s25+$0xFFFFFED0];
	v11 =	vor.u32 s7, v5  }
0x17c: {  	[tilespmem:v13+s17+$0x0] =	vst.idx.msk $0xffff, v12;
	v12 =	vld [tilespmem:s25+$0xFFFFFF50];
	v13 =	vor.u32 s10, v5  }
0x17d: {  	[tilespmem:v15+s17+$0x0] =	vst.idx.msk $0xffff, v14;
	v14 =	vld [tilespmem:s25+$0xFFFFFFD0];
	v15 =	vor.u32 s11, v5  }
0x17e: {  	[tilespmem:v9+s17+$0x0] =	vst.idx.msk $0xffff, v8;
	v8 =	vld [tilespmem:s25+$0xFFFFFE50];
	v9 =	vor.u32 s3, v5  }
0x17f: {  	v16 =	vld [tilespmem:s25+$0x50];
	v17 =	vor.u32 s12, v5;
	[tilespmem:v19+s17+$0x0] =	vst.idx.msk $0xffff, v18  }
0x180: {  	[tilespmem:v11+s17+$0x0] =	vst.idx.msk $0xffff, v10;
	v10 =	vld [tilespmem:s25+$0x150];
	v11 =	vor.u32 s19, v5  }
0x181: {  	[tilespmem:v13+s17+$0x0] =	vst.idx.msk $0xffff, v12;
	v12 =	vld [tilespmem:s25+$0x1D0];
	v13 =	vor.u32 s20, v5  }
0x182: {  	[tilespmem:v15+s17+$0x0] =	vst.idx.msk $0xffff, v14;
	v14 =	vld [tilespmem:s25+$0x250];
	v15 =	vor.u32 s26, v5  }
0x183: {  	[tilespmem:v9+s17+$0x0] =	vst.idx.msk $0xffff, v8;
	v8 =	vld [tilespmem:s25+$0xD0];
	v9 =	vor.u32 s15, v5  }
0x184: {  	[tilespmem:v17+s17+$0x0] =	vst.idx.msk $0xffff, v16;
	v16 =	vld [tilespmem:s25+$0x2D0];
	v17 =	vor.u32 s28, v5  }
0x185: {  	[tilespmem:v11+s17+$0x0] =	vst.idx.msk $0xffff, v10;
	v10 =	vld [tilespmem:s25+$0xFFFFFCE0];
	v11 =	vor.u32 s0, v6  }
0x186: {  	[tilespmem:v13+s17+$0x0] =	vst.idx.msk $0xffff, v12;
	v12 =	vld [tilespmem:s25+$0xFFFFFD60];
	v13 =	vor.u32 s1, v6  }
0x187: {  	[tilespmem:v15+s17+$0x0] =	vst.idx.msk $0xffff, v14;
	v14 =	vld [tilespmem:s25+$0xFFFFFDE0];
	v15 =	vor.u32 s2, v6  }
0x188: {  	[tilespmem:v9+s17+$0x0] =	vst.idx.msk $0xffff, v8;
	v8 =	vld [tilespmem:s25+$0x350];
	v9 =	vor.u32 s29, v5  }
0x189: {  	[tilespmem:v17+s17+$0x0] =	vst.idx.msk $0xffff, v16;
	v16 =	vld [tilespmem:s25+$0xFFFFFE60];
	v17 =	vor.u32 s3, v6  }
0x18a: {  	[tilespmem:v11+s17+$0x0] =	vst.idx.msk $0xffff, v10;
	v10 =	vld [tilespmem:s25+$0xFFFFFF60];
	v11 =	vor.u32 s10, v6  }
0x18b: {  	[tilespmem:v13+s17+$0x0] =	vst.idx.msk $0xffff, v12;
	v12 =	vld [tilespmem:s25+$0xFFFFFFE0];
	v13 =	vor.u32 s11, v6  }
0x18c: {  	[tilespmem:v15+s17+$0x0] =	vst.idx.msk $0xffff, v14;
	v14 =	vld [tilespmem:s25+$0x60];
	v15 =	vor.u32 s12, v6  }
0x18d: {  	[tilespmem:v9+s17+$0x0] =	vst.idx.msk $0xffff, v8;
	v8 =	vld [tilespmem:s25+$0xFFFFFEE0];
	v9 =	vor.u32 s7, v6  }
0x18e: {  	[tilespmem:v17+s17+$0x0] =	vst.idx.msk $0xffff, v16;
	v16 =	vld [tilespmem:s25+$0xE0];
	v17 =	vor.u32 s15, v6  }
0x18f: {  	[tilespmem:v11+s17+$0x0] =	vst.idx.msk $0xffff, v10;
	v10 =	vld [tilespmem:s25+$0x1E0];
	v11 =	vor.u32 s20, v6  }
0x190: {  	[tilespmem:v13+s17+$0x0] =	vst.idx.msk $0xffff, v12;
	v12 =	vld [tilespmem:s25+$0x260];
	v13 =	vor.u32 s26, v6  }
0x191: {  	[tilespmem:v15+s17+$0x0] =	vst.idx.msk $0xffff, v14;
	v14 =	vld [tilespmem:s25+$0x2E0];
	v15 =	vor.u32 s28, v6  }
0x192: {  	[tilespmem:v9+s17+$0x0] =	vst.idx.msk $0xffff, v8;
	v8 =	vld [tilespmem:s25+$0x160];
	v9 =	vor.u32 s19, v6  }
0x193: {  	[tilespmem:v17+s17+$0x0] =	vst.idx.msk $0xffff, v16;
	v16 =	vld [tilespmem:s25+$0x360];
	v17 =	vor.u32 s29, v6  }
0x194: {  	[tilespmem:v11+s17+$0x0] =	vst.idx.msk $0xffff, v10;
	v10 =	vld [tilespmem:s25+$0xFFFFFD70];
	v11 =	vor.u32 s1, v7  }
0x195: {  	[tilespmem:v13+s17+$0x0] =	vst.idx.msk $0xffff, v12;
	v12 =	vld [tilespmem:s25+$0xFFFFFDF0];
	v13 =	vor.u32 s2, v7  }
0x196: {  	[tilespmem:v15+s17+$0x0] =	vst.idx.msk $0xffff, v14;
	v14 =	vld [tilespmem:s25+$0xFFFFFE70];
	v15 =	vor.u32 s3, v7  }
0x197: {  	[tilespmem:v9+s17+$0x0] =	vst.idx.msk $0xffff, v8;
	v8 =	vld [tilespmem:s25+$0xFFFFFCF0];
	v9 =	vor.u32 s0, v7  }
0x198: {  	[tilespmem:v17+s17+$0x0] =	vst.idx.msk $0xffff, v16;
	v16 =	vld [tilespmem:s25+$0xFFFFFEF0];
	v17 =	vor.u32 s7, v7  }
0x199: {  	[tilespmem:v11+s17+$0x0] =	vst.idx.msk $0xffff, v10;
	v10 =	vld [tilespmem:s25+$0xFFFFFFF0];
	v11 =	vor.u32 s11, v7  }
0x19a: {  	[tilespmem:v13+s17+$0x0] =	vst.idx.msk $0xffff, v12;
	v12 =	vld [tilespmem:s25+$0x70];
	v13 =	vor.u32 s12, v7  }
0x19b: {  	[tilespmem:v15+s17+$0x0] =	vst.idx.msk $0xffff, v14;
	v14 =	vld [tilespmem:s25+$0xF0];
	v15 =	vor.u32 s15, v7  }
0x19c: {  	[tilespmem:v9+s17+$0x0] =	vst.idx.msk $0xffff, v8;
	v8 =	vld [tilespmem:s25+$0xFFFFFF70];
	v9 =	vor.u32 s10, v7  }
0x19d: {  	[tilespmem:v17+s17+$0x0] =	vst.idx.msk $0xffff, v16;
	v16 =	vld [tilespmem:s25+$0x170];
	v17 =	vor.u32 s19, v7  }
0x19e: {  	[tilespmem:v11+s17+$0x0] =	vst.idx.msk $0xffff, v10;
	v10 =	vld [tilespmem:s25+$0x270];
	v11 =	vor.u32 s26, v7  }
0x19f: {  	[tilespmem:v13+s17+$0x0] =	vst.idx.msk $0xffff, v12;
	v12 =	vld [tilespmem:s25+$0x2F0];
	v13 =	vor.u32 s28, v7  }
0x1a0: {  	[tilespmem:v15+s17+$0x0] =	vst.idx.msk $0xffff, v14;
	v14 =	vld [tilespmem:s25+$0x370];
	v15 =	vor.u32 s29, v7  }
0x1a1: {  	[tilespmem:v9+s17+$0x0] =	vst.idx.msk $0xffff, v8;
	v8 =	vld [tilespmem:s25+$0x1F0];
	v9 =	vor.u32 s20, v7  }
0x1a2: {  	[tilespmem:v17+s17+$0x0] =	vst.idx.msk $0xffff, v16  }
0x1a3: {  	s30 =	sadd.s32 s5, s23;
	[tilespmem:v11+s17+$0x0] =	vst.idx.msk $0xffff, v10  }
0x1a4: {  	s0 =	smin.u32 s30, $0x1E83;
	[tilespmem:v13+s17+$0x0] =	vst.idx.msk $0xffff, v12  }
0x1a5: {  	s0 =	sshll.u32 s0, $0xA;
	[tilespmem:v15+s17+$0x0] =	vst.idx.msk $0xffff, v14  }
0x1a6: {  	s0 =	sadd.s32 s6, s0;
	[tilespmem:v9+s17+$0x0] =	vst.idx.msk $0xffff, v8  }
0x1a7: {  	[hbm4b:s0+s4] =	stream.linear.scatter [tilespmem:s17], [sflag:$0x2], $0x2000, $0x38;
	[tilespmem:$0x8000] =	vst v63  }
0x1a8: {  	s1 =	rddreg [dreg:$0x6]  }
0x1a9: {  	s0 =	sadd.s32 s23, s1  }
0x1aa: {  	s0 =	smin.u32 s0, $0x1E83  }
0x1ab: {  	s0 =	sshll.u32 s0, $0x7  }
0x1ac: {  	s0 =	sadd.s32 s9, s0  }
0x1ad: {  	[tilespmem:s4], [sflag:$0x1] =	stream.strided.gather [hbm4b:s0+s13], $0x2000, s14, s13, $0x38;
	[tilespmem:$0x8000] =	vst v63  }
0x1ae: {  	_ =	swait.ge [sflag:s16], $0x2000  }
0x1af: {  	[sflag:s16] =	ssyncset.done $0x0  }
0x1b0: {  	s0 =	simm.s32 @!p1 $0x2;
	[sflag:s16] =	ssyncadd.s32 $0xFFFFE000  }
0x1b1: {  	_ =	swait.ge @!p1 [sflag:s0], $0x2000  }
0x1b2: {  	[sflag:s0] =	ssyncset.done @!p1 $0x0  }
0x1b3: {  	s2 =	simm.s32 $0xF;
	[sflag:s0] =	ssyncadd.s32 @!p1 $0xFFFFE000;
	s0 =	simm.s32 $0x2400  }
0x1b4: {  	s3 =	simm.s32 $0x1;
	v9 =	vor.u32 s2, v0;
	v8 =	vld [tilespmem:s0+$0x380]  }
0x1b5: {  	s7 =	simm.s32 $0x2;
	v11 =	vor.u32 s3, v0;
	v10 =	vld [tilespmem:s0+$0xFFFFFC80]  }
0x1b6: {  	s8 =	simm.s32 $0x3;
	v13 =	vor.u32 s7, v0;
	v12 =	vld [tilespmem:s0+$0xFFFFFD00]  }
0x1b7: {  	s10 =	simm.s32 $0x4;
	v15 =	vor.u32 s8, v0;
	v14 =	vld [tilespmem:s0+$0xFFFFFD80]  }
0x1b8: {  	s11 =	simm.s32 $0x5;
	v17 =	vor.u32 s10, v0;
	v16 =	vld [tilespmem:s0+$0xFFFFFE00]  }
0x1b9: {  	s12 =	simm.s32 $0x6;
	v19 =	vor.u32 s11, v0;
	v18 =	vld [tilespmem:s0+$0xFFFFFE80];
	[tilespmem:v9+s18+$0x0] =	vst.idx.msk $0xffff, v8  }
0x1ba: {  	s15 =	simm.s32 $0x7;
	[tilespmem:v11+s18+$0x0] =	vst.idx.msk $0xffff, v10;
	v10 =	vld [tilespmem:s0+$0xFFFFFF00];
	v11 =	vor.u32 s12, v0  }
0x1bb: {  	s19 =	simm.s32 $0x8;
	[tilespmem:v13+s18+$0x0] =	vst.idx.msk $0xffff, v12;
	v12 =	vld [tilespmem:s0+$0xFFFFFF80];
	v13 =	vor.u32 s15, v0  }
0x1bc: {  	s20 =	simm.s32 $0x9;
	[tilespmem:v15+s18+$0x0] =	vst.idx.msk $0xffff, v14;
	v14 =	vld [tilespmem:s0+$0x0];
	v15 =	vor.u32 s19, v0  }
0x1bd: {  	s23 =	simm.s32 $0xA;
	[tilespmem:v17+s18+$0x0] =	vst.idx.msk $0xffff, v16;
	v16 =	vld [tilespmem:s0+$0x80];
	v17 =	vor.u32 s20, v0  }
0x1be: {  	[tilespmem:v19+s18+$0x0] =	vst.idx.msk $0xffff, v18;
	v18 =	vld [tilespmem:s0+$0x100];
	v19 =	vor.u32 s23, v0  }
0x1bf: {  	s24 =	simm.s32 $0xB;
	v9 =	vor.u32 s2, v1;
	v8 =	vld [tilespmem:s0+$0x390];
	[tilespmem:v11+s18+$0x0] =	vst.idx.msk $0xffff, v10  }
0x1c0: {  	s25 =	simm.s32 $0xC;
	[tilespmem:v13+s18+$0x0] =	vst.idx.msk $0xffff, v12;
	v10 =	vld [tilespmem:s0+$0x180];
	v11 =	vor.u32 s24, v0  }
0x1c1: {  	s26 =	simm.s32 $0xD;
	[tilespmem:v15+s18+$0x0] =	vst.idx.msk $0xffff, v14;
	v12 =	vld [tilespmem:s0+$0x200];
	v13 =	vor.u32 s25, v0  }
0x1c2: {  	s29 =	simm.s32 $0xE;
	[tilespmem:v17+s18+$0x0] =	vst.idx.msk $0xffff, v16;
	v14 =	vld [tilespmem:s0+$0x280];
	v15 =	vor.u32 s26, v0  }
0x1c3: {  	s30 =	simm.s32 $0x0;
	[tilespmem:v19+s18+$0x0] =	vst.idx.msk $0xffff, v18;
	v16 =	vld [tilespmem:s0+$0x300];
	v17 =	vor.u32 s29, v0  }
0x1c4: {  	v18 =	vld [tilespmem:s0+$0xFFFFFC00];
	v19 =	vor.u32 s30, v0;
	[tilespmem:v9+s18+$0x0] =	vst.idx.msk $0xffff, v8  }
0x1c5: {  	v9 =	vor.u32 s2, v2;
	v8 =	vld [tilespmem:s0+$0x3A0];
	[tilespmem:v11+s18+$0x0] =	vst.idx.msk $0xffff, v10  }
0x1c6: {  	v10 =	vld [tilespmem:s0+$0xFFFFFC90];
	v11 =	vor.u32 s3, v1;
	[tilespmem:v13+s18+$0x0] =	vst.idx.msk $0xffff, v12  }
0x1c7: {  	v12 =	vld [tilespmem:s0+$0xFFFFFD10];
	v13 =	vor.u32 s7, v1;
	[tilespmem:v15+s18+$0x0] =	vst.idx.msk $0xffff, v14  }
0x1c8: {  	v14 =	vld [tilespmem:s0+$0xFFFFFD90];
	v15 =	vor.u32 s8, v1;
	[tilespmem:v17+s18+$0x0] =	vst.idx.msk $0xffff, v16  }
0x1c9: {  	[tilespmem:v19+s18+$0x0] =	vst.idx.msk $0xffff, v18;
	v16 =	vld [tilespmem:s0+$0xFFFFFE10];
	v17 =	vor.u32 s10, v1  }
0x1ca: {  	v18 =	vld [tilespmem:s0+$0xFFFFFE90];
	v19 =	vor.u32 s11, v1;
	[tilespmem:v9+s18+$0x0] =	vst.idx.msk $0xffff, v8  }
0x1cb: {  	v9 =	vor.u32 s2, v3;
	v8 =	vld [tilespmem:s0+$0x3B0];
	[tilespmem:v11+s18+$0x0] =	vst.idx.msk $0xffff, v10  }
0x1cc: {  	[tilespmem:v13+s18+$0x0] =	vst.idx.msk $0xffff, v12;
	v10 =	vld [tilespmem:s0+$0xFFFFFF10];
	v11 =	vor.u32 s12, v1  }
0x1cd: {  	[tilespmem:v15+s18+$0x0] =	vst.idx.msk $0xffff, v14;
	v12 =	vld [tilespmem:s0+$0xFFFFFF90];
	v13 =	vor.u32 s15, v1  }
0x1ce: {  	[tilespmem:v17+s18+$0x0] =	vst.idx.msk $0xffff, v16;
	v14 =	vld [tilespmem:s0+$0x10];
	v15 =	vor.u32 s19, v1  }
0x1cf: {  	[tilespmem:v19+s18+$0x0] =	vst.idx.msk $0xffff, v18;
	v16 =	vld [tilespmem:s0+$0x90];
	v17 =	vor.u32 s20, v1  }
0x1d0: {  	v18 =	vld [tilespmem:s0+$0x110];
	v19 =	vor.u32 s23, v1;
	[tilespmem:v9+s18+$0x0] =	vst.idx.msk $0xffff, v8  }
0x1d1: {  	v9 =	vor.u32 s2, v4;
	v8 =	vld [tilespmem:s0+$0x3C0];
	[tilespmem:v11+s18+$0x0] =	vst.idx.msk $0xffff, v10  }
0x1d2: {  	[tilespmem:v13+s18+$0x0] =	vst.idx.msk $0xffff, v12;
	v10 =	vld [tilespmem:s0+$0x190];
	v11 =	vor.u32 s24, v1  }
0x1d3: {  	[tilespmem:v15+s18+$0x0] =	vst.idx.msk $0xffff, v14;
	v12 =	vld [tilespmem:s0+$0x210];
	v13 =	vor.u32 s25, v1  }
0x1d4: {  	[tilespmem:v17+s18+$0x0] =	vst.idx.msk $0xffff, v16;
	v14 =	vld [tilespmem:s0+$0x290];
	v15 =	vor.u32 s26, v1  }
0x1d5: {  	[tilespmem:v19+s18+$0x0] =	vst.idx.msk $0xffff, v18;
	v16 =	vld [tilespmem:s0+$0x310];
	v17 =	vor.u32 s29, v1  }
0x1d6: {  	v18 =	vld [tilespmem:s0+$0xFFFFFC10];
	v19 =	vor.u32 s30, v1;
	[tilespmem:v9+s18+$0x0] =	vst.idx.msk $0xffff, v8  }
0x1d7: {  	v9 =	vor.u32 s2, v5;
	v8 =	vld [tilespmem:s0+$0x3D0];
	[tilespmem:v11+s18+$0x0] =	vst.idx.msk $0xffff, v10  }
0x1d8: {  	v10 =	vld [tilespmem:s0+$0xFFFFFCA0];
	v11 =	vor.u32 s3, v2;
	[tilespmem:v13+s18+$0x0] =	vst.idx.msk $0xffff, v12  }
0x1d9: {  	v12 =	vld [tilespmem:s0+$0xFFFFFD20];
	v13 =	vor.u32 s7, v2;
	[tilespmem:v15+s18+$0x0] =	vst.idx.msk $0xffff, v14  }
0x1da: {  	v14 =	vld [tilespmem:s0+$0xFFFFFDA0];
	v15 =	vor.u32 s8, v2;
	[tilespmem:v17+s18+$0x0] =	vst.idx.msk $0xffff, v16  }
0x1db: {  	[tilespmem:v19+s18+$0x0] =	vst.idx.msk $0xffff, v18;
	v16 =	vld [tilespmem:s0+$0xFFFFFE20];
	v17 =	vor.u32 s10, v2  }
0x1dc: {  	v18 =	vld [tilespmem:s0+$0xFFFFFEA0];
	v19 =	vor.u32 s11, v2;
	[tilespmem:v9+s18+$0x0] =	vst.idx.msk $0xffff, v8  }
0x1dd: {  	[tilespmem:v11+s18+$0x0] =	vst.idx.msk $0xffff, v10;
	v10 =	vld [tilespmem:s0+$0xFFFFFF20];
	v11 =	vor.u32 s12, v2  }
0x1de: {  	[tilespmem:v13+s18+$0x0] =	vst.idx.msk $0xffff, v12;
	v12 =	vld [tilespmem:s0+$0xFFFFFFA0];
	v13 =	vor.u32 s15, v2  }
0x1df: {  	[tilespmem:v15+s18+$0x0] =	vst.idx.msk $0xffff, v14;
	v14 =	vld [tilespmem:s0+$0x20];
	v15 =	vor.u32 s19, v2  }
0x1e0: {  	v9 =	vor.u32 s2, v6;
	[tilespmem:v17+s18+$0x0] =	vst.idx.msk $0xffff, v16;
	v8 =	vld [tilespmem:s0+$0x3E0]  }
0x1e1: {  	[tilespmem:v19+s18+$0x0] =	vst.idx.msk $0xffff, v18;
	v16 =	vld [tilespmem:s0+$0xA0];
	v17 =	vor.u32 s20, v2  }
0x1e2: {  	v18 =	vld [tilespmem:s0+$0x120];
	v19 =	vor.u32 s23, v2;
	[tilespmem:v11+s18+$0x0] =	vst.idx.msk $0xffff, v10  }
0x1e3: {  	[tilespmem:v13+s18+$0x0] =	vst.idx.msk $0xffff, v12;
	v10 =	vld [tilespmem:s0+$0x220];
	v11 =	vor.u32 s25, v2  }
0x1e4: {  	[tilespmem:v15+s18+$0x0] =	vst.idx.msk $0xffff, v14;
	v12 =	vld [tilespmem:s0+$0x2A0];
	v13 =	vor.u32 s26, v2  }
0x1e5: {  	v14 =	vld [tilespmem:s0+$0x320];
	v15 =	vor.u32 s29, v2;
	[tilespmem:v9+s18+$0x0] =	vst.idx.msk $0xffff, v8  }
0x1e6: {  	[tilespmem:v17+s18+$0x0] =	vst.idx.msk $0xffff, v16;
	v8 =	vor.u32 s2, v7;
	v9 =	vld [tilespmem:s0+$0x3F0]  }
0x1e7: {  	v16 =	vld [tilespmem:s0+$0xFFFFFC20];
	v17 =	vor.u32 s30, v2;
	[tilespmem:v19+s18+$0x0] =	vst.idx.msk $0xffff, v18  }
0x1e8: {  	v18 =	vld [tilespmem:s0+$0xFFFFFCB0];
	v19 =	vor.u32 s3, v3;
	[tilespmem:v11+s18+$0x0] =	vst.idx.msk $0xffff, v10  }
0x1e9: {  	v10 =	vld [tilespmem:s0+$0xFFFFFDB0];
	v11 =	vor.u32 s8, v3;
	[tilespmem:v13+s18+$0x0] =	vst.idx.msk $0xffff, v12  }
0x1ea: {  	v12 =	vld [tilespmem:s0+$0xFFFFFE30];
	v13 =	vor.u32 s10, v3;
	[tilespmem:v15+s18+$0x0] =	vst.idx.msk $0xffff, v14  }
0x1eb: {  	[tilespmem:v8+s18+$0x0] =	vst.idx.msk $0xffff, v9;
	v8 =	vld [tilespmem:s0+$0x1A0];
	v9 =	vor.u32 s24, v2  }
0x1ec: {  	[tilespmem:v17+s18+$0x0] =	vst.idx.msk $0xffff, v16;
	v14 =	vld [tilespmem:s0+$0xFFFFFEB0];
	v15 =	vor.u32 s11, v3  }
0x1ed: {  	[tilespmem:v19+s18+$0x0] =	vst.idx.msk $0xffff, v18;
	v19 =	vor.u32 s30, v3;
	v18 =	vld [tilespmem:s0+$0xFFFFFC30]  }
0x1ee: {  	v16 =	vld [tilespmem:s0+$0xFFFFFF30];
	v17 =	vor.u32 s12, v3;
	[tilespmem:v11+s18+$0x0] =	vst.idx.msk $0xffff, v10  }
0x1ef: {  	v10 =	vld [tilespmem:s0+$0x30];
	v11 =	vor.u32 s19, v3;
	[tilespmem:v13+s18+$0x0] =	vst.idx.msk $0xffff, v12  }
0x1f0: {  	[tilespmem:v9+s18+$0x0] =	vst.idx.msk $0xffff, v8;
	v8 =	vld [tilespmem:s0+$0xFFFFFD30];
	v9 =	vor.u32 s7, v3  }
0x1f1: {  	v12 =	vld [tilespmem:s0+$0xB0];
	v13 =	vor.u32 s20, v3;
	[tilespmem:v15+s18+$0x0] =	vst.idx.msk $0xffff, v14  }
0x1f2: {  	v14 =	vld [tilespmem:s0+$0x130];
	v15 =	vor.u32 s23, v3;
	[tilespmem:v19+s18+$0x0] =	vst.idx.msk $0xffff, v18  }
0x1f3: {  	[tilespmem:v17+s18+$0x0] =	vst.idx.msk $0xffff, v16;
	v19 =	vor.u32 s30, v4;
	v18 =	vld [tilespmem:s0+$0xFFFFFC40]  }
0x1f4: {  	v17 =	vor.u32 s24, v3;
	v16 =	vld [tilespmem:s0+$0x1B0];
	[tilespmem:v11+s18+$0x0] =	vst.idx.msk $0xffff, v10  }
0x1f5: {  	[tilespmem:v9+s18+$0x0] =	vst.idx.msk $0xffff, v8;
	v8 =	vld [tilespmem:s0+$0xFFFFFFB0];
	v9 =	vor.u32 s15, v3  }
0x1f6: {  	v10 =	vld [tilespmem:s0+$0x2B0];
	v11 =	vor.u32 s26, v3;
	[tilespmem:v13+s18+$0x0] =	vst.idx.msk $0xffff, v12  }
0x1f7: {  	v12 =	vld [tilespmem:s0+$0x330];
	v13 =	vor.u32 s29, v3;
	[tilespmem:v15+s18+$0x0] =	vst.idx.msk $0xffff, v14  }
0x1f8: {  	v14 =	vld [tilespmem:s0+$0xFFFFFCC0];
	v15 =	vor.u32 s3, v4;
	[tilespmem:v19+s18+$0x0] =	vst.idx.msk $0xffff, v18  }
0x1f9: {  	[tilespmem:v17+s18+$0x0] =	vst.idx.msk $0xffff, v16;
	v16 =	vld [tilespmem:s0+$0xFFFFFD40];
	v17 =	vor.u32 s7, v4  }
0x1fa: {  	[tilespmem:v9+s18+$0x0] =	vst.idx.msk $0xffff, v8;
	v8 =	vld [tilespmem:s0+$0x230];
	v9 =	vor.u32 s25, v3  }
0x1fb: {  	v19 =	vor.u32 s30, v5;
	v18 =	vld [tilespmem:s0+$0xFFFFFC50];
	[tilespmem:v11+s18+$0x0] =	vst.idx.msk $0xffff, v10  }
0x1fc: {  	v10 =	vld [tilespmem:s0+$0xFFFFFE40];
	v11 =	vor.u32 s10, v4;
	[tilespmem:v13+s18+$0x0] =	vst.idx.msk $0xffff, v12  }
0x1fd: {  	v12 =	vld [tilespmem:s0+$0xFFFFFEC0];
	v13 =	vor.u32 s11, v4;
	[tilespmem:v15+s18+$0x0] =	vst.idx.msk $0xffff, v14  }
0x1fe: {  	v14 =	vld [tilespmem:s0+$0xFFFFFF40];
	v15 =	vor.u32 s12, v4;
	[tilespmem:v17+s18+$0x0] =	vst.idx.msk $0xffff, v16  }
0x1ff: {  	[tilespmem:v9+s18+$0x0] =	vst.idx.msk $0xffff, v8;
	v8 =	vld [tilespmem:s0+$0xFFFFFDC0];
	v9 =	vor.u32 s8, v4  }
0x200: {  	v16 =	vld [tilespmem:s0+$0xFFFFFFC0];
	v17 =	vor.u32 s15, v4;
	[tilespmem:v19+s18+$0x0] =	vst.idx.msk $0xffff, v18  }
0x201: {  	v19 =	vor.u32 s30, v6;
	v18 =	vld [tilespmem:s0+$0xFFFFFC60];
	[tilespmem:v11+s18+$0x0] =	vst.idx.msk $0xffff, v10  }
0x202: {  	v10 =	vld [tilespmem:s0+$0xC0];
	v11 =	vor.u32 s20, v4;
	[tilespmem:v13+s18+$0x0] =	vst.idx.msk $0xffff, v12  }
0x203: {  	v12 =	vld [tilespmem:s0+$0x140];
	v13 =	vor.u32 s23, v4;
	[tilespmem:v15+s18+$0x0] =	vst.idx.msk $0xffff, v14  }
0x204: {  	[tilespmem:v9+s18+$0x0] =	vst.idx.msk $0xffff, v8;
	v8 =	vld [tilespmem:s0+$0x40];
	v9 =	vor.u32 s19, v4  }
0x205: {  	v14 =	vld [tilespmem:s0+$0x1C0];
	v15 =	vor.u32 s24, v4;
	[tilespmem:v17+s18+$0x0] =	vst.idx.msk $0xffff, v16  }
0x206: {  	v16 =	vld [tilespmem:s0+$0x240];
	v17 =	vor.u32 s25, v4;
	[tilespmem:v19+s18+$0x0] =	vst.idx.msk $0xffff, v18  }
0x207: {  	[tilespmem:v11+s18+$0x0] =	vst.idx.msk $0xffff, v10;
	v10 =	vld [tilespmem:s0+$0x340];
	v11 =	vor.u32 s29, v4  }
0x208: {  	[tilespmem:v13+s18+$0x0] =	vst.idx.msk $0xffff, v12;
	v12 =	vld [tilespmem:s0+$0xFFFFFCD0];
	v13 =	vor.u32 s3, v5  }
0x209: {  	[tilespmem:v9+s18+$0x0] =	vst.idx.msk $0xffff, v8;
	v8 =	vld [tilespmem:s0+$0x2C0];
	v9 =	vor.u32 s26, v4  }
0x20a: {  	[tilespmem:v15+s18+$0x0] =	vst.idx.msk $0xffff, v14;
	v14 =	vld [tilespmem:s0+$0xFFFFFD50];
	v15 =	vor.u32 s7, v5  }
0x20b: {  	[tilespmem:v17+s18+$0x0] =	vst.idx.msk $0xffff, v16;
	v16 =	vld [tilespmem:s0+$0xFFFFFDD0];
	v17 =	vor.u32 s8, v5  }
0x20c: {  	[tilespmem:v11+s18+$0x0] =	vst.idx.msk $0xffff, v10;
	v10 =	vld [tilespmem:s0+$0xFFFFFED0];
	v11 =	vor.u32 s11, v5  }
0x20d: {  	[tilespmem:v13+s18+$0x0] =	vst.idx.msk $0xffff, v12;
	v12 =	vld [tilespmem:s0+$0xFFFFFF50];
	v13 =	vor.u32 s12, v5  }
0x20e: {  	[tilespmem:v9+s18+$0x0] =	vst.idx.msk $0xffff, v8;
	v8 =	vld [tilespmem:s0+$0xFFFFFE50];
	v9 =	vor.u32 s10, v5  }
0x20f: {  	[tilespmem:v15+s18+$0x0] =	vst.idx.msk $0xffff, v14;
	v14 =	vld [tilespmem:s0+$0xFFFFFFD0];
	v15 =	vor.u32 s15, v5  }
0x210: {  	[tilespmem:v17+s18+$0x0] =	vst.idx.msk $0xffff, v16;
	v16 =	vld [tilespmem:s0+$0x50];
	v17 =	vor.u32 s19, v5  }
0x211: {  	[tilespmem:v11+s18+$0x0] =	vst.idx.msk $0xffff, v10;
	v10 =	vld [tilespmem:s0+$0x150];
	v11 =	vor.u32 s23, v5  }
0x212: {  	[tilespmem:v13+s18+$0x0] =	vst.idx.msk $0xffff, v12;
	v12 =	vld [tilespmem:s0+$0x1D0];
	v13 =	vor.u32 s24, v5  }
0x213: {  	[tilespmem:v9+s18+$0x0] =	vst.idx.msk $0xffff, v8;
	v8 =	vld [tilespmem:s0+$0xD0];
	v9 =	vor.u32 s20, v5  }
0x214: {  	[tilespmem:v15+s18+$0x0] =	vst.idx.msk $0xffff, v14;
	v14 =	vld [tilespmem:s0+$0x250];
	v15 =	vor.u32 s25, v5  }
0x215: {  	[tilespmem:v17+s18+$0x0] =	vst.idx.msk $0xffff, v16;
	v16 =	vld [tilespmem:s0+$0x2D0];
	v17 =	vor.u32 s26, v5  }
0x216: {  	[tilespmem:v11+s18+$0x0] =	vst.idx.msk $0xffff, v10;
	v10 =	vld [tilespmem:s0+$0xFFFFFCE0];
	v11 =	vor.u32 s3, v6  }
0x217: {  	[tilespmem:v13+s18+$0x0] =	vst.idx.msk $0xffff, v12;
	v12 =	vld [tilespmem:s0+$0xFFFFFD60];
	v13 =	vor.u32 s7, v6  }
0x218: {  	[tilespmem:v9+s18+$0x0] =	vst.idx.msk $0xffff, v8;
	v8 =	vld [tilespmem:s0+$0x350];
	v9 =	vor.u32 s29, v5  }
0x219: {  	[tilespmem:v15+s18+$0x0] =	vst.idx.msk $0xffff, v14;
	v14 =	vld [tilespmem:s0+$0xFFFFFDE0];
	v15 =	vor.u32 s8, v6  }
0x21a: {  	[tilespmem:v17+s18+$0x0] =	vst.idx.msk $0xffff, v16;
	v16 =	vld [tilespmem:s0+$0xFFFFFE60];
	v17 =	vor.u32 s10, v6  }
0x21b: {  	[tilespmem:v11+s18+$0x0] =	vst.idx.msk $0xffff, v10;
	v10 =	vld [tilespmem:s0+$0xFFFFFF60];
	v11 =	vor.u32 s12, v6  }
0x21c: {  	[tilespmem:v13+s18+$0x0] =	vst.idx.msk $0xffff, v12;
	v12 =	vld [tilespmem:s0+$0xFFFFFFE0];
	v13 =	vor.u32 s15, v6  }
0x21d: {  	[tilespmem:v9+s18+$0x0] =	vst.idx.msk $0xffff, v8;
	v8 =	vld [tilespmem:s0+$0xFFFFFEE0];
	v9 =	vor.u32 s11, v6  }
0x21e: {  	[tilespmem:v15+s18+$0x0] =	vst.idx.msk $0xffff, v14;
	v14 =	vld [tilespmem:s0+$0x60];
	v15 =	vor.u32 s19, v6  }
0x21f: {  	[tilespmem:v17+s18+$0x0] =	vst.idx.msk $0xffff, v16;
	v16 =	vld [tilespmem:s0+$0xE0];
	v17 =	vor.u32 s20, v6  }
0x220: {  	[tilespmem:v11+s18+$0x0] =	vst.idx.msk $0xffff, v10;
	v10 =	vld [tilespmem:s0+$0x1E0];
	v11 =	vor.u32 s24, v6  }
0x221: {  	[tilespmem:v13+s18+$0x0] =	vst.idx.msk $0xffff, v12;
	v12 =	vld [tilespmem:s0+$0x260];
	v13 =	vor.u32 s25, v6  }
0x222: {  	[tilespmem:v9+s18+$0x0] =	vst.idx.msk $0xffff, v8;
	v8 =	vld [tilespmem:s0+$0x160];
	v9 =	vor.u32 s23, v6  }
0x223: {  	[tilespmem:v15+s18+$0x0] =	vst.idx.msk $0xffff, v14;
	v14 =	vld [tilespmem:s0+$0x2E0];
	v15 =	vor.u32 s26, v6  }
0x224: {  	[tilespmem:v17+s18+$0x0] =	vst.idx.msk $0xffff, v16;
	v16 =	vld [tilespmem:s0+$0x360];
	v17 =	vor.u32 s29, v6  }
0x225: {  	[tilespmem:v11+s18+$0x0] =	vst.idx.msk $0xffff, v10;
	v10 =	vor.u32 s7, v7;
	v11 =	vld [tilespmem:s0+$0xFFFFFD70]  }
0x226: {  	[tilespmem:v13+s18+$0x0] =	vst.idx.msk $0xffff, v12;
	v12 =	vor.u32 s8, v7;
	v13 =	vld [tilespmem:s0+$0xFFFFFDF0]  }
0x227: {  	[tilespmem:v9+s18+$0x0] =	vst.idx.msk $0xffff, v8;
	v8 =	vor.u32 s3, v7;
	v9 =	vld [tilespmem:s0+$0xFFFFFCF0]  }
0x228: {  	v19 =	vor.u32 s20, v7;
	v20 =	vld [tilespmem:s0+$0xF0];
	[tilespmem:v15+s18+$0x0] =	vst.idx.msk $0xffff, v14  }
0x229: {  	v14 =	vor.u32 s10, v7;
	v15 =	vld [tilespmem:s0+$0xFFFFFE70];
	[tilespmem:v17+s18+$0x0] =	vst.idx.msk $0xffff, v16  }
0x22a: {  	v16 =	vor.u32 s11, v7;
	v17 =	vld [tilespmem:s0+$0xFFFFFEF0];
	[tilespmem:v10+s18+$0x0] =	vst.idx.msk $0xffff, v11  }
0x22b: {  	v11 =	vor.u32 s19, v7;
	[tilespmem:v12+s18+$0x0] =	vst.idx.msk $0xffff, v13;
	v12 =	vld [tilespmem:s0+$0x70]  }
0x22c: {  	v10 =	vld [tilespmem:s0+$0xFFFFFFF0];
	[tilespmem:v8+s18+$0x0] =	vst.idx.msk $0xffff, v9;
	v9 =	vor.u32 s15, v7  }
0x22d: {  	v21 =	vor.u32 s23, v7;
	[tilespmem:v19+s18+$0x0] =	vst.idx.msk $0xffff, v20;
	v22 =	vld [tilespmem:s0+$0x170]  }
0x22e: {  	v18 =	vor.u32 s12, v7;
	[tilespmem:v14+s18+$0x0] =	vst.idx.msk $0xffff, v15;
	v8 =	vld [tilespmem:s0+$0xFFFFFF70]  }
0x22f: {  	v15 =	vld [tilespmem:s0+$0x1F0];
	[tilespmem:v16+s18+$0x0] =	vst.idx.msk $0xffff, v17;
	v17 =	vor.u32 s24, v7  }
0x230: {  	v13 =	vld [tilespmem:s0+$0x270];
	v16 =	vor.u32 s25, v7;
	[tilespmem:v11+s18+$0x0] =	vst.idx.msk $0xffff, v12  }
0x231: {  	v14 =	vor.u32 s26, v7;
	[tilespmem:v9+s18+$0x0] =	vst.idx.msk $0xffff, v10;
	v9 =	vld [tilespmem:s0+$0x2F0]  }
0x232: {  	s31 =	simm.s32 $0x1F;
	v11 =	vor.u32 s29, v7;
	[tilespmem:v21+s18+$0x0] =	vst.idx.msk $0xffff, v22;
	v10 =	vld [tilespmem:s0+$0x370]  }
0x233: {  	s23 =	simm.s32 $0x10;
	s25 =	simm.s32 $0x20;
	s24 =	simm.s32 $0x2C00;
	v12 =	vor.u32 s30, v7;
	[tilespmem:v18+s18+$0x0] =	vst.idx.msk $0xffff, v8;
	v8 =	vld [tilespmem:s0+$0xFFFFFC70]  }
.LBB2_5:
0x234: {  	p1 =	slt.u32 s25, $0x30;
	s28 =	sadd.s32 $0x1, s23;
	v18 =	vld [tilespmem:s24+$0x380];
	v19 =	vor.u32 s31, v0;
	[tilespmem:v17+s18+$0x0] =	vst.idx.msk $0xffff, v15;
	s26 =	smov.u32 s23  }
0x235: {  	s23 =	smov.u32 s25;
	v15 =	vld [tilespmem:s24+$0xFFFFFC80];
	v17 =	vor.u32 s28, v0;
	s29 =	sadd.s32 $0x2, s26;
	[tilespmem:v16+s18+$0x0] =	vst.idx.msk $0xffff, v13  }
0x236: {  	s30 =	sadd.s32 $0x3, s26;
	v13 =	vld [tilespmem:s24+$0xFFFFFD00];
	v16 =	vor.u32 s29, v0;
	[tilespmem:v14+s18+$0x0] =	vst.idx.msk $0xffff, v9  }
0x237: {  	s0 =	sadd.s32 $0x4, s26;
	v14 =	vor.u32 s30, v0;
	v9 =	vld [tilespmem:s24+$0xFFFFFD80];
	[tilespmem:v11+s18+$0x0] =	vst.idx.msk $0xffff, v10  }
0x238: {  	s2 =	sadd.s32 $0x5, s26;
	v11 =	vor.u32 s0, v0;
	v10 =	vld [tilespmem:s24+$0xFFFFFE00];
	[tilespmem:v12+s18+$0x0] =	vst.idx.msk $0xffff, v8  }
0x239: {  	v12 =	vor.u32 s2, v0;
	v8 =	vld [tilespmem:s24+$0xFFFFFE80];
	[tilespmem:v19+s18+$0x0] =	vst.idx.msk $0xffff, v18  }
0x23a: {  	s3 =	sadd.s32 $0x6, s26;
	[tilespmem:v17+s18+$0x0] =	vst.idx.msk $0xffff, v15;
	v15 =	vld [tilespmem:s24+$0x390];
	v17 =	vor.u32 s31, v1  }
0x23b: {  	s7 =	sadd.s32 $0x7, s26;
	[tilespmem:v16+s18+$0x0] =	vst.idx.msk $0xffff, v13;
	v13 =	vld [tilespmem:s24+$0xFFFFFF00];
	v16 =	vor.u32 s3, v0  }
0x23c: {  	s10 =	sadd.s32 $0x8, s26;
	[tilespmem:v14+s18+$0x0] =	vst.idx.msk $0xffff, v9;
	v9 =	vld [tilespmem:s24+$0xFFFFFF80];
	v14 =	vor.u32 s7, v0  }
0x23d: {  	s11 =	sadd.s32 $0x9, s26;
	[tilespmem:v11+s18+$0x0] =	vst.idx.msk $0xffff, v10;
	v10 =	vld [tilespmem:s24+$0x0];
	v11 =	vor.u32 s10, v0  }
0x23e: {  	s12 =	sadd.s32 $0xA, s26;
	[tilespmem:v12+s18+$0x0] =	vst.idx.msk $0xffff, v8;
	v8 =	vld [tilespmem:s24+$0x80];
	v12 =	vor.u32 s11, v0  }
0x23f: {  	v19 =	vor.u32 s12, v0;
	v18 =	vld [tilespmem:s24+$0x100];
	[tilespmem:v17+s18+$0x0] =	vst.idx.msk $0xffff, v15  }
0x240: {  	s19 =	sadd.s32 $0xB, s26;
	v15 =	vor.u32 s31, v2;
	[tilespmem:v16+s18+$0x0] =	vst.idx.msk $0xffff, v13;
	v13 =	vld [tilespmem:s24+$0x3A0]  }
0x241: {  	s20 =	sadd.s32 $0xC, s26;
	[tilespmem:v14+s18+$0x0] =	vst.idx.msk $0xffff, v9;
	v9 =	vld [tilespmem:s24+$0x180];
	v14 =	vor.u32 s19, v0  }
0x242: {  	s15 =	sadd.s32 $0xD, s26;
	[tilespmem:v11+s18+$0x0] =	vst.idx.msk $0xffff, v10;
	v10 =	vld [tilespmem:s24+$0x200];
	v11 =	vor.u32 s20, v0  }
0x243: {  	s1 =	sadd.s32 $0xE, s26;
	[tilespmem:v12+s18+$0x0] =	vst.idx.msk $0xffff, v8;
	v8 =	vld [tilespmem:s24+$0x280];
	v12 =	vor.u32 s15, v0  }
0x244: {  	v17 =	vor.u32 s1, v0;
	[tilespmem:v19+s18+$0x0] =	vst.idx.msk $0xffff, v18;
	v16 =	vld [tilespmem:s24+$0x300]  }
0x245: {  	v19 =	vor.u32 s26, v0;
	v18 =	vld [tilespmem:s24+$0xFFFFFC00];
	[tilespmem:v15+s18+$0x0] =	vst.idx.msk $0xffff, v13  }
0x246: {  	v13 =	vor.u32 s31, v3;
	[tilespmem:v14+s18+$0x0] =	vst.idx.msk $0xffff, v9;
	v9 =	vld [tilespmem:s24+$0x3B0]  }
0x247: {  	v15 =	vor.u32 s28, v1;
	v14 =	vld [tilespmem:s24+$0xFFFFFC90];
	[tilespmem:v11+s18+$0x0] =	vst.idx.msk $0xffff, v10  }
0x248: {  	v11 =	vor.u32 s29, v1;
	v10 =	vld [tilespmem:s24+$0xFFFFFD10];
	[tilespmem:v12+s18+$0x0] =	vst.idx.msk $0xffff, v8  }
0x249: {  	v12 =	vor.u32 s30, v1;
	v8 =	vld [tilespmem:s24+$0xFFFFFD90];
	[tilespmem:v17+s18+$0x0] =	vst.idx.msk $0xffff, v16  }
0x24a: {  	v17 =	vor.u32 s0, v1;
	[tilespmem:v19+s18+$0x0] =	vst.idx.msk $0xffff, v18;
	v16 =	vld [tilespmem:s24+$0xFFFFFE10]  }
0x24b: {  	v19 =	vor.u32 s2, v1;
	v18 =	vld [tilespmem:s24+$0xFFFFFE90];
	[tilespmem:v13+s18+$0x0] =	vst.idx.msk $0xffff, v9  }
0x24c: {  	v13 =	vor.u32 s31, v4;
	[tilespmem:v15+s18+$0x0] =	vst.idx.msk $0xffff, v14;
	v9 =	vld [tilespmem:s24+$0x3C0]  }
0x24d: {  	[tilespmem:v11+s18+$0x0] =	vst.idx.msk $0xffff, v10;
	v10 =	vld [tilespmem:s24+$0xFFFFFF10];
	v11 =	vor.u32 s3, v1  }
0x24e: {  	[tilespmem:v12+s18+$0x0] =	vst.idx.msk $0xffff, v8;
	v8 =	vld [tilespmem:s24+$0xFFFFFF90];
	v12 =	vor.u32 s7, v1  }
0x24f: {  	v15 =	vor.u32 s10, v1;
	[tilespmem:v17+s18+$0x0] =	vst.idx.msk $0xffff, v16;
	v14 =	vld [tilespmem:s24+$0x10]  }
0x250: {  	v17 =	vor.u32 s11, v1;
	[tilespmem:v19+s18+$0x0] =	vst.idx.msk $0xffff, v18;
	v16 =	vld [tilespmem:s24+$0x90]  }
0x251: {  	v19 =	vor.u32 s12, v1;
	v18 =	vld [tilespmem:s24+$0x110];
	[tilespmem:v13+s18+$0x0] =	vst.idx.msk $0xffff, v9  }
0x252: {  	[tilespmem:v11+s18+$0x0] =	vst.idx.msk $0xffff, v10;
	v9 =	vld [tilespmem:s24+$0x3D0];
	v10 =	vor.u32 s31, v5  }
0x253: {  	v11 =	vor.u32 s19, v1;
	[tilespmem:v12+s18+$0x0] =	vst.idx.msk $0xffff, v8;
	v8 =	vld [tilespmem:s24+$0x190]  }
0x254: {  	v13 =	vor.u32 s20, v1;
	[tilespmem:v15+s18+$0x0] =	vst.idx.msk $0xffff, v14;
	v12 =	vld [tilespmem:s24+$0x210]  }
0x255: {  	v15 =	vor.u32 s15, v1;
	[tilespmem:v17+s18+$0x0] =	vst.idx.msk $0xffff, v16;
	v14 =	vld [tilespmem:s24+$0x290]  }
0x256: {  	v17 =	vor.u32 s1, v1;
	[tilespmem:v19+s18+$0x0] =	vst.idx.msk $0xffff, v18;
	v16 =	vld [tilespmem:s24+$0x310]  }
0x257: {  	v19 =	vor.u32 s26, v1;
	v18 =	vld [tilespmem:s24+$0xFFFFFC10];
	[tilespmem:v10+s18+$0x0] =	vst.idx.msk $0xffff, v9  }
0x258: {  	v9 =	vor.u32 s31, v6;
	[tilespmem:v11+s18+$0x0] =	vst.idx.msk $0xffff, v8;
	v8 =	vld [tilespmem:s24+$0x3E0]  }
0x259: {  	v11 =	vor.u32 s28, v2;
	v10 =	vld [tilespmem:s24+$0xFFFFFCA0];
	[tilespmem:v13+s18+$0x0] =	vst.idx.msk $0xffff, v12  }
0x25a: {  	v13 =	vor.u32 s29, v2;
	v12 =	vld [tilespmem:s24+$0xFFFFFD20];
	[tilespmem:v15+s18+$0x0] =	vst.idx.msk $0xffff, v14  }
0x25b: {  	v15 =	vor.u32 s30, v2;
	v14 =	vld [tilespmem:s24+$0xFFFFFDA0];
	[tilespmem:v17+s18+$0x0] =	vst.idx.msk $0xffff, v16  }
0x25c: {  	v17 =	vor.u32 s0, v2;
	[tilespmem:v19+s18+$0x0] =	vst.idx.msk $0xffff, v18;
	v16 =	vld [tilespmem:s24+$0xFFFFFE20]  }
0x25d: {  	v19 =	vor.u32 s2, v2;
	v18 =	vld [tilespmem:s24+$0xFFFFFEA0];
	[tilespmem:v9+s18+$0x0] =	vst.idx.msk $0xffff, v8  }
0x25e: {  	v9 =	vor.u32 s31, v7;
	[tilespmem:v11+s18+$0x0] =	vst.idx.msk $0xffff, v10;
	v8 =	vld [tilespmem:s24+$0x3F0]  }
0x25f: {  	v11 =	vor.u32 s3, v2;
	[tilespmem:v13+s18+$0x0] =	vst.idx.msk $0xffff, v12;
	v10 =	vld [tilespmem:s24+$0xFFFFFF20]  }
0x260: {  	v13 =	vor.u32 s7, v2;
	[tilespmem:v15+s18+$0x0] =	vst.idx.msk $0xffff, v14;
	v12 =	vld [tilespmem:s24+$0xFFFFFFA0]  }
0x261: {  	v15 =	vor.u32 s10, v2;
	[tilespmem:v17+s18+$0x0] =	vst.idx.msk $0xffff, v16;
	v14 =	vld [tilespmem:s24+$0x20]  }
0x262: {  	v17 =	vor.u32 s11, v2;
	[tilespmem:v19+s18+$0x0] =	vst.idx.msk $0xffff, v18;
	v16 =	vld [tilespmem:s24+$0xA0]  }
0x263: {  	v19 =	vor.u32 s12, v2;
	v18 =	vld [tilespmem:s24+$0x120];
	[tilespmem:v9+s18+$0x0] =	vst.idx.msk $0xffff, v8  }
0x264: {  	v9 =	vor.u32 s19, v2;
	[tilespmem:v11+s18+$0x0] =	vst.idx.msk $0xffff, v10;
	v8 =	vld [tilespmem:s24+$0x1A0]  }
0x265: {  	v11 =	vor.u32 s20, v2;
	[tilespmem:v13+s18+$0x0] =	vst.idx.msk $0xffff, v12;
	v10 =	vld [tilespmem:s24+$0x220]  }
0x266: {  	v13 =	vor.u32 s15, v2;
	[tilespmem:v15+s18+$0x0] =	vst.idx.msk $0xffff, v14;
	v12 =	vld [tilespmem:s24+$0x2A0]  }
0x267: {  	v15 =	vor.u32 s1, v2;
	[tilespmem:v17+s18+$0x0] =	vst.idx.msk $0xffff, v16;
	v14 =	vld [tilespmem:s24+$0x320]  }
0x268: {  	v17 =	vor.u32 s26, v2;
	v16 =	vld [tilespmem:s24+$0xFFFFFC20];
	[tilespmem:v19+s18+$0x0] =	vst.idx.msk $0xffff, v18  }
0x269: {  	v19 =	vor.u32 s28, v3;
	v18 =	vld [tilespmem:s24+$0xFFFFFCB0];
	[tilespmem:v9+s18+$0x0] =	vst.idx.msk $0xffff, v8  }
0x26a: {  	v9 =	vor.u32 s29, v3;
	v8 =	vld [tilespmem:s24+$0xFFFFFD30];
	[tilespmem:v11+s18+$0x0] =	vst.idx.msk $0xffff, v10  }
0x26b: {  	v11 =	vor.u32 s30, v3;
	v10 =	vld [tilespmem:s24+$0xFFFFFDB0];
	[tilespmem:v13+s18+$0x0] =	vst.idx.msk $0xffff, v12  }
0x26c: {  	v13 =	vor.u32 s0, v3;
	v12 =	vld [tilespmem:s24+$0xFFFFFE30];
	[tilespmem:v15+s18+$0x0] =	vst.idx.msk $0xffff, v14  }
0x26d: {  	v15 =	vor.u32 s2, v3;
	[tilespmem:v17+s18+$0x0] =	vst.idx.msk $0xffff, v16;
	v14 =	vld [tilespmem:s24+$0xFFFFFEB0]  }
0x26e: {  	v17 =	vor.u32 s3, v3;
	[tilespmem:v19+s18+$0x0] =	vst.idx.msk $0xffff, v18;
	v16 =	vld [tilespmem:s24+$0xFFFFFF30]  }
0x26f: {  	[tilespmem:v9+s18+$0x0] =	vst.idx.msk $0xffff, v8;
	v8 =	vld [tilespmem:s24+$0xFFFFFFB0];
	v9 =	vor.u32 s7, v3  }
0x270: {  	[tilespmem:v11+s18+$0x0] =	vst.idx.msk $0xffff, v10;
	v10 =	vld [tilespmem:s24+$0x30];
	v11 =	vor.u32 s10, v3  }
0x271: {  	[tilespmem:v13+s18+$0x0] =	vst.idx.msk $0xffff, v12;
	v12 =	vld [tilespmem:s24+$0xB0];
	v13 =	vor.u32 s11, v3  }
0x272: {  	[tilespmem:v15+s18+$0x0] =	vst.idx.msk $0xffff, v14;
	v14 =	vld [tilespmem:s24+$0x130];
	v15 =	vor.u32 s12, v3  }
0x273: {  	[tilespmem:v17+s18+$0x0] =	vst.idx.msk $0xffff, v16;
	v16 =	vld [tilespmem:s24+$0x1B0];
	v17 =	vor.u32 s19, v3  }
0x274: {  	[tilespmem:v9+s18+$0x0] =	vst.idx.msk $0xffff, v8;
	v8 =	vld [tilespmem:s24+$0x230];
	v9 =	vor.u32 s20, v3  }
0x275: {  	[tilespmem:v11+s18+$0x0] =	vst.idx.msk $0xffff, v10;
	v10 =	vld [tilespmem:s24+$0x2B0];
	v11 =	vor.u32 s15, v3  }
0x276: {  	[tilespmem:v13+s18+$0x0] =	vst.idx.msk $0xffff, v12;
	v12 =	vld [tilespmem:s24+$0x330];
	v13 =	vor.u32 s1, v3  }
0x277: {  	v19 =	vor.u32 s26, v3;
	v18 =	vld [tilespmem:s24+$0xFFFFFC30];
	[tilespmem:v15+s18+$0x0] =	vst.idx.msk $0xffff, v14  }
0x278: {  	v15 =	vor.u32 s28, v4;
	v14 =	vld [tilespmem:s24+$0xFFFFFCC0];
	[tilespmem:v17+s18+$0x0] =	vst.idx.msk $0xffff, v16  }
0x279: {  	v17 =	vor.u32 s29, v4;
	v16 =	vld [tilespmem:s24+$0xFFFFFD40];
	[tilespmem:v9+s18+$0x0] =	vst.idx.msk $0xffff, v8  }
0x27a: {  	v9 =	vor.u32 s30, v4;
	v8 =	vld [tilespmem:s24+$0xFFFFFDC0];
	[tilespmem:v11+s18+$0x0] =	vst.idx.msk $0xffff, v10  }
0x27b: {  	v11 =	vor.u32 s0, v4;
	v10 =	vld [tilespmem:s24+$0xFFFFFE40];
	[tilespmem:v13+s18+$0x0] =	vst.idx.msk $0xffff, v12  }
0x27c: {  	v13 =	vor.u32 s2, v4;
	[tilespmem:v19+s18+$0x0] =	vst.idx.msk $0xffff, v18;
	v12 =	vld [tilespmem:s24+$0xFFFFFEC0]  }
0x27d: {  	[tilespmem:v15+s18+$0x0] =	vst.idx.msk $0xffff, v14;
	v14 =	vld [tilespmem:s24+$0xFFFFFF40];
	v15 =	vor.u32 s3, v4  }
0x27e: {  	[tilespmem:v17+s18+$0x0] =	vst.idx.msk $0xffff, v16;
	v16 =	vld [tilespmem:s24+$0xFFFFFFC0];
	v17 =	vor.u32 s7, v4  }
0x27f: {  	[tilespmem:v9+s18+$0x0] =	vst.idx.msk $0xffff, v8;
	v8 =	vld [tilespmem:s24+$0x40];
	v9 =	vor.u32 s10, v4  }
0x280: {  	[tilespmem:v11+s18+$0x0] =	vst.idx.msk $0xffff, v10;
	v10 =	vld [tilespmem:s24+$0xC0];
	v11 =	vor.u32 s11, v4  }
0x281: {  	[tilespmem:v13+s18+$0x0] =	vst.idx.msk $0xffff, v12;
	v12 =	vld [tilespmem:s24+$0x140];
	v13 =	vor.u32 s12, v4  }
0x282: {  	[tilespmem:v15+s18+$0x0] =	vst.idx.msk $0xffff, v14;
	v14 =	vld [tilespmem:s24+$0x1C0];
	v15 =	vor.u32 s19, v4  }
0x283: {  	[tilespmem:v17+s18+$0x0] =	vst.idx.msk $0xffff, v16;
	v16 =	vld [tilespmem:s24+$0x240];
	v17 =	vor.u32 s20, v4  }
0x284: {  	[tilespmem:v9+s18+$0x0] =	vst.idx.msk $0xffff, v8;
	v8 =	vld [tilespmem:s24+$0x2C0];
	v9 =	vor.u32 s15, v4  }
0x285: {  	[tilespmem:v11+s18+$0x0] =	vst.idx.msk $0xffff, v10;
	v10 =	vld [tilespmem:s24+$0x340];
	v11 =	vor.u32 s1, v4  }
0x286: {  	v19 =	vor.u32 s26, v4;
	v18 =	vld [tilespmem:s24+$0xFFFFFC40];
	[tilespmem:v13+s18+$0x0] =	vst.idx.msk $0xffff, v12  }
0x287: {  	v13 =	vor.u32 s28, v5;
	v12 =	vld [tilespmem:s24+$0xFFFFFCD0];
	[tilespmem:v15+s18+$0x0] =	vst.idx.msk $0xffff, v14  }
0x288: {  	v15 =	vor.u32 s29, v5;
	v14 =	vld [tilespmem:s24+$0xFFFFFD50];
	[tilespmem:v17+s18+$0x0] =	vst.idx.msk $0xffff, v16  }
0x289: {  	v17 =	vor.u32 s30, v5;
	v16 =	vld [tilespmem:s24+$0xFFFFFDD0];
	[tilespmem:v9+s18+$0x0] =	vst.idx.msk $0xffff, v8  }
0x28a: {  	v9 =	vor.u32 s0, v5;
	v8 =	vld [tilespmem:s24+$0xFFFFFE50];
	[tilespmem:v11+s18+$0x0] =	vst.idx.msk $0xffff, v10  }
0x28b: {  	v11 =	vor.u32 s2, v5;
	[tilespmem:v19+s18+$0x0] =	vst.idx.msk $0xffff, v18;
	v10 =	vld [tilespmem:s24+$0xFFFFFED0]  }
0x28c: {  	[tilespmem:v13+s18+$0x0] =	vst.idx.msk $0xffff, v12;
	v12 =	vld [tilespmem:s24+$0xFFFFFF50];
	v13 =	vor.u32 s3, v5  }
0x28d: {  	[tilespmem:v15+s18+$0x0] =	vst.idx.msk $0xffff, v14;
	v14 =	vld [tilespmem:s24+$0xFFFFFFD0];
	v15 =	vor.u32 s7, v5  }
0x28e: {  	[tilespmem:v17+s18+$0x0] =	vst.idx.msk $0xffff, v16;
	v16 =	vld [tilespmem:s24+$0x50];
	v17 =	vor.u32 s10, v5  }
0x28f: {  	[tilespmem:v9+s18+$0x0] =	vst.idx.msk $0xffff, v8;
	v8 =	vld [tilespmem:s24+$0xD0];
	v9 =	vor.u32 s11, v5  }
0x290: {  	[tilespmem:v11+s18+$0x0] =	vst.idx.msk $0xffff, v10;
	v10 =	vld [tilespmem:s24+$0x150];
	v11 =	vor.u32 s12, v5  }
0x291: {  	[tilespmem:v13+s18+$0x0] =	vst.idx.msk $0xffff, v12;
	v12 =	vld [tilespmem:s24+$0x1D0];
	v13 =	vor.u32 s19, v5  }
0x292: {  	[tilespmem:v15+s18+$0x0] =	vst.idx.msk $0xffff, v14;
	v14 =	vld [tilespmem:s24+$0x250];
	v15 =	vor.u32 s20, v5  }
0x293: {  	[tilespmem:v17+s18+$0x0] =	vst.idx.msk $0xffff, v16;
	v16 =	vld [tilespmem:s24+$0x2D0];
	v17 =	vor.u32 s15, v5  }
0x294: {  	[tilespmem:v9+s18+$0x0] =	vst.idx.msk $0xffff, v8;
	v8 =	vld [tilespmem:s24+$0x350];
	v9 =	vor.u32 s1, v5  }
0x295: {  	v19 =	vor.u32 s26, v5;
	v18 =	vld [tilespmem:s24+$0xFFFFFC50];
	[tilespmem:v11+s18+$0x0] =	vst.idx.msk $0xffff, v10  }
0x296: {  	v11 =	vor.u32 s28, v6;
	v10 =	vld [tilespmem:s24+$0xFFFFFCE0];
	[tilespmem:v13+s18+$0x0] =	vst.idx.msk $0xffff, v12  }
0x297: {  	v13 =	vor.u32 s29, v6;
	v12 =	vld [tilespmem:s24+$0xFFFFFD60];
	[tilespmem:v15+s18+$0x0] =	vst.idx.msk $0xffff, v14  }
0x298: {  	v15 =	vor.u32 s30, v6;
	v14 =	vld [tilespmem:s24+$0xFFFFFDE0];
	[tilespmem:v17+s18+$0x0] =	vst.idx.msk $0xffff, v16  }
0x299: {  	v17 =	vor.u32 s0, v6;
	v16 =	vld [tilespmem:s24+$0xFFFFFE60];
	[tilespmem:v9+s18+$0x0] =	vst.idx.msk $0xffff, v8  }
0x29a: {  	v9 =	vor.u32 s2, v6;
	[tilespmem:v19+s18+$0x0] =	vst.idx.msk $0xffff, v18;
	v8 =	vld [tilespmem:s24+$0xFFFFFEE0]  }
0x29b: {  	[tilespmem:v11+s18+$0x0] =	vst.idx.msk $0xffff, v10;
	v10 =	vld [tilespmem:s24+$0xFFFFFF60];
	v11 =	vor.u32 s3, v6  }
0x29c: {  	[tilespmem:v13+s18+$0x0] =	vst.idx.msk $0xffff, v12;
	v12 =	vld [tilespmem:s24+$0xFFFFFFE0];
	v13 =	vor.u32 s7, v6  }
0x29d: {  	[tilespmem:v15+s18+$0x0] =	vst.idx.msk $0xffff, v14;
	v14 =	vld [tilespmem:s24+$0x60];
	v15 =	vor.u32 s10, v6  }
0x29e: {  	[tilespmem:v17+s18+$0x0] =	vst.idx.msk $0xffff, v16;
	v16 =	vld [tilespmem:s24+$0xE0];
	v17 =	vor.u32 s11, v6  }
0x29f: {  	[tilespmem:v9+s18+$0x0] =	vst.idx.msk $0xffff, v8;
	v8 =	vld [tilespmem:s24+$0x160];
	v9 =	vor.u32 s12, v6  }
0x2a0: {  	[tilespmem:v11+s18+$0x0] =	vst.idx.msk $0xffff, v10;
	v10 =	vld [tilespmem:s24+$0x1E0];
	v11 =	vor.u32 s19, v6  }
0x2a1: {  	[tilespmem:v13+s18+$0x0] =	vst.idx.msk $0xffff, v12;
	v12 =	vld [tilespmem:s24+$0x260];
	v13 =	vor.u32 s20, v6  }
0x2a2: {  	[tilespmem:v15+s18+$0x0] =	vst.idx.msk $0xffff, v14;
	v14 =	vld [tilespmem:s24+$0x2E0];
	v15 =	vor.u32 s15, v6  }
0x2a3: {  	[tilespmem:v17+s18+$0x0] =	vst.idx.msk $0xffff, v16;
	v16 =	vld [tilespmem:s24+$0x360];
	v17 =	vor.u32 s1, v6  }
0x2a4: {  	v19 =	vor.u32 s26, v6;
	v18 =	vld [tilespmem:s24+$0xFFFFFC60];
	[tilespmem:v9+s18+$0x0] =	vst.idx.msk $0xffff, v8  }
0x2a5: {  	v9 =	vor.u32 s28, v7;
	v8 =	vld [tilespmem:s24+$0xFFFFFCF0];
	[tilespmem:v11+s18+$0x0] =	vst.idx.msk $0xffff, v10  }
0x2a6: {  	v11 =	vor.u32 s29, v7;
	v10 =	vld [tilespmem:s24+$0xFFFFFD70];
	[tilespmem:v13+s18+$0x0] =	vst.idx.msk $0xffff, v12  }
0x2a7: {  	v13 =	vor.u32 s30, v7;
	v12 =	vld [tilespmem:s24+$0xFFFFFDF0];
	[tilespmem:v15+s18+$0x0] =	vst.idx.msk $0xffff, v14  }
0x2a8: {  	v15 =	vor.u32 s0, v7;
	v14 =	vld [tilespmem:s24+$0xFFFFFE70];
	[tilespmem:v17+s18+$0x0] =	vst.idx.msk $0xffff, v16  }
0x2a9: {  	v17 =	vor.u32 s2, v7;
	[tilespmem:v19+s18+$0x0] =	vst.idx.msk $0xffff, v18;
	v16 =	vld [tilespmem:s24+$0xFFFFFEF0]  }
0x2aa: {  	[tilespmem:v9+s18+$0x0] =	vst.idx.msk $0xffff, v8;
	v8 =	vld [tilespmem:s24+$0xFFFFFF70];
	v9 =	vor.u32 s3, v7  }
0x2ab: {  	[tilespmem:v11+s18+$0x0] =	vst.idx.msk $0xffff, v10;
	v10 =	vld [tilespmem:s24+$0xFFFFFFF0];
	v11 =	vor.u32 s7, v7  }
0x2ac: {  	v18 =	vor.u32 s10, v7;
	[tilespmem:v13+s18+$0x0] =	vst.idx.msk $0xffff, v12;
	v12 =	vld [tilespmem:s24+$0x70]  }
0x2ad: {  	v20 =	vor.u32 s11, v7;
	[tilespmem:v15+s18+$0x0] =	vst.idx.msk $0xffff, v14;
	v19 =	vld [tilespmem:s24+$0xF0]  }
0x2ae: {  	v22 =	vor.u32 s12, v7;
	[tilespmem:v17+s18+$0x0] =	vst.idx.msk $0xffff, v16;
	v21 =	vld [tilespmem:s24+$0x170]  }
.Ltmp1:
0x2af: {  	v17 =	vor.u32 s19, v7;
	[tilespmem:v9+s18+$0x0] =	vst.idx.msk $0xffff, v8;
	v15 =	vld [tilespmem:s24+$0x1F0];
	(pc) =	sbr.rel @p1 .LBB2_5-.Ltmp1, $4  }
0x2b0: {  	v16 =	vor.u32 s20, v7;
	[tilespmem:v11+s18+$0x0] =	vst.idx.msk $0xffff, v10;
	v13 =	vld [tilespmem:s24+$0x270]  }
0x2b1: {  	v14 =	vor.u32 s15, v7;
	[tilespmem:v18+s18+$0x0] =	vst.idx.msk $0xffff, v12;
	v9 =	vld [tilespmem:s24+$0x2F0]  }
0x2b2: {  	v11 =	vor.u32 s1, v7;
	[tilespmem:v20+s18+$0x0] =	vst.idx.msk $0xffff, v19;
	v10 =	vld [tilespmem:s24+$0x370]  }
0x2b3: {  	s25 =	sadd.s32 $0x10, s25;
	s31 =	sadd.s32 $0xF, s23;
	v12 =	vor.u32 s26, v7;
	v8 =	vld [tilespmem:s24+$0xFFFFFC70];
	[tilespmem:v22+s18+$0x0] =	vst.idx.msk $0xffff, v21;
	s24 =	sadd.s32 $0x800, s24  }
0x2b4: {  	_ =	sdelay $0x3  }
0x2b5: {  	v18 =	vld [tilespmem:s24+$0x380];
	v19 =	vor.u32 s31, v0;
	[tilespmem:v17+s18+$0x0] =	vst.idx.msk $0xffff, v15  }
0x2b6: {  	s0 =	sadd.s32 $0x1, s23;
	v41 =	vld [tilespmem:s24+$0xFFFFFC00];
	v42 =	vor.u32 s23, v0;
	[tilespmem:v16+s18+$0x0] =	vst.idx.msk $0xffff, v13  }
0x2b7: {  	v56 =	vld [tilespmem:s24+$0xFFFFFC80];
	s1 =	sadd.s32 $0x2, s23;
	v57 =	vor.u32 s0, v0;
	[tilespmem:v14+s18+$0x0] =	vst.idx.msk $0xffff, v9  }
0x2b8: {  	v58 =	vld [tilespmem:s24+$0xFFFFFD00];
	s2 =	sadd.s32 $0x3, s23;
	v59 =	vor.u32 s1, v0;
	[tilespmem:v11+s18+$0x0] =	vst.idx.msk $0xffff, v10  }
0x2b9: {  	v60 =	vld [tilespmem:s24+$0xFFFFFD80];
	s3 =	sadd.s32 $0x4, s23;
	v61 =	vor.u32 s2, v0;
	[tilespmem:v12+s18+$0x0] =	vst.idx.msk $0xffff, v8  }
0x2ba: {  	v62 =	vld [tilespmem:s24+$0xFFFFFE00];
	s10 =	sadd.s32 $0x6, s23;
	v63 =	vor.u32 s3, v0;
	[tilespmem:v19+s18+$0x0] =	vst.idx.msk $0xffff, v18  }
0x2bb: {  	v23 =	vld [tilespmem:s24+$0xFFFFFF00];
	s8 =	sadd.s32 $0x7, s23;
	v24 =	vor.u32 s10, v0;
	[tilespmem:v42+s18+$0x0] =	vst.idx.msk $0xffff, v41  }
0x2bc: {  	v25 =	vld [tilespmem:s24+$0xFFFFFF80];
	s11 =	sadd.s32 $0x8, s23;
	v26 =	vor.u32 s8, v0;
	[tilespmem:v57+s18+$0x0] =	vst.idx.msk $0xffff, v56  }
0x2bd: {  	v27 =	vld [tilespmem:s24+$0x0];
	s15 =	sadd.s32 $0xA, s23;
	v28 =	vor.u32 s11, v0;
	[tilespmem:v59+s18+$0x0] =	vst.idx.msk $0xffff, v58  }
0x2be: {  	v30 =	vld [tilespmem:s24+$0x100];
	s19 =	sadd.s32 $0xB, s23;
	v31 =	vor.u32 s15, v0;
	[tilespmem:v61+s18+$0x0] =	vst.idx.msk $0xffff, v60  }
0x2bf: {  	v34 =	vld [tilespmem:s24+$0x180];
	s20 =	sadd.s32 $0xC, s23;
	v35 =	vor.u32 s19, v0;
	[tilespmem:v63+s18+$0x0] =	vst.idx.msk $0xffff, v62  }
0x2c0: {  	v36 =	vld [tilespmem:s24+$0x200];
	s26 =	sadd.s32 $0xE, s23;
	v37 =	vor.u32 s20, v0;
	[tilespmem:v24+s18+$0x0] =	vst.idx.msk $0xffff, v23  }
0x2c1: {  	s7 =	sadd.s32 $0x5, s23;
	v39 =	vld [tilespmem:s24+$0x300];
	v40 =	vor.u32 s26, v0;
	[tilespmem:v26+s18+$0x0] =	vst.idx.msk $0xffff, v25  }
0x2c2: {  	v20 =	vor.u32 s7, v0;
	v8 =	vld [tilespmem:s24+$0xFFFFFE80];
	[tilespmem:v28+s18+$0x0] =	vst.idx.msk $0xffff, v27  }
0x2c3: {  	v22 =	vor.u32 s31, v1;
	v21 =	vld [tilespmem:s24+$0x390];
	[tilespmem:v31+s18+$0x0] =	vst.idx.msk $0xffff, v30  }
0x2c4: {  	v46 =	vor.u32 s0, v1;
	[tilespmem:v35+s18+$0x0] =	vst.idx.msk $0xffff, v34;
	v45 =	vld [tilespmem:s24+$0xFFFFFC90]  }
0x2c5: {  	v48 =	vor.u32 s1, v1;
	[tilespmem:v37+s18+$0x0] =	vst.idx.msk $0xffff, v36;
	v47 =	vld [tilespmem:s24+$0xFFFFFD10]  }
0x2c6: {  	v51 =	vor.u32 s3, v1;
	[tilespmem:v40+s18+$0x0] =	vst.idx.msk $0xffff, v39;
	v50 =	vld [tilespmem:s24+$0xFFFFFE10]  }
0x2c7: {  	v56 =	vor.u32 s10, v1;
	v55 =	vld [tilespmem:s24+$0xFFFFFF10];
	[tilespmem:v20+s18+$0x0] =	vst.idx.msk $0xffff, v8  }
0x2c8: {  	v59 =	vor.u32 s11, v1;
	v58 =	vld [tilespmem:s24+$0x10];
	[tilespmem:v22+s18+$0x0] =	vst.idx.msk $0xffff, v21  }
0x2c9: {  	s12 =	sadd.s32 $0x9, s23;
	v63 =	vor.u32 s15, v1;
	v62 =	vld [tilespmem:s24+$0x110];
	[tilespmem:v46+s18+$0x0] =	vst.idx.msk $0xffff, v45  }
0x2ca: {  	v29 =	vor.u32 s12, v0;
	v8 =	vld [tilespmem:s24+$0x80];
	[tilespmem:v48+s18+$0x0] =	vst.idx.msk $0xffff, v47  }
0x2cb: {  	v33 =	vor.u32 s31, v2;
	v32 =	vld [tilespmem:s24+$0x3A0];
	[tilespmem:v51+s18+$0x0] =	vst.idx.msk $0xffff, v50  }
0x2cc: {  	v24 =	vor.u32 s20, v1;
	v23 =	vld [tilespmem:s24+$0x210];
	[tilespmem:v56+s18+$0x0] =	vst.idx.msk $0xffff, v55  }
0x2cd: {  	v28 =	vor.u32 s26, v1;
	v27 =	vld [tilespmem:s24+$0x310];
	[tilespmem:v59+s18+$0x0] =	vst.idx.msk $0xffff, v58  }
0x2ce: {  	s25 =	sadd.s32 $0xD, s23;
	v53 =	vor.u32 s7, v1;
	v52 =	vld [tilespmem:s24+$0xFFFFFE90];
	[tilespmem:v63+s18+$0x0] =	vst.idx.msk $0xffff, v62  }
0x2cf: {  	v38 =	vor.u32 s25, v0;
	[tilespmem:v29+s18+$0x0] =	vst.idx.msk $0xffff, v8;
	v8 =	vld [tilespmem:s24+$0x280]  }
0x2d0: {  	v35 =	vor.u32 s1, v2;
	v34 =	vld [tilespmem:s24+$0xFFFFFD20];
	[tilespmem:v33+s18+$0x0] =	vst.idx.msk $0xffff, v32  }
0x2d1: {  	v44 =	vor.u32 s31, v3;
	[tilespmem:v24+s18+$0x0] =	vst.idx.msk $0xffff, v23;
	v43 =	vld [tilespmem:s24+$0x3B0]  }
0x2d2: {  	[tilespmem:v28+s18+$0x0] =	vst.idx.msk $0xffff, v27;
	v48 =	vor.u32 s11, v2;
	v47 =	vld [tilespmem:s24+$0x20]  }
0x2d3: {  	v59 =	vor.u32 s26, v2;
	v58 =	vld [tilespmem:s24+$0x320];
	[tilespmem:v53+s18+$0x0] =	vst.idx.msk $0xffff, v52  }
0x2d4: {  	v49 =	vor.u32 s2, v1;
	[tilespmem:v38+s18+$0x0] =	vst.idx.msk $0xffff, v8;
	v8 =	vld [tilespmem:s24+$0xFFFFFD90]  }
0x2d5: {  	v30 =	vor.u32 s23, v1;
	v29 =	vld [tilespmem:s24+$0xFFFFFC10];
	[tilespmem:v35+s18+$0x0] =	vst.idx.msk $0xffff, v34  }
0x2d6: {  	v61 =	vor.u32 s12, v1;
	v60 =	vld [tilespmem:s24+$0x90];
	[tilespmem:v44+s18+$0x0] =	vst.idx.msk $0xffff, v43  }
0x2d7: {  	v54 =	vor.u32 s31, v4;
	[tilespmem:v48+s18+$0x0] =	vst.idx.msk $0xffff, v47;
	v9 =	vld [tilespmem:s24+$0x3C0]  }
0x2d8: {  	v51 =	vld [tilespmem:s24+$0x120];
	v52 =	vor.u32 s15, v2;
	[tilespmem:v59+s18+$0x0] =	vst.idx.msk $0xffff, v58  }
0x2d9: {  	v57 =	vor.u32 s8, v1;
	[tilespmem:v49+s18+$0x0] =	vst.idx.msk $0xffff, v8;
	v8 =	vld [tilespmem:s24+$0xFFFFFF90]  }
0x2da: {  	v41 =	vor.u32 s7, v2;
	v40 =	vld [tilespmem:s24+$0xFFFFFEA0];
	[tilespmem:v30+s18+$0x0] =	vst.idx.msk $0xffff, v29  }
0x2db: {  	v32 =	vld [tilespmem:s24+$0xFFFFFCA0];
	v33 =	vor.u32 s0, v2;
	[tilespmem:v61+s18+$0x0] =	vst.idx.msk $0xffff, v60  }
0x2dc: {  	v39 =	vor.u32 s3, v2;
	v38 =	vld [tilespmem:s24+$0xFFFFFE20];
	[tilespmem:v54+s18+$0x0] =	vst.idx.msk $0xffff, v9  }
0x2dd: {  	v21 =	vor.u32 s31, v5;
	[tilespmem:v52+s18+$0x0] =	vst.idx.msk $0xffff, v51;
	v9 =	vld [tilespmem:s24+$0x3D0]  }
0x2de: {  	v22 =	vor.u32 s19, v1;
	[tilespmem:v57+s18+$0x0] =	vst.idx.msk $0xffff, v8;
	v8 =	vld [tilespmem:s24+$0x190]  }
0x2df: {  	v26 =	vor.u32 s25, v1;
	v25 =	vld [tilespmem:s24+$0x290];
	[tilespmem:v41+s18+$0x0] =	vst.idx.msk $0xffff, v40  }
0x2e0: {  	v60 =	vld [tilespmem:s24+$0xFFFFFC20];
	v61 =	vor.u32 s23, v2;
	[tilespmem:v33+s18+$0x0] =	vst.idx.msk $0xffff, v32  }
0x2e1: {  	v43 =	vld [tilespmem:s24+$0xFFFFFF20];
	v44 =	vor.u32 s10, v2;
	[tilespmem:v39+s18+$0x0] =	vst.idx.msk $0xffff, v38  }
0x2e2: {  	v63 =	vor.u32 s0, v3;
	v62 =	vld [tilespmem:s24+$0xFFFFFCB0];
	[tilespmem:v21+s18+$0x0] =	vst.idx.msk $0xffff, v9  }
0x2e3: {  	v31 =	vor.u32 s31, v6;
	[tilespmem:v22+s18+$0x0] =	vst.idx.msk $0xffff, v8;
	v8 =	vld [tilespmem:s24+$0x3E0]  }
0x2e4: {  	v50 =	vor.u32 s12, v2;
	v49 =	vld [tilespmem:s24+$0xA0];
	[tilespmem:v26+s18+$0x0] =	vst.idx.msk $0xffff, v25  }
0x2e5: {  	v37 =	vor.u32 s2, v2;
	v36 =	vld [tilespmem:s24+$0xFFFFFDA0];
	[tilespmem:v61+s18+$0x0] =	vst.idx.msk $0xffff, v60  }
0x2e6: {  	v24 =	vld [tilespmem:s24+$0xFFFFFE30];
	v25 =	vor.u32 s3, v3;
	[tilespmem:v44+s18+$0x0] =	vst.idx.msk $0xffff, v43  }
0x2e7: {  	v27 =	vor.u32 s7, v3;
	v26 =	vld [tilespmem:s24+$0xFFFFFEB0];
	[tilespmem:v63+s18+$0x0] =	vst.idx.msk $0xffff, v62  }
0x2e8: {  	v55 =	vor.u32 s20, v2;
	v54 =	vld [tilespmem:s24+$0x220];
	[tilespmem:v31+s18+$0x0] =	vst.idx.msk $0xffff, v8  }
0x2e9: {  	v42 =	vor.u32 s31, v7;
	[tilespmem:v50+s18+$0x0] =	vst.idx.msk $0xffff, v49;
	v8 =	vld [tilespmem:s24+$0x3F0]  }
0x2ea: {  	v56 =	vld [tilespmem:s24+$0x2A0];
	v57 =	vor.u32 s25, v2;
	[tilespmem:v37+s18+$0x0] =	vst.idx.msk $0xffff, v36  }
0x2eb: {  	v29 =	vor.u32 s10, v3;
	v28 =	vld [tilespmem:s24+$0xFFFFFF30];
	[tilespmem:v25+s18+$0x0] =	vst.idx.msk $0xffff, v24  }
0x2ec: {  	v46 =	vor.u32 s8, v2;
	v45 =	vld [tilespmem:s24+$0xFFFFFFA0];
	[tilespmem:v27+s18+$0x0] =	vst.idx.msk $0xffff, v26  }
0x2ed: {  	v34 =	vor.u32 s12, v3;
	v33 =	vld [tilespmem:s24+$0xB0];
	[tilespmem:v55+s18+$0x0] =	vst.idx.msk $0xffff, v54  }
0x2ee: {  	v53 =	vor.u32 s19, v2;
	[tilespmem:v42+s18+$0x0] =	vst.idx.msk $0xffff, v8;
	v8 =	vld [tilespmem:s24+$0x1A0]  }
0x2ef: {  	v35 =	vld [tilespmem:s24+$0x130];
	v36 =	vor.u32 s15, v3;
	[tilespmem:v57+s18+$0x0] =	vst.idx.msk $0xffff, v56  }
0x2f0: {  	v52 =	vor.u32 s3, v4;
	v51 =	vld [tilespmem:s24+$0xFFFFFE40];
	[tilespmem:v29+s18+$0x0] =	vst.idx.msk $0xffff, v28  }
0x2f1: {  	v23 =	vor.u32 s2, v3;
	v22 =	vld [tilespmem:s24+$0xFFFFFDB0];
	[tilespmem:v46+s18+$0x0] =	vst.idx.msk $0xffff, v45  }
0x2f2: {  	v41 =	vor.u32 s25, v3;
	v40 =	vld [tilespmem:s24+$0x2B0];
	[tilespmem:v34+s18+$0x0] =	vst.idx.msk $0xffff, v33  }
0x2f3: {  	v21 =	vor.u32 s1, v3;
	[tilespmem:v53+s18+$0x0] =	vst.idx.msk $0xffff, v8;
	v8 =	vld [tilespmem:s24+$0xFFFFFD30]  }
0x2f4: {  	v44 =	vld [tilespmem:s24+$0xFFFFFC30];
	v45 =	vor.u32 s23, v3;
	[tilespmem:v36+s18+$0x0] =	vst.idx.msk $0xffff, v35  }
0x2f5: {  	v47 =	vor.u32 s0, v4;
	v46 =	vld [tilespmem:s24+$0xFFFFFCC0];
	[tilespmem:v52+s18+$0x0] =	vst.idx.msk $0xffff, v51  }
0x2f6: {  	v56 =	vor.u32 s10, v4;
	v55 =	vld [tilespmem:s24+$0xFFFFFF40];
	[tilespmem:v23+s18+$0x0] =	vst.idx.msk $0xffff, v22  }
0x2f7: {  	v61 =	vor.u32 s12, v4;
	v60 =	vld [tilespmem:s24+$0xC0];
	[tilespmem:v41+s18+$0x0] =	vst.idx.msk $0xffff, v40  }
0x2f8: {  	v30 =	vor.u32 s8, v3;
	[tilespmem:v21+s18+$0x0] =	vst.idx.msk $0xffff, v8;
	v8 =	vld [tilespmem:s24+$0xFFFFFFB0]  }
0x2f9: {  	v63 =	vor.u32 s15, v4;
	v62 =	vld [tilespmem:s24+$0x140];
	[tilespmem:v45+s18+$0x0] =	vst.idx.msk $0xffff, v44  }
0x2fa: {  	v32 =	vor.u32 s11, v3;
	[tilespmem:v47+s18+$0x0] =	vst.idx.msk $0xffff, v46;
	v31 =	vld [tilespmem:s24+$0x30]  }
0x2fb: {  	v43 =	vor.u32 s26, v3;
	[tilespmem:v56+s18+$0x0] =	vst.idx.msk $0xffff, v55;
	v42 =	vld [tilespmem:s24+$0x330]  }
0x2fc: {  	v28 =	vor.u32 s23, v4;
	[tilespmem:v61+s18+$0x0] =	vst.idx.msk $0xffff, v60;
	v18 =	vld [tilespmem:s24+$0xFFFFFC40]  }
0x2fd: {  	v39 =	vor.u32 s20, v3;
	[tilespmem:v30+s18+$0x0] =	vst.idx.msk $0xffff, v8;
	v8 =	vld [tilespmem:s24+$0x230]  }
0x2fe: {  	v54 =	vor.u32 s7, v4;
	[tilespmem:v63+s18+$0x0] =	vst.idx.msk $0xffff, v62;
	v53 =	vld [tilespmem:s24+$0xFFFFFEC0]  }
0x2ff: {  	v46 =	vor.u32 s15, v5;
	v45 =	vld [tilespmem:s24+$0x150];
	[tilespmem:v32+s18+$0x0] =	vst.idx.msk $0xffff, v31  }
0x300: {  	v38 =	vor.u32 s19, v3;
	[tilespmem:v43+s18+$0x0] =	vst.idx.msk $0xffff, v42;
	v37 =	vld [tilespmem:s24+$0x1B0]  }
0x301: {  	v27 =	vor.u32 s26, v4;
	[tilespmem:v28+s18+$0x0] =	vst.idx.msk $0xffff, v18;
	v26 =	vld [tilespmem:s24+$0x340]  }
0x302: {  	v50 =	vor.u32 s2, v4;
	[tilespmem:v39+s18+$0x0] =	vst.idx.msk $0xffff, v8;
	v8 =	vld [tilespmem:s24+$0xFFFFFDC0]  }
0x303: {  	v18 =	vld [tilespmem:s24+$0xFFFFFC50];
	[tilespmem:v54+s18+$0x0] =	vst.idx.msk $0xffff, v53;
	v54 =	vor.u32 s23, v5  }
0x304: {  	v49 =	vor.u32 s1, v4;
	[tilespmem:v46+s18+$0x0] =	vst.idx.msk $0xffff, v45;
	v48 =	vld [tilespmem:s24+$0xFFFFFD40]  }
0x305: {  	[tilespmem:v38+s18+$0x0] =	vst.idx.msk $0xffff, v37;
	v36 =	vld [tilespmem:s24+$0xFFFFFED0];
	v37 =	vor.u32 s7, v5  }
0x306: {  	v22 =	vor.u32 s19, v4;
	[tilespmem:v27+s18+$0x0] =	vst.idx.msk $0xffff, v26;
	v21 =	vld [tilespmem:s24+$0x1C0]  }
0x307: {  	v59 =	vor.u32 s11, v4;
	[tilespmem:v50+s18+$0x0] =	vst.idx.msk $0xffff, v8;
	v8 =	vld [tilespmem:s24+$0x40]  }
0x308: {  	v29 =	vld [tilespmem:s24+$0xFFFFFCD0];
	v30 =	vor.u32 s0, v5;
	[tilespmem:v54+s18+$0x0] =	vst.idx.msk $0xffff, v18  }
0x309: {  	v58 =	vor.u32 s8, v4;
	[tilespmem:v49+s18+$0x0] =	vst.idx.msk $0xffff, v48;
	v57 =	vld [tilespmem:s24+$0xFFFFFFC0]  }
0x30a: {  	[tilespmem:v37+s18+$0x0] =	vst.idx.msk $0xffff, v36;
	v18 =	vld [tilespmem:s24+$0xFFFFFC60];
	v37 =	vor.u32 s23, v6  }
0x30b: {  	v32 =	vor.u32 s1, v5;
	[tilespmem:v22+s18+$0x0] =	vst.idx.msk $0xffff, v21;
	v31 =	vld [tilespmem:s24+$0xFFFFFD50]  }
0x30c: {  	v25 =	vor.u32 s25, v4;
	[tilespmem:v59+s18+$0x0] =	vst.idx.msk $0xffff, v8;
	v8 =	vld [tilespmem:s24+$0x2C0]  }
0x30d: {  	v48 =	vor.u32 s19, v5;
	v47 =	vld [tilespmem:s24+$0x1D0];
	[tilespmem:v30+s18+$0x0] =	vst.idx.msk $0xffff, v29  }
0x30e: {  	v38 =	vld [tilespmem:s24+$0xFFFFFF50];
	v39 =	vor.u32 s10, v5;
	[tilespmem:v58+s18+$0x0] =	vst.idx.msk $0xffff, v57  }
0x30f: {  	v24 =	vor.u32 s20, v4;
	v23 =	vld [tilespmem:s24+$0x240];
	[tilespmem:v37+s18+$0x0] =	vst.idx.msk $0xffff, v18  }
0x310: {  	v56 =	vor.u32 s0, v6;
	v55 =	vld [tilespmem:s24+$0xFFFFFCE0];
	[tilespmem:v32+s18+$0x0] =	vst.idx.msk $0xffff, v31  }
0x311: {  	v35 =	vor.u32 s3, v5;
	[tilespmem:v25+s18+$0x0] =	vst.idx.msk $0xffff, v8;
	v8 =	vld [tilespmem:s24+$0xFFFFFE50]  }
0x312: {  	v41 =	vor.u32 s8, v5;
	v40 =	vld [tilespmem:s24+$0xFFFFFFD0];
	[tilespmem:v48+s18+$0x0] =	vst.idx.msk $0xffff, v47  }
0x313: {  	v58 =	vor.u32 s1, v6;
	v57 =	vld [tilespmem:s24+$0xFFFFFD60];
	[tilespmem:v39+s18+$0x0] =	vst.idx.msk $0xffff, v38  }
0x314: {  	v30 =	vor.u32 s19, v6;
	v29 =	vld [tilespmem:s24+$0x1E0];
	[tilespmem:v24+s18+$0x0] =	vst.idx.msk $0xffff, v23  }
0x315: {  	v34 =	vor.u32 s2, v5;
	v33 =	vld [tilespmem:s24+$0xFFFFFDD0];
	[tilespmem:v56+s18+$0x0] =	vst.idx.msk $0xffff, v55  }
0x316: {  	v44 =	vor.u32 s12, v5;
	[tilespmem:v35+s18+$0x0] =	vst.idx.msk $0xffff, v8;
	v8 =	vld [tilespmem:s24+$0xD0]  }
0x317: {  	v21 =	vor.u32 s10, v6;
	v20 =	vld [tilespmem:s24+$0xFFFFFF60];
	[tilespmem:v41+s18+$0x0] =	vst.idx.msk $0xffff, v40  }
0x318: {  	v50 =	vor.u32 s20, v5;
	v49 =	vld [tilespmem:s24+$0x250];
	[tilespmem:v58+s18+$0x0] =	vst.idx.msk $0xffff, v57  }
0x319: {  	v23 =	vor.u32 s8, v6;
	v22 =	vld [tilespmem:s24+$0xFFFFFFE0];
	[tilespmem:v30+s18+$0x0] =	vst.idx.msk $0xffff, v29  }
0x31a: {  	v40 =	vor.u32 s1, v7;
	v39 =	vld [tilespmem:s24+$0xFFFFFD70];
	[tilespmem:v34+s18+$0x0] =	vst.idx.msk $0xffff, v33  }
0x31b: {  	v53 =	vor.u32 s26, v5;
	[tilespmem:v44+s18+$0x0] =	vst.idx.msk $0xffff, v8;
	v8 =	vld [tilespmem:s24+$0x350]  }
0x31c: {  	v43 =	vor.u32 s11, v5;
	v42 =	vld [tilespmem:s24+$0x50];
	[tilespmem:v21+s18+$0x0] =	vst.idx.msk $0xffff, v20  }
0x31d: {  	v60 =	vor.u32 s2, v6;
	[tilespmem:v50+s18+$0x0] =	vst.idx.msk $0xffff, v49;
	v59 =	vld [tilespmem:s24+$0xFFFFFDE0]  }
0x31e: {  	v32 =	vor.u32 s20, v6;
	[tilespmem:v23+s18+$0x0] =	vst.idx.msk $0xffff, v22;
	v31 =	vld [tilespmem:s24+$0x260]  }
0x31f: {  	v49 =	vor.u32 s8, v7;
	[tilespmem:v40+s18+$0x0] =	vst.idx.msk $0xffff, v39;
	v48 =	vld [tilespmem:s24+$0xFFFFFFF0]  }
0x320: {  	v63 =	vor.u32 s7, v6;
	[tilespmem:v53+s18+$0x0] =	vst.idx.msk $0xffff, v8;
	v8 =	vld [tilespmem:s24+$0xFFFFFEE0]  }
0x321: {  	v52 =	vor.u32 s25, v5;
	[tilespmem:v43+s18+$0x0] =	vst.idx.msk $0xffff, v42;
	v51 =	vld [tilespmem:s24+$0x2D0]  }
0x322: {  	v25 =	vor.u32 s11, v6;
	[tilespmem:v60+s18+$0x0] =	vst.idx.msk $0xffff, v59;
	v24 =	vld [tilespmem:s24+$0x60]  }
0x323: {  	v42 =	vor.u32 s2, v7;
	[tilespmem:v32+s18+$0x0] =	vst.idx.msk $0xffff, v31;
	v41 =	vld [tilespmem:s24+$0xFFFFFDF0]  }
0x324: {  	v62 =	vor.u32 s3, v6;
	[tilespmem:v49+s18+$0x0] =	vst.idx.msk $0xffff, v48;
	v61 =	vld [tilespmem:s24+$0xFFFFFE60]  }
0x325: {  	v28 =	vor.u32 s15, v6;
	[tilespmem:v63+s18+$0x0] =	vst.idx.msk $0xffff, v8;
	v8 =	vld [tilespmem:s24+$0x160]  }
0x326: {  	v58 =	vor.u32 s20, v7;
	v57 =	vld [tilespmem:s24+$0x270];
	[tilespmem:v52+s18+$0x0] =	vst.idx.msk $0xffff, v51  }
0x327: {  	v34 =	vor.u32 s25, v6;
	[tilespmem:v25+s18+$0x0] =	vst.idx.msk $0xffff, v24;
	v33 =	vld [tilespmem:s24+$0x2E0]  }
0x328: {  	v27 =	vor.u32 s12, v6;
	[tilespmem:v42+s18+$0x0] =	vst.idx.msk $0xffff, v41;
	v26 =	vld [tilespmem:s24+$0xE0]  }
0x329: {  	v51 =	vor.u32 s11, v7;
	v50 =	vld [tilespmem:s24+$0x70];
	[tilespmem:v62+s18+$0x0] =	vst.idx.msk $0xffff, v61  }
0x32a: {  	v38 =	vor.u32 s0, v7;
	[tilespmem:v28+s18+$0x0] =	vst.idx.msk $0xffff, v8;
	v8 =	vld [tilespmem:s24+$0xFFFFFCF0]  }
0x32b: {  	[tilespmem:v58+s18+$0x0] =	vst.idx.msk $0xffff, v57;
	v44 =	vor.u32 s3, v7;
	v43 =	vld [tilespmem:s24+$0xFFFFFE70]  }
0x32c: {  	v36 =	vor.u32 s26, v6;
	[tilespmem:v34+s18+$0x0] =	vst.idx.msk $0xffff, v33;
	v35 =	vld [tilespmem:s24+$0x360]  }
0x32d: {  	v60 =	vor.u32 s25, v7;
	v59 =	vld [tilespmem:s24+$0x2F0];
	[tilespmem:v27+s18+$0x0] =	vst.idx.msk $0xffff, v26  }
0x32e: {  	[tilespmem:v51+s18+$0x0] =	vst.idx.msk $0xffff, v50;
	v53 =	vor.u32 s12, v7;
	v52 =	vld [tilespmem:s24+$0xF0]  }
0x32f: {  	v47 =	vor.u32 s10, v7;
	[tilespmem:v38+s18+$0x0] =	vst.idx.msk $0xffff, v8;
	v8 =	vld [tilespmem:s24+$0xFFFFFF70]  }
0x330: {  	v18 =	vld [tilespmem:s24+$0xFFFFFC70];
	[tilespmem:v44+s18+$0x0] =	vst.idx.msk $0xffff, v43;
	v63 =	vor.u32 s23, v7  }
0x331: {  	v46 =	vor.u32 s7, v7;
	[tilespmem:v36+s18+$0x0] =	vst.idx.msk $0xffff, v35;
	v45 =	vld [tilespmem:s24+$0xFFFFFEF0]  }
0x332: {  	v62 =	vor.u32 s26, v7;
	[tilespmem:v60+s18+$0x0] =	vst.idx.msk $0xffff, v59;
	v61 =	vld [tilespmem:s24+$0x370]  }
0x333: {  	v55 =	vor.u32 s15, v7;
	[tilespmem:v53+s18+$0x0] =	vst.idx.msk $0xffff, v52;
	v54 =	vld [tilespmem:s24+$0x170]  }
0x334: {  	s21 =	sadd.s32 $0x1, s21;
	v56 =	vor.u32 s19, v7;
	[tilespmem:v47+s18+$0x0] =	vst.idx.msk $0xffff, v8;
	v8 =	vld [tilespmem:s24+$0x1F0]  }
0x335: {  	p1 =	sne.s32 s21, $0x7A;
	[tilespmem:v63+s18+$0x0] =	vst.idx.msk $0xffff, v18  }
.Ltmp2:
0x336: {  	[tilespmem:v46+s18+$0x0] =	vst.idx.msk $0xffff, v45;
	(pc) =	sbr.rel @p1 .LBB2_2-.Ltmp2, $4  }
0x337: {  	[tilespmem:v62+s18+$0x0] =	vst.idx.msk $0xffff, v61  }
0x338: {  	s31 =	sshll.u32 s22, $0xA;
	[tilespmem:v55+s18+$0x0] =	vst.idx.msk $0xffff, v54  }
0x339: {  	s0 =	sadd.s32 s6, s31;
	[tilespmem:v56+s18+$0x0] =	vst.idx.msk $0xffff, v8  }
0x33a: {  	[hbm4b:s0+s4] =	stream.linear.scatter [tilespmem:s18], [sflag:$0x2], $0x2000, $0x38;
	[tilespmem:$0x8000] =	vst v63  }
0x33b: {  	_ =	swait.ge [sflag:s16], $0x2000  }
0x33c: {  	[sflag:s16] =	ssyncset.done $0x0  }
0x33d: {  	s30 =	simm.s32 $0x2;
	[sflag:s16] =	ssyncadd.s32 $0xFFFFE000  }
0x33e: {  	_ =	swait.ge [sflag:s30], $0x2000  }
0x33f: {  	[sflag:s30] =	ssyncset.done $0x0  }
0x340: {  	s0 =	simm.s32 $0x400;
	s21 =	simm.s32 $0xF;
	[sflag:s30] =	ssyncadd.s32 $0xFFFFE000  }
0x341: {  	s1 =	simm.s32 $0x1;
	v9 =	vor.u32 s21, v0;
	v8 =	vld [tilespmem:s0+$0x380]  }
0x342: {  	s3 =	simm.s32 $0x2;
	v11 =	vor.u32 s1, v0;
	v10 =	vld [tilespmem:s0+$0xFFFFFC80]  }
0x343: {  	s7 =	simm.s32 $0x3;
	v13 =	vor.u32 s3, v0;
	v12 =	vld [tilespmem:s0+$0xFFFFFD00]  }
0x344: {  	s10 =	simm.s32 $0x4;
	v15 =	vor.u32 s7, v0;
	v14 =	vld [tilespmem:s0+$0xFFFFFD80]  }
0x345: {  	s2 =	simm.s32 $0x5;
	v17 =	vor.u32 s10, v0;
	v16 =	vld [tilespmem:s0+$0xFFFFFE00]  }
0x346: {  	s11 =	simm.s32 $0x6;
	v19 =	vor.u32 s2, v0;
	v18 =	vld [tilespmem:s0+$0xFFFFFE80];
	[tilespmem:v9+s17+$0x0] =	vst.idx.msk $0xffff, v8  }
0x347: {  	s12 =	simm.s32 $0x7;
	[tilespmem:v11+s17+$0x0] =	vst.idx.msk $0xffff, v10;
	v10 =	vld [tilespmem:s0+$0xFFFFFF00];
	v11 =	vor.u32 s11, v0  }
0x348: {  	s8 =	simm.s32 $0x8;
	[tilespmem:v13+s17+$0x0] =	vst.idx.msk $0xffff, v12;
	v12 =	vld [tilespmem:s0+$0xFFFFFF80];
	v13 =	vor.u32 s12, v0  }
0x349: {  	s15 =	simm.s32 $0x9;
	[tilespmem:v15+s17+$0x0] =	vst.idx.msk $0xffff, v14;
	v14 =	vld [tilespmem:s0+$0x0];
	v15 =	vor.u32 s8, v0  }
0x34a: {  	s19 =	simm.s32 $0xA;
	[tilespmem:v17+s17+$0x0] =	vst.idx.msk $0xffff, v16;
	v16 =	vld [tilespmem:s0+$0x80];
	v17 =	vor.u32 s15, v0  }
0x34b: {  	[tilespmem:v19+s17+$0x0] =	vst.idx.msk $0xffff, v18;
	v18 =	vld [tilespmem:s0+$0x100];
	v19 =	vor.u32 s19, v0  }
0x34c: {  	s20 =	simm.s32 $0xB;
	v9 =	vor.u32 s21, v1;
	v8 =	vld [tilespmem:s0+$0x390];
	[tilespmem:v11+s17+$0x0] =	vst.idx.msk $0xffff, v10  }
0x34d: {  	s22 =	simm.s32 $0xC;
	[tilespmem:v13+s17+$0x0] =	vst.idx.msk $0xffff, v12;
	v10 =	vld [tilespmem:s0+$0x180];
	v11 =	vor.u32 s20, v0  }
0x34e: {  	s23 =	simm.s32 $0xD;
	[tilespmem:v15+s17+$0x0] =	vst.idx.msk $0xffff, v14;
	v12 =	vld [tilespmem:s0+$0x200];
	v13 =	vor.u32 s22, v0  }
0x34f: {  	s25 =	simm.s32 $0xE;
	[tilespmem:v17+s17+$0x0] =	vst.idx.msk $0xffff, v16;
	v14 =	vld [tilespmem:s0+$0x280];
	v15 =	vor.u32 s23, v0  }
0x350: {  	s24 =	simm.s32 $0x0;
	[tilespmem:v19+s17+$0x0] =	vst.idx.msk $0xffff, v18;
	v16 =	vld [tilespmem:s0+$0x300];
	v17 =	vor.u32 s25, v0  }
0x351: {  	v18 =	vld [tilespmem:s0+$0xFFFFFC00];
	v19 =	vor.u32 s24, v0;
	[tilespmem:v9+s17+$0x0] =	vst.idx.msk $0xffff, v8  }
0x352: {  	v9 =	vor.u32 s21, v2;
	v8 =	vld [tilespmem:s0+$0x3A0];
	[tilespmem:v11+s17+$0x0] =	vst.idx.msk $0xffff, v10  }
0x353: {  	v10 =	vld [tilespmem:s0+$0xFFFFFC90];
	v11 =	vor.u32 s1, v1;
	[tilespmem:v13+s17+$0x0] =	vst.idx.msk $0xffff, v12  }
0x354: {  	v12 =	vld [tilespmem:s0+$0xFFFFFD10];
	v13 =	vor.u32 s3, v1;
	[tilespmem:v15+s17+$0x0] =	vst.idx.msk $0xffff, v14  }
0x355: {  	v14 =	vld [tilespmem:s0+$0xFFFFFD90];
	v15 =	vor.u32 s7, v1;
	[tilespmem:v17+s17+$0x0] =	vst.idx.msk $0xffff, v16  }
0x356: {  	[tilespmem:v19+s17+$0x0] =	vst.idx.msk $0xffff, v18;
	v16 =	vld [tilespmem:s0+$0xFFFFFE10];
	v17 =	vor.u32 s10, v1  }
0x357: {  	v18 =	vld [tilespmem:s0+$0xFFFFFE90];
	v19 =	vor.u32 s2, v1;
	[tilespmem:v9+s17+$0x0] =	vst.idx.msk $0xffff, v8  }
0x358: {  	v9 =	vor.u32 s21, v3;
	v8 =	vld [tilespmem:s0+$0x3B0];
	[tilespmem:v11+s17+$0x0] =	vst.idx.msk $0xffff, v10  }
0x359: {  	[tilespmem:v13+s17+$0x0] =	vst.idx.msk $0xffff, v12;
	v10 =	vld [tilespmem:s0+$0xFFFFFF10];
	v11 =	vor.u32 s11, v1  }
0x35a: {  	[tilespmem:v15+s17+$0x0] =	vst.idx.msk $0xffff, v14;
	v12 =	vld [tilespmem:s0+$0xFFFFFF90];
	v13 =	vor.u32 s12, v1  }
0x35b: {  	[tilespmem:v17+s17+$0x0] =	vst.idx.msk $0xffff, v16;
	v14 =	vld [tilespmem:s0+$0x10];
	v15 =	vor.u32 s8, v1  }
0x35c: {  	[tilespmem:v19+s17+$0x0] =	vst.idx.msk $0xffff, v18;
	v16 =	vld [tilespmem:s0+$0x90];
	v17 =	vor.u32 s15, v1  }
0x35d: {  	v18 =	vld [tilespmem:s0+$0x110];
	v19 =	vor.u32 s19, v1;
	[tilespmem:v9+s17+$0x0] =	vst.idx.msk $0xffff, v8  }
0x35e: {  	v9 =	vor.u32 s21, v4;
	v8 =	vld [tilespmem:s0+$0x3C0];
	[tilespmem:v11+s17+$0x0] =	vst.idx.msk $0xffff, v10  }
0x35f: {  	[tilespmem:v13+s17+$0x0] =	vst.idx.msk $0xffff, v12;
	v10 =	vld [tilespmem:s0+$0x190];
	v11 =	vor.u32 s20, v1  }
0x360: {  	[tilespmem:v15+s17+$0x0] =	vst.idx.msk $0xffff, v14;
	v12 =	vld [tilespmem:s0+$0x210];
	v13 =	vor.u32 s22, v1  }
0x361: {  	[tilespmem:v17+s17+$0x0] =	vst.idx.msk $0xffff, v16;
	v14 =	vld [tilespmem:s0+$0x290];
	v15 =	vor.u32 s23, v1  }
0x362: {  	[tilespmem:v19+s17+$0x0] =	vst.idx.msk $0xffff, v18;
	v16 =	vld [tilespmem:s0+$0x310];
	v17 =	vor.u32 s25, v1  }
0x363: {  	v18 =	vld [tilespmem:s0+$0xFFFFFC10];
	v19 =	vor.u32 s24, v1;
	[tilespmem:v9+s17+$0x0] =	vst.idx.msk $0xffff, v8  }
0x364: {  	v9 =	vor.u32 s21, v5;
	v8 =	vld [tilespmem:s0+$0x3D0];
	[tilespmem:v11+s17+$0x0] =	vst.idx.msk $0xffff, v10  }
0x365: {  	v10 =	vld [tilespmem:s0+$0xFFFFFCA0];
	v11 =	vor.u32 s1, v2;
	[tilespmem:v13+s17+$0x0] =	vst.idx.msk $0xffff, v12  }
0x366: {  	v12 =	vld [tilespmem:s0+$0xFFFFFD20];
	v13 =	vor.u32 s3, v2;
	[tilespmem:v15+s17+$0x0] =	vst.idx.msk $0xffff, v14  }
0x367: {  	v14 =	vld [tilespmem:s0+$0xFFFFFDA0];
	v15 =	vor.u32 s7, v2;
	[tilespmem:v17+s17+$0x0] =	vst.idx.msk $0xffff, v16  }
0x368: {  	[tilespmem:v19+s17+$0x0] =	vst.idx.msk $0xffff, v18;
	v16 =	vld [tilespmem:s0+$0xFFFFFE20];
	v17 =	vor.u32 s10, v2  }
0x369: {  	v18 =	vld [tilespmem:s0+$0xFFFFFEA0];
	v19 =	vor.u32 s2, v2;
	[tilespmem:v9+s17+$0x0] =	vst.idx.msk $0xffff, v8  }
0x36a: {  	[tilespmem:v11+s17+$0x0] =	vst.idx.msk $0xffff, v10;
	v10 =	vld [tilespmem:s0+$0xFFFFFF20];
	v11 =	vor.u32 s11, v2  }
0x36b: {  	[tilespmem:v13+s17+$0x0] =	vst.idx.msk $0xffff, v12;
	v12 =	vld [tilespmem:s0+$0xFFFFFFA0];
	v13 =	vor.u32 s12, v2  }
0x36c: {  	[tilespmem:v15+s17+$0x0] =	vst.idx.msk $0xffff, v14;
	v14 =	vld [tilespmem:s0+$0x20];
	v15 =	vor.u32 s8, v2  }
0x36d: {  	v9 =	vor.u32 s21, v6;
	[tilespmem:v17+s17+$0x0] =	vst.idx.msk $0xffff, v16;
	v8 =	vld [tilespmem:s0+$0x3E0]  }
0x36e: {  	[tilespmem:v19+s17+$0x0] =	vst.idx.msk $0xffff, v18;
	v16 =	vld [tilespmem:s0+$0xA0];
	v17 =	vor.u32 s15, v2  }
0x36f: {  	v18 =	vld [tilespmem:s0+$0x120];
	v19 =	vor.u32 s19, v2;
	[tilespmem:v11+s17+$0x0] =	vst.idx.msk $0xffff, v10  }
0x370: {  	[tilespmem:v13+s17+$0x0] =	vst.idx.msk $0xffff, v12;
	v10 =	vld [tilespmem:s0+$0x220];
	v11 =	vor.u32 s22, v2  }
0x371: {  	[tilespmem:v15+s17+$0x0] =	vst.idx.msk $0xffff, v14;
	v12 =	vld [tilespmem:s0+$0x2A0];
	v13 =	vor.u32 s23, v2  }
0x372: {  	v14 =	vld [tilespmem:s0+$0x320];
	v15 =	vor.u32 s25, v2;
	[tilespmem:v9+s17+$0x0] =	vst.idx.msk $0xffff, v8  }
0x373: {  	[tilespmem:v17+s17+$0x0] =	vst.idx.msk $0xffff, v16;
	v9 =	vor.u32 s21, v7;
	v8 =	vld [tilespmem:s0+$0x3F0]  }
0x374: {  	v16 =	vld [tilespmem:s0+$0xFFFFFC20];
	v17 =	vor.u32 s24, v2;
	[tilespmem:v19+s17+$0x0] =	vst.idx.msk $0xffff, v18  }
0x375: {  	v18 =	vld [tilespmem:s0+$0xFFFFFCB0];
	v19 =	vor.u32 s1, v3;
	[tilespmem:v11+s17+$0x0] =	vst.idx.msk $0xffff, v10  }
0x376: {  	v10 =	vld [tilespmem:s0+$0xFFFFFDB0];
	v11 =	vor.u32 s7, v3;
	[tilespmem:v13+s17+$0x0] =	vst.idx.msk $0xffff, v12  }
0x377: {  	v12 =	vld [tilespmem:s0+$0xFFFFFE30];
	v13 =	vor.u32 s10, v3;
	[tilespmem:v15+s17+$0x0] =	vst.idx.msk $0xffff, v14  }
0x378: {  	[tilespmem:v9+s17+$0x0] =	vst.idx.msk $0xffff, v8;
	v8 =	vld [tilespmem:s0+$0x1A0];
	v9 =	vor.u32 s20, v2  }
0x379: {  	[tilespmem:v17+s17+$0x0] =	vst.idx.msk $0xffff, v16;
	v14 =	vld [tilespmem:s0+$0xFFFFFEB0];
	v15 =	vor.u32 s2, v3  }
0x37a: {  	[tilespmem:v19+s17+$0x0] =	vst.idx.msk $0xffff, v18;
	v19 =	vor.u32 s24, v3;
	v18 =	vld [tilespmem:s0+$0xFFFFFC30]  }
0x37b: {  	v16 =	vld [tilespmem:s0+$0xFFFFFF30];
	v17 =	vor.u32 s11, v3;
	[tilespmem:v11+s17+$0x0] =	vst.idx.msk $0xffff, v10  }
0x37c: {  	v10 =	vld [tilespmem:s0+$0x30];
	v11 =	vor.u32 s8, v3;
	[tilespmem:v13+s17+$0x0] =	vst.idx.msk $0xffff, v12  }
0x37d: {  	[tilespmem:v9+s17+$0x0] =	vst.idx.msk $0xffff, v8;
	v8 =	vld [tilespmem:s0+$0xFFFFFD30];
	v9 =	vor.u32 s3, v3  }
0x37e: {  	v12 =	vld [tilespmem:s0+$0xB0];
	v13 =	vor.u32 s15, v3;
	[tilespmem:v15+s17+$0x0] =	vst.idx.msk $0xffff, v14  }
0x37f: {  	v14 =	vld [tilespmem:s0+$0x130];
	v15 =	vor.u32 s19, v3;
	[tilespmem:v19+s17+$0x0] =	vst.idx.msk $0xffff, v18  }
0x380: {  	[tilespmem:v17+s17+$0x0] =	vst.idx.msk $0xffff, v16;
	v19 =	vor.u32 s24, v4;
	v18 =	vld [tilespmem:s0+$0xFFFFFC40]  }
0x381: {  	v17 =	vor.u32 s20, v3;
	v16 =	vld [tilespmem:s0+$0x1B0];
	[tilespmem:v11+s17+$0x0] =	vst.idx.msk $0xffff, v10  }
0x382: {  	[tilespmem:v9+s17+$0x0] =	vst.idx.msk $0xffff, v8;
	v8 =	vld [tilespmem:s0+$0xFFFFFFB0];
	v9 =	vor.u32 s12, v3  }
0x383: {  	v10 =	vld [tilespmem:s0+$0x2B0];
	v11 =	vor.u32 s23, v3;
	[tilespmem:v13+s17+$0x0] =	vst.idx.msk $0xffff, v12  }
0x384: {  	v12 =	vld [tilespmem:s0+$0x330];
	v13 =	vor.u32 s25, v3;
	[tilespmem:v15+s17+$0x0] =	vst.idx.msk $0xffff, v14  }
0x385: {  	v14 =	vld [tilespmem:s0+$0xFFFFFCC0];
	v15 =	vor.u32 s1, v4;
	[tilespmem:v19+s17+$0x0] =	vst.idx.msk $0xffff, v18  }
0x386: {  	[tilespmem:v17+s17+$0x0] =	vst.idx.msk $0xffff, v16;
	v16 =	vld [tilespmem:s0+$0xFFFFFD40];
	v17 =	vor.u32 s3, v4  }
0x387: {  	[tilespmem:v9+s17+$0x0] =	vst.idx.msk $0xffff, v8;
	v8 =	vld [tilespmem:s0+$0x230];
	v9 =	vor.u32 s22, v3  }
0x388: {  	v19 =	vor.u32 s24, v5;
	v18 =	vld [tilespmem:s0+$0xFFFFFC50];
	[tilespmem:v11+s17+$0x0] =	vst.idx.msk $0xffff, v10  }
0x389: {  	v10 =	vld [tilespmem:s0+$0xFFFFFE40];
	v11 =	vor.u32 s10, v4;
	[tilespmem:v13+s17+$0x0] =	vst.idx.msk $0xffff, v12  }
0x38a: {  	v12 =	vld [tilespmem:s0+$0xFFFFFEC0];
	v13 =	vor.u32 s2, v4;
	[tilespmem:v15+s17+$0x0] =	vst.idx.msk $0xffff, v14  }
0x38b: {  	v14 =	vld [tilespmem:s0+$0xFFFFFF40];
	v15 =	vor.u32 s11, v4;
	[tilespmem:v17+s17+$0x0] =	vst.idx.msk $0xffff, v16  }
0x38c: {  	[tilespmem:v9+s17+$0x0] =	vst.idx.msk $0xffff, v8;
	v8 =	vld [tilespmem:s0+$0xFFFFFDC0];
	v9 =	vor.u32 s7, v4  }
0x38d: {  	v16 =	vld [tilespmem:s0+$0xFFFFFFC0];
	v17 =	vor.u32 s12, v4;
	[tilespmem:v19+s17+$0x0] =	vst.idx.msk $0xffff, v18  }
0x38e: {  	v19 =	vor.u32 s24, v6;
	v18 =	vld [tilespmem:s0+$0xFFFFFC60];
	[tilespmem:v11+s17+$0x0] =	vst.idx.msk $0xffff, v10  }
0x38f: {  	v10 =	vld [tilespmem:s0+$0xC0];
	v11 =	vor.u32 s15, v4;
	[tilespmem:v13+s17+$0x0] =	vst.idx.msk $0xffff, v12  }
0x390: {  	v12 =	vld [tilespmem:s0+$0x140];
	v13 =	vor.u32 s19, v4;
	[tilespmem:v15+s17+$0x0] =	vst.idx.msk $0xffff, v14  }
0x391: {  	[tilespmem:v9+s17+$0x0] =	vst.idx.msk $0xffff, v8;
	v8 =	vld [tilespmem:s0+$0x40];
	v9 =	vor.u32 s8, v4  }
0x392: {  	v14 =	vld [tilespmem:s0+$0x1C0];
	v15 =	vor.u32 s20, v4;
	[tilespmem:v17+s17+$0x0] =	vst.idx.msk $0xffff, v16  }
0x393: {  	v16 =	vld [tilespmem:s0+$0x240];
	v17 =	vor.u32 s22, v4;
	[tilespmem:v19+s17+$0x0] =	vst.idx.msk $0xffff, v18  }
0x394: {  	[tilespmem:v11+s17+$0x0] =	vst.idx.msk $0xffff, v10;
	v10 =	vld [tilespmem:s0+$0x340];
	v11 =	vor.u32 s25, v4  }
0x395: {  	[tilespmem:v13+s17+$0x0] =	vst.idx.msk $0xffff, v12;
	v12 =	vld [tilespmem:s0+$0xFFFFFCD0];
	v13 =	vor.u32 s1, v5  }
0x396: {  	[tilespmem:v9+s17+$0x0] =	vst.idx.msk $0xffff, v8;
	v8 =	vld [tilespmem:s0+$0x2C0];
	v9 =	vor.u32 s23, v4  }
0x397: {  	[tilespmem:v15+s17+$0x0] =	vst.idx.msk $0xffff, v14;
	v14 =	vld [tilespmem:s0+$0xFFFFFD50];
	v15 =	vor.u32 s3, v5  }
0x398: {  	[tilespmem:v17+s17+$0x0] =	vst.idx.msk $0xffff, v16;
	v16 =	vld [tilespmem:s0+$0xFFFFFDD0];
	v17 =	vor.u32 s7, v5  }
0x399: {  	[tilespmem:v11+s17+$0x0] =	vst.idx.msk $0xffff, v10;
	v10 =	vld [tilespmem:s0+$0xFFFFFED0];
	v11 =	vor.u32 s2, v5  }
0x39a: {  	[tilespmem:v13+s17+$0x0] =	vst.idx.msk $0xffff, v12;
	v12 =	vld [tilespmem:s0+$0xFFFFFF50];
	v13 =	vor.u32 s11, v5  }
0x39b: {  	[tilespmem:v9+s17+$0x0] =	vst.idx.msk $0xffff, v8;
	v8 =	vld [tilespmem:s0+$0xFFFFFE50];
	v9 =	vor.u32 s10, v5  }
0x39c: {  	[tilespmem:v15+s17+$0x0] =	vst.idx.msk $0xffff, v14;
	v14 =	vld [tilespmem:s0+$0xFFFFFFD0];
	v15 =	vor.u32 s12, v5  }
0x39d: {  	[tilespmem:v17+s17+$0x0] =	vst.idx.msk $0xffff, v16;
	v16 =	vld [tilespmem:s0+$0x50];
	v17 =	vor.u32 s8, v5  }
0x39e: {  	[tilespmem:v11+s17+$0x0] =	vst.idx.msk $0xffff, v10;
	v10 =	vld [tilespmem:s0+$0x150];
	v11 =	vor.u32 s19, v5  }
0x39f: {  	[tilespmem:v13+s17+$0x0] =	vst.idx.msk $0xffff, v12;
	v12 =	vld [tilespmem:s0+$0x1D0];
	v13 =	vor.u32 s20, v5  }
0x3a0: {  	[tilespmem:v9+s17+$0x0] =	vst.idx.msk $0xffff, v8;
	v8 =	vld [tilespmem:s0+$0xD0];
	v9 =	vor.u32 s15, v5  }
0x3a1: {  	[tilespmem:v15+s17+$0x0] =	vst.idx.msk $0xffff, v14;
	v14 =	vld [tilespmem:s0+$0x250];
	v15 =	vor.u32 s22, v5  }
0x3a2: {  	[tilespmem:v17+s17+$0x0] =	vst.idx.msk $0xffff, v16;
	v16 =	vld [tilespmem:s0+$0x2D0];
	v17 =	vor.u32 s23, v5  }
0x3a3: {  	[tilespmem:v11+s17+$0x0] =	vst.idx.msk $0xffff, v10;
	v10 =	vld [tilespmem:s0+$0xFFFFFCE0];
	v11 =	vor.u32 s1, v6  }
0x3a4: {  	[tilespmem:v13+s17+$0x0] =	vst.idx.msk $0xffff, v12;
	v12 =	vld [tilespmem:s0+$0xFFFFFD60];
	v13 =	vor.u32 s3, v6  }
0x3a5: {  	[tilespmem:v9+s17+$0x0] =	vst.idx.msk $0xffff, v8;
	v8 =	vld [tilespmem:s0+$0x350];
	v9 =	vor.u32 s25, v5  }
0x3a6: {  	[tilespmem:v15+s17+$0x0] =	vst.idx.msk $0xffff, v14;
	v14 =	vld [tilespmem:s0+$0xFFFFFDE0];
	v15 =	vor.u32 s7, v6  }
0x3a7: {  	[tilespmem:v17+s17+$0x0] =	vst.idx.msk $0xffff, v16;
	v16 =	vld [tilespmem:s0+$0xFFFFFE60];
	v17 =	vor.u32 s10, v6  }
0x3a8: {  	[tilespmem:v11+s17+$0x0] =	vst.idx.msk $0xffff, v10;
	v10 =	vld [tilespmem:s0+$0xFFFFFF60];
	v11 =	vor.u32 s11, v6  }
0x3a9: {  	[tilespmem:v13+s17+$0x0] =	vst.idx.msk $0xffff, v12;
	v12 =	vld [tilespmem:s0+$0xFFFFFFE0];
	v13 =	vor.u32 s12, v6  }
0x3aa: {  	[tilespmem:v9+s17+$0x0] =	vst.idx.msk $0xffff, v8;
	v8 =	vld [tilespmem:s0+$0xFFFFFEE0];
	v9 =	vor.u32 s2, v6  }
0x3ab: {  	[tilespmem:v15+s17+$0x0] =	vst.idx.msk $0xffff, v14;
	v14 =	vld [tilespmem:s0+$0x60];
	v15 =	vor.u32 s8, v6  }
0x3ac: {  	[tilespmem:v17+s17+$0x0] =	vst.idx.msk $0xffff, v16;
	v16 =	vld [tilespmem:s0+$0xE0];
	v17 =	vor.u32 s15, v6  }
0x3ad: {  	[tilespmem:v11+s17+$0x0] =	vst.idx.msk $0xffff, v10;
	v10 =	vld [tilespmem:s0+$0x1E0];
	v11 =	vor.u32 s20, v6  }
0x3ae: {  	[tilespmem:v13+s17+$0x0] =	vst.idx.msk $0xffff, v12;
	v12 =	vld [tilespmem:s0+$0x260];
	v13 =	vor.u32 s22, v6  }
0x3af: {  	[tilespmem:v9+s17+$0x0] =	vst.idx.msk $0xffff, v8;
	v8 =	vld [tilespmem:s0+$0x160];
	v9 =	vor.u32 s19, v6  }
0x3b0: {  	[tilespmem:v15+s17+$0x0] =	vst.idx.msk $0xffff, v14;
	v14 =	vld [tilespmem:s0+$0x2E0];
	v15 =	vor.u32 s23, v6  }
0x3b1: {  	[tilespmem:v17+s17+$0x0] =	vst.idx.msk $0xffff, v16;
	v16 =	vld [tilespmem:s0+$0x360];
	v17 =	vor.u32 s25, v6  }
0x3b2: {  	v20 =	vor.u32 s15, v7;
	v19 =	vld [tilespmem:s0+$0xF0];
	[tilespmem:v11+s17+$0x0] =	vst.idx.msk $0xffff, v10  }
0x3b3: {  	v10 =	vld [tilespmem:s0+$0xFFFFFD70];
	v11 =	vor.u32 s3, v7;
	[tilespmem:v13+s17+$0x0] =	vst.idx.msk $0xffff, v12  }
0x3b4: {  	[tilespmem:v9+s17+$0x0] =	vst.idx.msk $0xffff, v8;
	v8 =	vld [tilespmem:s0+$0xFFFFFCF0];
	v9 =	vor.u32 s1, v7  }
0x3b5: {  	v12 =	vld [tilespmem:s0+$0xFFFFFDF0];
	v13 =	vor.u32 s7, v7;
	[tilespmem:v15+s17+$0x0] =	vst.idx.msk $0xffff, v14  }
0x3b6: {  	v14 =	vld [tilespmem:s0+$0xFFFFFE70];
	v15 =	vor.u32 s10, v7;
	[tilespmem:v17+s17+$0x0] =	vst.idx.msk $0xffff, v16  }
0x3b7: {  	v16 =	vld [tilespmem:s0+$0xFFFFFEF0];
	v17 =	vor.u32 s2, v7;
	[tilespmem:v20+s17+$0x0] =	vst.idx.msk $0xffff, v19  }
0x3b8: {  	[tilespmem:v11+s17+$0x0] =	vst.idx.msk $0xffff, v10;
	v10 =	vld [tilespmem:s0+$0xFFFFFFF0];
	v11 =	vor.u32 s12, v7  }
0x3b9: {  	[tilespmem:v9+s17+$0x0] =	vst.idx.msk $0xffff, v8;
	v8 =	vld [tilespmem:s0+$0xFFFFFF70];
	v9 =	vor.u32 s11, v7  }
0x3ba: {  	v18 =	vor.u32 s8, v7;
	[tilespmem:v13+s17+$0x0] =	vst.idx.msk $0xffff, v12;
	v12 =	vld [tilespmem:s0+$0x70]  }
0x3bb: {  	v22 =	vor.u32 s19, v7;
	[tilespmem:v15+s17+$0x0] =	vst.idx.msk $0xffff, v14;
	v21 =	vld [tilespmem:s0+$0x170]  }
0x3bc: {  	v15 =	vld [tilespmem:s0+$0x1F0];
	[tilespmem:v17+s17+$0x0] =	vst.idx.msk $0xffff, v16;
	v17 =	vor.u32 s20, v7  }
0x3bd: {  	v13 =	vld [tilespmem:s0+$0x270];
	v16 =	vor.u32 s22, v7;
	[tilespmem:v11+s17+$0x0] =	vst.idx.msk $0xffff, v10  }
0x3be: {  	v14 =	vor.u32 s23, v7;
	[tilespmem:v9+s17+$0x0] =	vst.idx.msk $0xffff, v8;
	v8 =	vld [tilespmem:s0+$0x2F0]  }
0x3bf: {  	s29 =	simm.s32 $0x1F;
	[tilespmem:v18+s17+$0x0] =	vst.idx.msk $0xffff, v12;
	v11 =	vor.u32 s25, v7;
	v9 =	vld [tilespmem:s0+$0x370]  }
0x3c0: {  	s21 =	simm.s32 $0x10;
	s23 =	simm.s32 $0x20;
	s22 =	simm.s32 $0xC00;
	v10 =	vld [tilespmem:s0+$0xFFFFFC70];
	v12 =	vor.u32 s24, v7;
	[tilespmem:v22+s17+$0x0] =	vst.idx.msk $0xffff, v21  }
.LBB2_8:
0x3c1: {  	p1 =	slt.u32 s23, $0x30;
	s25 =	sadd.s32 $0x1, s21;
	v18 =	vld [tilespmem:s22+$0x380];
	v19 =	vor.u32 s29, v0;
	[tilespmem:v17+s17+$0x0] =	vst.idx.msk $0xffff, v15;
	s24 =	smov.u32 s21  }
0x3c2: {  	s21 =	smov.u32 s23;
	v15 =	vld [tilespmem:s22+$0xFFFFFC80];
	v17 =	vor.u32 s25, v0;
	s26 =	sadd.s32 $0x2, s24;
	[tilespmem:v16+s17+$0x0] =	vst.idx.msk $0xffff, v13  }
0x3c3: {  	s28 =	sadd.s32 $0x3, s24;
	v13 =	vld [tilespmem:s22+$0xFFFFFD00];
	v16 =	vor.u32 s26, v0;
	[tilespmem:v14+s17+$0x0] =	vst.idx.msk $0xffff, v8  }
0x3c4: {  	s0 =	sadd.s32 $0x4, s24;
	v14 =	vor.u32 s28, v0;
	v8 =	vld [tilespmem:s22+$0xFFFFFD80];
	[tilespmem:v11+s17+$0x0] =	vst.idx.msk $0xffff, v9  }
0x3c5: {  	s2 =	sadd.s32 $0x5, s24;
	v11 =	vor.u32 s0, v0;
	v9 =	vld [tilespmem:s22+$0xFFFFFE00];
	[tilespmem:v12+s17+$0x0] =	vst.idx.msk $0xffff, v10  }
0x3c6: {  	v12 =	vor.u32 s2, v0;
	v10 =	vld [tilespmem:s22+$0xFFFFFE80];
	[tilespmem:v19+s17+$0x0] =	vst.idx.msk $0xffff, v18  }
0x3c7: {  	s3 =	sadd.s32 $0x6, s24;
	[tilespmem:v17+s17+$0x0] =	vst.idx.msk $0xffff, v15;
	v15 =	vld [tilespmem:s22+$0x390];
	v17 =	vor.u32 s29, v1  }
0x3c8: {  	s7 =	sadd.s32 $0x7, s24;
	[tilespmem:v16+s17+$0x0] =	vst.idx.msk $0xffff, v13;
	v13 =	vld [tilespmem:s22+$0xFFFFFF00];
	v16 =	vor.u32 s3, v0  }
0x3c9: {  	s10 =	sadd.s32 $0x8, s24;
	[tilespmem:v14+s17+$0x0] =	vst.idx.msk $0xffff, v8;
	v8 =	vld [tilespmem:s22+$0xFFFFFF80];
	v14 =	vor.u32 s7, v0  }
0x3ca: {  	s11 =	sadd.s32 $0x9, s24;
	[tilespmem:v11+s17+$0x0] =	vst.idx.msk $0xffff, v9;
	v9 =	vld [tilespmem:s22+$0x0];
	v11 =	vor.u32 s10, v0  }
0x3cb: {  	s12 =	sadd.s32 $0xA, s24;
	[tilespmem:v12+s17+$0x0] =	vst.idx.msk $0xffff, v10;
	v10 =	vld [tilespmem:s22+$0x80];
	v12 =	vor.u32 s11, v0  }
0x3cc: {  	v19 =	vor.u32 s12, v0;
	v18 =	vld [tilespmem:s22+$0x100];
	[tilespmem:v17+s17+$0x0] =	vst.idx.msk $0xffff, v15  }
0x3cd: {  	s19 =	sadd.s32 $0xB, s24;
	v15 =	vor.u32 s29, v2;
	[tilespmem:v16+s17+$0x0] =	vst.idx.msk $0xffff, v13;
	v13 =	vld [tilespmem:s22+$0x3A0]  }
0x3ce: {  	s20 =	sadd.s32 $0xC, s24;
	[tilespmem:v14+s17+$0x0] =	vst.idx.msk $0xffff, v8;
	v8 =	vld [tilespmem:s22+$0x180];
	v14 =	vor.u32 s19, v0  }
0x3cf: {  	s15 =	sadd.s32 $0xD, s24;
	[tilespmem:v11+s17+$0x0] =	vst.idx.msk $0xffff, v9;
	v9 =	vld [tilespmem:s22+$0x200];
	v11 =	vor.u32 s20, v0  }
0x3d0: {  	s1 =	sadd.s32 $0xE, s24;
	[tilespmem:v12+s17+$0x0] =	vst.idx.msk $0xffff, v10;
	v10 =	vld [tilespmem:s22+$0x280];
	v12 =	vor.u32 s15, v0  }
0x3d1: {  	v17 =	vor.u32 s1, v0;
	[tilespmem:v19+s17+$0x0] =	vst.idx.msk $0xffff, v18;
	v16 =	vld [tilespmem:s22+$0x300]  }
0x3d2: {  	v19 =	vor.u32 s24, v0;
	v18 =	vld [tilespmem:s22+$0xFFFFFC00];
	[tilespmem:v15+s17+$0x0] =	vst.idx.msk $0xffff, v13  }
0x3d3: {  	v13 =	vor.u32 s29, v3;
	[tilespmem:v14+s17+$0x0] =	vst.idx.msk $0xffff, v8;
	v8 =	vld [tilespmem:s22+$0x3B0]  }
0x3d4: {  	v15 =	vor.u32 s25, v1;
	v14 =	vld [tilespmem:s22+$0xFFFFFC90];
	[tilespmem:v11+s17+$0x0] =	vst.idx.msk $0xffff, v9  }
0x3d5: {  	v11 =	vor.u32 s26, v1;
	v9 =	vld [tilespmem:s22+$0xFFFFFD10];
	[tilespmem:v12+s17+$0x0] =	vst.idx.msk $0xffff, v10  }
0x3d6: {  	v12 =	vor.u32 s28, v1;
	v10 =	vld [tilespmem:s22+$0xFFFFFD90];
	[tilespmem:v17+s17+$0x0] =	vst.idx.msk $0xffff, v16  }
0x3d7: {  	v17 =	vor.u32 s0, v1;
	[tilespmem:v19+s17+$0x0] =	vst.idx.msk $0xffff, v18;
	v16 =	vld [tilespmem:s22+$0xFFFFFE10]  }
0x3d8: {  	v19 =	vor.u32 s2, v1;
	v18 =	vld [tilespmem:s22+$0xFFFFFE90];
	[tilespmem:v13+s17+$0x0] =	vst.idx.msk $0xffff, v8  }
0x3d9: {  	v13 =	vor.u32 s29, v4;
	[tilespmem:v15+s17+$0x0] =	vst.idx.msk $0xffff, v14;
	v8 =	vld [tilespmem:s22+$0x3C0]  }
0x3da: {  	[tilespmem:v11+s17+$0x0] =	vst.idx.msk $0xffff, v9;
	v9 =	vld [tilespmem:s22+$0xFFFFFF10];
	v11 =	vor.u32 s3, v1  }
0x3db: {  	[tilespmem:v12+s17+$0x0] =	vst.idx.msk $0xffff, v10;
	v10 =	vld [tilespmem:s22+$0xFFFFFF90];
	v12 =	vor.u32 s7, v1  }
0x3dc: {  	v15 =	vor.u32 s10, v1;
	[tilespmem:v17+s17+$0x0] =	vst.idx.msk $0xffff, v16;
	v14 =	vld [tilespmem:s22+$0x10]  }
0x3dd: {  	v17 =	vor.u32 s11, v1;
	[tilespmem:v19+s17+$0x0] =	vst.idx.msk $0xffff, v18;
	v16 =	vld [tilespmem:s22+$0x90]  }
0x3de: {  	v19 =	vor.u32 s12, v1;
	v18 =	vld [tilespmem:s22+$0x110];
	[tilespmem:v13+s17+$0x0] =	vst.idx.msk $0xffff, v8  }
0x3df: {  	[tilespmem:v11+s17+$0x0] =	vst.idx.msk $0xffff, v9;
	v8 =	vld [tilespmem:s22+$0x3D0];
	v9 =	vor.u32 s29, v5  }
0x3e0: {  	v11 =	vor.u32 s19, v1;
	[tilespmem:v12+s17+$0x0] =	vst.idx.msk $0xffff, v10;
	v10 =	vld [tilespmem:s22+$0x190]  }
0x3e1: {  	v13 =	vor.u32 s20, v1;
	[tilespmem:v15+s17+$0x0] =	vst.idx.msk $0xffff, v14;
	v12 =	vld [tilespmem:s22+$0x210]  }
0x3e2: {  	v15 =	vor.u32 s15, v1;
	[tilespmem:v17+s17+$0x0] =	vst.idx.msk $0xffff, v16;
	v14 =	vld [tilespmem:s22+$0x290]  }
0x3e3: {  	v17 =	vor.u32 s1, v1;
	[tilespmem:v19+s17+$0x0] =	vst.idx.msk $0xffff, v18;
	v16 =	vld [tilespmem:s22+$0x310]  }
0x3e4: {  	v19 =	vor.u32 s24, v1;
	v18 =	vld [tilespmem:s22+$0xFFFFFC10];
	[tilespmem:v9+s17+$0x0] =	vst.idx.msk $0xffff, v8  }
0x3e5: {  	v9 =	vor.u32 s29, v6;
	[tilespmem:v11+s17+$0x0] =	vst.idx.msk $0xffff, v10;
	v8 =	vld [tilespmem:s22+$0x3E0]  }
0x3e6: {  	v11 =	vor.u32 s25, v2;
	v10 =	vld [tilespmem:s22+$0xFFFFFCA0];
	[tilespmem:v13+s17+$0x0] =	vst.idx.msk $0xffff, v12  }
0x3e7: {  	v13 =	vor.u32 s26, v2;
	v12 =	vld [tilespmem:s22+$0xFFFFFD20];
	[tilespmem:v15+s17+$0x0] =	vst.idx.msk $0xffff, v14  }
0x3e8: {  	v15 =	vor.u32 s28, v2;
	v14 =	vld [tilespmem:s22+$0xFFFFFDA0];
	[tilespmem:v17+s17+$0x0] =	vst.idx.msk $0xffff, v16  }
0x3e9: {  	v17 =	vor.u32 s0, v2;
	[tilespmem:v19+s17+$0x0] =	vst.idx.msk $0xffff, v18;
	v16 =	vld [tilespmem:s22+$0xFFFFFE20]  }
0x3ea: {  	v19 =	vor.u32 s2, v2;
	v18 =	vld [tilespmem:s22+$0xFFFFFEA0];
	[tilespmem:v9+s17+$0x0] =	vst.idx.msk $0xffff, v8  }
0x3eb: {  	v9 =	vor.u32 s29, v7;
	[tilespmem:v11+s17+$0x0] =	vst.idx.msk $0xffff, v10;
	v8 =	vld [tilespmem:s22+$0x3F0]  }
0x3ec: {  	v11 =	vor.u32 s3, v2;
	[tilespmem:v13+s17+$0x0] =	vst.idx.msk $0xffff, v12;
	v10 =	vld [tilespmem:s22+$0xFFFFFF20]  }
0x3ed: {  	v13 =	vor.u32 s7, v2;
	[tilespmem:v15+s17+$0x0] =	vst.idx.msk $0xffff, v14;
	v12 =	vld [tilespmem:s22+$0xFFFFFFA0]  }
0x3ee: {  	v15 =	vor.u32 s10, v2;
	[tilespmem:v17+s17+$0x0] =	vst.idx.msk $0xffff, v16;
	v14 =	vld [tilespmem:s22+$0x20]  }
0x3ef: {  	v17 =	vor.u32 s11, v2;
	[tilespmem:v19+s17+$0x0] =	vst.idx.msk $0xffff, v18;
	v16 =	vld [tilespmem:s22+$0xA0]  }
0x3f0: {  	v19 =	vor.u32 s12, v2;
	v18 =	vld [tilespmem:s22+$0x120];
	[tilespmem:v9+s17+$0x0] =	vst.idx.msk $0xffff, v8  }
0x3f1: {  	v9 =	vor.u32 s19, v2;
	[tilespmem:v11+s17+$0x0] =	vst.idx.msk $0xffff, v10;
	v8 =	vld [tilespmem:s22+$0x1A0]  }
0x3f2: {  	v11 =	vor.u32 s20, v2;
	[tilespmem:v13+s17+$0x0] =	vst.idx.msk $0xffff, v12;
	v10 =	vld [tilespmem:s22+$0x220]  }
0x3f3: {  	v13 =	vor.u32 s15, v2;
	[tilespmem:v15+s17+$0x0] =	vst.idx.msk $0xffff, v14;
	v12 =	vld [tilespmem:s22+$0x2A0]  }
0x3f4: {  	v15 =	vor.u32 s1, v2;
	[tilespmem:v17+s17+$0x0] =	vst.idx.msk $0xffff, v16;
	v14 =	vld [tilespmem:s22+$0x320]  }
0x3f5: {  	v17 =	vor.u32 s24, v2;
	v16 =	vld [tilespmem:s22+$0xFFFFFC20];
	[tilespmem:v19+s17+$0x0] =	vst.idx.msk $0xffff, v18  }
0x3f6: {  	v19 =	vor.u32 s25, v3;
	v18 =	vld [tilespmem:s22+$0xFFFFFCB0];
	[tilespmem:v9+s17+$0x0] =	vst.idx.msk $0xffff, v8  }
0x3f7: {  	v9 =	vor.u32 s26, v3;
	v8 =	vld [tilespmem:s22+$0xFFFFFD30];
	[tilespmem:v11+s17+$0x0] =	vst.idx.msk $0xffff, v10  }
0x3f8: {  	v11 =	vor.u32 s28, v3;
	v10 =	vld [tilespmem:s22+$0xFFFFFDB0];
	[tilespmem:v13+s17+$0x0] =	vst.idx.msk $0xffff, v12  }
0x3f9: {  	v13 =	vor.u32 s0, v3;
	v12 =	vld [tilespmem:s22+$0xFFFFFE30];
	[tilespmem:v15+s17+$0x0] =	vst.idx.msk $0xffff, v14  }
0x3fa: {  	v15 =	vor.u32 s2, v3;
	[tilespmem:v17+s17+$0x0] =	vst.idx.msk $0xffff, v16;
	v14 =	vld [tilespmem:s22+$0xFFFFFEB0]  }
0x3fb: {  	v17 =	vor.u32 s3, v3;
	[tilespmem:v19+s17+$0x0] =	vst.idx.msk $0xffff, v18;
	v16 =	vld [tilespmem:s22+$0xFFFFFF30]  }
0x3fc: {  	[tilespmem:v9+s17+$0x0] =	vst.idx.msk $0xffff, v8;
	v8 =	vld [tilespmem:s22+$0xFFFFFFB0];
	v9 =	vor.u32 s7, v3  }
0x3fd: {  	[tilespmem:v11+s17+$0x0] =	vst.idx.msk $0xffff, v10;
	v10 =	vld [tilespmem:s22+$0x30];
	v11 =	vor.u32 s10, v3  }
0x3fe: {  	[tilespmem:v13+s17+$0x0] =	vst.idx.msk $0xffff, v12;
	v12 =	vld [tilespmem:s22+$0xB0];
	v13 =	vor.u32 s11, v3  }
0x3ff: {  	[tilespmem:v15+s17+$0x0] =	vst.idx.msk $0xffff, v14;
	v14 =	vld [tilespmem:s22+$0x130];
	v15 =	vor.u32 s12, v3  }
0x400: {  	[tilespmem:v17+s17+$0x0] =	vst.idx.msk $0xffff, v16;
	v16 =	vld [tilespmem:s22+$0x1B0];
	v17 =	vor.u32 s19, v3  }
0x401: {  	[tilespmem:v9+s17+$0x0] =	vst.idx.msk $0xffff, v8;
	v8 =	vld [tilespmem:s22+$0x230];
	v9 =	vor.u32 s20, v3  }
0x402: {  	[tilespmem:v11+s17+$0x0] =	vst.idx.msk $0xffff, v10;
	v10 =	vld [tilespmem:s22+$0x2B0];
	v11 =	vor.u32 s15, v3  }
0x403: {  	[tilespmem:v13+s17+$0x0] =	vst.idx.msk $0xffff, v12;
	v12 =	vld [tilespmem:s22+$0x330];
	v13 =	vor.u32 s1, v3  }
0x404: {  	v19 =	vor.u32 s24, v3;
	v18 =	vld [tilespmem:s22+$0xFFFFFC30];
	[tilespmem:v15+s17+$0x0] =	vst.idx.msk $0xffff, v14  }
0x405: {  	v15 =	vor.u32 s25, v4;
	v14 =	vld [tilespmem:s22+$0xFFFFFCC0];
	[tilespmem:v17+s17+$0x0] =	vst.idx.msk $0xffff, v16  }
0x406: {  	v17 =	vor.u32 s26, v4;
	v16 =	vld [tilespmem:s22+$0xFFFFFD40];
	[tilespmem:v9+s17+$0x0] =	vst.idx.msk $0xffff, v8  }
0x407: {  	v9 =	vor.u32 s28, v4;
	v8 =	vld [tilespmem:s22+$0xFFFFFDC0];
	[tilespmem:v11+s17+$0x0] =	vst.idx.msk $0xffff, v10  }
0x408: {  	v11 =	vor.u32 s0, v4;
	v10 =	vld [tilespmem:s22+$0xFFFFFE40];
	[tilespmem:v13+s17+$0x0] =	vst.idx.msk $0xffff, v12  }
0x409: {  	v13 =	vor.u32 s2, v4;
	[tilespmem:v19+s17+$0x0] =	vst.idx.msk $0xffff, v18;
	v12 =	vld [tilespmem:s22+$0xFFFFFEC0]  }
0x40a: {  	[tilespmem:v15+s17+$0x0] =	vst.idx.msk $0xffff, v14;
	v14 =	vld [tilespmem:s22+$0xFFFFFF40];
	v15 =	vor.u32 s3, v4  }
0x40b: {  	[tilespmem:v17+s17+$0x0] =	vst.idx.msk $0xffff, v16;
	v16 =	vld [tilespmem:s22+$0xFFFFFFC0];
	v17 =	vor.u32 s7, v4  }
0x40c: {  	[tilespmem:v9+s17+$0x0] =	vst.idx.msk $0xffff, v8;
	v8 =	vld [tilespmem:s22+$0x40];
	v9 =	vor.u32 s10, v4  }
0x40d: {  	[tilespmem:v11+s17+$0x0] =	vst.idx.msk $0xffff, v10;
	v10 =	vld [tilespmem:s22+$0xC0];
	v11 =	vor.u32 s11, v4  }
0x40e: {  	[tilespmem:v13+s17+$0x0] =	vst.idx.msk $0xffff, v12;
	v12 =	vld [tilespmem:s22+$0x140];
	v13 =	vor.u32 s12, v4  }
0x40f: {  	[tilespmem:v15+s17+$0x0] =	vst.idx.msk $0xffff, v14;
	v14 =	vld [tilespmem:s22+$0x1C0];
	v15 =	vor.u32 s19, v4  }
0x410: {  	[tilespmem:v17+s17+$0x0] =	vst.idx.msk $0xffff, v16;
	v16 =	vld [tilespmem:s22+$0x240];
	v17 =	vor.u32 s20, v4  }
0x411: {  	[tilespmem:v9+s17+$0x0] =	vst.idx.msk $0xffff, v8;
	v8 =	vld [tilespmem:s22+$0x2C0];
	v9 =	vor.u32 s15, v4  }
0x412: {  	[tilespmem:v11+s17+$0x0] =	vst.idx.msk $0xffff, v10;
	v10 =	vld [tilespmem:s22+$0x340];
	v11 =	vor.u32 s1, v4  }
0x413: {  	v19 =	vor.u32 s24, v4;
	v18 =	vld [tilespmem:s22+$0xFFFFFC40];
	[tilespmem:v13+s17+$0x0] =	vst.idx.msk $0xffff, v12  }
0x414: {  	v13 =	vor.u32 s25, v5;
	v12 =	vld [tilespmem:s22+$0xFFFFFCD0];
	[tilespmem:v15+s17+$0x0] =	vst.idx.msk $0xffff, v14  }
0x415: {  	v15 =	vor.u32 s26, v5;
	v14 =	vld [tilespmem:s22+$0xFFFFFD50];
	[tilespmem:v17+s17+$0x0] =	vst.idx.msk $0xffff, v16  }
0x416: {  	v17 =	vor.u32 s28, v5;
	v16 =	vld [tilespmem:s22+$0xFFFFFDD0];
	[tilespmem:v9+s17+$0x0] =	vst.idx.msk $0xffff, v8  }
0x417: {  	v9 =	vor.u32 s0, v5;
	v8 =	vld [tilespmem:s22+$0xFFFFFE50];
	[tilespmem:v11+s17+$0x0] =	vst.idx.msk $0xffff, v10  }
0x418: {  	v11 =	vor.u32 s2, v5;
	[tilespmem:v19+s17+$0x0] =	vst.idx.msk $0xffff, v18;
	v10 =	vld [tilespmem:s22+$0xFFFFFED0]  }
0x419: {  	[tilespmem:v13+s17+$0x0] =	vst.idx.msk $0xffff, v12;
	v12 =	vld [tilespmem:s22+$0xFFFFFF50];
	v13 =	vor.u32 s3, v5  }
0x41a: {  	[tilespmem:v15+s17+$0x0] =	vst.idx.msk $0xffff, v14;
	v14 =	vld [tilespmem:s22+$0xFFFFFFD0];
	v15 =	vor.u32 s7, v5  }
0x41b: {  	[tilespmem:v17+s17+$0x0] =	vst.idx.msk $0xffff, v16;
	v16 =	vld [tilespmem:s22+$0x50];
	v17 =	vor.u32 s10, v5  }
0x41c: {  	[tilespmem:v9+s17+$0x0] =	vst.idx.msk $0xffff, v8;
	v8 =	vld [tilespmem:s22+$0xD0];
	v9 =	vor.u32 s11, v5  }
0x41d: {  	[tilespmem:v11+s17+$0x0] =	vst.idx.msk $0xffff, v10;
	v10 =	vld [tilespmem:s22+$0x150];
	v11 =	vor.u32 s12, v5  }
0x41e: {  	[tilespmem:v13+s17+$0x0] =	vst.idx.msk $0xffff, v12;
	v12 =	vld [tilespmem:s22+$0x1D0];
	v13 =	vor.u32 s19, v5  }
0x41f: {  	[tilespmem:v15+s17+$0x0] =	vst.idx.msk $0xffff, v14;
	v14 =	vld [tilespmem:s22+$0x250];
	v15 =	vor.u32 s20, v5  }
0x420: {  	[tilespmem:v17+s17+$0x0] =	vst.idx.msk $0xffff, v16;
	v16 =	vld [tilespmem:s22+$0x2D0];
	v17 =	vor.u32 s15, v5  }
0x421: {  	[tilespmem:v9+s17+$0x0] =	vst.idx.msk $0xffff, v8;
	v8 =	vld [tilespmem:s22+$0x350];
	v9 =	vor.u32 s1, v5  }
0x422: {  	v19 =	vor.u32 s24, v5;
	v18 =	vld [tilespmem:s22+$0xFFFFFC50];
	[tilespmem:v11+s17+$0x0] =	vst.idx.msk $0xffff, v10  }
0x423: {  	v11 =	vor.u32 s25, v6;
	v10 =	vld [tilespmem:s22+$0xFFFFFCE0];
	[tilespmem:v13+s17+$0x0] =	vst.idx.msk $0xffff, v12  }
0x424: {  	v13 =	vor.u32 s26, v6;
	v12 =	vld [tilespmem:s22+$0xFFFFFD60];
	[tilespmem:v15+s17+$0x0] =	vst.idx.msk $0xffff, v14  }
0x425: {  	v15 =	vor.u32 s28, v6;
	v14 =	vld [tilespmem:s22+$0xFFFFFDE0];
	[tilespmem:v17+s17+$0x0] =	vst.idx.msk $0xffff, v16  }
0x426: {  	v17 =	vor.u32 s0, v6;
	v16 =	vld [tilespmem:s22+$0xFFFFFE60];
	[tilespmem:v9+s17+$0x0] =	vst.idx.msk $0xffff, v8  }
0x427: {  	v9 =	vor.u32 s2, v6;
	[tilespmem:v19+s17+$0x0] =	vst.idx.msk $0xffff, v18;
	v8 =	vld [tilespmem:s22+$0xFFFFFEE0]  }
0x428: {  	[tilespmem:v11+s17+$0x0] =	vst.idx.msk $0xffff, v10;
	v10 =	vld [tilespmem:s22+$0xFFFFFF60];
	v11 =	vor.u32 s3, v6  }
0x429: {  	[tilespmem:v13+s17+$0x0] =	vst.idx.msk $0xffff, v12;
	v12 =	vld [tilespmem:s22+$0xFFFFFFE0];
	v13 =	vor.u32 s7, v6  }
0x42a: {  	[tilespmem:v15+s17+$0x0] =	vst.idx.msk $0xffff, v14;
	v14 =	vld [tilespmem:s22+$0x60];
	v15 =	vor.u32 s10, v6  }
0x42b: {  	[tilespmem:v17+s17+$0x0] =	vst.idx.msk $0xffff, v16;
	v16 =	vld [tilespmem:s22+$0xE0];
	v17 =	vor.u32 s11, v6  }
0x42c: {  	[tilespmem:v9+s17+$0x0] =	vst.idx.msk $0xffff, v8;
	v8 =	vld [tilespmem:s22+$0x160];
	v9 =	vor.u32 s12, v6  }
0x42d: {  	[tilespmem:v11+s17+$0x0] =	vst.idx.msk $0xffff, v10;
	v10 =	vld [tilespmem:s22+$0x1E0];
	v11 =	vor.u32 s19, v6  }
0x42e: {  	[tilespmem:v13+s17+$0x0] =	vst.idx.msk $0xffff, v12;
	v12 =	vld [tilespmem:s22+$0x260];
	v13 =	vor.u32 s20, v6  }
0x42f: {  	[tilespmem:v15+s17+$0x0] =	vst.idx.msk $0xffff, v14;
	v14 =	vld [tilespmem:s22+$0x2E0];
	v15 =	vor.u32 s15, v6  }
0x430: {  	[tilespmem:v17+s17+$0x0] =	vst.idx.msk $0xffff, v16;
	v16 =	vld [tilespmem:s22+$0x360];
	v17 =	vor.u32 s1, v6  }
0x431: {  	v19 =	vor.u32 s24, v6;
	v18 =	vld [tilespmem:s22+$0xFFFFFC60];
	[tilespmem:v9+s17+$0x0] =	vst.idx.msk $0xffff, v8  }
0x432: {  	v9 =	vor.u32 s25, v7;
	v8 =	vld [tilespmem:s22+$0xFFFFFCF0];
	[tilespmem:v11+s17+$0x0] =	vst.idx.msk $0xffff, v10  }
0x433: {  	v11 =	vor.u32 s26, v7;
	v10 =	vld [tilespmem:s22+$0xFFFFFD70];
	[tilespmem:v13+s17+$0x0] =	vst.idx.msk $0xffff, v12  }
0x434: {  	v13 =	vor.u32 s28, v7;
	v12 =	vld [tilespmem:s22+$0xFFFFFDF0];
	[tilespmem:v15+s17+$0x0] =	vst.idx.msk $0xffff, v14  }
0x435: {  	v15 =	vor.u32 s0, v7;
	v14 =	vld [tilespmem:s22+$0xFFFFFE70];
	[tilespmem:v17+s17+$0x0] =	vst.idx.msk $0xffff, v16  }
0x436: {  	v17 =	vor.u32 s2, v7;
	[tilespmem:v19+s17+$0x0] =	vst.idx.msk $0xffff, v18;
	v16 =	vld [tilespmem:s22+$0xFFFFFEF0]  }
0x437: {  	[tilespmem:v9+s17+$0x0] =	vst.idx.msk $0xffff, v8;
	v8 =	vld [tilespmem:s22+$0xFFFFFF70];
	v9 =	vor.u32 s3, v7  }
0x438: {  	[tilespmem:v11+s17+$0x0] =	vst.idx.msk $0xffff, v10;
	v10 =	vld [tilespmem:s22+$0xFFFFFFF0];
	v11 =	vor.u32 s7, v7  }
0x439: {  	v18 =	vor.u32 s10, v7;
	[tilespmem:v13+s17+$0x0] =	vst.idx.msk $0xffff, v12;
	v12 =	vld [tilespmem:s22+$0x70]  }
0x43a: {  	v20 =	vor.u32 s11, v7;
	[tilespmem:v15+s17+$0x0] =	vst.idx.msk $0xffff, v14;
	v19 =	vld [tilespmem:s22+$0xF0]  }
0x43b: {  	v22 =	vor.u32 s12, v7;
	[tilespmem:v17+s17+$0x0] =	vst.idx.msk $0xffff, v16;
	v21 =	vld [tilespmem:s22+$0x170]  }
.Ltmp3:
0x43c: {  	v17 =	vor.u32 s19, v7;
	[tilespmem:v9+s17+$0x0] =	vst.idx.msk $0xffff, v8;
	v15 =	vld [tilespmem:s22+$0x1F0];
	(pc) =	sbr.rel @p1 .LBB2_8-.Ltmp3, $4  }
0x43d: {  	v16 =	vor.u32 s20, v7;
	[tilespmem:v11+s17+$0x0] =	vst.idx.msk $0xffff, v10;
	v13 =	vld [tilespmem:s22+$0x270]  }
0x43e: {  	v14 =	vor.u32 s15, v7;
	[tilespmem:v18+s17+$0x0] =	vst.idx.msk $0xffff, v12;
	v8 =	vld [tilespmem:s22+$0x2F0]  }
0x43f: {  	v11 =	vor.u32 s1, v7;
	[tilespmem:v20+s17+$0x0] =	vst.idx.msk $0xffff, v19;
	v9 =	vld [tilespmem:s22+$0x370]  }
0x440: {  	s23 =	sadd.s32 $0x10, s23;
	s29 =	sadd.s32 $0xF, s21;
	v12 =	vor.u32 s24, v7;
	v10 =	vld [tilespmem:s22+$0xFFFFFC70];
	[tilespmem:v22+s17+$0x0] =	vst.idx.msk $0xffff, v21;
	s22 =	sadd.s32 $0x800, s22  }
0x441: {  	_ =	sdelay $0x3  }
0x442: {  	v18 =	vld [tilespmem:s22+$0x380];
	v19 =	vor.u32 s29, v0;
	[tilespmem:v17+s17+$0x0] =	vst.idx.msk $0xffff, v15  }
0x443: {  	s0 =	sadd.s32 $0x1, s21;
	v39 =	vld [tilespmem:s22+$0xFFFFFC00];
	v40 =	vor.u32 s21, v0;
	[tilespmem:v16+s17+$0x0] =	vst.idx.msk $0xffff, v13  }
0x444: {  	v53 =	vld [tilespmem:s22+$0xFFFFFC80];
	s1 =	sadd.s32 $0x2, s21;
	v54 =	vor.u32 s0, v0;
	[tilespmem:v14+s17+$0x0] =	vst.idx.msk $0xffff, v8  }
0x445: {  	v55 =	vld [tilespmem:s22+$0xFFFFFD00];
	s3 =	sadd.s32 $0x4, s21;
	v56 =	vor.u32 s1, v0;
	[tilespmem:v11+s17+$0x0] =	vst.idx.msk $0xffff, v9  }
0x446: {  	v58 =	vld [tilespmem:s22+$0xFFFFFE00];
	s7 =	sadd.s32 $0x5, s21;
	v59 =	vor.u32 s3, v0;
	[tilespmem:v12+s17+$0x0] =	vst.idx.msk $0xffff, v10  }
0x447: {  	v60 =	vld [tilespmem:s22+$0xFFFFFE80];
	s10 =	sadd.s32 $0x6, s21;
	v61 =	vor.u32 s7, v0;
	[tilespmem:v19+s17+$0x0] =	vst.idx.msk $0xffff, v18  }
0x448: {  	v21 =	vld [tilespmem:s22+$0xFFFFFF00];
	s11 =	sadd.s32 $0x8, s21;
	v22 =	vor.u32 s10, v0;
	[tilespmem:v40+s17+$0x0] =	vst.idx.msk $0xffff, v39  }
0x449: {  	v24 =	vld [tilespmem:s22+$0x0];
	s12 =	sadd.s32 $0x9, s21;
	v25 =	vor.u32 s11, v0;
	[tilespmem:v54+s17+$0x0] =	vst.idx.msk $0xffff, v53  }
0x44a: {  	v26 =	vld [tilespmem:s22+$0x80];
	s15 =	sadd.s32 $0xA, s21;
	v27 =	vor.u32 s12, v0;
	[tilespmem:v56+s17+$0x0] =	vst.idx.msk $0xffff, v55  }
0x44b: {  	s2 =	sadd.s32 $0x3, s21;
	v28 =	vld [tilespmem:s22+$0x100];
	v29 =	vor.u32 s15, v0;
	[tilespmem:v59+s17+$0x0] =	vst.idx.msk $0xffff, v58  }
0x44c: {  	s20 =	sadd.s32 $0xC, s21;
	v57 =	vor.u32 s2, v0;
	v8 =	vld [tilespmem:s22+$0xFFFFFD80];
	[tilespmem:v61+s17+$0x0] =	vst.idx.msk $0xffff, v60  }
0x44d: {  	v33 =	vld [tilespmem:s22+$0x200];
	s23 =	sadd.s32 $0xD, s21;
	v34 =	vor.u32 s20, v0;
	[tilespmem:v22+s17+$0x0] =	vst.idx.msk $0xffff, v21  }
0x44e: {  	v35 =	vld [tilespmem:s22+$0x280];
	s24 =	sadd.s32 $0xE, s21;
	v36 =	vor.u32 s23, v0;
	[tilespmem:v25+s17+$0x0] =	vst.idx.msk $0xffff, v24  }
0x44f: {  	v37 =	vld [tilespmem:s22+$0x300];
	v38 =	vor.u32 s24, v0;
	[tilespmem:v27+s17+$0x0] =	vst.idx.msk $0xffff, v26  }
0x450: {  	v63 =	vor.u32 s29, v1;
	s8 =	sadd.s32 $0x7, s21;
	v62 =	vld [tilespmem:s22+$0x390];
	[tilespmem:v29+s17+$0x0] =	vst.idx.msk $0xffff, v28  }
0x451: {  	v23 =	vor.u32 s8, v0;
	[tilespmem:v57+s17+$0x0] =	vst.idx.msk $0xffff, v8;
	v8 =	vld [tilespmem:s22+$0xFFFFFF80]  }
0x452: {  	v43 =	vor.u32 s0, v1;
	[tilespmem:v34+s17+$0x0] =	vst.idx.msk $0xffff, v33;
	v42 =	vld [tilespmem:s22+$0xFFFFFC90]  }
0x453: {  	v45 =	vor.u32 s1, v1;
	[tilespmem:v36+s17+$0x0] =	vst.idx.msk $0xffff, v35;
	v44 =	vld [tilespmem:s22+$0xFFFFFD10]  }
0x454: {  	v49 =	vor.u32 s3, v1;
	[tilespmem:v38+s17+$0x0] =	vst.idx.msk $0xffff, v37;
	v48 =	vld [tilespmem:s22+$0xFFFFFE10]  }
0x455: {  	v51 =	vor.u32 s7, v1;
	v50 =	vld [tilespmem:s22+$0xFFFFFE90];
	[tilespmem:v63+s17+$0x0] =	vst.idx.msk $0xffff, v62  }
0x456: {  	v54 =	vor.u32 s10, v1;
	v53 =	vld [tilespmem:s22+$0xFFFFFF10];
	[tilespmem:v23+s17+$0x0] =	vst.idx.msk $0xffff, v8  }
0x457: {  	v58 =	vor.u32 s11, v1;
	v57 =	vld [tilespmem:s22+$0x10];
	[tilespmem:v43+s17+$0x0] =	vst.idx.msk $0xffff, v42  }
0x458: {  	s19 =	sadd.s32 $0xB, s21;
	v31 =	vor.u32 s29, v2;
	v30 =	vld [tilespmem:s22+$0x3A0];
	[tilespmem:v45+s17+$0x0] =	vst.idx.msk $0xffff, v44  }
0x459: {  	v32 =	vor.u32 s19, v0;
	v8 =	vld [tilespmem:s22+$0x180];
	[tilespmem:v49+s17+$0x0] =	vst.idx.msk $0xffff, v48  }
0x45a: {  	v60 =	vor.u32 s12, v1;
	v59 =	vld [tilespmem:s22+$0x90];
	[tilespmem:v51+s17+$0x0] =	vst.idx.msk $0xffff, v50  }
0x45b: {  	v26 =	vor.u32 s23, v1;
	v25 =	vld [tilespmem:s22+$0x290];
	[tilespmem:v54+s17+$0x0] =	vst.idx.msk $0xffff, v53  }
0x45c: {  	v28 =	vor.u32 s24, v1;
	v27 =	vld [tilespmem:s22+$0x310];
	[tilespmem:v58+s17+$0x0] =	vst.idx.msk $0xffff, v57  }
0x45d: {  	v47 =	vor.u32 s2, v1;
	v46 =	vld [tilespmem:s22+$0xFFFFFD90];
	[tilespmem:v31+s17+$0x0] =	vst.idx.msk $0xffff, v30  }
0x45e: {  	v41 =	vor.u32 s29, v3;
	[tilespmem:v32+s17+$0x0] =	vst.idx.msk $0xffff, v8;
	v8 =	vld [tilespmem:s22+$0x3B0]  }
0x45f: {  	v61 =	vld [tilespmem:s22+$0x110];
	v62 =	vor.u32 s15, v1;
	[tilespmem:v60+s17+$0x0] =	vst.idx.msk $0xffff, v59  }
0x460: {  	v24 =	vor.u32 s20, v1;
	v23 =	vld [tilespmem:s22+$0x210];
	[tilespmem:v26+s17+$0x0] =	vst.idx.msk $0xffff, v25  }
0x461: {  	v56 =	vor.u32 s8, v1;
	[tilespmem:v28+s17+$0x0] =	vst.idx.msk $0xffff, v27;
	v55 =	vld [tilespmem:s22+$0xFFFFFF90]  }
0x462: {  	v35 =	vor.u32 s1, v2;
	[tilespmem:v47+s17+$0x0] =	vst.idx.msk $0xffff, v46;
	v34 =	vld [tilespmem:s22+$0xFFFFFD20]  }
0x463: {  	v39 =	vor.u32 s3, v2;
	v38 =	vld [tilespmem:s22+$0xFFFFFE20];
	[tilespmem:v41+s17+$0x0] =	vst.idx.msk $0xffff, v8  }
0x464: {  	v52 =	vor.u32 s29, v4;
	[tilespmem:v62+s17+$0x0] =	vst.idx.msk $0xffff, v61;
	v8 =	vld [tilespmem:s22+$0x3C0]  }
0x465: {  	v44 =	vor.u32 s10, v2;
	v43 =	vld [tilespmem:s22+$0xFFFFFF20];
	[tilespmem:v24+s17+$0x0] =	vst.idx.msk $0xffff, v23  }
0x466: {  	v48 =	vor.u32 s11, v2;
	v47 =	vld [tilespmem:s22+$0x20];
	[tilespmem:v56+s17+$0x0] =	vst.idx.msk $0xffff, v55  }
0x467: {  	v50 =	vor.u32 s12, v2;
	v49 =	vld [tilespmem:s22+$0xA0];
	[tilespmem:v35+s17+$0x0] =	vst.idx.msk $0xffff, v34  }
0x468: {  	v59 =	vor.u32 s24, v2;
	v58 =	vld [tilespmem:s22+$0x320];
	[tilespmem:v39+s17+$0x0] =	vst.idx.msk $0xffff, v38  }
0x469: {  	v37 =	vor.u32 s2, v2;
	v36 =	vld [tilespmem:s22+$0xFFFFFDA0];
	[tilespmem:v52+s17+$0x0] =	vst.idx.msk $0xffff, v8  }
0x46a: {  	v63 =	vor.u32 s29, v5;
	[tilespmem:v44+s17+$0x0] =	vst.idx.msk $0xffff, v43;
	v8 =	vld [tilespmem:s22+$0x3D0]  }
0x46b: {  	v29 =	vld [tilespmem:s22+$0xFFFFFC10];
	v30 =	vor.u32 s21, v1;
	[tilespmem:v48+s17+$0x0] =	vst.idx.msk $0xffff, v47  }
0x46c: {  	v33 =	vor.u32 s0, v2;
	v32 =	vld [tilespmem:s22+$0xFFFFFCA0];
	[tilespmem:v50+s17+$0x0] =	vst.idx.msk $0xffff, v49  }
0x46d: {  	v22 =	vor.u32 s19, v1;
	v21 =	vld [tilespmem:s22+$0x190];
	[tilespmem:v59+s17+$0x0] =	vst.idx.msk $0xffff, v58  }
0x46e: {  	v54 =	vld [tilespmem:s22+$0x220];
	v55 =	vor.u32 s20, v2;
	[tilespmem:v37+s17+$0x0] =	vst.idx.msk $0xffff, v36  }
0x46f: {  	v57 =	vor.u32 s23, v2;
	v56 =	vld [tilespmem:s22+$0x2A0];
	[tilespmem:v63+s17+$0x0] =	vst.idx.msk $0xffff, v8  }
0x470: {  	v31 =	vor.u32 s29, v6;
	[tilespmem:v30+s17+$0x0] =	vst.idx.msk $0xffff, v29;
	v8 =	vld [tilespmem:s22+$0x3E0]  }
0x471: {  	v46 =	vor.u32 s8, v2;
	v45 =	vld [tilespmem:s22+$0xFFFFFFA0];
	[tilespmem:v33+s17+$0x0] =	vst.idx.msk $0xffff, v32  }
0x472: {  	v25 =	vor.u32 s3, v3;
	v24 =	vld [tilespmem:s22+$0xFFFFFE30];
	[tilespmem:v22+s17+$0x0] =	vst.idx.msk $0xffff, v21  }
0x473: {  	v28 =	vld [tilespmem:s22+$0xFFFFFF30];
	v29 =	vor.u32 s10, v3;
	[tilespmem:v55+s17+$0x0] =	vst.idx.msk $0xffff, v54  }
0x474: {  	v34 =	vor.u32 s12, v3;
	v33 =	vld [tilespmem:s22+$0xB0];
	[tilespmem:v57+s17+$0x0] =	vst.idx.msk $0xffff, v56  }
0x475: {  	v40 =	vld [tilespmem:s22+$0xFFFFFEA0];
	v41 =	vor.u32 s7, v2;
	[tilespmem:v31+s17+$0x0] =	vst.idx.msk $0xffff, v8  }
0x476: {  	v42 =	vor.u32 s29, v7;
	[tilespmem:v46+s17+$0x0] =	vst.idx.msk $0xffff, v45;
	v8 =	vld [tilespmem:s22+$0x3F0]  }
0x477: {  	v61 =	vor.u32 s21, v2;
	v60 =	vld [tilespmem:s22+$0xFFFFFC20];
	[tilespmem:v25+s17+$0x0] =	vst.idx.msk $0xffff, v24  }
0x478: {  	v23 =	vor.u32 s2, v3;
	v22 =	vld [tilespmem:s22+$0xFFFFFDB0];
	[tilespmem:v29+s17+$0x0] =	vst.idx.msk $0xffff, v28  }
0x479: {  	v51 =	vld [tilespmem:s22+$0x120];
	[tilespmem:v34+s17+$0x0] =	vst.idx.msk $0xffff, v33;
	v52 =	vor.u32 s15, v2  }
0x47a: {  	[tilespmem:v41+s17+$0x0] =	vst.idx.msk $0xffff, v40;
	v40 =	vld [tilespmem:s22+$0x2B0];
	v41 =	vor.u32 s23, v3  }
0x47b: {  	v53 =	vor.u32 s19, v2;
	[tilespmem:v42+s17+$0x0] =	vst.idx.msk $0xffff, v8;
	v8 =	vld [tilespmem:s22+$0x1A0]  }
0x47c: {  	v56 =	vor.u32 s10, v4;
	[tilespmem:v61+s17+$0x0] =	vst.idx.msk $0xffff, v60;
	v55 =	vld [tilespmem:s22+$0xFFFFFF40]  }
0x47d: {  	[tilespmem:v23+s17+$0x0] =	vst.idx.msk $0xffff, v22;
	v60 =	vld [tilespmem:s22+$0xC0];
	v61 =	vor.u32 s12, v4  }
0x47e: {  	v45 =	vor.u32 s21, v3;
	v44 =	vld [tilespmem:s22+$0xFFFFFC30];
	[tilespmem:v52+s17+$0x0] =	vst.idx.msk $0xffff, v51  }
0x47f: {  	v36 =	vor.u32 s15, v3;
	[tilespmem:v41+s17+$0x0] =	vst.idx.msk $0xffff, v40;
	v35 =	vld [tilespmem:s22+$0x130]  }
0x480: {  	v21 =	vor.u32 s1, v3;
	[tilespmem:v53+s17+$0x0] =	vst.idx.msk $0xffff, v8;
	v8 =	vld [tilespmem:s22+$0xFFFFFD30]  }
0x481: {  	v62 =	vld [tilespmem:s22+$0xFFFFFCB0];
	[tilespmem:v56+s17+$0x0] =	vst.idx.msk $0xffff, v55;
	v63 =	vor.u32 s0, v3  }
0x482: {  	v27 =	vor.u32 s7, v3;
	v26 =	vld [tilespmem:s22+$0xFFFFFEB0];
	[tilespmem:v61+s17+$0x0] =	vst.idx.msk $0xffff, v60  }
0x483: {  	v51 =	vld [tilespmem:s22+$0xFFFFFE40];
	v52 =	vor.u32 s3, v4;
	[tilespmem:v45+s17+$0x0] =	vst.idx.msk $0xffff, v44  }
0x484: {  	v28 =	vor.u32 s21, v4;
	v18 =	vld [tilespmem:s22+$0xFFFFFC40];
	[tilespmem:v36+s17+$0x0] =	vst.idx.msk $0xffff, v35  }
0x485: {  	v30 =	vor.u32 s8, v3;
	[tilespmem:v21+s17+$0x0] =	vst.idx.msk $0xffff, v8;
	v8 =	vld [tilespmem:s22+$0xFFFFFFB0]  }
0x486: {  	[tilespmem:v63+s17+$0x0] =	vst.idx.msk $0xffff, v62;
	v63 =	vor.u32 s15, v4;
	v62 =	vld [tilespmem:s22+$0x140]  }
0x487: {  	v47 =	vor.u32 s0, v4;
	[tilespmem:v27+s17+$0x0] =	vst.idx.msk $0xffff, v26;
	v46 =	vld [tilespmem:s22+$0xFFFFFCC0]  }
0x488: {  	v43 =	vor.u32 s24, v3;
	[tilespmem:v52+s17+$0x0] =	vst.idx.msk $0xffff, v51;
	v42 =	vld [tilespmem:s22+$0x330]  }
0x489: {  	v32 =	vor.u32 s11, v3;
	[tilespmem:v28+s17+$0x0] =	vst.idx.msk $0xffff, v18;
	v31 =	vld [tilespmem:s22+$0x30]  }
0x48a: {  	v39 =	vor.u32 s20, v3;
	[tilespmem:v30+s17+$0x0] =	vst.idx.msk $0xffff, v8;
	v8 =	vld [tilespmem:s22+$0x230]  }
0x48b: {  	v54 =	vor.u32 s7, v4;
	[tilespmem:v63+s17+$0x0] =	vst.idx.msk $0xffff, v62;
	v53 =	vld [tilespmem:s22+$0xFFFFFEC0]  }
0x48c: {  	[tilespmem:v47+s17+$0x0] =	vst.idx.msk $0xffff, v46;
	v46 =	vor.u32 s15, v5;
	v45 =	vld [tilespmem:s22+$0x150]  }
0x48d: {  	v38 =	vor.u32 s19, v3;
	[tilespmem:v43+s17+$0x0] =	vst.idx.msk $0xffff, v42;
	v37 =	vld [tilespmem:s22+$0x1B0]  }
0x48e: {  	v27 =	vor.u32 s24, v4;
	[tilespmem:v32+s17+$0x0] =	vst.idx.msk $0xffff, v31;
	v26 =	vld [tilespmem:s22+$0x340]  }
0x48f: {  	v50 =	vor.u32 s2, v4;
	[tilespmem:v39+s17+$0x0] =	vst.idx.msk $0xffff, v8;
	v8 =	vld [tilespmem:s22+$0xFFFFFDC0]  }
0x490: {  	v18 =	vld [tilespmem:s22+$0xFFFFFC50];
	[tilespmem:v54+s17+$0x0] =	vst.idx.msk $0xffff, v53;
	v54 =	vor.u32 s21, v5  }
0x491: {  	v49 =	vor.u32 s1, v4;
	[tilespmem:v46+s17+$0x0] =	vst.idx.msk $0xffff, v45;
	v48 =	vld [tilespmem:s22+$0xFFFFFD40]  }
0x492: {  	[tilespmem:v38+s17+$0x0] =	vst.idx.msk $0xffff, v37;
	v36 =	vld [tilespmem:s22+$0xFFFFFED0];
	v37 =	vor.u32 s7, v5  }
0x493: {  	v22 =	vor.u32 s19, v4;
	[tilespmem:v27+s17+$0x0] =	vst.idx.msk $0xffff, v26;
	v21 =	vld [tilespmem:s22+$0x1C0]  }
0x494: {  	v59 =	vor.u32 s11, v4;
	[tilespmem:v50+s17+$0x0] =	vst.idx.msk $0xffff, v8;
	v8 =	vld [tilespmem:s22+$0x40]  }
0x495: {  	v29 =	vld [tilespmem:s22+$0xFFFFFCD0];
	v30 =	vor.u32 s0, v5;
	[tilespmem:v54+s17+$0x0] =	vst.idx.msk $0xffff, v18  }
0x496: {  	v58 =	vor.u32 s8, v4;
	[tilespmem:v49+s17+$0x0] =	vst.idx.msk $0xffff, v48;
	v57 =	vld [tilespmem:s22+$0xFFFFFFC0]  }
0x497: {  	[tilespmem:v37+s17+$0x0] =	vst.idx.msk $0xffff, v36;
	v18 =	vld [tilespmem:s22+$0xFFFFFC60];
	v37 =	vor.u32 s21, v6  }
0x498: {  	v32 =	vor.u32 s1, v5;
	[tilespmem:v22+s17+$0x0] =	vst.idx.msk $0xffff, v21;
	v31 =	vld [tilespmem:s22+$0xFFFFFD50]  }
0x499: {  	v25 =	vor.u32 s23, v4;
	[tilespmem:v59+s17+$0x0] =	vst.idx.msk $0xffff, v8;
	v8 =	vld [tilespmem:s22+$0x2C0]  }
0x49a: {  	v48 =	vor.u32 s19, v5;
	v47 =	vld [tilespmem:s22+$0x1D0];
	[tilespmem:v30+s17+$0x0] =	vst.idx.msk $0xffff, v29  }
0x49b: {  	v38 =	vld [tilespmem:s22+$0xFFFFFF50];
	v39 =	vor.u32 s10, v5;
	[tilespmem:v58+s17+$0x0] =	vst.idx.msk $0xffff, v57  }
0x49c: {  	v24 =	vor.u32 s20, v4;
	v23 =	vld [tilespmem:s22+$0x240];
	[tilespmem:v37+s17+$0x0] =	vst.idx.msk $0xffff, v18  }
0x49d: {  	v56 =	vor.u32 s0, v6;
	v55 =	vld [tilespmem:s22+$0xFFFFFCE0];
	[tilespmem:v32+s17+$0x0] =	vst.idx.msk $0xffff, v31  }
0x49e: {  	v35 =	vor.u32 s3, v5;
	[tilespmem:v25+s17+$0x0] =	vst.idx.msk $0xffff, v8;
	v8 =	vld [tilespmem:s22+$0xFFFFFE50]  }
0x49f: {  	v41 =	vor.u32 s8, v5;
	v40 =	vld [tilespmem:s22+$0xFFFFFFD0];
	[tilespmem:v48+s17+$0x0] =	vst.idx.msk $0xffff, v47  }
0x4a0: {  	v58 =	vor.u32 s1, v6;
	v57 =	vld [tilespmem:s22+$0xFFFFFD60];
	[tilespmem:v39+s17+$0x0] =	vst.idx.msk $0xffff, v38  }
0x4a1: {  	v30 =	vor.u32 s19, v6;
	v29 =	vld [tilespmem:s22+$0x1E0];
	[tilespmem:v24+s17+$0x0] =	vst.idx.msk $0xffff, v23  }
0x4a2: {  	v34 =	vor.u32 s2, v5;
	v33 =	vld [tilespmem:s22+$0xFFFFFDD0];
	[tilespmem:v56+s17+$0x0] =	vst.idx.msk $0xffff, v55  }
0x4a3: {  	v44 =	vor.u32 s12, v5;
	[tilespmem:v35+s17+$0x0] =	vst.idx.msk $0xffff, v8;
	v8 =	vld [tilespmem:s22+$0xD0]  }
0x4a4: {  	v21 =	vor.u32 s10, v6;
	v20 =	vld [tilespmem:s22+$0xFFFFFF60];
	[tilespmem:v41+s17+$0x0] =	vst.idx.msk $0xffff, v40  }
0x4a5: {  	v50 =	vor.u32 s20, v5;
	v49 =	vld [tilespmem:s22+$0x250];
	[tilespmem:v58+s17+$0x0] =	vst.idx.msk $0xffff, v57  }
0x4a6: {  	v23 =	vor.u32 s8, v6;
	v22 =	vld [tilespmem:s22+$0xFFFFFFE0];
	[tilespmem:v30+s17+$0x0] =	vst.idx.msk $0xffff, v29  }
0x4a7: {  	v40 =	vor.u32 s1, v7;
	v39 =	vld [tilespmem:s22+$0xFFFFFD70];
	[tilespmem:v34+s17+$0x0] =	vst.idx.msk $0xffff, v33  }
0x4a8: {  	v53 =	vor.u32 s24, v5;
	[tilespmem:v44+s17+$0x0] =	vst.idx.msk $0xffff, v8;
	v8 =	vld [tilespmem:s22+$0x350]  }
0x4a9: {  	v43 =	vor.u32 s11, v5;
	v42 =	vld [tilespmem:s22+$0x50];
	[tilespmem:v21+s17+$0x0] =	vst.idx.msk $0xffff, v20  }
0x4aa: {  	v60 =	vor.u32 s2, v6;
	[tilespmem:v50+s17+$0x0] =	vst.idx.msk $0xffff, v49;
	v59 =	vld [tilespmem:s22+$0xFFFFFDE0]  }
0x4ab: {  	v32 =	vor.u32 s20, v6;
	[tilespmem:v23+s17+$0x0] =	vst.idx.msk $0xffff, v22;
	v31 =	vld [tilespmem:s22+$0x260]  }
0x4ac: {  	v49 =	vor.u32 s8, v7;
	[tilespmem:v40+s17+$0x0] =	vst.idx.msk $0xffff, v39;
	v48 =	vld [tilespmem:s22+$0xFFFFFFF0]  }
0x4ad: {  	v63 =	vor.u32 s7, v6;
	[tilespmem:v53+s17+$0x0] =	vst.idx.msk $0xffff, v8;
	v8 =	vld [tilespmem:s22+$0xFFFFFEE0]  }
0x4ae: {  	v52 =	vor.u32 s23, v5;
	[tilespmem:v43+s17+$0x0] =	vst.idx.msk $0xffff, v42;
	v51 =	vld [tilespmem:s22+$0x2D0]  }
0x4af: {  	v25 =	vor.u32 s11, v6;
	[tilespmem:v60+s17+$0x0] =	vst.idx.msk $0xffff, v59;
	v24 =	vld [tilespmem:s22+$0x60]  }
0x4b0: {  	v42 =	vor.u32 s2, v7;
	[tilespmem:v32+s17+$0x0] =	vst.idx.msk $0xffff, v31;
	v41 =	vld [tilespmem:s22+$0xFFFFFDF0]  }
0x4b1: {  	v62 =	vor.u32 s3, v6;
	[tilespmem:v49+s17+$0x0] =	vst.idx.msk $0xffff, v48;
	v61 =	vld [tilespmem:s22+$0xFFFFFE60]  }
0x4b2: {  	v28 =	vor.u32 s15, v6;
	[tilespmem:v63+s17+$0x0] =	vst.idx.msk $0xffff, v8;
	v8 =	vld [tilespmem:s22+$0x160]  }
0x4b3: {  	v58 =	vor.u32 s20, v7;
	v57 =	vld [tilespmem:s22+$0x270];
	[tilespmem:v52+s17+$0x0] =	vst.idx.msk $0xffff, v51  }
0x4b4: {  	v34 =	vor.u32 s23, v6;
	[tilespmem:v25+s17+$0x0] =	vst.idx.msk $0xffff, v24;
	v33 =	vld [tilespmem:s22+$0x2E0]  }
0x4b5: {  	v27 =	vor.u32 s12, v6;
	[tilespmem:v42+s17+$0x0] =	vst.idx.msk $0xffff, v41;
	v26 =	vld [tilespmem:s22+$0xE0]  }
0x4b6: {  	v51 =	vor.u32 s11, v7;
	v50 =	vld [tilespmem:s22+$0x70];
	[tilespmem:v62+s17+$0x0] =	vst.idx.msk $0xffff, v61  }
0x4b7: {  	v38 =	vor.u32 s0, v7;
	[tilespmem:v28+s17+$0x0] =	vst.idx.msk $0xffff, v8;
	v8 =	vld [tilespmem:s22+$0xFFFFFCF0]  }
0x4b8: {  	[tilespmem:v58+s17+$0x0] =	vst.idx.msk $0xffff, v57;
	v44 =	vor.u32 s3, v7;
	v43 =	vld [tilespmem:s22+$0xFFFFFE70]  }
0x4b9: {  	v36 =	vor.u32 s24, v6;
	[tilespmem:v34+s17+$0x0] =	vst.idx.msk $0xffff, v33;
	v35 =	vld [tilespmem:s22+$0x360]  }
0x4ba: {  	v60 =	vor.u32 s23, v7;
	v59 =	vld [tilespmem:s22+$0x2F0];
	[tilespmem:v27+s17+$0x0] =	vst.idx.msk $0xffff, v26  }
0x4bb: {  	[tilespmem:v51+s17+$0x0] =	vst.idx.msk $0xffff, v50;
	v53 =	vor.u32 s12, v7;
	v52 =	vld [tilespmem:s22+$0xF0]  }
0x4bc: {  	v47 =	vor.u32 s10, v7;
	[tilespmem:v38+s17+$0x0] =	vst.idx.msk $0xffff, v8;
	v8 =	vld [tilespmem:s22+$0xFFFFFF70]  }
0x4bd: {  	v18 =	vld [tilespmem:s22+$0xFFFFFC70];
	[tilespmem:v44+s17+$0x0] =	vst.idx.msk $0xffff, v43;
	v63 =	vor.u32 s21, v7  }
0x4be: {  	v46 =	vor.u32 s7, v7;
	[tilespmem:v36+s17+$0x0] =	vst.idx.msk $0xffff, v35;
	v45 =	vld [tilespmem:s22+$0xFFFFFEF0]  }
0x4bf: {  	v62 =	vor.u32 s24, v7;
	[tilespmem:v60+s17+$0x0] =	vst.idx.msk $0xffff, v59;
	v61 =	vld [tilespmem:s22+$0x370]  }
0x4c0: {  	v55 =	vor.u32 s15, v7;
	[tilespmem:v53+s17+$0x0] =	vst.idx.msk $0xffff, v52;
	v54 =	vld [tilespmem:s22+$0x170]  }
0x4c1: {  	v56 =	vor.u32 s19, v7;
	[tilespmem:v47+s17+$0x0] =	vst.idx.msk $0xffff, v8;
	v8 =	vld [tilespmem:s22+$0x1F0]  }
0x4c2: {  	[tilespmem:v63+s17+$0x0] =	vst.idx.msk $0xffff, v18  }
0x4c3: {  	[tilespmem:v46+s17+$0x0] =	vst.idx.msk $0xffff, v45  }
0x4c4: {  	[tilespmem:v62+s17+$0x0] =	vst.idx.msk $0xffff, v61  }
0x4c5: {  	[tilespmem:v55+s17+$0x0] =	vst.idx.msk $0xffff, v54  }
0x4c6: {  	[tilespmem:v56+s17+$0x0] =	vst.idx.msk $0xffff, v8  }
0x4c7: {  	s29 =	rddreg [dreg:$0x7]  }
0x4c8: {  	[hbm4b:s29+s4] =	stream.linear.scatter [tilespmem:s17], [sflag:$0x2], $0x2000, $0x38;
	[tilespmem:$0x8000] =	vst v63  }
0x4c9: {  	_ =	swait.ge [sflag:s30], $0x2000  }
0x4ca: {  	[sflag:s30] =	ssyncset.done $0x0  }
0x4cb: {  	[sflag:s30] =	ssyncadd.s32 $0xFFFFE000  }
0x4cc: {  	_ =	swait.ge [sflag:s30], $0x2000  }
0x4cd: {  	[sflag:s30] =	ssyncset.done $0x0  }
0x4ce: {  	[sflag:s30] =	ssyncadd.s32 $0xFFFFE000  }
0x4cf: {  	s0 =	simm.s32 @!p0 $0x0;
	s1 =	simm.s32 @!p0 $0x4000;
	s2 =	rddreg [dreg:$0x1]  }
0x4d0: {  	[tilespmem:s1], [sflag:$0x3] =	stream.linear.gather @!p0 [hbm4b:s2+s0], $0x1000, $0x38;
	[tilespmem:$0x8000] =	vst v63  }
0x4d1: {  	s2 =	simm.s32 @!p0 $0x3  }
0x4d2: {  	_ =	swait.ge @!p0 [sflag:s2], $0x1000  }
0x4d3: {  	[sflag:s2] =	ssyncset.done @!p0 $0x0  }
0x4d4: {  	s3 =	rddreg [dreg:$0x8];
	[sflag:s2] =	ssyncadd.s32 @!p0 $0xFFFFF000  }
0x4d5: {  	[hbm4b:s3+s0] =	stream.linear.scatter @!p0 [tilespmem:s1], [sflag:$0x3], $0x1000, $0x38;
	[tilespmem:$0x8000] =	vst v63  }
0x4d6: {  	_ =	swait.ge @!p0 [sflag:s2], $0x1000  }
0x4d7: {  	s30 =	rddreg [dreg:$0xa]  }
0x4d8: {  	s31 =	rddreg [dreg:$0x9];
	s1 =	sadd.s32 $0x1, s30  }
0x4d9: {  	p1 =	sne.s32 s1, s31  }
.Ltmp4:
0x4da: {  	_ = 	snop;
	(pc) =	sbr.rel @p1 .LBB2_1-.Ltmp4, $3  }
0x4db: {  	_ =	sdelay $0x1  }
0x4dc: {  	[sflag:s2] =	ssyncset.done @!p0 $0x0  }
0x4dd: {  	[sflag:s2] =	ssyncadd.s32 @!p0 $0xFFFFF000  }
0x4de: {  	_ =	sfence.sel $0x180000  }
0x4df: {  	[bflag:$0x0] =	sbarrier.arrive $0xFFFF  }
0x4e0: {  	_ =	strace $0x90000047  }
0x4e1: {  	s0 =	stileid.u32;
	[bflag:$0x2] =	sbarrier.arrive $0xFFFF  }
0x4e2: {  	p0 =	sne.s32 s0, $0x0;
	s0 =	rddreg [dreg:$0x3]  }
0x4e3: {  	s0 =	sadd.s32 @!p0 $0x100000, s0  }
0x4e4: {  	[sflag:s0] =	ssyncadd.tile.s32 @!p0 $0x1;
	_ =	shalt  }
.Lfunc_end2:
_tile_overlayer_lowered:
.L_overlay_start_2:
0x4e5: {  	(tag) =	ssettag $0x2  }
0x4e6: {  	s0 =	rddreg [dreg:$0x0];
	s2 =	stileid.u32  }
0x4e7: {  	s1 =	rddreg [dreg:$0x1];
	p0 =	sne.s32 s2, $0x0  }
0x4e8: {  	s3 =	rddreg [dreg:$0x2];
	[bflag:$0x3] =	sbarrier.arrive $0xFFFF;
	s2 =	simm.s32 @!p0 $0x1C03  }
0x4e9: {  	[timem:s3], [sflag:s2] =	dma.local @!p0 [hbm:s0], s1  }
0x4ea: {  	s0 =	simm.s32 @!p0 $0x3  }
0x4eb: {  	_ =	swait.ge @!p0 [sflag:s0], s1  }
0x4ec: {  	s1 =	ssub.s32 @!p0 $0x0, s1;
	[sflag:s0] =	ssyncset.done @!p0 $0x0  }
0x4ed: {  	[sflag:s0] =	ssyncadd.s32 @!p0 s1  }
0x4ee: {  	[bflag:$0x3] =	sbarrier.arrive $0xFFFF  }
0x4ef: {  	_ =	shalt  }

// kernel: kernel.7.cloned.1.call-start
scs
__scs_entry_jumppad:
0x0: {  	(pc) =	sbr.rel $0x88, $3  }
0x1: {  	(tag) =	ssettag $0x0;
	lr =	simm.s32 $0x1  }
0x2: {  	[smem:$0x3F9F] =	sst lr;
	_ =	strace $0xD0000000  }
0x3: {  	_ = 	snop  }
0x4: {  	_ = 	snop  }
0x5: {  	_ = 	snop  }
0x6: {  	_ = 	snop  }
0x7: {  	_ = 	snop  }
__scs_overlays_trampoline_lowered:
0x8: {  	[smem:$0x3FAE] =	sst s0  }
0x9: {  	[smem:$0x3FAF] =	sst s1  }
0xa: {  	[smem:$0x3FB0] =	sst s2  }
0xb: {  	[smem:$0x3FB1] =	sst s3  }
0xc: {  	[smem:$0x3FB2] =	sst s4  }
0xd: {  	[smem:$0x3FB3] =	sst s5  }
0xe: {  	[smem:$0x3FB4] =	sst s6  }
0xf: {  	[smem:$0x3FB5] =	sst s7  }
0x10: {  	[smem:$0x3FB6] =	sst s8  }
0x11: {  	[smem:$0x3FB7] =	sst s9;
	s0 =	simm.s32 @!p0 $0x0  }
0x12: {  	s1 =	sld [smem:$0x3F9D];
	s0 =	simm.s32 @p0 $0x1  }
0x13: {  	[smem:$0x3FB8] =	sst s0;
	s0 =	simm.s32 @!p1 $0x0  }
0x14: {  	s2 =	sld [smem:$0x3F9C];
	s0 =	simm.s32 @p1 $0x1  }
0x15: {  	[smem:$0x3FB9] =	sst s0;
	s0 =	simm.s32 @!p2 $0x0  }
0x16: {  	s3 =	sld [smem:$0x3FDB];
	s0 =	simm.s32 @p2 $0x1  }
0x17: {  	s4 =	simm.s32 $0x1BF5;
	[smem:$0x3FBB] =	sst s0  }
0x18: {  	s0 =	sld [smem:$0x3F9E];
	_ =	swait.ge [sflag:s4], $0x0  }
0x19: {  	s7 =	sld [smem:$0x3F9F]  }
0x1a: {  	s8 =	sadd.s32 $0xFFFFE003, lr  }
0x1b: {  	s9 =	sadd.s32 $0xFFFFFEF7, lr;
	s5 =	simm.s32 $0xFFFFFFFF;
	p2 =	slt.u32 s8, $0xFFFFF086  }
0x1c: {  	p1 =	slt.u32 s9, $0xF7A;
	s5 =	simm.s32 @!p2 $0x0  }
0x1d: {  	s5 =	simm.s32 @p1 $0x1;
	p0 =	seq.s32 s7, s2  }
0x1e: {  	s7 =	smul.u32 @!p0 $0xF7A, s2;
	p2 =	seq.s32 @!p0 s5, $0x0  }
0x1f: {  	s9 =	smul.u32 $0xF7A, s1;
	s8 =	simm.s32 @!p0 $0x1BF5;
	p2 =	por !p2, p0  }
0x20: {  	[sflag:s8] =	ssyncset.s32 @!p0 $0xFFFFF086;
	s6 =	sadd.s32 @!p0 s3, s7;
	s7 =	simm.s32 @!p0 $0x108  }
0x21: {  	s3 =	sadd.s32 s3, s9;
	s6 =	sadd.s32 @!p0 $0x88, s6;
	s7 =	simm.s32 @p2 $0x1082  }
0x22: {  	[simem:s7], [sflag:s8] =	dma.local @!p0 [hbm:s6], $0xF7A  }
0x23: {  	s9 =	sor.u32 $0xD0000000, s2;
	s6 =	simm.s32 $0x108;
	_ =	swait.ge @!p0 [sflag:s8], $0x0  }
0x24: {  	s3 =	sadd.s32 $0x88, s3;
	s6 =	simm.s32 @!p1 $0x1082;
	[sflag:s4] =	ssyncset.s32 $0xFFFFF086  }
0x25: {  	[simem:s6], [sflag:s4] =	dma.local [hbm:s3], $0xF7A  }
0x26: {  	[smem:$0x3F9F] =	sst s1;
	(tag) =	ssettag s2;
	_ =	strace s9  }
0x27: {  	s1 =	sld [smem:$0x3FAF]  }
0x28: {  	s2 =	sld [smem:$0x3FB0]  }
0x29: {  	s4 =	sld [smem:$0x3FB2]  }
0x2a: {  	p0 =	seq.s32 s5, $0x0;
	s5 =	sld [smem:$0x3FB3]  }
0x2b: {  	s6 =	sld [smem:$0x3FB4]  }
0x2c: {  	s7 =	sld [smem:$0x3FB5]  }
0x2d: {  	s3 =	simm.s32 $0x108;
	s8 =	sld [smem:$0x3FB6]  }
0x2e: {  	s3 =	simm.s32 @!p0 $0x1082;
	s9 =	sld [smem:$0x3FB7]  }
0x2f: {  	lr =	sadd.s32 s0, s3;
	s0 =	sld [smem:$0x3FAE]  }
0x30: {  	s3 =	sld [smem:$0x3FB1]  }
0x31: {  	[smem:$0x3FBA] =	sst s10  }
0x32: {  	s10 =	sld [smem:$0x3FB8];
	_ =	sdelay $0x3  }
0x33: {  	p0 =	seq.s32 s10, $0x1;
	s10 =	sld [smem:$0x3FBA];
	_ =	sdelay $0x3  }
0x34: {  	[smem:$0x3FBA] =	sst s10  }
0x35: {  	s10 =	sld [smem:$0x3FB9];
	_ =	sdelay $0x3  }
0x36: {  	p1 =	seq.s32 s10, $0x1;
	s10 =	sld [smem:$0x3FBA];
	_ =	sdelay $0x3  }
0x37: {  	[smem:$0x3FBA] =	sst s10  }
0x38: {  	s10 =	sld [smem:$0x3FBB]  }
0x39: {  	_ = 	snop;
	(pc) =	sbr.ind lr, $3  }
0x3a: {  	_ = 	snop  }
0x3b: {  	_ = 	snop  }
0x3c: {  	p2 =	seq.s32 s10, $0x1;
	s10 =	sld [smem:$0x3FBA]  }
0x3d: {  	_ =	shalt  }
0x3e: {  	_ =	shalt  }
0x3f: {  	_ =	shalt  }
0x40: {  	_ =	shalt  }
0x41: {  	_ =	shalt  }
0x42: {  	_ =	shalt  }
0x43: {  	_ =	shalt  }
0x44: {  	_ =	shalt  }
0x45: {  	_ =	shalt  }
0x46: {  	_ =	shalt  }
0x47: {  	_ =	shalt  }
0x48: {  	_ =	shalt  }
0x49: {  	_ =	shalt  }
0x4a: {  	_ =	shalt  }
0x4b: {  	_ =	shalt  }
0x4c: {  	_ =	shalt  }
0x4d: {  	_ =	shalt  }
0x4e: {  	_ =	shalt  }
0x4f: {  	_ =	shalt  }
0x50: {  	_ =	shalt  }
0x51: {  	_ =	shalt  }
0x52: {  	_ =	shalt  }
0x53: {  	_ =	shalt  }
0x54: {  	_ =	shalt  }
0x55: {  	_ =	shalt  }
0x56: {  	_ =	shalt  }
0x57: {  	_ =	shalt  }
0x58: {  	_ =	shalt  }
0x59: {  	_ =	shalt  }
0x5a: {  	_ =	shalt  }
0x5b: {  	_ =	shalt  }
0x5c: {  	_ =	shalt  }
0x5d: {  	_ =	shalt  }
0x5e: {  	_ =	shalt  }
0x5f: {  	_ =	shalt  }
0x60: {  	_ =	shalt  }
0x61: {  	_ =	shalt  }
0x62: {  	_ =	shalt  }
0x63: {  	_ =	shalt  }
0x64: {  	_ =	shalt  }
0x65: {  	_ =	shalt  }
0x66: {  	_ =	shalt  }
0x67: {  	_ =	shalt  }
0x68: {  	_ =	shalt  }
0x69: {  	_ =	shalt  }
0x6a: {  	_ =	shalt  }
0x6b: {  	_ =	shalt  }
0x6c: {  	_ =	shalt  }
0x6d: {  	_ =	shalt  }
0x6e: {  	_ =	shalt  }
0x6f: {  	_ =	shalt  }
0x70: {  	_ =	shalt  }
0x71: {  	_ =	shalt  }
0x72: {  	_ =	shalt  }
0x73: {  	_ =	shalt  }
0x74: {  	_ =	shalt  }
0x75: {  	_ =	shalt  }
0x76: {  	_ =	shalt  }
0x77: {  	_ =	shalt  }
0x78: {  	_ =	shalt  }
0x79: {  	_ =	shalt  }
0x7a: {  	_ =	shalt  }
0x7b: {  	_ =	shalt  }
0x7c: {  	_ =	shalt  }
0x7d: {  	_ =	shalt  }
0x7e: {  	_ =	shalt  }
0x7f: {  	_ =	shalt  }
0x80: {  	_ =	shalt  }
0x81: {  	_ =	shalt  }
0x82: {  	_ =	shalt  }
0x83: {  	_ =	shalt  }
0x84: {  	_ =	shalt  }
0x85: {  	_ =	shalt  }
0x86: {  	_ =	shalt  }
0x87: {  	_ =	shalt  }
.Lfunc_end0:
.L_simem_size_0:
called_computation.1_lowered:
.L_overlay_start_0:
0x88: {  	s2 =	sld [smem:$0x3FD9]  }
0x89: {  	s3 =	sld [smem:$0x3FFE];
	_ =	sdelay $0x1  }
0x8a: {  	s1 =	srdreg.scid  }
0x8b: {  	s0 =	sand.u32 $0x1, s1  }
0x8c: {  	s17 =	sshll.u32 s0, $0xA;
	s2 =	sadd.s32 s3, s2  }
0x8d: {  	s2 =	sadd.s32 s2, s17  }
0x8e: {  	[smem:$0x3FC6] =	sst s2  }
0x8f: {  	_ = 	snop  }
0x90: {  	s2 =	sld [smem:$0x3FC9]  }
0x91: {  	s18 =	sld [smem:$0x3FD0];
	(tm) =	ssettm $0x1  }
0x92: {  	s4 =	sld [smem:$0x3FFB];
	_ =	sdelay $0x3  }
0x93: {  	_ =	strace s4  }
0x94: {  	s4 =	sld [smem:$0x3FFC];
	_ =	sdelay $0x3  }
0x95: {  	_ =	strace s4  }
0x96: {  	s4 =	sld [smem:$0x3FFD];
	_ =	sdelay $0x3  }
0x97: {  	_ =	strace s4  }
0x98: {  	_ =	strace $0x8FFFFFFF  }
0x99: {  	s19 =	sld [smem:$0x3FDB];
	_ =	sdelay $0x1  }
0x9a: {  	s5 =	simm.s32 $_scs_section_size  }
0x9b: {  	s6 =	simm.s32 $_size__tile_overlayer_lowered;
	s7 =	simm.s32 $_tile_overlayer_lowered  }
0x9c: {  	s22 =	simm.s32 $0x1BFF;
	s21 =	sshll.u32 s7, $0x1;
	s4 =	sadd.s32 s5, s19  }
0x9d: {  	s8 =	simm.s32 $0x0;
	s20 =	sshll.u32 s6, $0x1;
	s6 =	sadd.s32 s21, s4  }
0x9e: {  	[timem:s8], [sflag:s22] =	dma.local [hbm:s6], s20  }
0x9f: {  	_ =	swait.ge [sflag:s22], s20  }
0xa0: {  	s5 =	ssub.s32 $0x0, s20;
	[sflag:s22] =	ssyncset.done $0x0  }
0xa1: {  	[sflag:s22] =	ssyncadd.s32 s5;
	_ =	sdelay $0x1  }
0xa2: {  	s23 =	simm.s32 $0x1B8B  }
0xa3: {  	_ =	swait.ge [sflag:s23], $0x1  }
0xa4: {  	[sflag:s23] =	ssyncset.done $0x0  }
0xa5: {  	s25 =	simm.s32 $0x1B8E;
	s24 =	sld [smem:$0x3FFE];
	[sflag:s23] =	ssyncadd.s32 $0xFFFFFFFF  }
0xa6: {  	s26 =	simm.s32 $execute0_lowered;
	[smem:$0x3FD2] =	sst s25  }
0xa7: {  	s6 =	sshll.u32 s26, $0x1;
	_ =	strace $0x80000049;
	[dreg:$0x1] =	wrdreg $0xFFFFFFFF  }
0xa8: {  	s28 =	simm.s32 $_size_execute0_lowered;
	s4 =	sadd.s32 s4, s6;
	[dreg:$0x0] =	wrdreg $0x0  }
0xa9: {  	s6 =	sshll.u32 s28, $0x1;
	[dreg:$0x2] =	wrdreg s4  }
0xaa: {  	[dreg:$0x3] =	wrdreg s6  }
0xab: {  	[dreg:$0x4] =	wrdreg $0xC0  }
0xac: {  	_ =	task [dreg:s8], $0x5FFFF  }
0xad: {  	[dreg:$0x1] =	wrdreg $0xFFFFFFFF  }
0xae: {  	[dreg:$0x0] =	wrdreg $0x60  }
0xaf: {  	[dreg:$0x2] =	wrdreg s2  }
0xb0: {  	[dreg:$0x3] =	wrdreg s24  }
0xb1: {  	[dreg:$0x4] =	wrdreg s18  }
0xb2: {  	[dreg:$0x5] =	wrdreg $0x9  }
0xb3: {  	_ =	task.clear_ibuf [dreg:s8], $0x6FFFF;
	_ =	strace $0x90000049  }
0xb4: {  	s29 =	simm.s32 $0x9;
	_ =	strace $0x8000004B  }
0xb5: {  	_ =	swait.ge [sflag:s29], $0x1  }
0xb6: {  	[sflag:s29] =	ssyncadd.s32 $0xFFFFFFFF  }
0xb7: {  	_ =	strace $0x9000004B  }
0xb8: {  	_ =	sfence  }
0xb9: {  	s30 =	sld [smem:$0x0];
	_ =	sdelay $0x2  }
0xba: {  	s31 =	sshll.u32 s1, $0xD;
	s1 =	sshrl.u32 s1, $0x2  }
0xbb: {  	s3 =	sand.u32 $0x4000, s31;
	s1 =	sadd.s32 s1, s30  }
0xbc: {  	s0 =	sor.u32 s3, s0;
	s1 =	sshll.u32 s1, $0x11  }
0xbd: {  	s0 =	sor.u32 s1, s0  }
0xbe: {  	s0 =	sadd.s32 $0x8F2B, s0  }
0xbf: {  	[sflag:s0] =	ssyncadd.remote.s32 $0x1  }
0xc0: {  	_ =	sfence.sel $0xFFFF  }
0xc1: {  	[dreg:$0x0] =	wrdreg $0xFFFFFFFF;
	(pc) =	sbr.abs _section_cstart, $3  }
0xc2: {  	[dreg:$0x1] =	wrdreg $0xFFFFFFFF  }
0xc3: {  	_ =	task.clear_ibuf [dreg:s8], $0x2FFFF;
	_ =	strace $0x9FFFFFFF  }
0xc4: {  	(tm) =	ssettm $0x7FFFFFFF  }
0xc5: {  	_ =	shalt  }
tec
execute0_lowered:
.L_overlay_start_1:
0x0: {  	(tag) =	ssettag $0x1  }
0x1: {  	s0 =	rddreg [dreg:$0x0]  }
0x2: {  	s2 =	rddreg [dreg:$0x1]  }
0x3: {  	s1 =	rddreg [dreg:$0x2];
	s4 =	simm.s32 $0x0;
	s3 =	srdreg.scid  }
0x4: {  	s29 =	stileid.u32;
	s8 =	simm.s32 $0x400;
	s9 =	simm.s32 $0x8000  }
0x5: {  	s11 =	simm.s32 $0x80;
	[smem:$0x7FF] =	sst s4;
	s3 =	sand.u32 $0x1, s3  }
0x6: {  	v0 =	vlaneseq.u32;
	s4 =	sshll.u32 s29, $0xB;
	s6 =	ssub.s32 $0x2, s3;
	s3 =	sshll.u32 s3, $0xA  }
0x7: {  	s12 =	simm.s32 $0x6400;
	s13 =	simm.s32 $0x6600;
	v0 =	vmul.u32 $0x80, v0;
	s4 =	sor.u32 s3, s4  }
0x8: {  	s15 =	simm.s32 $0xA600;
	s7 =	sshrl.u32 s6, $0x1;
	s3 =	sshrl.u32 s4, $0x3  }
0x9: {  	s16 =	simm.s32 $0x1;
	v1 =	vor.u32 $0x800, v0;
	s30 =	ssub.s32 s6, s7;
	s0 =	sadd.s32 s0, s3  }
0xa: {  	_ =	strace $0x8000004A;
	v2 =	vor.u32 $0x1000, v0;
	v3 =	vor.u32 $0x1800, v0;
	v4 =	vor.u32 $0x2000, v0;
	s31 =	smax.u32 s30, $0x1;
	[dreg:$0x4] =	wrdreg s0  }
0xb: {  	s5 =	sadd.s32 $0x800, s2;
	v5 =	vor.u32 $0x2800, v0;
	v6 =	vor.u32 $0x3000, v0;
	v7 =	vor.u32 $0x3800, v0;
	s3 =	simm.s32 $0x0;
	[dreg:$0x5] =	wrdreg s31  }
.LBB2_1:
0xc: {  	[dreg:$0x6] =	wrdreg s3  }
0xd: {  	s0 =	simm.s32 $0x0;
	s2 =	rddreg [dreg:$0x4];
	s31 =	simm.s32 $0x3  }
0xe: {  	[tilespmem:s0], [sflag:$0x3] =	stream.strided.gather [hbm4b:s2+s8], $0x6400, s9, s8, $0x38;
	[tilespmem:$0x12600] =	vst v63  }
0xf: {  	_ =	swait.ge [sflag:s31], $0x6400  }
0x10: {  	[sflag:s31] =	ssyncset.done $0x0  }
0x11: {  	[sflag:s31] =	ssyncadd.s32 $0xFFFF9C00  }
0x12: {  	v8 =	vld [tilespmem:$0x0];
	_ =	sdelay $0x1  }
0x13: {  	v9 =	vld [tilespmem:$0x10];
	_ =	sdelay $0x1  }
0x14: {  	v10 =	vld [tilespmem:$0x20]  }
0x15: {  	v11 =	vshrl.u32 v8, $0x1;
	v8 =	vshll.u32 v8, $0x6  }
0x16: {  	v58 =	vld [tilespmem:$0x30];
	[tilespmem:$0x6400] =	vst v11;
	v8 =	vand.u32 $0x40, v8  }
0x17: {  	[tilespmem:$0x6500] =	vst v8;
	v8 =	vshrl.u32 v9, $0x1;
	v9 =	vshll.u32 v9, $0x6  }
0x18: {  	v59 =	vld [tilespmem:$0x40];
	[tilespmem:$0x6410] =	vst v8;
	v8 =	vand.u32 $0x40, v9  }
0x19: {  	[tilespmem:$0x6510] =	vst v8;
	v8 =	vshrl.u32 v10, $0x1;
	v10 =	vshll.u32 v10, $0x6  }
0x1a: {  	v60 =	vld [tilespmem:$0x50];
	[tilespmem:$0x6420] =	vst v8;
	v8 =	vand.u32 $0x40, v10  }
0x1b: {  	v11 =	vshll.u32 v58, $0x6;
	[tilespmem:$0x6520] =	vst v8;
	v8 =	vshrl.u32 v58, $0x1  }
0x1c: {  	v61 =	vld [tilespmem:$0x60];
	[tilespmem:$0x6430] =	vst v8;
	v8 =	vand.u32 $0x40, v11  }
0x1d: {  	v9 =	vshll.u32 v59, $0x6;
	[tilespmem:$0x6530] =	vst v8;
	v8 =	vshrl.u32 v59, $0x1  }
0x1e: {  	v62 =	vld [tilespmem:$0x70];
	[tilespmem:$0x6440] =	vst v8;
	v8 =	vand.u32 $0x40, v9  }
0x1f: {  	v10 =	vshll.u32 v60, $0x6;
	[tilespmem:$0x6540] =	vst v8;
	v8 =	vshrl.u32 v60, $0x1  }
0x20: {  	[tilespmem:$0x6450] =	vst v8;
	v8 =	vand.u32 $0x40, v10  }
0x21: {  	v63 =	vshll.u32 v61, $0x6;
	[tilespmem:$0x6550] =	vst v8;
	v8 =	vshrl.u32 v61, $0x1  }
0x22: {  	[tilespmem:$0x6460] =	vst v8;
	v8 =	vand.u32 $0x40, v63  }
0x23: {  	v9 =	vshll.u32 v62, $0x6;
	[tilespmem:$0x6560] =	vst v8;
	v8 =	vshrl.u32 v62, $0x1  }
0x24: {  	[tilespmem:$0x6470] =	vst v8;
	v8 =	vand.u32 $0x40, v9  }
0x25: {  	s21 =	simm.s32 $0x0;
	[tilespmem:$0x6570] =	vst v8  }
0x26: {  	[tilespmem:s13], [sflag:$0x1] =	stream.indirect.gather [hbm4b:s5+s11], $0x80, s12, s11, $0xb8;
	[tilespmem:$0x12600] =	vst v63  }
.LBB2_2:
0x27: {  	s22 =	sshllo.u32 s21, $0x1  }
0x28: {  	s0 =	sshll.u32 s22, $0x7  }
0x29: {  	s0 =	sand.u32 $0x3FFFFF80, s0  }
0x2a: {  	v8 =	vld [tilespmem:s0+$0x0];
	_ =	sdelay $0x4  }
0x2b: {  	v9 =	vshrl.u32 v8, $0x1;
	v8 =	vshll.u32 v8, $0x6  }
0x2c: {  	[tilespmem:$0x6480] =	vst v9;
	v8 =	vand.u32 $0x40, v8  }
0x2d: {  	[tilespmem:$0x6580] =	vst v8  }
0x2e: {  	v8 =	vld [tilespmem:s0+$0x10];
	_ =	sdelay $0x4  }
0x2f: {  	v9 =	vshrl.u32 v8, $0x1;
	v8 =	vshll.u32 v8, $0x6  }
0x30: {  	[tilespmem:$0x6490] =	vst v9;
	v8 =	vand.u32 $0x40, v8  }
0x31: {  	[tilespmem:$0x6590] =	vst v8  }
0x32: {  	v8 =	vld [tilespmem:s0+$0x20];
	_ =	sdelay $0x4  }
0x33: {  	v9 =	vshrl.u32 v8, $0x1;
	v8 =	vshll.u32 v8, $0x6  }
0x34: {  	[tilespmem:$0x64A0] =	vst v9;
	v8 =	vand.u32 $0x40, v8  }
0x35: {  	[tilespmem:$0x65A0] =	vst v8  }
0x36: {  	v8 =	vld [tilespmem:s0+$0x30];
	_ =	sdelay $0x4  }
0x37: {  	v9 =	vshrl.u32 v8, $0x1;
	v8 =	vshll.u32 v8, $0x6  }
0x38: {  	[tilespmem:$0x64B0] =	vst v9;
	v8 =	vand.u32 $0x40, v8  }
0x39: {  	[tilespmem:$0x65B0] =	vst v8  }
0x3a: {  	v8 =	vld [tilespmem:s0+$0x40];
	_ =	sdelay $0x4  }
0x3b: {  	v9 =	vshrl.u32 v8, $0x1;
	v8 =	vshll.u32 v8, $0x6  }
0x3c: {  	[tilespmem:$0x64C0] =	vst v9;
	v8 =	vand.u32 $0x40, v8  }
0x3d: {  	[tilespmem:$0x65C0] =	vst v8  }
0x3e: {  	v8 =	vld [tilespmem:s0+$0x50];
	_ =	sdelay $0x4  }
0x3f: {  	v9 =	vshrl.u32 v8, $0x1;
	v8 =	vshll.u32 v8, $0x6  }
0x40: {  	[tilespmem:$0x64D0] =	vst v9;
	v8 =	vand.u32 $0x40, v8  }
0x41: {  	[tilespmem:$0x65D0] =	vst v8  }
0x42: {  	v8 =	vld [tilespmem:s0+$0x60];
	_ =	sdelay $0x4  }
0x43: {  	v9 =	vshrl.u32 v8, $0x1;
	v8 =	vshll.u32 v8, $0x6  }
0x44: {  	[tilespmem:$0x64E0] =	vst v9;
	v8 =	vand.u32 $0x40, v8  }
0x45: {  	[tilespmem:$0x65E0] =	vst v8  }
0x46: {  	v8 =	vld [tilespmem:s0+$0x70];
	_ =	sdelay $0x4  }
0x47: {  	v9 =	vshrl.u32 v8, $0x1;
	v8 =	vshll.u32 v8, $0x6  }
0x48: {  	[tilespmem:$0x64F0] =	vst v9;
	v8 =	vand.u32 $0x40, v8  }
0x49: {  	s26 =	simm.s32 $0x6480;
	[tilespmem:$0x65F0] =	vst v8  }
0x4a: {  	[tilespmem:s15], [sflag:$0x1] =	stream.indirect.gather [hbm4b:s5+s11], $0x80, s26, s11, $0xb8;
	[tilespmem:$0x12600] =	vst v63  }
0x4b: {  	_ =	swait.ge [sflag:s16], $0x4000  }
0x4c: {  	p0 =	seq.s32 s21, $0x0;
	[sflag:s16] =	ssyncset.done $0x0  }
0x4d: {  	s0 =	simm.s32 @!p0 $0x2;
	[sflag:s16] =	ssyncadd.s32 $0xFFFFC000  }
0x4e: {  	_ =	swait.ge @!p0 [sflag:s0], $0x2000  }
0x4f: {  	[sflag:s0] =	ssyncset.done @!p0 $0x0  }
0x50: {  	[sflag:s0] =	ssyncadd.s32 @!p0 $0xFFFFE000  }
0x51: {  	v15 =	vld [tilespmem:$0x6500];
	_ =	sdelay $0x3  }
0x52: {  	s19 =	simm.s32 $0x4;
	s0 =	simm.s32 $0x0;
	v14 =	vld [tilespmem:$0x6510]  }
0x53: {  	s7 =	simm.s32 $0x5;
	s2 =	simm.s32 $0x6;
	v13 =	vld [tilespmem:$0x6520];
	v8 =	vadd.s32 s0, v15;
	v20 =	vadd.s32 s19, v15  }
0x54: {  	s10 =	simm.s32 $0x1;
	s18 =	simm.s32 $0xF;
	v12 =	vld [tilespmem:$0x6530];
	v21 =	vadd.s32 s7, v15;
	v22 =	vadd.s32 s2, v15;
	v16 =	vadd.s32 v0, v8  }
0x55: {  	s14 =	simm.s32 $0x2;
	v11 =	vld [tilespmem:$0x6540];
	v25 =	vadd.s32 s18, v15;
	v8 =	vadd.s32 s10, v15;
	v20 =	vadd.s32 v0, v20  }
0x56: {  	s17 =	simm.s32 $0x3;
	v10 =	vld [tilespmem:$0x6550];
	v21 =	vadd.s32 v0, v21;
	v17 =	vadd.s32 v0, v8;
	v8 =	vadd.s32 s14, v15  }
0x57: {  	s3 =	simm.s32 $0x7;
	v9 =	vld [tilespmem:$0x6560];
	v22 =	vadd.s32 v0, v22;
	v18 =	vadd.s32 v0, v8;
	v8 =	vadd.s32 s17, v15  }
0x58: {  	s6 =	simm.s32 $0x8;
	v23 =	vadd.s32 s3, v15;
	v25 =	vadd.s32 v0, v25;
	v19 =	vadd.s32 v0, v8;
	v8 =	vld [tilespmem:$0x6570]  }
0x59: {  	s20 =	simm.s32 $0x9;
	v24 =	vadd.s32 s6, v15;
	v23 =	vadd.s32 v0, v23;
	v16 =	vld.idx.msk [tilespmem:v16+s13+$0x0], $0xffff  }
0x5a: {  	s25 =	simm.s32 $0xA;
	v26 =	vadd.s32 s20, v15;
	v24 =	vadd.s32 v0, v24;
	v20 =	vld.idx.msk [tilespmem:v20+s13+$0x0], $0xffff  }
0x5b: {  	s26 =	simm.s32 $0xB;
	v27 =	vadd.s32 s25, v15;
	v26 =	vadd.s32 v0, v26;
	v21 =	vld.idx.msk [tilespmem:v21+s13+$0x0], $0xffff  }
0x5c: {  	s28 =	simm.s32 $0xC;
	v28 =	vadd.s32 s26, v15;
	v27 =	vadd.s32 v0, v27;
	v22 =	vld.idx.msk [tilespmem:v22+s13+$0x0], $0xffff  }
0x5d: {  	s29 =	simm.s32 $0xD;
	v29 =	vadd.s32 s28, v15;
	v28 =	vadd.s32 v0, v28;
	v25 =	vld.idx.msk [tilespmem:v25+s13+$0x0], $0xffff  }
0x5e: {  	v30 =	vadd.s32 s29, v15;
	v29 =	vadd.s32 v0, v29;
	v23 =	vld.idx.msk [tilespmem:v23+s13+$0x0], $0xffff  }
0x5f: {  	v30 =	vadd.s32 v0, v30;
	v24 =	vld.idx.msk [tilespmem:v24+s13+$0x0], $0xffff  }
0x60: {  	v26 =	vld.idx.msk [tilespmem:v26+s13+$0x0], $0xffff  }
0x61: {  	s30 =	simm.s32 $0xE;
	s24 =	simm.s32 $0xEA00;
	v27 =	vld.idx.msk [tilespmem:v27+s13+$0x0], $0xffff  }
0x62: {  	v31 =	vadd.s32 s30, v15;
	v28 =	vld.idx.msk [tilespmem:v28+s13+$0x0], $0xffff;
	[tilespmem:s24+$0x380] =	vst v25  }
0x63: {  	v32 =	vadd.s32 s18, v14;
	v31 =	vadd.s32 v0, v31;
	v29 =	vld.idx.msk [tilespmem:v29+s13+$0x0], $0xffff;
	[tilespmem:s24+$0xFFFFFE00] =	vst v20  }
0x64: {  	v36 =	vadd.s32 s19, v14;
	v32 =	vadd.s32 v1, v32;
	v30 =	vld.idx.msk [tilespmem:v30+s13+$0x0], $0xffff;
	[tilespmem:s24+$0xFFFFFE80] =	vst v21  }
0x65: {  	v33 =	vadd.s32 s10, v14;
	v36 =	vadd.s32 v1, v36;
	v17 =	vld.idx.msk [tilespmem:v17+s13+$0x0], $0xffff;
	[tilespmem:s24+$0xFFFFFF00] =	vst v22  }
0x66: {  	v34 =	vadd.s32 s14, v14;
	v33 =	vadd.s32 v1, v33;
	v18 =	vld.idx.msk [tilespmem:v18+s13+$0x0], $0xffff;
	[tilespmem:s24+$0xFFFFFF80] =	vst v23  }
0x67: {  	v35 =	vadd.s32 s17, v14;
	v34 =	vadd.s32 v1, v34;
	v19 =	vld.idx.msk [tilespmem:v19+s13+$0x0], $0xffff;
	[tilespmem:s24+$0x0] =	vst v24  }
0x68: {  	v42 =	vadd.s32 s26, v14;
	v35 =	vadd.s32 v1, v35;
	v31 =	vld.idx.msk [tilespmem:v31+s13+$0x0], $0xffff;
	[tilespmem:s24+$0x80] =	vst v26  }
0x69: {  	v43 =	vadd.s32 s28, v14;
	v23 =	vadd.s32 v1, v42;
	[tilespmem:s24+$0x180] =	vst v28;
	v32 =	vld.idx.msk [tilespmem:v32+s13+$0x0], $0xffff  }
0x6a: {  	v45 =	vadd.s32 s0, v14;
	v24 =	vadd.s32 v1, v43;
	[tilespmem:s24+$0xFFFFFC80] =	vst v17;
	v36 =	vld.idx.msk [tilespmem:v36+s13+$0x0], $0xffff  }
0x6b: {  	v37 =	vadd.s32 s7, v14;
	v28 =	vadd.s32 v1, v45;
	v33 =	vld.idx.msk [tilespmem:v33+s13+$0x0], $0xffff;
	[tilespmem:s24+$0xFFFFFD00] =	vst v18  }
0x6c: {  	v20 =	vadd.s32 s6, v14;
	v17 =	vadd.s32 v1, v37;
	v34 =	vld.idx.msk [tilespmem:v34+s13+$0x0], $0xffff;
	[tilespmem:s24+$0xFFFFFD80] =	vst v19  }
0x6d: {  	v21 =	vadd.s32 s20, v14;
	[tilespmem:s24+$0x100] =	vst v27;
	v20 =	vadd.s32 v1, v20;
	v35 =	vld.idx.msk [tilespmem:v35+s13+$0x0], $0xffff  }
0x6e: {  	v22 =	vadd.s32 s25, v14;
	[tilespmem:s24+$0x200] =	vst v29;
	v21 =	vadd.s32 v1, v21;
	v23 =	vld.idx.msk [tilespmem:v23+s13+$0x0], $0xffff  }
0x6f: {  	v26 =	vadd.s32 s29, v14;
	[tilespmem:s24+$0xFFFFFC00] =	vst v16;
	v22 =	vadd.s32 v1, v22;
	v24 =	vld.idx.msk [tilespmem:v24+s13+$0x0], $0xffff  }
0x70: {  	v27 =	vadd.s32 s30, v14;
	[tilespmem:s24+$0x280] =	vst v30;
	v26 =	vadd.s32 v1, v26;
	v28 =	vld.idx.msk [tilespmem:v28+s13+$0x0], $0xffff  }
0x71: {  	v25 =	vadd.s32 s2, v14;
	[tilespmem:s24+$0x300] =	vst v31;
	v27 =	vadd.s32 v1, v27;
	v17 =	vld.idx.msk [tilespmem:v17+s13+$0x0], $0xffff  }
0x72: {  	v18 =	vadd.s32 v1, v25;
	v25 =	vadd.s32 s18, v13;
	[tilespmem:s24+$0x390] =	vst v32;
	v20 =	vld.idx.msk [tilespmem:v20+s13+$0x0], $0xffff  }
0x73: {  	v16 =	vadd.s32 s19, v13;
	v25 =	vadd.s32 v2, v25;
	v21 =	vld.idx.msk [tilespmem:v21+s13+$0x0], $0xffff;
	[tilespmem:s24+$0xFFFFFE10] =	vst v36  }
0x74: {  	v16 =	vadd.s32 v2, v16;
	v19 =	vadd.s32 s3, v14;
	v22 =	vld.idx.msk [tilespmem:v22+s13+$0x0], $0xffff;
	[tilespmem:s24+$0xFFFFFC90] =	vst v33  }
0x75: {  	v46 =	vadd.s32 s10, v13;
	v19 =	vadd.s32 v1, v19;
	v26 =	vld.idx.msk [tilespmem:v26+s13+$0x0], $0xffff;
	[tilespmem:s24+$0xFFFFFD10] =	vst v34  }
0x76: {  	v50 =	vadd.s32 s7, v13;
	v29 =	vadd.s32 v2, v46;
	v27 =	vld.idx.msk [tilespmem:v27+s13+$0x0], $0xffff;
	[tilespmem:s24+$0xFFFFFD90] =	vst v35  }
0x77: {  	v51 =	vadd.s32 s2, v13;
	v18 =	vld.idx.msk [tilespmem:v18+s13+$0x0], $0xffff;
	v33 =	vadd.s32 v2, v50;
	[tilespmem:s24+$0x210] =	vst v24  }
0x78: {  	v44 =	vadd.s32 s18, v12;
	v25 =	vld.idx.msk [tilespmem:v25+s13+$0x0], $0xffff;
	v34 =	vadd.s32 v2, v51;
	[tilespmem:s24+$0xFFFFFC10] =	vst v28  }
0x79: {  	v48 =	vadd.s32 s17, v13;
	v32 =	vadd.s32 v3, v44;
	v16 =	vld.idx.msk [tilespmem:v16+s13+$0x0], $0xffff;
	[tilespmem:s24+$0xFFFFFE90] =	vst v17  }
0x7a: {  	v52 =	vadd.s32 s3, v13;
	v49 =	vadd.s32 v2, v48;
	v19 =	vld.idx.msk [tilespmem:v19+s13+$0x0], $0xffff;
	[tilespmem:s24+$0x10] =	vst v20  }
0x7b: {  	v57 =	vadd.s32 s10, v12;
	v29 =	vld.idx.msk [tilespmem:v29+s13+$0x0], $0xffff;
	v35 =	vadd.s32 v2, v52;
	[tilespmem:s24+$0x90] =	vst v21  }
0x7c: {  	v54 =	vadd.s32 s20, v13;
	v24 =	vadd.s32 v3, v57;
	v33 =	vld.idx.msk [tilespmem:v33+s13+$0x0], $0xffff;
	[tilespmem:s24+$0xFFFFFF10] =	vst v18  }
0x7d: {  	v56 =	vadd.s32 s30, v13;
	v17 =	vadd.s32 v2, v54;
	[tilespmem:s24+$0x3A0] =	vst v25;
	v34 =	vld.idx.msk [tilespmem:v34+s13+$0x0], $0xffff  }
0x7e: {  	v28 =	vadd.s32 s19, v12;
	[tilespmem:s24+$0x110] =	vst v22;
	v22 =	vadd.s32 v2, v56;
	v30 =	vld.idx.msk [tilespmem:v32+s13+$0x0], $0xffff  }
0x7f: {  	v20 =	vadd.s32 s28, v13;
	v28 =	vadd.s32 v3, v28;
	v32 =	vld.idx.msk [tilespmem:v49+s13+$0x0], $0xffff;
	[tilespmem:s24+$0xFFFFFF90] =	vst v19  }
0x80: {  	v21 =	vadd.s32 s29, v13;
	v20 =	vadd.s32 v2, v20;
	[tilespmem:s24+$0xFFFFFCA0] =	vst v29;
	v35 =	vld.idx.msk [tilespmem:v35+s13+$0x0], $0xffff  }
0x81: {  	v47 =	vadd.s32 s14, v13;
	v21 =	vadd.s32 v2, v21;
	v24 =	vld.idx.msk [tilespmem:v24+s13+$0x0], $0xffff  }
0x82: {  	[tilespmem:s24+$0x310] =	vst v27;
	v18 =	vadd.s32 s25, v13;
	v25 =	vadd.s32 v2, v47;
	v17 =	vld.idx.msk [tilespmem:v17+s13+$0x0], $0xffff  }
0x83: {  	v60 =	vadd.s32 s7, v12;
	[tilespmem:s24+$0xFFFFFE20] =	vst v16;
	v18 =	vadd.s32 v2, v18;
	v22 =	vld.idx.msk [tilespmem:v22+s13+$0x0], $0xffff  }
0x84: {  	v31 =	vadd.s32 s18, v11;
	v29 =	vadd.s32 v3, v60;
	v28 =	vld.idx.msk [tilespmem:v28+s13+$0x0], $0xffff  }
0x85: {  	v31 =	vadd.s32 v4, v31;
	[tilespmem:s24+$0x290] =	vst v26;
	v19 =	vadd.s32 s26, v13;
	v20 =	vld.idx.msk [tilespmem:v20+s13+$0x0], $0xffff  }
0x86: {  	v59 =	vadd.s32 s17, v12;
	[tilespmem:s24+$0x190] =	vst v23;
	v19 =	vadd.s32 v2, v19;
	v21 =	vld.idx.msk [tilespmem:v21+s13+$0x0], $0xffff  }
0x87: {  	v63 =	vadd.s32 s3, v12;
	v27 =	vadd.s32 v3, v59;
	[tilespmem:s24+$0xFFFFFEA0] =	vst v33;
	v25 =	vld.idx.msk [tilespmem:v25+s13+$0x0], $0xffff  }
0x88: {  	v38 =	vadd.s32 s20, v12;
	v16 =	vadd.s32 v3, v63;
	v18 =	vld.idx.msk [tilespmem:v18+s13+$0x0], $0xffff;
	[tilespmem:s24+$0xFFFFFF20] =	vst v34  }
0x89: {  	v53 =	vadd.s32 s6, v13;
	v33 =	vadd.s32 v3, v38;
	v29 =	vld.idx.msk [tilespmem:v29+s13+$0x0], $0xffff;
	[tilespmem:s24+$0x3B0] =	vst v30  }
0x8a: {  	v58 =	vadd.s32 s14, v12;
	v30 =	vadd.s32 v2, v53;
	[tilespmem:s24+$0xFFFFFDA0] =	vst v32;
	v31 =	vld.idx.msk [tilespmem:v31+s13+$0x0], $0xffff  }
0x8b: {  	v39 =	vadd.s32 s25, v12;
	v26 =	vadd.s32 v3, v58;
	v19 =	vld.idx.msk [tilespmem:v19+s13+$0x0], $0xffff;
	[tilespmem:s24+$0xFFFFFFA0] =	vst v35  }
0x8c: {  	v55 =	vadd.s32 s18, v10;
	v34 =	vadd.s32 v3, v39;
	v27 =	vld.idx.msk [tilespmem:v27+s13+$0x0], $0xffff;
	[tilespmem:s24+$0xA0] =	vst v17  }
0x8d: {  	v41 =	vadd.s32 s28, v12;
	v36 =	vadd.s32 v5, v55;
	v38 =	vld.idx.msk [tilespmem:v16+s13+$0x0], $0xffff;
	[tilespmem:s24+$0x320] =	vst v22  }
0x8e: {  	v48 =	vadd.s32 s19, v11;
	v16 =	vadd.s32 v3, v41;
	v33 =	vld.idx.msk [tilespmem:v33+s13+$0x0], $0xffff;
	[tilespmem:s24+$0x220] =	vst v20  }
0x8f: {  	v17 =	vadd.s32 s29, v12;
	v22 =	vadd.s32 v4, v48;
	[tilespmem:s24+$0xFFFFFD20] =	vst v25;
	v30 =	vld.idx.msk [tilespmem:v30+s13+$0x0], $0xffff  }
0x90: {  	v44 =	vadd.s32 s10, v11;
	v17 =	vadd.s32 v3, v17;
	[tilespmem:s24+$0x120] =	vst v18;
	v26 =	vld.idx.msk [tilespmem:v26+s13+$0x0], $0xffff  }
0x91: {  	v47 =	vadd.s32 s17, v11;
	v20 =	vadd.s32 v4, v44;
	v34 =	vld.idx.msk [tilespmem:v34+s13+$0x0], $0xffff;
	[tilespmem:s24+$0x3C0] =	vst v31  }
0x92: {  	v61 =	vadd.s32 s2, v12;
	[tilespmem:s24+$0x2A0] =	vst v21;
	v21 =	vadd.s32 v4, v47;
	v36 =	vld.idx.msk [tilespmem:v36+s13+$0x0], $0xffff  }
0x93: {  	[tilespmem:s24+$0xFFFFFE30] =	vst v28;
	v25 =	vadd.s32 v3, v61;
	v18 =	vadd.s32 s30, v12;
	v46 =	vld.idx.msk [tilespmem:v16+s13+$0x0], $0xffff  }
0x94: {  	v37 =	vadd.s32 s6, v12;
	[tilespmem:s24+$0xFFFFFCB0] =	vst v24;
	v18 =	vadd.s32 v3, v18;
	v22 =	vld.idx.msk [tilespmem:v22+s13+$0x0], $0xffff  }
0x95: {  	v32 =	vadd.s32 v3, v37;
	v31 =	vadd.s32 s0, v13;
	[tilespmem:s24+$0x1A0] =	vst v19;
	v17 =	vld.idx.msk [tilespmem:v17+s13+$0x0], $0xffff  }
0x96: {  	v23 =	vadd.s32 s18, v9;
	[tilespmem:s24+$0xFFFFFDB0] =	vst v27;
	v31 =	vadd.s32 v2, v31;
	v20 =	vld.idx.msk [tilespmem:v20+s13+$0x0], $0xffff  }
0x97: {  	s23 =	simm.s32 $0x10;
	v51 =	vadd.s32 s29, v11;
	v23 =	vadd.s32 v6, v23;
	v21 =	vld.idx.msk [tilespmem:v21+s13+$0x0], $0xffff;
	[tilespmem:s24+$0xB0] =	vst v33  }
0x98: {  	v42 =	vadd.s32 s23, v15;
	v52 =	vadd.s32 v4, v51;
	v25 =	vld.idx.msk [tilespmem:v25+s13+$0x0], $0xffff;
	[tilespmem:s24+$0x20] =	vst v30  }
0x99: {  	v49 =	vadd.s32 s28, v11;
	v30 =	vadd.s32 v0, v42;
	v18 =	vld.idx.msk [tilespmem:v18+s13+$0x0], $0xffff;
	[tilespmem:s24+$0x130] =	vst v34  }
0x9a: {  	v50 =	vadd.s32 v4, v49;
	v53 =	vadd.s32 s30, v11;
	v32 =	vld.idx.msk [tilespmem:v32+s13+$0x0], $0xffff;
	[tilespmem:s24+$0x3D0] =	vst v36  }
0x9b: {  	v43 =	vadd.s32 s0, v12;
	v55 =	vadd.s32 v4, v53;
	v31 =	vld.idx.msk [tilespmem:v31+s13+$0x0], $0xffff;
	[tilespmem:s24+$0x230] =	vst v46  }
0x9c: {  	v59 =	vadd.s32 s17, v10;
	v19 =	vadd.s32 v3, v43;
	v23 =	vld.idx.msk [tilespmem:v23+s13+$0x0], $0xffff;
	[tilespmem:s24+$0x2B0] =	vst v17  }
0x9d: {  	v62 =	vadd.s32 s18, v8;
	v17 =	vadd.s32 v5, v59;
	[tilespmem:s24+$0xFFFFFDC0] =	vst v21;
	v33 =	vld.idx.msk [tilespmem:v52+s13+$0x0], $0xffff  }
0x9e: {  	v45 =	vadd.s32 s14, v11;
	v36 =	vadd.s32 v7, v62;
	v16 =	vld.idx.msk [tilespmem:v30+s13+$0x0], $0xffff;
	[tilespmem:s24+$0x330] =	vst v18  }
0x9f: {  	v60 =	vadd.s32 s19, v10;
	v30 =	vadd.s32 v4, v45;
	[tilespmem:s24+$0x30] =	vst v32;
	v32 =	vld.idx.msk [tilespmem:v50+s13+$0x0], $0xffff  }
0xa0: {  	v40 =	vadd.s32 s26, v12;
	v18 =	vadd.s32 v5, v60;
	v34 =	vld.idx.msk [tilespmem:v55+s13+$0x0], $0xffff;
	[tilespmem:s24+$0xFFFFFC20] =	vst v31  }
0xa1: {  	v31 =	vadd.s32 s7, v11;
	[tilespmem:s24+$0x3E0] =	vst v23;
	v23 =	vadd.s32 v3, v40;
	v19 =	vld.idx.msk [tilespmem:v19+s13+$0x0], $0xffff  }
0xa2: {  	[tilespmem:s24+$0xFFFFFEB0] =	vst v29;
	v24 =	vadd.s32 v4, v31;
	v31 =	vadd.s32 s2, v11;
	v17 =	vld.idx.msk [tilespmem:v17+s13+$0x0], $0xffff  }
0xa3: {  	v54 =	vadd.s32 s0, v11;
	[tilespmem:s24+$0xFFFFFD30] =	vst v26;
	v36 =	vld.idx.msk [tilespmem:v36+s13+$0x0], $0xffff;
	v26 =	vadd.s32 v4, v31  }
0xa4: {  	v56 =	vadd.s32 v4, v54;
	v41 =	vadd.s32 s17, v9;
	[tilespmem:s24+$0xFFFFFE40] =	vst v22;
	v30 =	vld.idx.msk [tilespmem:v30+s13+$0x0], $0xffff  }
0xa5: {  	[tilespmem:s24+$0xFFFFFFB0] =	vst v38;
	v42 =	vadd.s32 v6, v41;
	v31 =	vadd.s32 s3, v11;
	v18 =	vld.idx.msk [tilespmem:v18+s13+$0x0], $0xffff  }
0xa6: {  	[tilespmem:s24+$0xFFFFFCC0] =	vst v20;
	v27 =	vadd.s32 v4, v31;
	v31 =	vadd.s32 s6, v11;
	v23 =	vld.idx.msk [tilespmem:v23+s13+$0x0], $0xffff  }
0xa7: {  	v43 =	vadd.s32 s19, v9;
	[tilespmem:s24+$0xFFFFFF30] =	vst v25;
	v28 =	vadd.s32 v4, v31;
	v24 =	vld.idx.msk [tilespmem:v24+s13+$0x0], $0xffff  }
0xa8: {  	v44 =	vadd.s32 v6, v43;
	v31 =	vadd.s32 s20, v11;
	[tilespmem:s24+$0xFFFFFC30] =	vst v19;
	v26 =	vld.idx.msk [tilespmem:v26+s13+$0x0], $0xffff  }
0xa9: {  	v29 =	vadd.s32 v4, v31;
	v31 =	vadd.s32 s25, v11;
	[tilespmem:s24+$0xFFFFFDD0] =	vst v17;
	v35 =	vld.idx.msk [tilespmem:v56+s13+$0x0], $0xffff  }
0xaa: {  	[tilespmem:s24+$0x2C0] =	vst v33;
	v25 =	vadd.s32 v4, v31;
	v31 =	vadd.s32 s26, v11;
	v33 =	vld.idx.msk [tilespmem:v42+s13+$0x0], $0xffff  }
0xab: {  	v58 =	vadd.s32 s14, v10;
	[tilespmem:s24+$0x3F0] =	vst v36;
	v31 =	vadd.s32 v4, v31;
	v27 =	vld.idx.msk [tilespmem:v27+s13+$0x0], $0xffff  }
0xac: {  	v19 =	vadd.s32 s7, v10;
	v36 =	vadd.s32 v5, v58;
	[tilespmem:s24+$0xFFFFFE50] =	vst v18;
	v28 =	vld.idx.msk [tilespmem:v28+s13+$0x0], $0xffff  }
0xad: {  	v20 =	vadd.s32 s2, v10;
	[tilespmem:s24+$0x340] =	vst v34;
	v19 =	vadd.s32 v5, v19;
	v34 =	vld.idx.msk [tilespmem:v44+s13+$0x0], $0xffff  }
0xae: {  	v20 =	vadd.s32 v5, v20;
	[tilespmem:s24+$0xFFFFFD40] =	vst v30;
	v30 =	vadd.s32 s3, v10;
	v29 =	vld.idx.msk [tilespmem:v29+s13+$0x0], $0xffff  }
0xaf: {  	v21 =	vadd.s32 v5, v30;
	v30 =	vadd.s32 s6, v10;
	v25 =	vld.idx.msk [tilespmem:v25+s13+$0x0], $0xffff;
	[tilespmem:s24+$0x1B0] =	vst v23  }
0xb0: {  	v57 =	vadd.s32 s10, v10;
	v22 =	vadd.s32 v5, v30;
	v31 =	vld.idx.msk [tilespmem:v31+s13+$0x0], $0xffff  }
0xb1: {  	v30 =	vadd.s32 s20, v10;
	v23 =	vadd.s32 v5, v57;
	[tilespmem:s24+$0xFFFFFEC0] =	vst v24;
	v36 =	vld.idx.msk [tilespmem:v36+s13+$0x0], $0xffff  }
0xb2: {  	v24 =	vadd.s32 v5, v30;
	v30 =	vadd.s32 s25, v10;
	v19 =	vld.idx.msk [tilespmem:v19+s13+$0x0], $0xffff;
	[tilespmem:s24+$0xFFFFFF40] =	vst v26  }
0xb3: {  	v26 =	vadd.s32 v5, v30;
	v30 =	vadd.s32 s26, v10;
	v20 =	vld.idx.msk [tilespmem:v20+s13+$0x0], $0xffff;
	[tilespmem:s24+$0xFFFFFFC0] =	vst v27  }
0xb4: {  	v63 =	vadd.s32 s14, v9;
	v27 =	vadd.s32 v5, v30;
	v21 =	vld.idx.msk [tilespmem:v21+s13+$0x0], $0xffff;
	[tilespmem:s24+$0x40] =	vst v28  }
0xb5: {  	v40 =	vadd.s32 v6, v63;
	[tilespmem:s24+$0xFFFFFC40] =	vst v35;
	v30 =	vadd.s32 s28, v10;
	v22 =	vld.idx.msk [tilespmem:v22+s13+$0x0], $0xffff  }
0xb6: {  	v46 =	vadd.s32 s2, v9;
	v28 =	vadd.s32 v5, v30;
	[tilespmem:s24+$0xC0] =	vst v29;
	v23 =	vld.idx.msk [tilespmem:v23+s13+$0x0], $0xffff  }
0xb7: {  	v35 =	vadd.s32 v6, v46;
	v30 =	vadd.s32 s29, v10;
	v24 =	vld.idx.msk [tilespmem:v24+s13+$0x0], $0xffff;
	[tilespmem:s24+$0x140] =	vst v25  }
0xb8: {  	v47 =	vadd.s32 s3, v9;
	v29 =	vadd.s32 v5, v30;
	v26 =	vld.idx.msk [tilespmem:v26+s13+$0x0], $0xffff;
	[tilespmem:s24+$0x1C0] =	vst v31  }
0xb9: {  	v17 =	vadd.s32 v6, v47;
	v30 =	vadd.s32 s30, v10;
	[tilespmem:s24+$0xFFFFFD50] =	vst v36;
	v27 =	vld.idx.msk [tilespmem:v27+s13+$0x0], $0xffff  }
0xba: {  	v61 =	vadd.s32 s0, v10;
	[tilespmem:s24+$0x240] =	vst v32;
	v25 =	vadd.s32 v5, v30;
	v32 =	vld.idx.msk [tilespmem:v40+s13+$0x0], $0xffff  }
0xbb: {  	v45 =	vadd.s32 s7, v9;
	v30 =	vadd.s32 v5, v61;
	[tilespmem:s24+$0xFFFFFF50] =	vst v20;
	v28 =	vld.idx.msk [tilespmem:v28+s13+$0x0], $0xffff  }
0xbc: {  	v48 =	vadd.s32 s6, v9;
	v35 =	vld.idx.msk [tilespmem:v35+s13+$0x0], $0xffff;
	[tilespmem:s24+$0xFFFFFCD0] =	vst v23;
	v23 =	vadd.s32 v6, v45  }
0xbd: {  	v62 =	vadd.s32 s10, v9;
	v18 =	vadd.s32 v6, v48;
	[tilespmem:s24+$0xFFFFFFD0] =	vst v21;
	v29 =	vld.idx.msk [tilespmem:v29+s13+$0x0], $0xffff  }
0xbe: {  	v49 =	vadd.s32 s20, v9;
	[tilespmem:s24+$0xFFFFFDE0] =	vst v33;
	v31 =	vadd.s32 v6, v62;
	v17 =	vld.idx.msk [tilespmem:v17+s13+$0x0], $0xffff  }
0xbf: {  	v50 =	vadd.s32 s25, v9;
	[tilespmem:s24+$0xFFFFFED0] =	vst v19;
	v19 =	vadd.s32 v6, v49;
	v25 =	vld.idx.msk [tilespmem:v25+s13+$0x0], $0xffff  }
0xc0: {  	v20 =	vadd.s32 v6, v50;
	v30 =	vld.idx.msk [tilespmem:v30+s13+$0x0], $0xffff;
	[tilespmem:s24+$0xD0] =	vst v24;
	v24 =	vadd.s32 s0, v9  }
0xc1: {  	[tilespmem:s24+$0x50] =	vst v22;
	v24 =	vadd.s32 v6, v24;
	v51 =	vld.idx.msk [tilespmem:v23+s13+$0x0], $0xffff;
	v23 =	vadd.s32 s26, v9  }
0xc2: {  	[tilespmem:s24+$0xFFFFFE60] =	vst v34;
	v52 =	vld.idx.msk [tilespmem:v18+s13+$0x0], $0xffff;
	v21 =	vadd.s32 v6, v23;
	v23 =	vadd.s32 s28, v9  }
0xc3: {  	v31 =	vld.idx.msk [tilespmem:v31+s13+$0x0], $0xffff;
	[tilespmem:s24+$0x150] =	vst v26;
	v22 =	vadd.s32 v6, v23;
	v23 =	vadd.s32 s29, v9  }
0xc4: {  	v19 =	vld.idx.msk [tilespmem:v19+s13+$0x0], $0xffff;
	[tilespmem:s24+$0x1D0] =	vst v27;
	v18 =	vadd.s32 v6, v23;
	v23 =	vadd.s32 s30, v9  }
0xc5: {  	v26 =	vadd.s32 s10, v8;
	v53 =	vld.idx.msk [tilespmem:v20+s13+$0x0], $0xffff;
	[tilespmem:s24+$0xFFFFFC50] =	vst v30;
	v23 =	vadd.s32 v6, v23  }
0xc6: {  	v20 =	vadd.s32 s14, v8;
	v26 =	vadd.s32 v7, v26;
	[tilespmem:s24+$0xFFFFFD60] =	vst v32;
	v39 =	vld.idx.msk [tilespmem:v24+s13+$0x0], $0xffff  }
0xc7: {  	[tilespmem:s24+$0x250] =	vst v28;
	v20 =	vadd.s32 v7, v20;
	v27 =	vld.idx.msk [tilespmem:v21+s13+$0x0], $0xffff;
	v21 =	vadd.s32 s17, v8  }
0xc8: {  	[tilespmem:s24+$0x2D0] =	vst v29;
	v28 =	vld.idx.msk [tilespmem:v22+s13+$0x0], $0xffff;
	v22 =	vadd.s32 s19, v8;
	v21 =	vadd.s32 v7, v21  }
0xc9: {  	[tilespmem:s24+$0x350] =	vst v25;
	v29 =	vld.idx.msk [tilespmem:v18+s13+$0x0], $0xffff;
	v18 =	vadd.s32 v7, v22;
	v22 =	vadd.s32 s7, v8  }
0xca: {  	[tilespmem:s24+$0xFFFFFCE0] =	vst v31;
	v30 =	vld.idx.msk [tilespmem:v23+s13+$0x0], $0xffff;
	v22 =	vadd.s32 v7, v22;
	v23 =	vadd.s32 s2, v8  }
0xcb: {  	[tilespmem:s24+$0xFFFFFF60] =	vst v35;
	v26 =	vld.idx.msk [tilespmem:v26+s13+$0x0], $0xffff;
	v24 =	vadd.s32 v7, v23;
	v23 =	vadd.s32 s3, v8  }
0xcc: {  	[tilespmem:s24+$0xFFFFFFE0] =	vst v17;
	v40 =	vld.idx.msk [tilespmem:v20+s13+$0x0], $0xffff;
	v20 =	vadd.s32 s6, v8;
	v25 =	vadd.s32 v7, v23  }
0xcd: {  	v56 =	vadd.s32 s30, v8;
	[tilespmem:s24+$0x60] =	vst v52;
	v31 =	vadd.s32 v7, v20;
	v20 =	vadd.s32 s20, v8;
	v41 =	vld.idx.msk [tilespmem:v21+s13+$0x0], $0xffff  }
0xce: {  	v58 =	vadd.s32 v7, v56;
	v57 =	vadd.s32 s0, v8;
	[tilespmem:s24+$0xFFFFFEE0] =	vst v51;
	v54 =	vadd.s32 v7, v20;
	v23 =	vld.idx.msk [tilespmem:v18+s13+$0x0], $0xffff  }
0xcf: {  	v60 =	vadd.s32 v7, v57;
	v17 =	vadd.s32 s28, v8;
	[tilespmem:s24+$0xE0] =	vst v19;
	s28 =	simm.s32 $0x12;
	v18 =	vadd.s32 s25, v8;
	v21 =	vld.idx.msk [tilespmem:v22+s13+$0x0], $0xffff  }
0xd0: {  	[tilespmem:s24+$0x1E0] =	vst v27;
	v27 =	vadd.s32 s28, v15;
	v22 =	vadd.s32 v7, v18;
	v18 =	vadd.s32 s26, v8;
	v20 =	vld.idx.msk [tilespmem:v24+s13+$0x0], $0xffff  }
0xd1: {  	v55 =	vadd.s32 s29, v8;
	[tilespmem:s24+$0x260] =	vst v28;
	v28 =	vadd.s32 v0, v27;
	v24 =	vadd.s32 v7, v18;
	v18 =	vld.idx.msk [tilespmem:v25+s13+$0x0], $0xffff  }
0xd2: {  	[tilespmem:s24+$0xFFFFFC60] =	vst v39;
	v25 =	vadd.s32 v7, v17;
	v17 =	vld.idx.msk [tilespmem:v31+s13+$0x0], $0xffff;
	v31 =	vadd.s32 v7, v55  }
0xd3: {  	s0 =	simm.s32 $0x13;
	v19 =	vld.idx.msk [tilespmem:v54+s13+$0x0], $0xffff;
	[tilespmem:s24+$0x360] =	vst v30  }
0xd4: {  	[tilespmem:s24+$0x2E0] =	vst v29;
	s26 =	simm.s32 $0x11;
	v30 =	vadd.s32 s0, v15;
	v29 =	vld.idx.msk [tilespmem:v58+s13+$0x0], $0xffff  }
0xd5: {  	v59 =	vadd.s32 s26, v15;
	v34 =	vadd.s32 v0, v30;
	v30 =	vld.idx.msk [tilespmem:v60+s13+$0x0], $0xffff  }
0xd6: {  	s29 =	simm.s32 $0x14;
	v33 =	vadd.s32 v0, v59;
	v28 =	vld.idx.msk [tilespmem:v28+s13+$0x0], $0xffff  }
0xd7: {  	s31 =	simm.s32 $0x15;
	[tilespmem:s24+$0x160] =	vst v53;
	v27 =	vld.idx.msk [tilespmem:v31+s13+$0x0], $0xffff;
	v31 =	vadd.s32 s29, v15  }
0xd8: {  	v61 =	vadd.s32 s31, v15;
	s2 =	simm.s32 $0x16;
	v22 =	vld.idx.msk [tilespmem:v22+s13+$0x0], $0xffff;
	v31 =	vadd.s32 v0, v31  }
0xd9: {  	v32 =	vadd.s32 v0, v61;
	s30 =	simm.s32 $0x17;
	[tilespmem:s24+$0xFFFFFCF0] =	vst v26;
	v62 =	vadd.s32 s2, v15;
	v24 =	vld.idx.msk [tilespmem:v24+s13+$0x0], $0xffff  }
0xda: {  	v63 =	vadd.s32 s30, v15;
	[tilespmem:s24+$0xFFFFFD70] =	vst v40;
	s3 =	simm.s32 $0x18;
	v35 =	vadd.s32 v0, v62;
	v25 =	vld.idx.msk [tilespmem:v25+s13+$0x0], $0xffff  }
0xdb: {  	s18 =	simm.s32 $0x1F;
	s6 =	simm.s32 $0x20;
	v36 =	vadd.s32 s3, v15;
	s25 =	sshll.u32 s21, $0x1;
	[tilespmem:s24+$0xFFFFFDF0] =	vst v41;
	v26 =	vld.idx.msk [tilespmem:v33+s13+$0x0], $0xffff;
	v33 =	vadd.s32 v0, v63  }
.LBB2_3:
0xdc: {  	p1 =	slt.u32 s6, $0x30;
	v34 =	vld.idx.msk [tilespmem:v34+s13+$0x0], $0xffff;
	v36 =	vadd.s32 v0, v36;
	s7 =	sadd.s32 $0x9, s23;
	v37 =	vadd.s32 s18, v15;
	[tilespmem:s24+$0xFFFFFE70] =	vst v23  }
0xdd: {  	s10 =	sadd.s32 $0xA, s23;
	v23 =	vld.idx.msk [tilespmem:v31+s13+$0x0], $0xffff;
	v31 =	vadd.s32 s7, v15;
	v37 =	vadd.s32 v0, v37;
	[tilespmem:s24+$0xFFFFFEF0] =	vst v21  }
0xde: {  	s19 =	sadd.s32 $0xB, s23;
	v21 =	vld.idx.msk [tilespmem:v32+s13+$0x0], $0xffff;
	v31 =	vadd.s32 v0, v31;
	v32 =	vadd.s32 s10, v15;
	[tilespmem:s24+$0xFFFFFF70] =	vst v20  }
0xdf: {  	s20 =	sadd.s32 $0xC, s23;
	v20 =	vld.idx.msk [tilespmem:v35+s13+$0x0], $0xffff;
	v32 =	vadd.s32 v0, v32;
	v35 =	vadd.s32 s19, v15;
	[tilespmem:s24+$0xFFFFFFF0] =	vst v18  }
0xe0: {  	s14 =	sadd.s32 $0xD, s23;
	v18 =	vld.idx.msk [tilespmem:v33+s13+$0x0], $0xffff;
	v33 =	vadd.s32 v0, v35;
	v35 =	vadd.s32 s20, v15;
	[tilespmem:s24+$0x70] =	vst v17  }
0xe1: {  	s17 =	sadd.s32 $0xE, s23;
	v17 =	vld.idx.msk [tilespmem:v36+s13+$0x0], $0xffff;
	v35 =	vadd.s32 v0, v35;
	v36 =	vadd.s32 s14, v15;
	[tilespmem:s24+$0xF0] =	vst v19  }
0xe2: {  	v19 =	vadd.s32 v0, v36;
	v36 =	vadd.s32 s17, v15;
	v37 =	vld.idx.msk [tilespmem:v37+s13+$0x0], $0xffff;
	[tilespmem:s24+$0x170] =	vst v22  }
0xe3: {  	v22 =	vld.idx.msk [tilespmem:v31+s13+$0x0], $0xffff;
	v31 =	vadd.s32 v0, v36;
	v36 =	vadd.s32 s18, v14;
	[tilespmem:s24+$0x1F0] =	vst v24  }
0xe4: {  	v24 =	vadd.s32 s26, v14;
	v32 =	vld.idx.msk [tilespmem:v32+s13+$0x0], $0xffff;
	v36 =	vadd.s32 v1, v36;
	[tilespmem:s24+$0x270] =	vst v25  }
0xe5: {  	v24 =	vadd.s32 v1, v24;
	v25 =	vadd.s32 s28, v14;
	v33 =	vld.idx.msk [tilespmem:v33+s13+$0x0], $0xffff;
	[tilespmem:s24+$0x2F0] =	vst v27  }
0xe6: {  	v25 =	vadd.s32 v1, v25;
	v27 =	vadd.s32 s0, v14;
	v35 =	vld.idx.msk [tilespmem:v35+s13+$0x0], $0xffff;
	[tilespmem:s24+$0x370] =	vst v29  }
0xe7: {  	v27 =	vadd.s32 v1, v27;
	v29 =	vadd.s32 s29, v14;
	v19 =	vld.idx.msk [tilespmem:v19+s13+$0x0], $0xffff;
	[tilespmem:s24+$0xFFFFFC70] =	vst v30;
	s24 =	sadd.s32 $0x800, s24  }
0xe8: {  	v29 =	vadd.s32 v1, v29;
	v30 =	vadd.s32 s31, v14;
	v31 =	vld.idx.msk [tilespmem:v31+s13+$0x0], $0xffff;
	[tilespmem:s24+$0x380] =	vst v37  }
0xe9: {  	[tilespmem:s24+$0xFFFFFC80] =	vst v26;
	v26 =	vadd.s32 v1, v30;
	v30 =	vadd.s32 s2, v14;
	v36 =	vld.idx.msk [tilespmem:v36+s13+$0x0], $0xffff  }
0xea: {  	v24 =	vld.idx.msk [tilespmem:v24+s13+$0x0], $0xffff;
	[tilespmem:s24+$0xFFFFFD00] =	vst v28;
	v28 =	vadd.s32 v1, v30;
	v30 =	vadd.s32 s18, v13  }
0xeb: {  	v25 =	vld.idx.msk [tilespmem:v25+s13+$0x0], $0xffff;
	[tilespmem:s24+$0xFFFFFD80] =	vst v34;
	v34 =	vadd.s32 s30, v14;
	v30 =	vadd.s32 v2, v30  }
0xec: {  	v27 =	vld.idx.msk [tilespmem:v27+s13+$0x0], $0xffff;
	[tilespmem:s24+$0xFFFFFE00] =	vst v23;
	v23 =	vadd.s32 v1, v34;
	v34 =	vadd.s32 s3, v14  }
0xed: {  	v29 =	vld.idx.msk [tilespmem:v29+s13+$0x0], $0xffff;
	[tilespmem:s24+$0xFFFFFE80] =	vst v21;
	v21 =	vadd.s32 v1, v34;
	v34 =	vadd.s32 s7, v14  }
0xee: {  	v26 =	vld.idx.msk [tilespmem:v26+s13+$0x0], $0xffff;
	[tilespmem:s24+$0xFFFFFF00] =	vst v20;
	v20 =	vadd.s32 v1, v34;
	v34 =	vadd.s32 s10, v14  }
0xef: {  	v37 =	vadd.s32 s19, v14;
	v28 =	vld.idx.msk [tilespmem:v28+s13+$0x0], $0xffff;
	v34 =	vadd.s32 v1, v34;
	[tilespmem:s24+$0x390] =	vst v36  }
0xf0: {  	v36 =	vadd.s32 s20, v14;
	[tilespmem:s24+$0xFFFFFF80] =	vst v18;
	v18 =	vadd.s32 v1, v37;
	v30 =	vld.idx.msk [tilespmem:v30+s13+$0x0], $0xffff  }
0xf1: {  	v23 =	vld.idx.msk [tilespmem:v23+s13+$0x0], $0xffff;
	[tilespmem:s24+$0x0] =	vst v17;
	v17 =	vadd.s32 v1, v36;
	v36 =	vadd.s32 s18, v12  }
0xf2: {  	v21 =	vld.idx.msk [tilespmem:v21+s13+$0x0], $0xffff;
	[tilespmem:s24+$0x80] =	vst v22;
	v22 =	vadd.s32 s14, v14;
	v36 =	vadd.s32 v3, v36  }
0xf3: {  	v20 =	vld.idx.msk [tilespmem:v20+s13+$0x0], $0xffff;
	[tilespmem:s24+$0x100] =	vst v32;
	v22 =	vadd.s32 v1, v22;
	v32 =	vadd.s32 s17, v14  }
0xf4: {  	v37 =	vadd.s32 s23, v14;
	v34 =	vld.idx.msk [tilespmem:v34+s13+$0x0], $0xffff;
	[tilespmem:s24+$0x180] =	vst v33;
	v32 =	vadd.s32 v1, v32  }
0xf5: {  	v33 =	vadd.s32 v1, v37;
	v37 =	vadd.s32 s26, v13;
	v18 =	vld.idx.msk [tilespmem:v18+s13+$0x0], $0xffff;
	[tilespmem:s24+$0x200] =	vst v35  }
0xf6: {  	v35 =	vadd.s32 v2, v37;
	v37 =	vadd.s32 s28, v13;
	v17 =	vld.idx.msk [tilespmem:v17+s13+$0x0], $0xffff;
	[tilespmem:s24+$0x3A0] =	vst v30  }
0xf7: {  	v30 =	vadd.s32 v2, v37;
	v37 =	vadd.s32 s0, v13;
	[tilespmem:s24+$0x280] =	vst v19;
	v19 =	vld.idx.msk [tilespmem:v36+s13+$0x0], $0xffff  }
0xf8: {  	v36 =	vadd.s32 v2, v37;
	v22 =	vld.idx.msk [tilespmem:v22+s13+$0x0], $0xffff;
	[tilespmem:s24+$0x300] =	vst v31;
	v31 =	vadd.s32 s18, v11  }
0xf9: {  	[tilespmem:s24+$0xFFFFFC00] =	vst v16;
	v16 =	vadd.s32 s29, v13;
	v32 =	vld.idx.msk [tilespmem:v32+s13+$0x0], $0xffff;
	v31 =	vadd.s32 v4, v31  }
0xfa: {  	v33 =	vld.idx.msk [tilespmem:v33+s13+$0x0], $0xffff;
	[tilespmem:s24+$0xFFFFFC90] =	vst v24;
	v16 =	vadd.s32 v2, v16;
	v24 =	vadd.s32 s31, v13  }
0xfb: {  	v35 =	vld.idx.msk [tilespmem:v35+s13+$0x0], $0xffff;
	[tilespmem:s24+$0xFFFFFD10] =	vst v25;
	v24 =	vadd.s32 v2, v24;
	v25 =	vadd.s32 s2, v13  }
0xfc: {  	v30 =	vld.idx.msk [tilespmem:v30+s13+$0x0], $0xffff;
	[tilespmem:s24+$0xFFFFFD90] =	vst v27;
	v25 =	vadd.s32 v2, v25;
	v27 =	vadd.s32 s30, v13  }
0xfd: {  	v37 =	vadd.s32 s3, v13;
	v36 =	vld.idx.msk [tilespmem:v36+s13+$0x0], $0xffff;
	v27 =	vadd.s32 v2, v27;
	[tilespmem:s24+$0x3B0] =	vst v19  }
0xfe: {  	v19 =	vadd.s32 v2, v37;
	[tilespmem:s24+$0xFFFFFE10] =	vst v29;
	v29 =	vadd.s32 s7, v13;
	v31 =	vld.idx.msk [tilespmem:v31+s13+$0x0], $0xffff  }
0xff: {  	v16 =	vld.idx.msk [tilespmem:v16+s13+$0x0], $0xffff;
	[tilespmem:s24+$0xFFFFFE90] =	vst v26;
	v26 =	vadd.s32 v2, v29;
	v29 =	vadd.s32 s18, v10  }
0x100: {  	v24 =	vld.idx.msk [tilespmem:v24+s13+$0x0], $0xffff;
	[tilespmem:s24+$0xFFFFFF10] =	vst v28;
	v28 =	vadd.s32 s10, v13;
	v29 =	vadd.s32 v5, v29  }
0x101: {  	v25 =	vld.idx.msk [tilespmem:v25+s13+$0x0], $0xffff;
	[tilespmem:s24+$0xFFFFFF90] =	vst v23;
	v23 =	vadd.s32 v2, v28;
	v28 =	vadd.s32 s19, v13  }
0x102: {  	v27 =	vld.idx.msk [tilespmem:v27+s13+$0x0], $0xffff;
	[tilespmem:s24+$0x10] =	vst v21;
	v21 =	vadd.s32 v2, v28;
	v28 =	vadd.s32 s20, v13  }
0x103: {  	v19 =	vld.idx.msk [tilespmem:v19+s13+$0x0], $0xffff;
	[tilespmem:s24+$0x90] =	vst v20;
	v20 =	vadd.s32 v2, v28;
	v28 =	vadd.s32 s14, v13  }
0x104: {  	v37 =	vadd.s32 s17, v13;
	v26 =	vld.idx.msk [tilespmem:v26+s13+$0x0], $0xffff;
	v28 =	vadd.s32 v2, v28;
	[tilespmem:s24+$0x3C0] =	vst v31  }
0x105: {  	v31 =	vadd.s32 s23, v13;
	[tilespmem:s24+$0x110] =	vst v34;
	v34 =	vadd.s32 v2, v37;
	v29 =	vld.idx.msk [tilespmem:v29+s13+$0x0], $0xffff  }
0x106: {  	v31 =	vadd.s32 v2, v31;
	v23 =	vld.idx.msk [tilespmem:v23+s13+$0x0], $0xffff;
	[tilespmem:s24+$0x190] =	vst v18;
	v18 =	vadd.s32 s18, v9  }
0x107: {  	v37 =	vadd.s32 s26, v12;
	v21 =	vld.idx.msk [tilespmem:v21+s13+$0x0], $0xffff;
	[tilespmem:s24+$0x210] =	vst v17;
	v17 =	vadd.s32 v6, v18  }
0x108: {  	v18 =	vadd.s32 v3, v37;
	v37 =	vadd.s32 s28, v12;
	v20 =	vld.idx.msk [tilespmem:v20+s13+$0x0], $0xffff;
	[tilespmem:s24+$0x290] =	vst v22  }
0x109: {  	v22 =	vadd.s32 v3, v37;
	v37 =	vadd.s32 s0, v12;
	v28 =	vld.idx.msk [tilespmem:v28+s13+$0x0], $0xffff;
	[tilespmem:s24+$0x310] =	vst v32  }
0x10a: {  	v32 =	vadd.s32 v3, v37;
	[tilespmem:s24+$0xFFFFFC10] =	vst v33;
	v33 =	vadd.s32 s29, v12;
	v34 =	vld.idx.msk [tilespmem:v34+s13+$0x0], $0xffff  }
0x10b: {  	v37 =	vadd.s32 s31, v12;
	v31 =	vld.idx.msk [tilespmem:v31+s13+$0x0], $0xffff;
	v33 =	vadd.s32 v3, v33;
	[tilespmem:s24+$0x3D0] =	vst v29  }
0x10c: {  	v29 =	vadd.s32 v3, v37;
	[tilespmem:s24+$0xFFFFFCA0] =	vst v35;
	v35 =	vadd.s32 s2, v12;
	v17 =	vld.idx.msk [tilespmem:v17+s13+$0x0], $0xffff  }
0x10d: {  	v18 =	vld.idx.msk [tilespmem:v18+s13+$0x0], $0xffff;
	[tilespmem:s24+$0xFFFFFD20] =	vst v30;
	v30 =	vadd.s32 v3, v35;
	v35 =	vadd.s32 s18, v8  }
0x10e: {  	v22 =	vld.idx.msk [tilespmem:v22+s13+$0x0], $0xffff;
	[tilespmem:s24+$0xFFFFFDA0] =	vst v36;
	v36 =	vadd.s32 s30, v12;
	v35 =	vadd.s32 v7, v35  }
0x10f: {  	v32 =	vld.idx.msk [tilespmem:v32+s13+$0x0], $0xffff;
	[tilespmem:s24+$0xFFFFFE20] =	vst v16;
	v16 =	vadd.s32 v3, v36;
	v36 =	vadd.s32 s3, v12  }
0x110: {  	v33 =	vld.idx.msk [tilespmem:v33+s13+$0x0], $0xffff;
	[tilespmem:s24+$0xFFFFFEA0] =	vst v24;
	v24 =	vadd.s32 v3, v36;
	v36 =	vadd.s32 s7, v12  }
0x111: {  	v29 =	vld.idx.msk [tilespmem:v29+s13+$0x0], $0xffff;
	[tilespmem:s24+$0xFFFFFF20] =	vst v25;
	v25 =	vadd.s32 v3, v36;
	v36 =	vadd.s32 s10, v12  }
0x112: {  	v37 =	vadd.s32 s19, v12;
	v30 =	vld.idx.msk [tilespmem:v30+s13+$0x0], $0xffff;
	v36 =	vadd.s32 v3, v36;
	[tilespmem:s24+$0x3E0] =	vst v17  }
0x113: {  	v17 =	vadd.s32 v3, v37;
	[tilespmem:s24+$0xFFFFFFA0] =	vst v27;
	v27 =	vadd.s32 s20, v12;
	v35 =	vld.idx.msk [tilespmem:v35+s13+$0x0], $0xffff  }
0x114: {  	v37 =	vadd.s32 s6, v15;
	v38 =	vld.idx.msk [tilespmem:v16+s13+$0x0], $0xffff;
	[tilespmem:s24+$0x20] =	vst v19;
	v16 =	vadd.s32 v3, v27  }
0x115: {  	v19 =	vadd.s32 v0, v37;
	v24 =	vld.idx.msk [tilespmem:v24+s13+$0x0], $0xffff;
	[tilespmem:s24+$0xA0] =	vst v26;
	v26 =	vadd.s32 s14, v12  }
0x116: {  	v25 =	vld.idx.msk [tilespmem:v25+s13+$0x0], $0xffff;
	[tilespmem:s24+$0x120] =	vst v23;
	v23 =	vadd.s32 v3, v26;
	v26 =	vadd.s32 s17, v12  }
0x117: {  	v27 =	vadd.s32 s23, v12;
	v36 =	vld.idx.msk [tilespmem:v36+s13+$0x0], $0xffff;
	[tilespmem:s24+$0x1A0] =	vst v21;
	v21 =	vadd.s32 v3, v26  }
0x118: {  	v26 =	vadd.s32 v3, v27;
	v27 =	vadd.s32 s26, v11;
	v17 =	vld.idx.msk [tilespmem:v17+s13+$0x0], $0xffff;
	[tilespmem:s24+$0x220] =	vst v20  }
0x119: {  	v20 =	vadd.s32 v4, v27;
	v27 =	vadd.s32 s28, v11;
	v37 =	vld.idx.msk [tilespmem:v16+s13+$0x0], $0xffff;
	[tilespmem:s24+$0x3F0] =	vst v35  }
0x11a: {  	v16 =	vld.idx.msk [tilespmem:v19+s13+$0x0], $0xffff;
	v19 =	vadd.s32 v4, v27;
	v27 =	vadd.s32 s0, v11;
	[tilespmem:s24+$0x2A0] =	vst v28  }
0x11b: {  	v28 =	vadd.s32 s29, v11;
	v27 =	vadd.s32 v4, v27;
	v23 =	vld.idx.msk [tilespmem:v23+s13+$0x0], $0xffff;
	[tilespmem:s24+$0x320] =	vst v34  }
0x11c: {  	v28 =	vadd.s32 v4, v28;
	[tilespmem:s24+$0xFFFFFC20] =	vst v31;
	v31 =	vadd.s32 s31, v11;
	v21 =	vld.idx.msk [tilespmem:v21+s13+$0x0], $0xffff  }
0x11d: {  	v26 =	vld.idx.msk [tilespmem:v26+s13+$0x0], $0xffff;
	[tilespmem:s24+$0xFFFFFCB0] =	vst v18;
	v18 =	vadd.s32 v4, v31;
	v31 =	vadd.s32 s2, v11  }
0x11e: {  	v20 =	vld.idx.msk [tilespmem:v20+s13+$0x0], $0xffff;
	[tilespmem:s24+$0xFFFFFD30] =	vst v22;
	v22 =	vadd.s32 v4, v31;
	v31 =	vadd.s32 s30, v11  }
0x11f: {  	v19 =	vld.idx.msk [tilespmem:v19+s13+$0x0], $0xffff;
	[tilespmem:s24+$0xFFFFFDB0] =	vst v32;
	v31 =	vadd.s32 v4, v31;
	v32 =	vadd.s32 s3, v11  }
0x120: {  	v27 =	vld.idx.msk [tilespmem:v27+s13+$0x0], $0xffff;
	[tilespmem:s24+$0xFFFFFE30] =	vst v33;
	v32 =	vadd.s32 v4, v32;
	v33 =	vadd.s32 s7, v11  }
0x121: {  	v28 =	vld.idx.msk [tilespmem:v28+s13+$0x0], $0xffff;
	[tilespmem:s24+$0xFFFFFEB0] =	vst v29;
	v29 =	vadd.s32 v4, v33;
	v33 =	vadd.s32 s10, v11  }
0x122: {  	v18 =	vld.idx.msk [tilespmem:v18+s13+$0x0], $0xffff;
	[tilespmem:s24+$0xFFFFFF30] =	vst v30;
	v30 =	vadd.s32 v4, v33;
	v33 =	vadd.s32 s19, v11  }
0x123: {  	v34 =	vadd.s32 s20, v11;
	v22 =	vld.idx.msk [tilespmem:v22+s13+$0x0], $0xffff;
	[tilespmem:s24+$0xFFFFFFB0] =	vst v38;
	v33 =	vadd.s32 v4, v33  }
0x124: {  	v31 =	vld.idx.msk [tilespmem:v31+s13+$0x0], $0xffff;
	[tilespmem:s24+$0x30] =	vst v24;
	v24 =	vadd.s32 v4, v34;
	v34 =	vadd.s32 s14, v11  }
0x125: {  	v32 =	vld.idx.msk [tilespmem:v32+s13+$0x0], $0xffff;
	[tilespmem:s24+$0xB0] =	vst v25;
	v25 =	vadd.s32 v4, v34;
	v34 =	vadd.s32 s17, v11  }
0x126: {  	v35 =	vadd.s32 s23, v11;
	v29 =	vld.idx.msk [tilespmem:v29+s13+$0x0], $0xffff;
	[tilespmem:s24+$0x130] =	vst v36;
	v34 =	vadd.s32 v4, v34  }
0x127: {  	v35 =	vadd.s32 v4, v35;
	v36 =	vadd.s32 s26, v10;
	v30 =	vld.idx.msk [tilespmem:v30+s13+$0x0], $0xffff;
	[tilespmem:s24+$0x1B0] =	vst v17  }
0x128: {  	v17 =	vadd.s32 v5, v36;
	v36 =	vadd.s32 s28, v10;
	v33 =	vld.idx.msk [tilespmem:v33+s13+$0x0], $0xffff;
	[tilespmem:s24+$0x230] =	vst v37  }
0x129: {  	v36 =	vadd.s32 v5, v36;
	v37 =	vadd.s32 s0, v10;
	v24 =	vld.idx.msk [tilespmem:v24+s13+$0x0], $0xffff;
	[tilespmem:s24+$0x2B0] =	vst v23  }
0x12a: {  	v23 =	vadd.s32 v5, v37;
	v37 =	vadd.s32 s29, v10;
	v25 =	vld.idx.msk [tilespmem:v25+s13+$0x0], $0xffff;
	[tilespmem:s24+$0x330] =	vst v21  }
0x12b: {  	v21 =	vadd.s32 v5, v37;
	[tilespmem:s24+$0xFFFFFC30] =	vst v26;
	v26 =	vadd.s32 s31, v10;
	v34 =	vld.idx.msk [tilespmem:v34+s13+$0x0], $0xffff  }
0x12c: {  	v35 =	vld.idx.msk [tilespmem:v35+s13+$0x0], $0xffff;
	[tilespmem:s24+$0xFFFFFCC0] =	vst v20;
	v20 =	vadd.s32 v5, v26;
	v26 =	vadd.s32 s2, v10  }
0x12d: {  	v17 =	vld.idx.msk [tilespmem:v17+s13+$0x0], $0xffff;
	[tilespmem:s24+$0xFFFFFD40] =	vst v19;
	v19 =	vadd.s32 v5, v26;
	v26 =	vadd.s32 s30, v10  }
0x12e: {  	v36 =	vld.idx.msk [tilespmem:v36+s13+$0x0], $0xffff;
	[tilespmem:s24+$0xFFFFFDC0] =	vst v27;
	v26 =	vadd.s32 v5, v26;
	v27 =	vadd.s32 s3, v10  }
0x12f: {  	v23 =	vld.idx.msk [tilespmem:v23+s13+$0x0], $0xffff;
	[tilespmem:s24+$0xFFFFFE40] =	vst v28;
	v27 =	vadd.s32 v5, v27;
	v28 =	vadd.s32 s7, v10  }
0x130: {  	v21 =	vld.idx.msk [tilespmem:v21+s13+$0x0], $0xffff;
	[tilespmem:s24+$0xFFFFFEC0] =	vst v18;
	v18 =	vadd.s32 v5, v28;
	v28 =	vadd.s32 s10, v10  }
0x131: {  	v20 =	vld.idx.msk [tilespmem:v20+s13+$0x0], $0xffff;
	[tilespmem:s24+$0xFFFFFF40] =	vst v22;
	v22 =	vadd.s32 v5, v28;
	v28 =	vadd.s32 s19, v10  }
0x132: {  	v19 =	vld.idx.msk [tilespmem:v19+s13+$0x0], $0xffff;
	[tilespmem:s24+$0xFFFFFFC0] =	vst v31;
	v28 =	vadd.s32 v5, v28;
	v31 =	vadd.s32 s20, v10  }
0x133: {  	v26 =	vld.idx.msk [tilespmem:v26+s13+$0x0], $0xffff;
	[tilespmem:s24+$0x40] =	vst v32;
	v31 =	vadd.s32 v5, v31;
	v32 =	vadd.s32 s14, v10  }
0x134: {  	v27 =	vld.idx.msk [tilespmem:v27+s13+$0x0], $0xffff;
	[tilespmem:s24+$0xC0] =	vst v29;
	v29 =	vadd.s32 v5, v32;
	v32 =	vadd.s32 s17, v10  }
0x135: {  	v37 =	vadd.s32 s23, v10;
	v18 =	vld.idx.msk [tilespmem:v18+s13+$0x0], $0xffff;
	[tilespmem:s24+$0x140] =	vst v30;
	v30 =	vadd.s32 v5, v32  }
0x136: {  	v32 =	vadd.s32 v5, v37;
	v37 =	vadd.s32 s26, v9;
	v22 =	vld.idx.msk [tilespmem:v22+s13+$0x0], $0xffff;
	[tilespmem:s24+$0x1C0] =	vst v33  }
0x137: {  	v33 =	vadd.s32 v6, v37;
	v37 =	vadd.s32 s28, v9;
	v28 =	vld.idx.msk [tilespmem:v28+s13+$0x0], $0xffff;
	[tilespmem:s24+$0x240] =	vst v24  }
0x138: {  	v24 =	vadd.s32 v6, v37;
	v37 =	vadd.s32 s0, v9;
	v31 =	vld.idx.msk [tilespmem:v31+s13+$0x0], $0xffff;
	[tilespmem:s24+$0x2C0] =	vst v25  }
0x139: {  	v25 =	vadd.s32 v6, v37;
	v37 =	vadd.s32 s29, v9;
	v29 =	vld.idx.msk [tilespmem:v29+s13+$0x0], $0xffff;
	[tilespmem:s24+$0x340] =	vst v34  }
0x13a: {  	v34 =	vadd.s32 v6, v37;
	[tilespmem:s24+$0xFFFFFC40] =	vst v35;
	v35 =	vadd.s32 s31, v9;
	v30 =	vld.idx.msk [tilespmem:v30+s13+$0x0], $0xffff  }
0x13b: {  	v32 =	vld.idx.msk [tilespmem:v32+s13+$0x0], $0xffff;
	[tilespmem:s24+$0xFFFFFCD0] =	vst v17;
	v17 =	vadd.s32 v6, v35;
	v35 =	vadd.s32 s2, v9  }
0x13c: {  	v33 =	vld.idx.msk [tilespmem:v33+s13+$0x0], $0xffff;
	[tilespmem:s24+$0xFFFFFD50] =	vst v36;
	v35 =	vadd.s32 v6, v35;
	v36 =	vadd.s32 s30, v9  }
0x13d: {  	v24 =	vld.idx.msk [tilespmem:v24+s13+$0x0], $0xffff;
	[tilespmem:s24+$0xFFFFFDD0] =	vst v23;
	v23 =	vadd.s32 v6, v36;
	v36 =	vadd.s32 s3, v9  }
0x13e: {  	v25 =	vld.idx.msk [tilespmem:v25+s13+$0x0], $0xffff;
	[tilespmem:s24+$0xFFFFFE50] =	vst v21;
	v21 =	vadd.s32 v6, v36;
	v36 =	vadd.s32 s7, v9  }
0x13f: {  	v34 =	vld.idx.msk [tilespmem:v34+s13+$0x0], $0xffff;
	[tilespmem:s24+$0xFFFFFED0] =	vst v20;
	v20 =	vadd.s32 v6, v36;
	v36 =	vadd.s32 s10, v9  }
0x140: {  	v17 =	vld.idx.msk [tilespmem:v17+s13+$0x0], $0xffff;
	[tilespmem:s24+$0xFFFFFF50] =	vst v19;
	v19 =	vadd.s32 v6, v36;
	v36 =	vadd.s32 s19, v9  }
0x141: {  	v35 =	vld.idx.msk [tilespmem:v35+s13+$0x0], $0xffff;
	[tilespmem:s24+$0xFFFFFFD0] =	vst v26;
	v26 =	vadd.s32 v6, v36;
	v36 =	vadd.s32 s20, v9  }
0x142: {  	v37 =	vld.idx.msk [tilespmem:v23+s13+$0x0], $0xffff;
	[tilespmem:s24+$0x50] =	vst v27;
	v23 =	vadd.s32 v6, v36;
	v27 =	vadd.s32 s14, v9  }
0x143: {  	v36 =	vld.idx.msk [tilespmem:v21+s13+$0x0], $0xffff;
	[tilespmem:s24+$0xD0] =	vst v18;
	v18 =	vadd.s32 v6, v27;
	v21 =	vadd.s32 s17, v9  }
0x144: {  	v27 =	vadd.s32 s23, v9;
	v38 =	vld.idx.msk [tilespmem:v20+s13+$0x0], $0xffff;
	[tilespmem:s24+$0x150] =	vst v22;
	v20 =	vadd.s32 v6, v21  }
0x145: {  	v21 =	vadd.s32 v6, v27;
	v22 =	vadd.s32 s26, v8;
	v27 =	vld.idx.msk [tilespmem:v19+s13+$0x0], $0xffff;
	[tilespmem:s24+$0x1D0] =	vst v28  }
0x146: {  	v19 =	vadd.s32 v7, v22;
	v22 =	vadd.s32 s28, v8;
	v26 =	vld.idx.msk [tilespmem:v26+s13+$0x0], $0xffff;
	[tilespmem:s24+$0x250] =	vst v31  }
0x147: {  	v28 =	vadd.s32 s0, v8;
	v22 =	vadd.s32 v7, v22;
	v31 =	vld.idx.msk [tilespmem:v23+s13+$0x0], $0xffff;
	[tilespmem:s24+$0x2D0] =	vst v29  }
0x148: {  	v23 =	vadd.s32 v7, v28;
	v28 =	vadd.s32 s29, v8;
	v29 =	vld.idx.msk [tilespmem:v18+s13+$0x0], $0xffff;
	[tilespmem:s24+$0x350] =	vst v30  }
0x149: {  	v18 =	vadd.s32 v7, v28;
	v28 =	vadd.s32 s31, v8;
	[tilespmem:s24+$0xFFFFFC50] =	vst v32;
	v30 =	vld.idx.msk [tilespmem:v20+s13+$0x0], $0xffff  }
0x14a: {  	v20 =	vadd.s32 v7, v28;
	v32 =	vld.idx.msk [tilespmem:v21+s13+$0x0], $0xffff;
	[tilespmem:s24+$0xFFFFFCE0] =	vst v33;
	v21 =	vadd.s32 s2, v8  }
0x14b: {  	v28 =	vld.idx.msk [tilespmem:v19+s13+$0x0], $0xffff;
	[tilespmem:s24+$0xFFFFFD60] =	vst v24;
	v19 =	vadd.s32 v7, v21;
	v21 =	vadd.s32 s30, v8  }
0x14c: {  	v33 =	vld.idx.msk [tilespmem:v22+s13+$0x0], $0xffff;
	[tilespmem:s24+$0xFFFFFDE0] =	vst v25;
	v22 =	vadd.s32 v7, v21;
	v21 =	vadd.s32 s3, v8  }
0x14d: {  	v39 =	vld.idx.msk [tilespmem:v23+s13+$0x0], $0xffff;
	[tilespmem:s24+$0xFFFFFE60] =	vst v34;
	v24 =	vadd.s32 v7, v21;
	v21 =	vadd.s32 s7, v8  }
0x14e: {  	v23 =	vld.idx.msk [tilespmem:v18+s13+$0x0], $0xffff;
	[tilespmem:s24+$0xFFFFFEE0] =	vst v17;
	v25 =	vadd.s32 v7, v21;
	v17 =	vadd.s32 s10, v8  }
0x14f: {  	v21 =	vld.idx.msk [tilespmem:v20+s13+$0x0], $0xffff;
	[tilespmem:s24+$0xFFFFFF60] =	vst v35;
	v34 =	vadd.s32 v7, v17;
	v17 =	vadd.s32 s19, v8  }
0x150: {  	v20 =	vld.idx.msk [tilespmem:v19+s13+$0x0], $0xffff;
	[tilespmem:s24+$0xFFFFFFE0] =	vst v37;
	v35 =	vadd.s32 v7, v17;
	v17 =	vadd.s32 s20, v8  }
0x151: {  	v19 =	vadd.s32 s14, v8;
	v18 =	vld.idx.msk [tilespmem:v22+s13+$0x0], $0xffff;
	[tilespmem:s24+$0x60] =	vst v36;
	v36 =	vadd.s32 v7, v17  }
0x152: {  	v37 =	vadd.s32 v7, v19;
	v22 =	vadd.s32 s17, v8;
	v17 =	vld.idx.msk [tilespmem:v24+s13+$0x0], $0xffff;
	[tilespmem:s24+$0xE0] =	vst v38  }
0x153: {  	s26 =	sadd.s32 $0x1, s6;
	v24 =	vadd.s32 s23, v8;
	v38 =	vadd.s32 v7, v22;
	s23 =	smov.u32 s6;
	v19 =	vld.idx.msk [tilespmem:v25+s13+$0x0], $0xffff;
	[tilespmem:s24+$0x160] =	vst v27  }
0x154: {  	s28 =	sadd.s32 $0x2, s6;
	v25 =	vadd.s32 s26, v15;
	v40 =	vadd.s32 v7, v24;
	v22 =	vld.idx.msk [tilespmem:v34+s13+$0x0], $0xffff;
	[tilespmem:s24+$0x1E0] =	vst v26  }
0x155: {  	s0 =	sadd.s32 $0x3, s6;
	v26 =	vadd.s32 v0, v25;
	v25 =	vadd.s32 s28, v15;
	v24 =	vld.idx.msk [tilespmem:v35+s13+$0x0], $0xffff;
	[tilespmem:s24+$0x260] =	vst v31  }
0x156: {  	s29 =	sadd.s32 $0x4, s6;
	v27 =	vadd.s32 s0, v15;
	v41 =	vadd.s32 v0, v25;
	v25 =	vld.idx.msk [tilespmem:v36+s13+$0x0], $0xffff;
	[tilespmem:s24+$0x2E0] =	vst v29  }
.Ltmp0:
0x157: {  	s31 =	sadd.s32 $0x5, s6;
	v34 =	vadd.s32 v0, v27;
	v29 =	vadd.s32 s29, v15;
	v27 =	vld.idx.msk [tilespmem:v37+s13+$0x0], $0xffff;
	[tilespmem:s24+$0x360] =	vst v30;
	(pc) =	sbr.rel @p1 .LBB2_3-.Ltmp0, $4  }
0x158: {  	s2 =	sadd.s32 $0x6, s6;
	v31 =	vadd.s32 v0, v29;
	v30 =	vadd.s32 s31, v15;
	[tilespmem:s24+$0xFFFFFC60] =	vst v32;
	v29 =	vld.idx.msk [tilespmem:v38+s13+$0x0], $0xffff  }
0x159: {  	s30 =	sadd.s32 $0x7, s6;
	v35 =	vadd.s32 s2, v15;
	v32 =	vadd.s32 v0, v30;
	v30 =	vld.idx.msk [tilespmem:v40+s13+$0x0], $0xffff;
	[tilespmem:s24+$0xFFFFFCF0] =	vst v28  }
0x15a: {  	s3 =	sadd.s32 $0x8, s6;
	v35 =	vadd.s32 v0, v35;
	v36 =	vadd.s32 s30, v15;
	v26 =	vld.idx.msk [tilespmem:v26+s13+$0x0], $0xffff;
	[tilespmem:s24+$0xFFFFFD70] =	vst v33  }
0x15b: {  	s6 =	sadd.s32 $0x10, s6;
	s18 =	sadd.s32 $0xF, s23;
	v33 =	vadd.s32 v0, v36;
	v36 =	vadd.s32 s3, v15;
	v28 =	vld.idx.msk [tilespmem:v41+s13+$0x0], $0xffff;
	[tilespmem:s24+$0xFFFFFDF0] =	vst v39  }
0x15c: {  	_ = 	snop  }
0x15d: {  	[tilespmem:s24+$0xFFFFFE70] =	vst v23  }
0x15e: {  	[tilespmem:s24+$0xFFFFFEF0] =	vst v21  }
0x15f: {  	[tilespmem:s24+$0xFFFFFF70] =	vst v20  }
0x160: {  	v34 =	vld.idx.msk [tilespmem:v34+s13+$0x0], $0xffff;
	v36 =	vadd.s32 v0, v36;
	v37 =	vadd.s32 s18, v15;
	[tilespmem:s24+$0xFFFFFFF0] =	vst v18  }
0x161: {  	v23 =	vld.idx.msk [tilespmem:v31+s13+$0x0], $0xffff;
	[tilespmem:s24+$0x1F0] =	vst v24;
	v24 =	vadd.s32 s26, v14;
	v37 =	vadd.s32 v0, v37  }
0x162: {  	v21 =	vld.idx.msk [tilespmem:v32+s13+$0x0], $0xffff;
	[tilespmem:s24+$0x270] =	vst v25;
	v25 =	vadd.s32 s28, v14;
	v24 =	vadd.s32 v1, v24  }
0x163: {  	s6 =	sadd.s32 $0x9, s23;
	v20 =	vld.idx.msk [tilespmem:v35+s13+$0x0], $0xffff;
	[tilespmem:s24+$0x2F0] =	vst v27;
	v27 =	vadd.s32 s0, v14;
	v25 =	vadd.s32 v1, v25  }
0x164: {  	s7 =	sadd.s32 $0xA, s23;
	v18 =	vld.idx.msk [tilespmem:v33+s13+$0x0], $0xffff;
	[tilespmem:s24+$0x70] =	vst v17;
	v31 =	vadd.s32 s6, v15;
	v27 =	vadd.s32 v1, v27  }
0x165: {  	s10 =	sadd.s32 $0xB, s23;
	[tilespmem:s24+$0xF0] =	vst v19;
	s20 =	sadd.s32 $0x800, s24;
	v53 =	vadd.s32 s7, v15;
	v31 =	vadd.s32 v0, v31;
	v17 =	vld.idx.msk [tilespmem:v36+s13+$0x0], $0xffff  }
0x166: {  	s14 =	sadd.s32 $0xC, s23;
	v54 =	vadd.s32 s10, v15;
	v32 =	vadd.s32 v0, v53;
	[tilespmem:s20+$0xFFFFFC80] =	vst v26;
	v58 =	vld.idx.msk [tilespmem:v37+s13+$0x0], $0xffff  }
0x167: {  	s17 =	sadd.s32 $0xD, s23;
	v56 =	vadd.s32 s14, v15;
	v55 =	vadd.s32 v0, v54;
	[tilespmem:s20+$0xFFFFFD00] =	vst v28;
	v24 =	vld.idx.msk [tilespmem:v24+s13+$0x0], $0xffff  }
0x168: {  	s19 =	sadd.s32 $0xE, s23;
	v57 =	vadd.s32 s17, v15;
	v35 =	vadd.s32 v0, v56;
	[tilespmem:s20+$0xFFFFFD80] =	vst v34;
	v25 =	vld.idx.msk [tilespmem:v25+s13+$0x0], $0xffff  }
0x169: {  	[tilespmem:s24+$0x170] =	vst v22;
	v15 =	vadd.s32 s19, v15;
	v19 =	vadd.s32 v0, v57;
	v27 =	vld.idx.msk [tilespmem:v27+s13+$0x0], $0xffff  }
0x16a: {  	[tilespmem:s24+$0x370] =	vst v29;
	v29 =	vadd.s32 s29, v14;
	v15 =	vadd.s32 v0, v15;
	v22 =	vld.idx.msk [tilespmem:v31+s13+$0x0], $0xffff  }
0x16b: {  	[tilespmem:s24+$0xFFFFFC70] =	vst v30;
	v29 =	vadd.s32 v1, v29;
	v30 =	vadd.s32 s31, v14;
	v32 =	vld.idx.msk [tilespmem:v32+s13+$0x0], $0xffff  }
0x16c: {  	v26 =	vadd.s32 v1, v30;
	v31 =	vadd.s32 s18, v14;
	v33 =	vld.idx.msk [tilespmem:v55+s13+$0x0], $0xffff  }
0x16d: {  	v30 =	vadd.s32 s2, v14;
	v35 =	vld.idx.msk [tilespmem:v35+s13+$0x0], $0xffff;
	v31 =	vadd.s32 v1, v31  }
0x16e: {  	v59 =	vadd.s32 s30, v14;
	v28 =	vadd.s32 v1, v30;
	[tilespmem:s20+$0xFFFFFE00] =	vst v23;
	v19 =	vld.idx.msk [tilespmem:v19+s13+$0x0], $0xffff  }
0x16f: {  	v60 =	vadd.s32 s3, v14;
	v23 =	vadd.s32 v1, v59;
	[tilespmem:s20+$0xFFFFFE80] =	vst v21;
	v15 =	vld.idx.msk [tilespmem:v15+s13+$0x0], $0xffff  }
0x170: {  	v61 =	vadd.s32 s6, v14;
	v21 =	vadd.s32 v1, v60;
	[tilespmem:s20+$0xFFFFFF00] =	vst v20;
	v29 =	vld.idx.msk [tilespmem:v29+s13+$0x0], $0xffff  }
0x171: {  	v62 =	vadd.s32 s7, v14;
	v20 =	vadd.s32 v1, v61;
	v26 =	vld.idx.msk [tilespmem:v26+s13+$0x0], $0xffff;
	[tilespmem:s20+$0x380] =	vst v58  }
0x172: {  	v30 =	vadd.s32 s18, v13;
	v34 =	vadd.s32 v1, v62;
	v31 =	vld.idx.msk [tilespmem:v31+s13+$0x0], $0xffff  }
0x173: {  	v63 =	vadd.s32 s10, v14;
	v30 =	vadd.s32 v2, v30;
	[tilespmem:s20+$0xFFFFFF80] =	vst v18;
	v28 =	vld.idx.msk [tilespmem:v28+s13+$0x0], $0xffff  }
0x174: {  	v18 =	vadd.s32 v1, v63;
	v23 =	vld.idx.msk [tilespmem:v23+s13+$0x0], $0xffff;
	[tilespmem:s20+$0x0] =	vst v17  }
0x175: {  	v17 =	vld.idx.msk [tilespmem:v21+s13+$0x0], $0xffff;
	[tilespmem:s20+$0x80] =	vst v22  }
0x176: {  	[tilespmem:s20+$0x100] =	vst v32;
	v20 =	vld.idx.msk [tilespmem:v20+s13+$0x0], $0xffff  }
0x177: {  	v22 =	vld.idx.msk [tilespmem:v34+s13+$0x0], $0xffff;
	[tilespmem:s20+$0x390] =	vst v31  }
0x178: {  	v21 =	vadd.s32 s18, v12;
	[tilespmem:s20+$0x180] =	vst v33;
	v30 =	vld.idx.msk [tilespmem:v30+s13+$0x0], $0xffff  }
0x179: {  	v21 =	vadd.s32 v3, v21;
	v18 =	vld.idx.msk [tilespmem:v18+s13+$0x0], $0xffff;
	[tilespmem:s20+$0x200] =	vst v35  }
0x17a: {  	[tilespmem:s20+$0x280] =	vst v19  }
0x17b: {  	[tilespmem:s20+$0xFFFFFC00] =	vst v16;
	v16 =	vadd.s32 s14, v14  }
0x17c: {  	[tilespmem:s20+$0x300] =	vst v15;
	v16 =	vadd.s32 v1, v16  }
0x17d: {  	[tilespmem:s20+$0x3A0] =	vst v30  }
0x17e: {  	v15 =	vadd.s32 s18, v11;
	[tilespmem:s20+$0xFFFFFC90] =	vst v24;
	v19 =	vld.idx.msk [tilespmem:v21+s13+$0x0], $0xffff  }
0x17f: {  	[tilespmem:s20+$0xFFFFFD10] =	vst v25;
	v25 =	vadd.s32 s26, v13;
	v15 =	vadd.s32 v4, v15  }
0x180: {  	[tilespmem:s20+$0xFFFFFF90] =	vst v23;
	v23 =	vadd.s32 v2, v25;
	v25 =	vadd.s32 s28, v13  }
0x181: {  	[tilespmem:s20+$0x10] =	vst v17;
	v17 =	vadd.s32 v2, v25;
	v16 =	vld.idx.msk [tilespmem:v16+s13+$0x0], $0xffff  }
0x182: {  	[tilespmem:s20+$0xFFFFFD90] =	vst v27;
	v21 =	vadd.s32 s17, v14  }
0x183: {  	[tilespmem:s20+$0x3B0] =	vst v19;
	v19 =	vadd.s32 v1, v21;
	v21 =	vadd.s32 s19, v14  }
0x184: {  	[tilespmem:s20+$0xFFFFFE10] =	vst v29;
	v14 =	vadd.s32 s23, v14;
	v21 =	vadd.s32 v1, v21;
	v15 =	vld.idx.msk [tilespmem:v15+s13+$0x0], $0xffff  }
0x185: {  	[tilespmem:s20+$0xFFFFFE90] =	vst v26;
	v24 =	vadd.s32 s18, v10;
	v14 =	vadd.s32 v1, v14  }
0x186: {  	v24 =	vadd.s32 v5, v24;
	[tilespmem:s20+$0x210] =	vst v16;
	v16 =	vld.idx.msk [tilespmem:v17+s13+$0x0], $0xffff;
	v17 =	vadd.s32 s30, v13  }
0x187: {  	v25 =	vadd.s32 s0, v13;
	[tilespmem:s20+$0x190] =	vst v18;
	v18 =	vld.idx.msk [tilespmem:v23+s13+$0x0], $0xffff;
	v17 =	vadd.s32 v2, v17  }
0x188: {  	[tilespmem:s20+$0x90] =	vst v20;
	v20 =	vadd.s32 v2, v25;
	v25 =	vadd.s32 s29, v13;
	v19 =	vld.idx.msk [tilespmem:v19+s13+$0x0], $0xffff  }
0x189: {  	v21 =	vld.idx.msk [tilespmem:v21+s13+$0x0], $0xffff;
	[tilespmem:s20+$0x3C0] =	vst v15;
	v15 =	vadd.s32 v2, v25;
	v25 =	vadd.s32 s31, v13  }
0x18a: {  	[tilespmem:s20+$0x110] =	vst v22;
	v14 =	vld.idx.msk [tilespmem:v14+s13+$0x0], $0xffff;
	v22 =	vadd.s32 v2, v25  }
0x18b: {  	[tilespmem:s20+$0xFFFFFF10] =	vst v28;
	v25 =	vadd.s32 s2, v13;
	v24 =	vld.idx.msk [tilespmem:v24+s13+$0x0], $0xffff  }
0x18c: {  	[tilespmem:s20+$0xFFFFFCA0] =	vst v18;
	v17 =	vld.idx.msk [tilespmem:v17+s13+$0x0], $0xffff;
	v23 =	vadd.s32 v2, v25;
	v25 =	vadd.s32 s18, v9  }
0x18d: {  	v25 =	vadd.s32 v6, v25;
	[tilespmem:s20+$0x290] =	vst v19;
	v19 =	vld.idx.msk [tilespmem:v20+s13+$0x0], $0xffff;
	v20 =	vadd.s32 s3, v13  }
0x18e: {  	[tilespmem:s20+$0x310] =	vst v21;
	v20 =	vadd.s32 v2, v20;
	v21 =	vadd.s32 s6, v13;
	v15 =	vld.idx.msk [tilespmem:v15+s13+$0x0], $0xffff  }
0x18f: {  	[tilespmem:s20+$0xFFFFFC10] =	vst v14;
	v14 =	vadd.s32 v2, v21;
	v21 =	vld.idx.msk [tilespmem:v22+s13+$0x0], $0xffff;
	v22 =	vadd.s32 s7, v13  }
0x190: {  	[tilespmem:s20+$0x3D0] =	vst v24;
	v24 =	vadd.s32 s10, v13;
	v22 =	vadd.s32 v2, v22  }
0x191: {  	[tilespmem:s20+$0xFFFFFD20] =	vst v16;
	v23 =	vld.idx.msk [tilespmem:v23+s13+$0x0], $0xffff;
	v18 =	vadd.s32 v2, v24;
	v24 =	vadd.s32 s14, v13  }
0x192: {  	v16 =	vadd.s32 s18, v8;
	[tilespmem:s20+$0xFFFFFFA0] =	vst v17;
	v25 =	vld.idx.msk [tilespmem:v25+s13+$0x0], $0xffff;
	v24 =	vadd.s32 v2, v24  }
0x193: {  	v16 =	vadd.s32 v7, v16;
	[tilespmem:s20+$0xFFFFFDA0] =	vst v19;
	v19 =	vld.idx.msk [tilespmem:v20+s13+$0x0], $0xffff;
	v20 =	vadd.s32 s17, v13  }
0x194: {  	[tilespmem:s20+$0xFFFFFE20] =	vst v15;
	v14 =	vld.idx.msk [tilespmem:v14+s13+$0x0], $0xffff;
	v15 =	vadd.s32 v2, v20;
	v20 =	vadd.s32 s19, v13  }
0x195: {  	[tilespmem:s20+$0xFFFFFEA0] =	vst v21;
	v13 =	vadd.s32 s23, v13;
	v20 =	vadd.s32 v2, v20;
	v21 =	vld.idx.msk [tilespmem:v22+s13+$0x0], $0xffff  }
0x196: {  	[tilespmem:s20+$0xFFFFFF20] =	vst v23;
	v13 =	vadd.s32 v2, v13;
	v22 =	vadd.s32 s26, v12;
	v18 =	vld.idx.msk [tilespmem:v18+s13+$0x0], $0xffff  }
0x197: {  	v23 =	vadd.s32 s28, v12;
	[tilespmem:s20+$0x3E0] =	vst v25;
	v22 =	vadd.s32 v3, v22;
	v24 =	vld.idx.msk [tilespmem:v24+s13+$0x0], $0xffff  }
0x198: {  	v17 =	vadd.s32 v3, v23;
	v23 =	vadd.s32 s0, v12;
	v16 =	vld.idx.msk [tilespmem:v16+s13+$0x0], $0xffff;
	[tilespmem:s20+$0x20] =	vst v19  }
0x199: {  	v19 =	vadd.s32 v3, v23;
	v23 =	vadd.s32 s29, v12;
	v15 =	vld.idx.msk [tilespmem:v15+s13+$0x0], $0xffff;
	[tilespmem:s20+$0xA0] =	vst v14  }
0x19a: {  	v14 =	vld.idx.msk [tilespmem:v20+s13+$0x0], $0xffff;
	v20 =	vadd.s32 v3, v23;
	v23 =	vadd.s32 s31, v12;
	[tilespmem:s20+$0x120] =	vst v21  }
0x19b: {  	v13 =	vld.idx.msk [tilespmem:v13+s13+$0x0], $0xffff;
	[tilespmem:s20+$0x1A0] =	vst v18;
	v21 =	vadd.s32 v3, v23;
	v23 =	vadd.s32 s2, v12  }
0x19c: {  	v18 =	vld.idx.msk [tilespmem:v22+s13+$0x0], $0xffff;
	[tilespmem:s20+$0x220] =	vst v24;
	v22 =	vadd.s32 v3, v23;
	v23 =	vadd.s32 s30, v12  }
0x19d: {  	v17 =	vld.idx.msk [tilespmem:v17+s13+$0x0], $0xffff;
	v24 =	vadd.s32 s3, v12;
	[tilespmem:s20+$0x3F0] =	vst v16;
	v23 =	vadd.s32 v3, v23  }
0x19e: {  	v16 =	vld.idx.msk [tilespmem:v19+s13+$0x0], $0xffff;
	v19 =	vadd.s32 v3, v24;
	v24 =	vadd.s32 s6, v12;
	[tilespmem:s20+$0x2A0] =	vst v15  }
0x19f: {  	v15 =	vld.idx.msk [tilespmem:v20+s13+$0x0], $0xffff;
	v20 =	vadd.s32 v3, v24;
	v24 =	vadd.s32 s7, v12;
	[tilespmem:s20+$0x320] =	vst v14  }
0x1a0: {  	[tilespmem:s20+$0xFFFFFC20] =	vst v13;
	v14 =	vld.idx.msk [tilespmem:v21+s13+$0x0], $0xffff;
	v21 =	vadd.s32 v3, v24;
	v24 =	vadd.s32 s10, v12  }
0x1a1: {  	[tilespmem:s20+$0xFFFFFCB0] =	vst v18;
	v13 =	vld.idx.msk [tilespmem:v22+s13+$0x0], $0xffff;
	v22 =	vadd.s32 v3, v24;
	v24 =	vadd.s32 s14, v12  }
0x1a2: {  	[tilespmem:s20+$0xFFFFFD30] =	vst v17;
	v18 =	vld.idx.msk [tilespmem:v23+s13+$0x0], $0xffff;
	v23 =	vadd.s32 v3, v24;
	v24 =	vadd.s32 s17, v12  }
0x1a3: {  	v17 =	vld.idx.msk [tilespmem:v19+s13+$0x0], $0xffff;
	[tilespmem:s20+$0xFFFFFDB0] =	vst v16;
	v19 =	vadd.s32 v3, v24;
	v24 =	vadd.s32 s19, v12  }
0x1a4: {  	v12 =	vadd.s32 s23, v12;
	v16 =	vld.idx.msk [tilespmem:v20+s13+$0x0], $0xffff;
	v20 =	vadd.s32 v3, v24;
	[tilespmem:s20+$0xFFFFFE30] =	vst v15  }
0x1a5: {  	v12 =	vadd.s32 v3, v12;
	v15 =	vld.idx.msk [tilespmem:v21+s13+$0x0], $0xffff;
	v21 =	vadd.s32 s26, v11;
	[tilespmem:s20+$0xFFFFFEB0] =	vst v14  }
0x1a6: {  	v14 =	vld.idx.msk [tilespmem:v22+s13+$0x0], $0xffff;
	v21 =	vadd.s32 v4, v21;
	v22 =	vadd.s32 s28, v11;
	[tilespmem:s20+$0xFFFFFF30] =	vst v13  }
0x1a7: {  	v13 =	vld.idx.msk [tilespmem:v23+s13+$0x0], $0xffff;
	v22 =	vadd.s32 v4, v22;
	v23 =	vadd.s32 s0, v11;
	[tilespmem:s20+$0xFFFFFFB0] =	vst v18  }
0x1a8: {  	[tilespmem:s20+$0x30] =	vst v17;
	v18 =	vadd.s32 v4, v23;
	v23 =	vadd.s32 s29, v11;
	v19 =	vld.idx.msk [tilespmem:v19+s13+$0x0], $0xffff  }
0x1a9: {  	v17 =	vadd.s32 v4, v23;
	v23 =	vadd.s32 s31, v11;
	v20 =	vld.idx.msk [tilespmem:v20+s13+$0x0], $0xffff;
	[tilespmem:s20+$0xB0] =	vst v16  }
0x1aa: {  	v12 =	vld.idx.msk [tilespmem:v12+s13+$0x0], $0xffff;
	v16 =	vadd.s32 v4, v23;
	v23 =	vadd.s32 s2, v11;
	[tilespmem:s20+$0x130] =	vst v15  }
0x1ab: {  	v15 =	vld.idx.msk [tilespmem:v21+s13+$0x0], $0xffff;
	v21 =	vadd.s32 v4, v23;
	v23 =	vadd.s32 s30, v11;
	[tilespmem:s20+$0x1B0] =	vst v14  }
0x1ac: {  	v14 =	vld.idx.msk [tilespmem:v22+s13+$0x0], $0xffff;
	v22 =	vadd.s32 v4, v23;
	v23 =	vadd.s32 s3, v11;
	[tilespmem:s20+$0x230] =	vst v13  }
0x1ad: {  	v13 =	vld.idx.msk [tilespmem:v18+s13+$0x0], $0xffff;
	v18 =	vadd.s32 v4, v23;
	v23 =	vadd.s32 s6, v11;
	[tilespmem:s20+$0x2B0] =	vst v19  }
0x1ae: {  	v17 =	vld.idx.msk [tilespmem:v17+s13+$0x0], $0xffff;
	v19 =	vadd.s32 v4, v23;
	v23 =	vadd.s32 s7, v11;
	[tilespmem:s20+$0x330] =	vst v20  }
0x1af: {  	[tilespmem:s20+$0xFFFFFC30] =	vst v12;
	v16 =	vld.idx.msk [tilespmem:v16+s13+$0x0], $0xffff;
	v20 =	vadd.s32 v4, v23;
	v23 =	vadd.s32 s10, v11  }
0x1b0: {  	v12 =	vld.idx.msk [tilespmem:v21+s13+$0x0], $0xffff;
	v21 =	vadd.s32 v4, v23;
	v23 =	vadd.s32 s14, v11;
	[tilespmem:s20+$0xFFFFFCC0] =	vst v15  }
0x1b1: {  	v15 =	vld.idx.msk [tilespmem:v22+s13+$0x0], $0xffff;
	v22 =	vadd.s32 v4, v23;
	v23 =	vadd.s32 s17, v11;
	[tilespmem:s20+$0xFFFFFD40] =	vst v14  }
0x1b2: {  	v14 =	vld.idx.msk [tilespmem:v18+s13+$0x0], $0xffff;
	v18 =	vadd.s32 v4, v23;
	v23 =	vadd.s32 s19, v11;
	[tilespmem:s20+$0xFFFFFDC0] =	vst v13  }
0x1b3: {  	v11 =	vadd.s32 s23, v11;
	v13 =	vld.idx.msk [tilespmem:v19+s13+$0x0], $0xffff;
	v19 =	vadd.s32 v4, v23;
	[tilespmem:s20+$0xFFFFFE40] =	vst v17  }
0x1b4: {  	v11 =	vadd.s32 v4, v11;
	v17 =	vadd.s32 s26, v10;
	v20 =	vld.idx.msk [tilespmem:v20+s13+$0x0], $0xffff;
	[tilespmem:s20+$0xFFFFFEC0] =	vst v16  }
0x1b5: {  	v16 =	vadd.s32 v5, v17;
	v17 =	vadd.s32 s28, v10;
	v21 =	vld.idx.msk [tilespmem:v21+s13+$0x0], $0xffff;
	[tilespmem:s20+$0xFFFFFF40] =	vst v12  }
0x1b6: {  	v12 =	vadd.s32 v5, v17;
	v17 =	vadd.s32 s0, v10;
	v22 =	vld.idx.msk [tilespmem:v22+s13+$0x0], $0xffff;
	[tilespmem:s20+$0xFFFFFFC0] =	vst v15  }
0x1b7: {  	v15 =	vadd.s32 v5, v17;
	v17 =	vadd.s32 s29, v10;
	v18 =	vld.idx.msk [tilespmem:v18+s13+$0x0], $0xffff;
	[tilespmem:s20+$0x40] =	vst v14  }
0x1b8: {  	v14 =	vadd.s32 v5, v17;
	v17 =	vadd.s32 s31, v10;
	v19 =	vld.idx.msk [tilespmem:v19+s13+$0x0], $0xffff;
	[tilespmem:s20+$0xC0] =	vst v13  }
0x1b9: {  	v11 =	vld.idx.msk [tilespmem:v11+s13+$0x0], $0xffff;
	v13 =	vadd.s32 v5, v17;
	v17 =	vadd.s32 s2, v10;
	[tilespmem:s20+$0x140] =	vst v20  }
0x1ba: {  	v16 =	vld.idx.msk [tilespmem:v16+s13+$0x0], $0xffff;
	v17 =	vadd.s32 v5, v17;
	v20 =	vadd.s32 s30, v10;
	[tilespmem:s20+$0x1C0] =	vst v21  }
0x1bb: {  	v12 =	vld.idx.msk [tilespmem:v12+s13+$0x0], $0xffff;
	v20 =	vadd.s32 v5, v20;
	v21 =	vadd.s32 s3, v10;
	[tilespmem:s20+$0x240] =	vst v22  }
0x1bc: {  	v15 =	vld.idx.msk [tilespmem:v15+s13+$0x0], $0xffff;
	v21 =	vadd.s32 v5, v21;
	v22 =	vadd.s32 s6, v10;
	[tilespmem:s20+$0x2C0] =	vst v18  }
0x1bd: {  	v14 =	vld.idx.msk [tilespmem:v14+s13+$0x0], $0xffff;
	v18 =	vadd.s32 v5, v22;
	v22 =	vadd.s32 s7, v10;
	[tilespmem:s20+$0x340] =	vst v19  }
0x1be: {  	v13 =	vld.idx.msk [tilespmem:v13+s13+$0x0], $0xffff;
	v19 =	vadd.s32 v5, v22;
	v22 =	vadd.s32 s10, v10;
	[tilespmem:s20+$0xFFFFFC40] =	vst v11  }
0x1bf: {  	v11 =	vld.idx.msk [tilespmem:v17+s13+$0x0], $0xffff;
	v17 =	vadd.s32 v5, v22;
	v22 =	vadd.s32 s14, v10;
	[tilespmem:s20+$0xFFFFFCD0] =	vst v16  }
0x1c0: {  	v16 =	vld.idx.msk [tilespmem:v20+s13+$0x0], $0xffff;
	v20 =	vadd.s32 v5, v22;
	v22 =	vadd.s32 s17, v10;
	[tilespmem:s20+$0xFFFFFD50] =	vst v12  }
0x1c1: {  	v12 =	vld.idx.msk [tilespmem:v21+s13+$0x0], $0xffff;
	v21 =	vadd.s32 v5, v22;
	v22 =	vadd.s32 s19, v10;
	[tilespmem:s20+$0xFFFFFDD0] =	vst v15  }
0x1c2: {  	v10 =	vadd.s32 s23, v10;
	v15 =	vld.idx.msk [tilespmem:v18+s13+$0x0], $0xffff;
	v18 =	vadd.s32 v5, v22;
	[tilespmem:s20+$0xFFFFFE50] =	vst v14  }
0x1c3: {  	v10 =	vadd.s32 v5, v10;
	v14 =	vadd.s32 s26, v9;
	v19 =	vld.idx.msk [tilespmem:v19+s13+$0x0], $0xffff;
	[tilespmem:s20+$0xFFFFFED0] =	vst v13  }
0x1c4: {  	v13 =	vadd.s32 v6, v14;
	v14 =	vadd.s32 s28, v9;
	v17 =	vld.idx.msk [tilespmem:v17+s13+$0x0], $0xffff;
	[tilespmem:s20+$0xFFFFFF50] =	vst v11  }
0x1c5: {  	v11 =	vadd.s32 v6, v14;
	v14 =	vadd.s32 s0, v9;
	v20 =	vld.idx.msk [tilespmem:v20+s13+$0x0], $0xffff;
	[tilespmem:s20+$0xFFFFFFD0] =	vst v16  }
0x1c6: {  	v14 =	vadd.s32 v6, v14;
	v16 =	vadd.s32 s29, v9;
	v21 =	vld.idx.msk [tilespmem:v21+s13+$0x0], $0xffff;
	[tilespmem:s20+$0x50] =	vst v12  }
0x1c7: {  	v12 =	vadd.s32 v6, v16;
	v16 =	vadd.s32 s31, v9;
	v18 =	vld.idx.msk [tilespmem:v18+s13+$0x0], $0xffff;
	[tilespmem:s20+$0xD0] =	vst v15  }
0x1c8: {  	v10 =	vld.idx.msk [tilespmem:v10+s13+$0x0], $0xffff;
	v15 =	vadd.s32 v6, v16;
	v16 =	vadd.s32 s2, v9;
	[tilespmem:s20+$0x150] =	vst v19  }
0x1c9: {  	v13 =	vld.idx.msk [tilespmem:v13+s13+$0x0], $0xffff;
	v16 =	vadd.s32 v6, v16;
	v19 =	vadd.s32 s30, v9;
	[tilespmem:s20+$0x1D0] =	vst v17  }
0x1ca: {  	v11 =	vld.idx.msk [tilespmem:v11+s13+$0x0], $0xffff;
	v17 =	vadd.s32 v6, v19;
	v19 =	vadd.s32 s3, v9;
	[tilespmem:s20+$0x250] =	vst v20  }
0x1cb: {  	v14 =	vld.idx.msk [tilespmem:v14+s13+$0x0], $0xffff;
	v19 =	vadd.s32 v6, v19;
	v20 =	vadd.s32 s6, v9;
	[tilespmem:s20+$0x2D0] =	vst v21  }
0x1cc: {  	v12 =	vld.idx.msk [tilespmem:v12+s13+$0x0], $0xffff;
	v20 =	vadd.s32 v6, v20;
	v21 =	vadd.s32 s7, v9;
	[tilespmem:s20+$0x350] =	vst v18  }
0x1cd: {  	v15 =	vld.idx.msk [tilespmem:v15+s13+$0x0], $0xffff;
	v18 =	vadd.s32 v6, v21;
	v21 =	vadd.s32 s10, v9;
	[tilespmem:s20+$0xFFFFFC50] =	vst v10  }
0x1ce: {  	v10 =	vld.idx.msk [tilespmem:v16+s13+$0x0], $0xffff;
	v16 =	vadd.s32 v6, v21;
	v21 =	vadd.s32 s14, v9;
	[tilespmem:s20+$0xFFFFFCE0] =	vst v13  }
0x1cf: {  	v13 =	vld.idx.msk [tilespmem:v17+s13+$0x0], $0xffff;
	v17 =	vadd.s32 v6, v21;
	v21 =	vadd.s32 s17, v9;
	[tilespmem:s20+$0xFFFFFD60] =	vst v11  }
0x1d0: {  	v11 =	vld.idx.msk [tilespmem:v19+s13+$0x0], $0xffff;
	v19 =	vadd.s32 v6, v21;
	v21 =	vadd.s32 s19, v9;
	[tilespmem:s20+$0xFFFFFDE0] =	vst v14  }
0x1d1: {  	v9 =	vadd.s32 s23, v9;
	v14 =	vld.idx.msk [tilespmem:v20+s13+$0x0], $0xffff;
	v20 =	vadd.s32 v6, v21;
	[tilespmem:s20+$0xFFFFFE60] =	vst v12  }
0x1d2: {  	v9 =	vadd.s32 v6, v9;
	v12 =	vadd.s32 s26, v8;
	v18 =	vld.idx.msk [tilespmem:v18+s13+$0x0], $0xffff;
	[tilespmem:s20+$0xFFFFFEE0] =	vst v15  }
0x1d3: {  	v12 =	vadd.s32 v7, v12;
	v15 =	vadd.s32 s28, v8;
	v16 =	vld.idx.msk [tilespmem:v16+s13+$0x0], $0xffff;
	[tilespmem:s20+$0xFFFFFF60] =	vst v10  }
0x1d4: {  	v10 =	vadd.s32 v7, v15;
	v15 =	vadd.s32 s0, v8;
	v17 =	vld.idx.msk [tilespmem:v17+s13+$0x0], $0xffff;
	[tilespmem:s20+$0xFFFFFFE0] =	vst v13  }
0x1d5: {  	v13 =	vadd.s32 v7, v15;
	v15 =	vadd.s32 s29, v8;
	v19 =	vld.idx.msk [tilespmem:v19+s13+$0x0], $0xffff;
	[tilespmem:s20+$0x60] =	vst v11  }
0x1d6: {  	v11 =	vadd.s32 v7, v15;
	v15 =	vadd.s32 s31, v8;
	v20 =	vld.idx.msk [tilespmem:v20+s13+$0x0], $0xffff;
	[tilespmem:s20+$0xE0] =	vst v14  }
0x1d7: {  	v9 =	vld.idx.msk [tilespmem:v9+s13+$0x0], $0xffff;
	v14 =	vadd.s32 v7, v15;
	v15 =	vadd.s32 s2, v8;
	[tilespmem:s20+$0x160] =	vst v18  }
0x1d8: {  	v12 =	vld.idx.msk [tilespmem:v12+s13+$0x0], $0xffff;
	v15 =	vadd.s32 v7, v15;
	v18 =	vadd.s32 s30, v8;
	[tilespmem:s20+$0x1E0] =	vst v16  }
0x1d9: {  	v10 =	vld.idx.msk [tilespmem:v10+s13+$0x0], $0xffff;
	v16 =	vadd.s32 v7, v18;
	v18 =	vadd.s32 s3, v8;
	[tilespmem:s20+$0x260] =	vst v17  }
0x1da: {  	v13 =	vld.idx.msk [tilespmem:v13+s13+$0x0], $0xffff;
	v17 =	vadd.s32 v7, v18;
	v18 =	vadd.s32 s6, v8;
	[tilespmem:s20+$0x2E0] =	vst v19  }
0x1db: {  	v11 =	vld.idx.msk [tilespmem:v11+s13+$0x0], $0xffff;
	v18 =	vadd.s32 v7, v18;
	v19 =	vadd.s32 s7, v8;
	[tilespmem:s20+$0x360] =	vst v20  }
0x1dc: {  	v14 =	vld.idx.msk [tilespmem:v14+s13+$0x0], $0xffff;
	v19 =	vadd.s32 v7, v19;
	v20 =	vadd.s32 s10, v8;
	[tilespmem:s20+$0xFFFFFC60] =	vst v9  }
0x1dd: {  	v9 =	vld.idx.msk [tilespmem:v15+s13+$0x0], $0xffff;
	v15 =	vadd.s32 v7, v20;
	v20 =	vadd.s32 s14, v8;
	[tilespmem:s20+$0xFFFFFCF0] =	vst v12  }
0x1de: {  	v12 =	vld.idx.msk [tilespmem:v16+s13+$0x0], $0xffff;
	v16 =	vadd.s32 v7, v20;
	v20 =	vadd.s32 s17, v8;
	[tilespmem:s20+$0xFFFFFD70] =	vst v10  }
0x1df: {  	v10 =	vld.idx.msk [tilespmem:v17+s13+$0x0], $0xffff;
	v17 =	vadd.s32 v7, v20;
	v20 =	vadd.s32 s19, v8;
	[tilespmem:s20+$0xFFFFFDF0] =	vst v13  }
0x1e0: {  	v8 =	vadd.s32 s23, v8;
	v13 =	vld.idx.msk [tilespmem:v18+s13+$0x0], $0xffff;
	v18 =	vadd.s32 v7, v20;
	[tilespmem:s20+$0xFFFFFE70] =	vst v11  }
0x1e1: {  	v8 =	vadd.s32 v7, v8;
	v11 =	vld.idx.msk [tilespmem:v19+s13+$0x0], $0xffff;
	[tilespmem:s20+$0xFFFFFEF0] =	vst v14  }
0x1e2: {  	v14 =	vld.idx.msk [tilespmem:v15+s13+$0x0], $0xffff;
	[tilespmem:s20+$0xFFFFFF70] =	vst v9  }
0x1e3: {  	v9 =	vld.idx.msk [tilespmem:v16+s13+$0x0], $0xffff;
	[tilespmem:s20+$0xFFFFFFF0] =	vst v12  }
0x1e4: {  	v12 =	vld.idx.msk [tilespmem:v17+s13+$0x0], $0xffff;
	[tilespmem:s20+$0x70] =	vst v10  }
0x1e5: {  	v10 =	vld.idx.msk [tilespmem:v18+s13+$0x0], $0xffff;
	[tilespmem:s20+$0xF0] =	vst v13  }
0x1e6: {  	v8 =	vld.idx.msk [tilespmem:v8+s13+$0x0], $0xffff;
	[tilespmem:s20+$0x170] =	vst v11  }
0x1e7: {  	[tilespmem:s20+$0x1F0] =	vst v14  }
0x1e8: {  	s18 =	sshll.u32 s21, $0x13;
	[tilespmem:s20+$0x270] =	vst v9  }
0x1e9: {  	s0 =	sor.u32 s4, s18;
	[tilespmem:s20+$0x2F0] =	vst v12  }
0x1ea: {  	s0 =	sshrl.u32 s0, $0x3;
	[tilespmem:s20+$0x370] =	vst v10  }
0x1eb: {  	s0 =	sadd.s32 s1, s0;
	s19 =	simm.s32 $0xE600;
	[tilespmem:s20+$0xFFFFFC70] =	vst v8;
	s20 =	smin.u32 s25, $0xC5  }
0x1ec: {  	[hbm4b:s0+s8] =	stream.strided.scatter [tilespmem:s19], [sflag:$0x2], $0x2000, s9, s8, $0x38;
	[tilespmem:$0x12600] =	vst v63  }
0x1ed: {  	s0 =	sshll.u32 s20, $0x7  }
0x1ee: {  	v8 =	vld [tilespmem:s0+$0x100];
	_ =	sdelay $0x4  }
0x1ef: {  	v9 =	vshrl.u32 v8, $0x1;
	v8 =	vshll.u32 v8, $0x6  }
0x1f0: {  	[tilespmem:$0x6400] =	vst v9;
	v8 =	vand.u32 $0x40, v8  }
0x1f1: {  	[tilespmem:$0x6500] =	vst v8  }
0x1f2: {  	v8 =	vld [tilespmem:s0+$0x110];
	_ =	sdelay $0x4  }
0x1f3: {  	v9 =	vshrl.u32 v8, $0x1;
	v8 =	vshll.u32 v8, $0x6  }
0x1f4: {  	[tilespmem:$0x6410] =	vst v9;
	v8 =	vand.u32 $0x40, v8  }
0x1f5: {  	[tilespmem:$0x6510] =	vst v8  }
0x1f6: {  	v8 =	vld [tilespmem:s0+$0x120];
	_ =	sdelay $0x4  }
0x1f7: {  	v9 =	vshrl.u32 v8, $0x1;
	v8 =	vshll.u32 v8, $0x6  }
0x1f8: {  	[tilespmem:$0x6420] =	vst v9;
	v8 =	vand.u32 $0x40, v8  }
0x1f9: {  	[tilespmem:$0x6520] =	vst v8  }
0x1fa: {  	v8 =	vld [tilespmem:s0+$0x130];
	_ =	sdelay $0x4  }
0x1fb: {  	v9 =	vshrl.u32 v8, $0x1;
	v8 =	vshll.u32 v8, $0x6  }
0x1fc: {  	[tilespmem:$0x6430] =	vst v9;
	v8 =	vand.u32 $0x40, v8  }
0x1fd: {  	[tilespmem:$0x6530] =	vst v8  }
0x1fe: {  	v8 =	vld [tilespmem:s0+$0x140];
	_ =	sdelay $0x4  }
0x1ff: {  	v9 =	vshrl.u32 v8, $0x1;
	v8 =	vshll.u32 v8, $0x6  }
0x200: {  	[tilespmem:$0x6440] =	vst v9;
	v8 =	vand.u32 $0x40, v8  }
0x201: {  	[tilespmem:$0x6540] =	vst v8  }
0x202: {  	v8 =	vld [tilespmem:s0+$0x150];
	_ =	sdelay $0x4  }
0x203: {  	v9 =	vshrl.u32 v8, $0x1;
	v8 =	vshll.u32 v8, $0x6  }
0x204: {  	[tilespmem:$0x6450] =	vst v9;
	v8 =	vand.u32 $0x40, v8  }
0x205: {  	[tilespmem:$0x6550] =	vst v8  }
0x206: {  	v8 =	vld [tilespmem:s0+$0x160];
	_ =	sdelay $0x4  }
0x207: {  	v9 =	vshrl.u32 v8, $0x1;
	v8 =	vshll.u32 v8, $0x6  }
0x208: {  	[tilespmem:$0x6460] =	vst v9;
	v8 =	vand.u32 $0x40, v8  }
0x209: {  	[tilespmem:$0x6560] =	vst v8  }
0x20a: {  	v8 =	vld [tilespmem:s0+$0x170];
	_ =	sdelay $0x4  }
0x20b: {  	v9 =	vshrl.u32 v8, $0x1;
	v8 =	vshll.u32 v8, $0x6  }
0x20c: {  	[tilespmem:$0x6470] =	vst v9;
	v8 =	vand.u32 $0x40, v8  }
0x20d: {  	[tilespmem:$0x6570] =	vst v8  }
0x20e: {  	[tilespmem:s13], [sflag:$0x1] =	stream.indirect.gather [hbm4b:s5+s11], $0x80, s12, s11, $0xb8;
	[tilespmem:$0x12600] =	vst v63  }
0x20f: {  	_ =	swait.ge [sflag:s16], $0x4000  }
0x210: {  	[sflag:s16] =	ssyncset.done $0x0  }
0x211: {  	s0 =	simm.s32 @!p0 $0x2;
	[sflag:s16] =	ssyncadd.s32 $0xFFFFC000  }
0x212: {  	_ =	swait.ge @!p0 [sflag:s0], $0x2000  }
0x213: {  	[sflag:s0] =	ssyncset.done @!p0 $0x0  }
0x214: {  	[sflag:s0] =	ssyncadd.s32 @!p0 $0xFFFFE000  }
0x215: {  	v15 =	vld [tilespmem:$0x6580];
	_ =	sdelay $0x3  }
0x216: {  	s17 =	simm.s32 $0x4;
	s0 =	simm.s32 $0x0;
	v14 =	vld [tilespmem:$0x6590]  }
0x217: {  	s2 =	simm.s32 $0x6;
	s19 =	simm.s32 $0x5;
	v13 =	vld [tilespmem:$0x65A0];
	v8 =	vadd.s32 s0, v15;
	v20 =	vadd.s32 s17, v15  }
0x218: {  	s7 =	simm.s32 $0x1;
	s23 =	simm.s32 $0xF;
	v12 =	vld [tilespmem:$0x65B0];
	v21 =	vadd.s32 s19, v15;
	v22 =	vadd.s32 s2, v15;
	v16 =	vadd.s32 v0, v8  }
0x219: {  	s10 =	simm.s32 $0x2;
	v11 =	vld [tilespmem:$0x65C0];
	v25 =	vadd.s32 s23, v15;
	v8 =	vadd.s32 s7, v15;
	v20 =	vadd.s32 v0, v20  }
0x21a: {  	s14 =	simm.s32 $0x3;
	v10 =	vld [tilespmem:$0x65D0];
	v21 =	vadd.s32 v0, v21;
	v17 =	vadd.s32 v0, v8;
	v8 =	vadd.s32 s10, v15  }
0x21b: {  	s3 =	simm.s32 $0x7;
	v9 =	vld [tilespmem:$0x65E0];
	v22 =	vadd.s32 v0, v22;
	v18 =	vadd.s32 v0, v8;
	v8 =	vadd.s32 s14, v15  }
0x21c: {  	s6 =	simm.s32 $0x8;
	v23 =	vadd.s32 s3, v15;
	v25 =	vadd.s32 v0, v25;
	v19 =	vadd.s32 v0, v8;
	v8 =	vld [tilespmem:$0x65F0]  }
0x21d: {  	s20 =	simm.s32 $0x9;
	v24 =	vadd.s32 s6, v15;
	v23 =	vadd.s32 v0, v23;
	v16 =	vld.idx.msk [tilespmem:v16+s15+$0x0], $0xffff  }
0x21e: {  	s25 =	simm.s32 $0xA;
	v26 =	vadd.s32 s20, v15;
	v24 =	vadd.s32 v0, v24;
	v20 =	vld.idx.msk [tilespmem:v20+s15+$0x0], $0xffff  }
0x21f: {  	s26 =	simm.s32 $0xB;
	v27 =	vadd.s32 s25, v15;
	v26 =	vadd.s32 v0, v26;
	v21 =	vld.idx.msk [tilespmem:v21+s15+$0x0], $0xffff  }
0x220: {  	s28 =	simm.s32 $0xC;
	v28 =	vadd.s32 s26, v15;
	v27 =	vadd.s32 v0, v27;
	v22 =	vld.idx.msk [tilespmem:v22+s15+$0x0], $0xffff  }
0x221: {  	s29 =	simm.s32 $0xD;
	v29 =	vadd.s32 s28, v15;
	v28 =	vadd.s32 v0, v28;
	v25 =	vld.idx.msk [tilespmem:v25+s15+$0x0], $0xffff  }
0x222: {  	v30 =	vadd.s32 s29, v15;
	v29 =	vadd.s32 v0, v29;
	v23 =	vld.idx.msk [tilespmem:v23+s15+$0x0], $0xffff  }
0x223: {  	v30 =	vadd.s32 v0, v30;
	v24 =	vld.idx.msk [tilespmem:v24+s15+$0x0], $0xffff  }
0x224: {  	v26 =	vld.idx.msk [tilespmem:v26+s15+$0x0], $0xffff  }
0x225: {  	s24 =	simm.s32 $0x10A00;
	s30 =	simm.s32 $0xE;
	v27 =	vld.idx.msk [tilespmem:v27+s15+$0x0], $0xffff  }
0x226: {  	v31 =	vadd.s32 s30, v15;
	v28 =	vld.idx.msk [tilespmem:v28+s15+$0x0], $0xffff;
	[tilespmem:s24+$0x380] =	vst v25  }
0x227: {  	v36 =	vadd.s32 s23, v14;
	v31 =	vadd.s32 v0, v31;
	v29 =	vld.idx.msk [tilespmem:v29+s15+$0x0], $0xffff;
	[tilespmem:s24+$0xFFFFFE00] =	vst v20  }
0x228: {  	v40 =	vadd.s32 s17, v14;
	v32 =	vadd.s32 v1, v36;
	v30 =	vld.idx.msk [tilespmem:v30+s15+$0x0], $0xffff;
	[tilespmem:s24+$0xFFFFFE80] =	vst v21  }
0x229: {  	v37 =	vadd.s32 s7, v14;
	v36 =	vadd.s32 v1, v40;
	v17 =	vld.idx.msk [tilespmem:v17+s15+$0x0], $0xffff;
	[tilespmem:s24+$0xFFFFFF00] =	vst v22  }
0x22a: {  	v38 =	vadd.s32 s10, v14;
	v33 =	vadd.s32 v1, v37;
	v18 =	vld.idx.msk [tilespmem:v18+s15+$0x0], $0xffff;
	[tilespmem:s24+$0xFFFFFF80] =	vst v23  }
0x22b: {  	v39 =	vadd.s32 s14, v14;
	v34 =	vadd.s32 v1, v38;
	v19 =	vld.idx.msk [tilespmem:v19+s15+$0x0], $0xffff;
	[tilespmem:s24+$0x0] =	vst v24  }
0x22c: {  	v42 =	vadd.s32 s26, v14;
	v35 =	vadd.s32 v1, v39;
	v31 =	vld.idx.msk [tilespmem:v31+s15+$0x0], $0xffff;
	[tilespmem:s24+$0x80] =	vst v26  }
0x22d: {  	v43 =	vadd.s32 s28, v14;
	v23 =	vadd.s32 v1, v42;
	[tilespmem:s24+$0x180] =	vst v28;
	v32 =	vld.idx.msk [tilespmem:v32+s15+$0x0], $0xffff  }
0x22e: {  	v45 =	vadd.s32 s0, v14;
	v24 =	vadd.s32 v1, v43;
	[tilespmem:s24+$0xFFFFFC80] =	vst v17;
	v36 =	vld.idx.msk [tilespmem:v36+s15+$0x0], $0xffff  }
0x22f: {  	v41 =	vadd.s32 s19, v14;
	v28 =	vadd.s32 v1, v45;
	v33 =	vld.idx.msk [tilespmem:v33+s15+$0x0], $0xffff;
	[tilespmem:s24+$0xFFFFFD00] =	vst v18  }
0x230: {  	v20 =	vadd.s32 s6, v14;
	v17 =	vadd.s32 v1, v41;
	v34 =	vld.idx.msk [tilespmem:v34+s15+$0x0], $0xffff;
	[tilespmem:s24+$0xFFFFFD80] =	vst v19  }
0x231: {  	v21 =	vadd.s32 s20, v14;
	[tilespmem:s24+$0x100] =	vst v27;
	v20 =	vadd.s32 v1, v20;
	v35 =	vld.idx.msk [tilespmem:v35+s15+$0x0], $0xffff  }
0x232: {  	v22 =	vadd.s32 s25, v14;
	[tilespmem:s24+$0x200] =	vst v29;
	v21 =	vadd.s32 v1, v21;
	v23 =	vld.idx.msk [tilespmem:v23+s15+$0x0], $0xffff  }
0x233: {  	v26 =	vadd.s32 s29, v14;
	[tilespmem:s24+$0xFFFFFC00] =	vst v16;
	v22 =	vadd.s32 v1, v22;
	v24 =	vld.idx.msk [tilespmem:v24+s15+$0x0], $0xffff  }
0x234: {  	v27 =	vadd.s32 s30, v14;
	[tilespmem:s24+$0x280] =	vst v30;
	v26 =	vadd.s32 v1, v26;
	v28 =	vld.idx.msk [tilespmem:v28+s15+$0x0], $0xffff  }
0x235: {  	v25 =	vadd.s32 s2, v14;
	[tilespmem:s24+$0x300] =	vst v31;
	v27 =	vadd.s32 v1, v27;
	v17 =	vld.idx.msk [tilespmem:v17+s15+$0x0], $0xffff  }
0x236: {  	v18 =	vadd.s32 v1, v25;
	v25 =	vadd.s32 s23, v13;
	[tilespmem:s24+$0x390] =	vst v32;
	v20 =	vld.idx.msk [tilespmem:v20+s15+$0x0], $0xffff  }
0x237: {  	v16 =	vadd.s32 s17, v13;
	v25 =	vadd.s32 v2, v25;
	v21 =	vld.idx.msk [tilespmem:v21+s15+$0x0], $0xffff;
	[tilespmem:s24+$0xFFFFFE10] =	vst v36  }
0x238: {  	v16 =	vadd.s32 v2, v16;
	v19 =	vadd.s32 s3, v14;
	v22 =	vld.idx.msk [tilespmem:v22+s15+$0x0], $0xffff;
	[tilespmem:s24+$0xFFFFFC90] =	vst v33  }
0x239: {  	v46 =	vadd.s32 s7, v13;
	v19 =	vadd.s32 v1, v19;
	v26 =	vld.idx.msk [tilespmem:v26+s15+$0x0], $0xffff;
	[tilespmem:s24+$0xFFFFFD10] =	vst v34  }
0x23a: {  	v50 =	vadd.s32 s19, v13;
	v29 =	vadd.s32 v2, v46;
	v27 =	vld.idx.msk [tilespmem:v27+s15+$0x0], $0xffff;
	[tilespmem:s24+$0xFFFFFD90] =	vst v35  }
0x23b: {  	v51 =	vadd.s32 s2, v13;
	v18 =	vld.idx.msk [tilespmem:v18+s15+$0x0], $0xffff;
	v33 =	vadd.s32 v2, v50;
	[tilespmem:s24+$0x210] =	vst v24  }
0x23c: {  	v44 =	vadd.s32 s23, v12;
	v25 =	vld.idx.msk [tilespmem:v25+s15+$0x0], $0xffff;
	v34 =	vadd.s32 v2, v51;
	[tilespmem:s24+$0xFFFFFC10] =	vst v28  }
0x23d: {  	v48 =	vadd.s32 s14, v13;
	v32 =	vadd.s32 v3, v44;
	v16 =	vld.idx.msk [tilespmem:v16+s15+$0x0], $0xffff;
	[tilespmem:s24+$0xFFFFFE90] =	vst v17  }
0x23e: {  	v52 =	vadd.s32 s3, v13;
	v49 =	vadd.s32 v2, v48;
	v19 =	vld.idx.msk [tilespmem:v19+s15+$0x0], $0xffff;
	[tilespmem:s24+$0x10] =	vst v20  }
0x23f: {  	v57 =	vadd.s32 s7, v12;
	v29 =	vld.idx.msk [tilespmem:v29+s15+$0x0], $0xffff;
	v35 =	vadd.s32 v2, v52;
	[tilespmem:s24+$0x90] =	vst v21  }
0x240: {  	v54 =	vadd.s32 s20, v13;
	v24 =	vadd.s32 v3, v57;
	v33 =	vld.idx.msk [tilespmem:v33+s15+$0x0], $0xffff;
	[tilespmem:s24+$0xFFFFFF10] =	vst v18  }
0x241: {  	v56 =	vadd.s32 s30, v13;
	v17 =	vadd.s32 v2, v54;
	[tilespmem:s24+$0x3A0] =	vst v25;
	v34 =	vld.idx.msk [tilespmem:v34+s15+$0x0], $0xffff  }
0x242: {  	v28 =	vadd.s32 s17, v12;
	[tilespmem:s24+$0x110] =	vst v22;
	v22 =	vadd.s32 v2, v56;
	v30 =	vld.idx.msk [tilespmem:v32+s15+$0x0], $0xffff  }
0x243: {  	v20 =	vadd.s32 s28, v13;
	v28 =	vadd.s32 v3, v28;
	v32 =	vld.idx.msk [tilespmem:v49+s15+$0x0], $0xffff;
	[tilespmem:s24+$0xFFFFFF90] =	vst v19  }
0x244: {  	v21 =	vadd.s32 s29, v13;
	v20 =	vadd.s32 v2, v20;
	[tilespmem:s24+$0xFFFFFCA0] =	vst v29;
	v35 =	vld.idx.msk [tilespmem:v35+s15+$0x0], $0xffff  }
0x245: {  	v47 =	vadd.s32 s10, v13;
	v21 =	vadd.s32 v2, v21;
	v24 =	vld.idx.msk [tilespmem:v24+s15+$0x0], $0xffff  }
0x246: {  	[tilespmem:s24+$0x310] =	vst v27;
	v18 =	vadd.s32 s25, v13;
	v25 =	vadd.s32 v2, v47;
	v17 =	vld.idx.msk [tilespmem:v17+s15+$0x0], $0xffff  }
0x247: {  	v60 =	vadd.s32 s19, v12;
	[tilespmem:s24+$0xFFFFFE20] =	vst v16;
	v18 =	vadd.s32 v2, v18;
	v22 =	vld.idx.msk [tilespmem:v22+s15+$0x0], $0xffff  }
0x248: {  	v31 =	vadd.s32 s23, v11;
	v29 =	vadd.s32 v3, v60;
	v28 =	vld.idx.msk [tilespmem:v28+s15+$0x0], $0xffff  }
0x249: {  	v31 =	vadd.s32 v4, v31;
	[tilespmem:s24+$0x290] =	vst v26;
	v19 =	vadd.s32 s26, v13;
	v20 =	vld.idx.msk [tilespmem:v20+s15+$0x0], $0xffff  }
0x24a: {  	v59 =	vadd.s32 s14, v12;
	[tilespmem:s24+$0x190] =	vst v23;
	v19 =	vadd.s32 v2, v19;
	v21 =	vld.idx.msk [tilespmem:v21+s15+$0x0], $0xffff  }
0x24b: {  	v63 =	vadd.s32 s3, v12;
	v27 =	vadd.s32 v3, v59;
	[tilespmem:s24+$0xFFFFFEA0] =	vst v33;
	v25 =	vld.idx.msk [tilespmem:v25+s15+$0x0], $0xffff  }
0x24c: {  	v38 =	vadd.s32 s20, v12;
	v16 =	vadd.s32 v3, v63;
	v18 =	vld.idx.msk [tilespmem:v18+s15+$0x0], $0xffff;
	[tilespmem:s24+$0xFFFFFF20] =	vst v34  }
0x24d: {  	v53 =	vadd.s32 s6, v13;
	v33 =	vadd.s32 v3, v38;
	v29 =	vld.idx.msk [tilespmem:v29+s15+$0x0], $0xffff;
	[tilespmem:s24+$0x3B0] =	vst v30  }
0x24e: {  	v58 =	vadd.s32 s10, v12;
	v30 =	vadd.s32 v2, v53;
	[tilespmem:s24+$0xFFFFFDA0] =	vst v32;
	v31 =	vld.idx.msk [tilespmem:v31+s15+$0x0], $0xffff  }
0x24f: {  	v39 =	vadd.s32 s25, v12;
	v26 =	vadd.s32 v3, v58;
	v19 =	vld.idx.msk [tilespmem:v19+s15+$0x0], $0xffff;
	[tilespmem:s24+$0xFFFFFFA0] =	vst v35  }
0x250: {  	v55 =	vadd.s32 s23, v10;
	v34 =	vadd.s32 v3, v39;
	v27 =	vld.idx.msk [tilespmem:v27+s15+$0x0], $0xffff;
	[tilespmem:s24+$0xA0] =	vst v17  }
0x251: {  	v41 =	vadd.s32 s28, v12;
	v36 =	vadd.s32 v5, v55;
	v38 =	vld.idx.msk [tilespmem:v16+s15+$0x0], $0xffff;
	[tilespmem:s24+$0x320] =	vst v22  }
0x252: {  	v48 =	vadd.s32 s17, v11;
	v16 =	vadd.s32 v3, v41;
	v33 =	vld.idx.msk [tilespmem:v33+s15+$0x0], $0xffff;
	[tilespmem:s24+$0x220] =	vst v20  }
0x253: {  	v17 =	vadd.s32 s29, v12;
	v22 =	vadd.s32 v4, v48;
	[tilespmem:s24+$0xFFFFFD20] =	vst v25;
	v30 =	vld.idx.msk [tilespmem:v30+s15+$0x0], $0xffff  }
0x254: {  	v44 =	vadd.s32 s7, v11;
	v17 =	vadd.s32 v3, v17;
	[tilespmem:s24+$0x120] =	vst v18;
	v26 =	vld.idx.msk [tilespmem:v26+s15+$0x0], $0xffff  }
0x255: {  	v47 =	vadd.s32 s14, v11;
	v20 =	vadd.s32 v4, v44;
	v34 =	vld.idx.msk [tilespmem:v34+s15+$0x0], $0xffff;
	[tilespmem:s24+$0x3C0] =	vst v31  }
0x256: {  	v61 =	vadd.s32 s2, v12;
	[tilespmem:s24+$0x2A0] =	vst v21;
	v21 =	vadd.s32 v4, v47;
	v36 =	vld.idx.msk [tilespmem:v36+s15+$0x0], $0xffff  }
0x257: {  	[tilespmem:s24+$0xFFFFFE30] =	vst v28;
	v25 =	vadd.s32 v3, v61;
	v18 =	vadd.s32 s30, v12;
	v46 =	vld.idx.msk [tilespmem:v16+s15+$0x0], $0xffff  }
0x258: {  	v37 =	vadd.s32 s6, v12;
	[tilespmem:s24+$0xFFFFFCB0] =	vst v24;
	v18 =	vadd.s32 v3, v18;
	v22 =	vld.idx.msk [tilespmem:v22+s15+$0x0], $0xffff  }
0x259: {  	v32 =	vadd.s32 v3, v37;
	v31 =	vadd.s32 s0, v13;
	[tilespmem:s24+$0x1A0] =	vst v19;
	v17 =	vld.idx.msk [tilespmem:v17+s15+$0x0], $0xffff  }
0x25a: {  	v23 =	vadd.s32 s23, v9;
	[tilespmem:s24+$0xFFFFFDB0] =	vst v27;
	v31 =	vadd.s32 v2, v31;
	v20 =	vld.idx.msk [tilespmem:v20+s15+$0x0], $0xffff  }
0x25b: {  	v62 =	vadd.s32 s23, v8;
	v51 =	vadd.s32 s29, v11;
	s23 =	simm.s32 $0x10;
	v23 =	vadd.s32 v6, v23;
	v21 =	vld.idx.msk [tilespmem:v21+s15+$0x0], $0xffff;
	[tilespmem:s24+$0xB0] =	vst v33  }
0x25c: {  	v52 =	vadd.s32 v4, v51;
	v42 =	vadd.s32 s23, v15;
	v25 =	vld.idx.msk [tilespmem:v25+s15+$0x0], $0xffff;
	[tilespmem:s24+$0x20] =	vst v30  }
0x25d: {  	v49 =	vadd.s32 s28, v11;
	v30 =	vadd.s32 v0, v42;
	v18 =	vld.idx.msk [tilespmem:v18+s15+$0x0], $0xffff;
	[tilespmem:s24+$0x130] =	vst v34  }
0x25e: {  	v50 =	vadd.s32 v4, v49;
	v53 =	vadd.s32 s30, v11;
	v32 =	vld.idx.msk [tilespmem:v32+s15+$0x0], $0xffff;
	[tilespmem:s24+$0x3D0] =	vst v36  }
0x25f: {  	v43 =	vadd.s32 s0, v12;
	v55 =	vadd.s32 v4, v53;
	v31 =	vld.idx.msk [tilespmem:v31+s15+$0x0], $0xffff;
	[tilespmem:s24+$0x230] =	vst v46  }
0x260: {  	v59 =	vadd.s32 s14, v10;
	v19 =	vadd.s32 v3, v43;
	v23 =	vld.idx.msk [tilespmem:v23+s15+$0x0], $0xffff;
	[tilespmem:s24+$0x2B0] =	vst v17  }
0x261: {  	v17 =	vadd.s32 v5, v59;
	[tilespmem:s24+$0xFFFFFDC0] =	vst v21;
	v33 =	vld.idx.msk [tilespmem:v52+s15+$0x0], $0xffff  }
0x262: {  	v45 =	vadd.s32 s10, v11;
	v36 =	vadd.s32 v7, v62;
	v16 =	vld.idx.msk [tilespmem:v30+s15+$0x0], $0xffff;
	[tilespmem:s24+$0x330] =	vst v18  }
0x263: {  	v60 =	vadd.s32 s17, v10;
	v30 =	vadd.s32 v4, v45;
	[tilespmem:s24+$0x30] =	vst v32;
	v32 =	vld.idx.msk [tilespmem:v50+s15+$0x0], $0xffff  }
0x264: {  	v40 =	vadd.s32 s26, v12;
	v18 =	vadd.s32 v5, v60;
	v34 =	vld.idx.msk [tilespmem:v55+s15+$0x0], $0xffff;
	[tilespmem:s24+$0xFFFFFC20] =	vst v31  }
0x265: {  	v31 =	vadd.s32 s19, v11;
	[tilespmem:s24+$0x3E0] =	vst v23;
	v23 =	vadd.s32 v3, v40;
	v19 =	vld.idx.msk [tilespmem:v19+s15+$0x0], $0xffff  }
0x266: {  	[tilespmem:s24+$0xFFFFFEB0] =	vst v29;
	v24 =	vadd.s32 v4, v31;
	v31 =	vadd.s32 s2, v11;
	v17 =	vld.idx.msk [tilespmem:v17+s15+$0x0], $0xffff  }
0x267: {  	v54 =	vadd.s32 s0, v11;
	[tilespmem:s24+$0xFFFFFD30] =	vst v26;
	v36 =	vld.idx.msk [tilespmem:v36+s15+$0x0], $0xffff;
	v26 =	vadd.s32 v4, v31  }
0x268: {  	v56 =	vadd.s32 v4, v54;
	v41 =	vadd.s32 s14, v9;
	[tilespmem:s24+$0xFFFFFE40] =	vst v22;
	v30 =	vld.idx.msk [tilespmem:v30+s15+$0x0], $0xffff  }
0x269: {  	[tilespmem:s24+$0xFFFFFFB0] =	vst v38;
	v42 =	vadd.s32 v6, v41;
	v31 =	vadd.s32 s3, v11;
	v18 =	vld.idx.msk [tilespmem:v18+s15+$0x0], $0xffff  }
0x26a: {  	[tilespmem:s24+$0xFFFFFCC0] =	vst v20;
	v27 =	vadd.s32 v4, v31;
	v31 =	vadd.s32 s6, v11;
	v23 =	vld.idx.msk [tilespmem:v23+s15+$0x0], $0xffff  }
0x26b: {  	v43 =	vadd.s32 s17, v9;
	[tilespmem:s24+$0xFFFFFF30] =	vst v25;
	v28 =	vadd.s32 v4, v31;
	v24 =	vld.idx.msk [tilespmem:v24+s15+$0x0], $0xffff  }
0x26c: {  	v44 =	vadd.s32 v6, v43;
	v31 =	vadd.s32 s20, v11;
	[tilespmem:s24+$0xFFFFFC30] =	vst v19;
	v26 =	vld.idx.msk [tilespmem:v26+s15+$0x0], $0xffff  }
0x26d: {  	v29 =	vadd.s32 v4, v31;
	v31 =	vadd.s32 s25, v11;
	[tilespmem:s24+$0xFFFFFDD0] =	vst v17;
	v35 =	vld.idx.msk [tilespmem:v56+s15+$0x0], $0xffff  }
0x26e: {  	[tilespmem:s24+$0x2C0] =	vst v33;
	v25 =	vadd.s32 v4, v31;
	v31 =	vadd.s32 s26, v11;
	v33 =	vld.idx.msk [tilespmem:v42+s15+$0x0], $0xffff  }
0x26f: {  	v58 =	vadd.s32 s10, v10;
	[tilespmem:s24+$0x3F0] =	vst v36;
	v31 =	vadd.s32 v4, v31;
	v27 =	vld.idx.msk [tilespmem:v27+s15+$0x0], $0xffff  }
0x270: {  	v19 =	vadd.s32 s19, v10;
	v36 =	vadd.s32 v5, v58;
	[tilespmem:s24+$0xFFFFFE50] =	vst v18;
	v28 =	vld.idx.msk [tilespmem:v28+s15+$0x0], $0xffff  }
0x271: {  	v20 =	vadd.s32 s2, v10;
	[tilespmem:s24+$0x340] =	vst v34;
	v19 =	vadd.s32 v5, v19;
	v34 =	vld.idx.msk [tilespmem:v44+s15+$0x0], $0xffff  }
0x272: {  	v20 =	vadd.s32 v5, v20;
	[tilespmem:s24+$0xFFFFFD40] =	vst v30;
	v30 =	vadd.s32 s3, v10;
	v29 =	vld.idx.msk [tilespmem:v29+s15+$0x0], $0xffff  }
0x273: {  	v21 =	vadd.s32 v5, v30;
	v30 =	vadd.s32 s6, v10;
	v25 =	vld.idx.msk [tilespmem:v25+s15+$0x0], $0xffff;
	[tilespmem:s24+$0x1B0] =	vst v23  }
0x274: {  	v57 =	vadd.s32 s7, v10;
	v22 =	vadd.s32 v5, v30;
	v31 =	vld.idx.msk [tilespmem:v31+s15+$0x0], $0xffff  }
0x275: {  	v30 =	vadd.s32 s20, v10;
	v23 =	vadd.s32 v5, v57;
	[tilespmem:s24+$0xFFFFFEC0] =	vst v24;
	v36 =	vld.idx.msk [tilespmem:v36+s15+$0x0], $0xffff  }
0x276: {  	v24 =	vadd.s32 v5, v30;
	v30 =	vadd.s32 s25, v10;
	v19 =	vld.idx.msk [tilespmem:v19+s15+$0x0], $0xffff;
	[tilespmem:s24+$0xFFFFFF40] =	vst v26  }
0x277: {  	v26 =	vadd.s32 v5, v30;
	v30 =	vadd.s32 s26, v10;
	v20 =	vld.idx.msk [tilespmem:v20+s15+$0x0], $0xffff;
	[tilespmem:s24+$0xFFFFFFC0] =	vst v27  }
0x278: {  	v63 =	vadd.s32 s10, v9;
	v27 =	vadd.s32 v5, v30;
	v21 =	vld.idx.msk [tilespmem:v21+s15+$0x0], $0xffff;
	[tilespmem:s24+$0x40] =	vst v28  }
0x279: {  	v40 =	vadd.s32 v6, v63;
	[tilespmem:s24+$0xFFFFFC40] =	vst v35;
	v30 =	vadd.s32 s28, v10;
	v22 =	vld.idx.msk [tilespmem:v22+s15+$0x0], $0xffff  }
0x27a: {  	v46 =	vadd.s32 s2, v9;
	v28 =	vadd.s32 v5, v30;
	[tilespmem:s24+$0xC0] =	vst v29;
	v23 =	vld.idx.msk [tilespmem:v23+s15+$0x0], $0xffff  }
0x27b: {  	v35 =	vadd.s32 v6, v46;
	v30 =	vadd.s32 s29, v10;
	v24 =	vld.idx.msk [tilespmem:v24+s15+$0x0], $0xffff;
	[tilespmem:s24+$0x140] =	vst v25  }
0x27c: {  	v47 =	vadd.s32 s3, v9;
	v29 =	vadd.s32 v5, v30;
	v26 =	vld.idx.msk [tilespmem:v26+s15+$0x0], $0xffff;
	[tilespmem:s24+$0x1C0] =	vst v31  }
0x27d: {  	v17 =	vadd.s32 v6, v47;
	v30 =	vadd.s32 s30, v10;
	[tilespmem:s24+$0xFFFFFD50] =	vst v36;
	v27 =	vld.idx.msk [tilespmem:v27+s15+$0x0], $0xffff  }
0x27e: {  	v61 =	vadd.s32 s0, v10;
	[tilespmem:s24+$0x240] =	vst v32;
	v25 =	vadd.s32 v5, v30;
	v32 =	vld.idx.msk [tilespmem:v40+s15+$0x0], $0xffff  }
0x27f: {  	v48 =	vadd.s32 s6, v9;
	v30 =	vadd.s32 v5, v61;
	[tilespmem:s24+$0xFFFFFF50] =	vst v20;
	v28 =	vld.idx.msk [tilespmem:v28+s15+$0x0], $0xffff  }
0x280: {  	v62 =	vadd.s32 s7, v9;
	v18 =	vadd.s32 v6, v48;
	v35 =	vld.idx.msk [tilespmem:v35+s15+$0x0], $0xffff  }
0x281: {  	v49 =	vadd.s32 s20, v9;
	v31 =	vadd.s32 v6, v62;
	[tilespmem:s24+$0xFFFFFFD0] =	vst v21;
	v29 =	vld.idx.msk [tilespmem:v29+s15+$0x0], $0xffff  }
0x282: {  	v50 =	vadd.s32 s25, v9;
	[tilespmem:s24+$0xFFFFFED0] =	vst v19;
	v19 =	vadd.s32 v6, v49;
	v53 =	vld.idx.msk [tilespmem:v17+s15+$0x0], $0xffff  }
0x283: {  	v51 =	vadd.s32 s26, v9;
	[tilespmem:s24+$0xFFFFFDE0] =	vst v33;
	v20 =	vadd.s32 v6, v50;
	v25 =	vld.idx.msk [tilespmem:v25+s15+$0x0], $0xffff  }
0x284: {  	v52 =	vadd.s32 s28, v9;
	v21 =	vadd.s32 v6, v51;
	[tilespmem:s24+$0x50] =	vst v22;
	v30 =	vld.idx.msk [tilespmem:v30+s15+$0x0], $0xffff  }
0x285: {  	v45 =	vadd.s32 s19, v9;
	v17 =	vadd.s32 v6, v52;
	[tilespmem:s24+$0xFFFFFCD0] =	vst v23;
	v54 =	vld.idx.msk [tilespmem:v18+s15+$0x0], $0xffff  }
0x286: {  	v22 =	vadd.s32 s29, v9;
	v23 =	vadd.s32 v6, v45;
	[tilespmem:s24+$0xD0] =	vst v24;
	v31 =	vld.idx.msk [tilespmem:v31+s15+$0x0], $0xffff  }
0x287: {  	v18 =	vadd.s32 v6, v22;
	v22 =	vadd.s32 s30, v9;
	v55 =	vld.idx.msk [tilespmem:v19+s15+$0x0], $0xffff;
	[tilespmem:s24+$0x150] =	vst v26  }
0x288: {  	v24 =	vadd.s32 s0, v9;
	v19 =	vadd.s32 v6, v22;
	v26 =	vld.idx.msk [tilespmem:v20+s15+$0x0], $0xffff;
	[tilespmem:s24+$0x1D0] =	vst v27  }
0x289: {  	v22 =	vadd.s32 s7, v8;
	v24 =	vadd.s32 v6, v24;
	v27 =	vld.idx.msk [tilespmem:v21+s15+$0x0], $0xffff;
	[tilespmem:s24+$0x250] =	vst v28  }
0x28a: {  	v20 =	vadd.s32 s10, v8;
	v22 =	vadd.s32 v7, v22;
	[tilespmem:s24+$0xFFFFFD60] =	vst v32;
	v28 =	vld.idx.msk [tilespmem:v17+s15+$0x0], $0xffff  }
0x28b: {  	v21 =	vadd.s32 s14, v8;
	v20 =	vadd.s32 v7, v20;
	[tilespmem:s24+$0x2D0] =	vst v29;
	v23 =	vld.idx.msk [tilespmem:v23+s15+$0x0], $0xffff  }
0x28c: {  	v17 =	vadd.s32 s17, v8;
	v21 =	vadd.s32 v7, v21;
	v29 =	vld.idx.msk [tilespmem:v18+s15+$0x0], $0xffff;
	[tilespmem:s24+$0x350] =	vst v25  }
0x28d: {  	v56 =	vadd.s32 s28, v8;
	[tilespmem:s24+$0xFFFFFC50] =	vst v30;
	v17 =	vadd.s32 v7, v17;
	v30 =	vld.idx.msk [tilespmem:v19+s15+$0x0], $0xffff  }
0x28e: {  	v32 =	vadd.s32 v7, v56;
	v18 =	vadd.s32 s19, v8;
	v24 =	vld.idx.msk [tilespmem:v24+s15+$0x0], $0xffff;
	[tilespmem:s24+$0xFFFFFCE0] =	vst v31  }
0x28f: {  	[tilespmem:s24+$0xFFFFFE60] =	vst v34;
	v25 =	vadd.s32 s26, v8;
	v18 =	vadd.s32 v7, v18;
	v31 =	vld.idx.msk [tilespmem:v22+s15+$0x0], $0xffff  }
0x290: {  	v57 =	vadd.s32 s29, v8;
	v25 =	vadd.s32 v7, v25;
	[tilespmem:s24+$0x160] =	vst v26;
	v39 =	vld.idx.msk [tilespmem:v20+s15+$0x0], $0xffff  }
0x291: {  	v33 =	vadd.s32 v7, v57;
	s26 =	simm.s32 $0x12;
	v19 =	vadd.s32 s2, v8;
	[tilespmem:s24+$0x1E0] =	vst v27;
	v40 =	vld.idx.msk [tilespmem:v21+s15+$0x0], $0xffff  }
0x292: {  	v58 =	vadd.s32 s30, v8;
	v19 =	vadd.s32 v7, v19;
	v27 =	vadd.s32 s26, v15;
	[tilespmem:s24+$0x260] =	vst v28;
	v17 =	vld.idx.msk [tilespmem:v17+s15+$0x0], $0xffff  }
0x293: {  	v59 =	vadd.s32 s0, v8;
	v26 =	vadd.s32 v7, v58;
	v62 =	vadd.s32 v0, v27;
	[tilespmem:s24+$0xFFFFFEE0] =	vst v23;
	v27 =	vld.idx.msk [tilespmem:v32+s15+$0x0], $0xffff  }
0x294: {  	[tilespmem:s24+$0xFFFFFF60] =	vst v35;
	v35 =	vadd.s32 v7, v59;
	v22 =	vadd.s32 s3, v8;
	v18 =	vld.idx.msk [tilespmem:v18+s15+$0x0], $0xffff  }
0x295: {  	v20 =	vadd.s32 v7, v22;
	v22 =	vadd.s32 s6, v8;
	[tilespmem:s24+$0x2E0] =	vst v29;
	v25 =	vld.idx.msk [tilespmem:v25+s15+$0x0], $0xffff  }
0x296: {  	v21 =	vadd.s32 v7, v22;
	v28 =	vld.idx.msk [tilespmem:v33+s15+$0x0], $0xffff  }
0x297: {  	s2 =	simm.s32 $0x13;
	v22 =	vadd.s32 s20, v8;
	[tilespmem:s24+$0x360] =	vst v30;
	v19 =	vld.idx.msk [tilespmem:v19+s15+$0x0], $0xffff  }
0x298: {  	v22 =	vadd.s32 v7, v22;
	v23 =	vadd.s32 s25, v8;
	s25 =	simm.s32 $0x11;
	v30 =	vadd.s32 s2, v15;
	[tilespmem:s24+$0xFFFFFC60] =	vst v24;
	v29 =	vld.idx.msk [tilespmem:v26+s15+$0x0], $0xffff  }
0x299: {  	[tilespmem:s24+$0xFFFFFFE0] =	vst v53;
	v23 =	vadd.s32 v7, v23;
	v60 =	vadd.s32 s25, v15;
	v34 =	vadd.s32 v0, v30;
	v30 =	vld.idx.msk [tilespmem:v35+s15+$0x0], $0xffff  }
0x29a: {  	s28 =	simm.s32 $0x14;
	s30 =	simm.s32 $0x16;
	[tilespmem:s24+$0x60] =	vst v54;
	v61 =	vadd.s32 v0, v60;
	v20 =	vld.idx.msk [tilespmem:v20+s15+$0x0], $0xffff  }
0x29b: {  	v63 =	vadd.s32 s28, v15;
	s0 =	simm.s32 $0x15;
	v26 =	vadd.s32 s30, v15;
	v21 =	vld.idx.msk [tilespmem:v21+s15+$0x0], $0xffff  }
0x29c: {  	[tilespmem:s24+$0xE0] =	vst v55;
	v32 =	vadd.s32 v0, v63;
	v24 =	vadd.s32 s0, v15;
	v35 =	vadd.s32 v0, v26;
	v26 =	vld.idx.msk [tilespmem:v62+s15+$0x0], $0xffff  }
0x29d: {  	s29 =	simm.s32 $0x17;
	[tilespmem:s24+$0xFFFFFCF0] =	vst v31;
	v33 =	vadd.s32 v0, v24;
	v22 =	vld.idx.msk [tilespmem:v22+s15+$0x0], $0xffff  }
0x29e: {  	s3 =	simm.s32 $0x18;
	v31 =	vadd.s32 s29, v15;
	[tilespmem:s24+$0xFFFFFD70] =	vst v39;
	v23 =	vld.idx.msk [tilespmem:v23+s15+$0x0], $0xffff  }
0x29f: {  	s31 =	simm.s32 $0x1F;
	v36 =	vadd.s32 s3, v15;
	s6 =	simm.s32 $0x20;
	v31 =	vadd.s32 v0, v31;
	[tilespmem:s24+$0xFFFFFDF0] =	vst v40;
	v24 =	vld.idx.msk [tilespmem:v61+s15+$0x0], $0xffff  }
.LBB2_5:
0x2a0: {  	p0 =	slt.u32 s6, $0x30;
	v34 =	vld.idx.msk [tilespmem:v34+s15+$0x0], $0xffff;
	v36 =	vadd.s32 v0, v36;
	s7 =	sadd.s32 $0x9, s23;
	v37 =	vadd.s32 s31, v15;
	[tilespmem:s24+$0xFFFFFE70] =	vst v17  }
0x2a1: {  	s10 =	sadd.s32 $0xA, s23;
	v17 =	vld.idx.msk [tilespmem:v32+s15+$0x0], $0xffff;
	v32 =	vadd.s32 s7, v15;
	v37 =	vadd.s32 v0, v37;
	[tilespmem:s24+$0xFFFFFEF0] =	vst v18  }
0x2a2: {  	s19 =	sadd.s32 $0xB, s23;
	v18 =	vld.idx.msk [tilespmem:v33+s15+$0x0], $0xffff;
	v32 =	vadd.s32 v0, v32;
	v33 =	vadd.s32 s10, v15;
	[tilespmem:s24+$0xFFFFFF70] =	vst v19  }
0x2a3: {  	s20 =	sadd.s32 $0xC, s23;
	v19 =	vld.idx.msk [tilespmem:v35+s15+$0x0], $0xffff;
	v33 =	vadd.s32 v0, v33;
	v35 =	vadd.s32 s19, v15;
	[tilespmem:s24+$0xFFFFFFF0] =	vst v20  }
0x2a4: {  	s14 =	sadd.s32 $0xD, s23;
	v20 =	vld.idx.msk [tilespmem:v31+s15+$0x0], $0xffff;
	v31 =	vadd.s32 v0, v35;
	v35 =	vadd.s32 s20, v15;
	[tilespmem:s24+$0x70] =	vst v21  }
0x2a5: {  	s17 =	sadd.s32 $0xE, s23;
	v21 =	vld.idx.msk [tilespmem:v36+s15+$0x0], $0xffff;
	v35 =	vadd.s32 v0, v35;
	v36 =	vadd.s32 s14, v15;
	[tilespmem:s24+$0xF0] =	vst v22  }
0x2a6: {  	v22 =	vadd.s32 v0, v36;
	v36 =	vadd.s32 s17, v15;
	v37 =	vld.idx.msk [tilespmem:v37+s15+$0x0], $0xffff;
	[tilespmem:s24+$0x170] =	vst v23  }
0x2a7: {  	v23 =	vld.idx.msk [tilespmem:v32+s15+$0x0], $0xffff;
	v32 =	vadd.s32 v0, v36;
	v36 =	vadd.s32 s31, v14;
	[tilespmem:s24+$0x1F0] =	vst v25  }
0x2a8: {  	v25 =	vadd.s32 s25, v14;
	v33 =	vld.idx.msk [tilespmem:v33+s15+$0x0], $0xffff;
	v36 =	vadd.s32 v1, v36;
	[tilespmem:s24+$0x270] =	vst v27  }
0x2a9: {  	v25 =	vadd.s32 v1, v25;
	v27 =	vadd.s32 s26, v14;
	v31 =	vld.idx.msk [tilespmem:v31+s15+$0x0], $0xffff;
	[tilespmem:s24+$0x2F0] =	vst v28  }
0x2aa: {  	v27 =	vadd.s32 v1, v27;
	v28 =	vadd.s32 s2, v14;
	v35 =	vld.idx.msk [tilespmem:v35+s15+$0x0], $0xffff;
	[tilespmem:s24+$0x370] =	vst v29  }
0x2ab: {  	v28 =	vadd.s32 v1, v28;
	v29 =	vadd.s32 s28, v14;
	v22 =	vld.idx.msk [tilespmem:v22+s15+$0x0], $0xffff;
	[tilespmem:s24+$0xFFFFFC70] =	vst v30;
	s24 =	sadd.s32 $0x800, s24  }
0x2ac: {  	v29 =	vadd.s32 v1, v29;
	v30 =	vadd.s32 s0, v14;
	v32 =	vld.idx.msk [tilespmem:v32+s15+$0x0], $0xffff;
	[tilespmem:s24+$0x380] =	vst v37  }
0x2ad: {  	[tilespmem:s24+$0xFFFFFC80] =	vst v24;
	v24 =	vadd.s32 v1, v30;
	v30 =	vadd.s32 s30, v14;
	v36 =	vld.idx.msk [tilespmem:v36+s15+$0x0], $0xffff  }
0x2ae: {  	v25 =	vld.idx.msk [tilespmem:v25+s15+$0x0], $0xffff;
	[tilespmem:s24+$0xFFFFFD00] =	vst v26;
	v26 =	vadd.s32 v1, v30;
	v30 =	vadd.s32 s31, v13  }
0x2af: {  	v27 =	vld.idx.msk [tilespmem:v27+s15+$0x0], $0xffff;
	[tilespmem:s24+$0xFFFFFD80] =	vst v34;
	v34 =	vadd.s32 s29, v14;
	v30 =	vadd.s32 v2, v30  }
0x2b0: {  	v28 =	vld.idx.msk [tilespmem:v28+s15+$0x0], $0xffff;
	[tilespmem:s24+$0xFFFFFE00] =	vst v17;
	v17 =	vadd.s32 v1, v34;
	v34 =	vadd.s32 s3, v14  }
0x2b1: {  	v29 =	vld.idx.msk [tilespmem:v29+s15+$0x0], $0xffff;
	[tilespmem:s24+$0xFFFFFE80] =	vst v18;
	v18 =	vadd.s32 v1, v34;
	v34 =	vadd.s32 s7, v14  }
0x2b2: {  	v24 =	vld.idx.msk [tilespmem:v24+s15+$0x0], $0xffff;
	[tilespmem:s24+$0xFFFFFF00] =	vst v19;
	v19 =	vadd.s32 v1, v34;
	v34 =	vadd.s32 s10, v14  }
0x2b3: {  	v37 =	vadd.s32 s19, v14;
	v26 =	vld.idx.msk [tilespmem:v26+s15+$0x0], $0xffff;
	v34 =	vadd.s32 v1, v34;
	[tilespmem:s24+$0x390] =	vst v36  }
0x2b4: {  	v36 =	vadd.s32 s20, v14;
	[tilespmem:s24+$0xFFFFFF80] =	vst v20;
	v20 =	vadd.s32 v1, v37;
	v30 =	vld.idx.msk [tilespmem:v30+s15+$0x0], $0xffff  }
0x2b5: {  	v17 =	vld.idx.msk [tilespmem:v17+s15+$0x0], $0xffff;
	[tilespmem:s24+$0x0] =	vst v21;
	v21 =	vadd.s32 v1, v36;
	v36 =	vadd.s32 s31, v12  }
0x2b6: {  	v18 =	vld.idx.msk [tilespmem:v18+s15+$0x0], $0xffff;
	[tilespmem:s24+$0x80] =	vst v23;
	v23 =	vadd.s32 s14, v14;
	v36 =	vadd.s32 v3, v36  }
0x2b7: {  	v19 =	vld.idx.msk [tilespmem:v19+s15+$0x0], $0xffff;
	[tilespmem:s24+$0x100] =	vst v33;
	v23 =	vadd.s32 v1, v23;
	v33 =	vadd.s32 s17, v14  }
0x2b8: {  	v37 =	vadd.s32 s23, v14;
	v34 =	vld.idx.msk [tilespmem:v34+s15+$0x0], $0xffff;
	[tilespmem:s24+$0x180] =	vst v31;
	v31 =	vadd.s32 v1, v33  }
0x2b9: {  	v33 =	vadd.s32 v1, v37;
	v37 =	vadd.s32 s25, v13;
	v20 =	vld.idx.msk [tilespmem:v20+s15+$0x0], $0xffff;
	[tilespmem:s24+$0x200] =	vst v35  }
0x2ba: {  	v35 =	vadd.s32 v2, v37;
	v37 =	vadd.s32 s26, v13;
	v21 =	vld.idx.msk [tilespmem:v21+s15+$0x0], $0xffff;
	[tilespmem:s24+$0x3A0] =	vst v30  }
0x2bb: {  	v30 =	vadd.s32 v2, v37;
	v37 =	vadd.s32 s2, v13;
	[tilespmem:s24+$0x280] =	vst v22;
	v22 =	vld.idx.msk [tilespmem:v36+s15+$0x0], $0xffff  }
0x2bc: {  	v36 =	vadd.s32 v2, v37;
	v23 =	vld.idx.msk [tilespmem:v23+s15+$0x0], $0xffff;
	[tilespmem:s24+$0x300] =	vst v32;
	v32 =	vadd.s32 s31, v11  }
0x2bd: {  	[tilespmem:s24+$0xFFFFFC00] =	vst v16;
	v16 =	vadd.s32 s28, v13;
	v31 =	vld.idx.msk [tilespmem:v31+s15+$0x0], $0xffff;
	v32 =	vadd.s32 v4, v32  }
0x2be: {  	v33 =	vld.idx.msk [tilespmem:v33+s15+$0x0], $0xffff;
	[tilespmem:s24+$0xFFFFFC90] =	vst v25;
	v16 =	vadd.s32 v2, v16;
	v25 =	vadd.s32 s0, v13  }
0x2bf: {  	v35 =	vld.idx.msk [tilespmem:v35+s15+$0x0], $0xffff;
	[tilespmem:s24+$0xFFFFFD10] =	vst v27;
	v25 =	vadd.s32 v2, v25;
	v27 =	vadd.s32 s30, v13  }
0x2c0: {  	v30 =	vld.idx.msk [tilespmem:v30+s15+$0x0], $0xffff;
	[tilespmem:s24+$0xFFFFFD90] =	vst v28;
	v27 =	vadd.s32 v2, v27;
	v28 =	vadd.s32 s29, v13  }
0x2c1: {  	v37 =	vadd.s32 s3, v13;
	v36 =	vld.idx.msk [tilespmem:v36+s15+$0x0], $0xffff;
	v28 =	vadd.s32 v2, v28;
	[tilespmem:s24+$0x3B0] =	vst v22  }
0x2c2: {  	v22 =	vadd.s32 v2, v37;
	[tilespmem:s24+$0xFFFFFE10] =	vst v29;
	v29 =	vadd.s32 s7, v13;
	v32 =	vld.idx.msk [tilespmem:v32+s15+$0x0], $0xffff  }
0x2c3: {  	v16 =	vld.idx.msk [tilespmem:v16+s15+$0x0], $0xffff;
	[tilespmem:s24+$0xFFFFFE90] =	vst v24;
	v24 =	vadd.s32 v2, v29;
	v29 =	vadd.s32 s31, v10  }
0x2c4: {  	v25 =	vld.idx.msk [tilespmem:v25+s15+$0x0], $0xffff;
	[tilespmem:s24+$0xFFFFFF10] =	vst v26;
	v26 =	vadd.s32 s10, v13;
	v29 =	vadd.s32 v5, v29  }
0x2c5: {  	v27 =	vld.idx.msk [tilespmem:v27+s15+$0x0], $0xffff;
	[tilespmem:s24+$0xFFFFFF90] =	vst v17;
	v17 =	vadd.s32 v2, v26;
	v26 =	vadd.s32 s19, v13  }
0x2c6: {  	v28 =	vld.idx.msk [tilespmem:v28+s15+$0x0], $0xffff;
	[tilespmem:s24+$0x10] =	vst v18;
	v18 =	vadd.s32 v2, v26;
	v26 =	vadd.s32 s20, v13  }
0x2c7: {  	v22 =	vld.idx.msk [tilespmem:v22+s15+$0x0], $0xffff;
	[tilespmem:s24+$0x90] =	vst v19;
	v19 =	vadd.s32 v2, v26;
	v26 =	vadd.s32 s14, v13  }
0x2c8: {  	v37 =	vadd.s32 s17, v13;
	v24 =	vld.idx.msk [tilespmem:v24+s15+$0x0], $0xffff;
	v26 =	vadd.s32 v2, v26;
	[tilespmem:s24+$0x3C0] =	vst v32  }
0x2c9: {  	v32 =	vadd.s32 s23, v13;
	[tilespmem:s24+$0x110] =	vst v34;
	v34 =	vadd.s32 v2, v37;
	v29 =	vld.idx.msk [tilespmem:v29+s15+$0x0], $0xffff  }
0x2ca: {  	v32 =	vadd.s32 v2, v32;
	v17 =	vld.idx.msk [tilespmem:v17+s15+$0x0], $0xffff;
	[tilespmem:s24+$0x190] =	vst v20;
	v20 =	vadd.s32 s31, v9  }
0x2cb: {  	v37 =	vadd.s32 s25, v12;
	v18 =	vld.idx.msk [tilespmem:v18+s15+$0x0], $0xffff;
	[tilespmem:s24+$0x210] =	vst v21;
	v20 =	vadd.s32 v6, v20  }
0x2cc: {  	v21 =	vadd.s32 v3, v37;
	v37 =	vadd.s32 s26, v12;
	v19 =	vld.idx.msk [tilespmem:v19+s15+$0x0], $0xffff;
	[tilespmem:s24+$0x290] =	vst v23  }
0x2cd: {  	v23 =	vadd.s32 v3, v37;
	v37 =	vadd.s32 s2, v12;
	v26 =	vld.idx.msk [tilespmem:v26+s15+$0x0], $0xffff;
	[tilespmem:s24+$0x310] =	vst v31  }
0x2ce: {  	v31 =	vadd.s32 v3, v37;
	[tilespmem:s24+$0xFFFFFC10] =	vst v33;
	v33 =	vadd.s32 s28, v12;
	v34 =	vld.idx.msk [tilespmem:v34+s15+$0x0], $0xffff  }
0x2cf: {  	v37 =	vadd.s32 s0, v12;
	v32 =	vld.idx.msk [tilespmem:v32+s15+$0x0], $0xffff;
	v33 =	vadd.s32 v3, v33;
	[tilespmem:s24+$0x3D0] =	vst v29  }
0x2d0: {  	v29 =	vadd.s32 v3, v37;
	[tilespmem:s24+$0xFFFFFCA0] =	vst v35;
	v35 =	vadd.s32 s30, v12;
	v20 =	vld.idx.msk [tilespmem:v20+s15+$0x0], $0xffff  }
0x2d1: {  	v21 =	vld.idx.msk [tilespmem:v21+s15+$0x0], $0xffff;
	[tilespmem:s24+$0xFFFFFD20] =	vst v30;
	v30 =	vadd.s32 v3, v35;
	v35 =	vadd.s32 s31, v8  }
0x2d2: {  	v23 =	vld.idx.msk [tilespmem:v23+s15+$0x0], $0xffff;
	[tilespmem:s24+$0xFFFFFDA0] =	vst v36;
	v36 =	vadd.s32 s29, v12;
	v35 =	vadd.s32 v7, v35  }
0x2d3: {  	v31 =	vld.idx.msk [tilespmem:v31+s15+$0x0], $0xffff;
	[tilespmem:s24+$0xFFFFFE20] =	vst v16;
	v16 =	vadd.s32 v3, v36;
	v36 =	vadd.s32 s3, v12  }
0x2d4: {  	v33 =	vld.idx.msk [tilespmem:v33+s15+$0x0], $0xffff;
	[tilespmem:s24+$0xFFFFFEA0] =	vst v25;
	v25 =	vadd.s32 v3, v36;
	v36 =	vadd.s32 s7, v12  }
0x2d5: {  	v29 =	vld.idx.msk [tilespmem:v29+s15+$0x0], $0xffff;
	[tilespmem:s24+$0xFFFFFF20] =	vst v27;
	v27 =	vadd.s32 v3, v36;
	v36 =	vadd.s32 s10, v12  }
0x2d6: {  	v37 =	vadd.s32 s19, v12;
	v30 =	vld.idx.msk [tilespmem:v30+s15+$0x0], $0xffff;
	v36 =	vadd.s32 v3, v36;
	[tilespmem:s24+$0x3E0] =	vst v20  }
0x2d7: {  	v20 =	vadd.s32 v3, v37;
	[tilespmem:s24+$0xFFFFFFA0] =	vst v28;
	v28 =	vadd.s32 s20, v12;
	v35 =	vld.idx.msk [tilespmem:v35+s15+$0x0], $0xffff  }
0x2d8: {  	v37 =	vadd.s32 s6, v15;
	v38 =	vld.idx.msk [tilespmem:v16+s15+$0x0], $0xffff;
	[tilespmem:s24+$0x20] =	vst v22;
	v16 =	vadd.s32 v3, v28  }
0x2d9: {  	v22 =	vadd.s32 v0, v37;
	v25 =	vld.idx.msk [tilespmem:v25+s15+$0x0], $0xffff;
	[tilespmem:s24+$0xA0] =	vst v24;
	v24 =	vadd.s32 s14, v12  }
0x2da: {  	v27 =	vld.idx.msk [tilespmem:v27+s15+$0x0], $0xffff;
	[tilespmem:s24+$0x120] =	vst v17;
	v17 =	vadd.s32 v3, v24;
	v24 =	vadd.s32 s17, v12  }
0x2db: {  	v28 =	vadd.s32 s23, v12;
	v36 =	vld.idx.msk [tilespmem:v36+s15+$0x0], $0xffff;
	[tilespmem:s24+$0x1A0] =	vst v18;
	v18 =	vadd.s32 v3, v24  }
0x2dc: {  	v24 =	vadd.s32 v3, v28;
	v28 =	vadd.s32 s25, v11;
	v20 =	vld.idx.msk [tilespmem:v20+s15+$0x0], $0xffff;
	[tilespmem:s24+$0x220] =	vst v19  }
0x2dd: {  	v19 =	vadd.s32 v4, v28;
	v28 =	vadd.s32 s26, v11;
	v37 =	vld.idx.msk [tilespmem:v16+s15+$0x0], $0xffff;
	[tilespmem:s24+$0x3F0] =	vst v35  }
0x2de: {  	v16 =	vld.idx.msk [tilespmem:v22+s15+$0x0], $0xffff;
	v22 =	vadd.s32 v4, v28;
	v28 =	vadd.s32 s2, v11;
	[tilespmem:s24+$0x2A0] =	vst v26  }
0x2df: {  	v26 =	vadd.s32 v4, v28;
	v28 =	vadd.s32 s28, v11;
	v17 =	vld.idx.msk [tilespmem:v17+s15+$0x0], $0xffff;
	[tilespmem:s24+$0x320] =	vst v34  }
0x2e0: {  	[tilespmem:s24+$0xFFFFFC20] =	vst v32;
	v28 =	vadd.s32 v4, v28;
	v32 =	vadd.s32 s0, v11;
	v18 =	vld.idx.msk [tilespmem:v18+s15+$0x0], $0xffff  }
0x2e1: {  	v24 =	vld.idx.msk [tilespmem:v24+s15+$0x0], $0xffff;
	[tilespmem:s24+$0xFFFFFCB0] =	vst v21;
	v21 =	vadd.s32 v4, v32;
	v32 =	vadd.s32 s30, v11  }
0x2e2: {  	v19 =	vld.idx.msk [tilespmem:v19+s15+$0x0], $0xffff;
	[tilespmem:s24+$0xFFFFFD30] =	vst v23;
	v23 =	vadd.s32 v4, v32;
	v32 =	vadd.s32 s29, v11  }
0x2e3: {  	v22 =	vld.idx.msk [tilespmem:v22+s15+$0x0], $0xffff;
	[tilespmem:s24+$0xFFFFFDB0] =	vst v31;
	v31 =	vadd.s32 v4, v32;
	v32 =	vadd.s32 s3, v11  }
0x2e4: {  	v26 =	vld.idx.msk [tilespmem:v26+s15+$0x0], $0xffff;
	[tilespmem:s24+$0xFFFFFE30] =	vst v33;
	v32 =	vadd.s32 v4, v32;
	v33 =	vadd.s32 s7, v11  }
0x2e5: {  	v28 =	vld.idx.msk [tilespmem:v28+s15+$0x0], $0xffff;
	[tilespmem:s24+$0xFFFFFEB0] =	vst v29;
	v29 =	vadd.s32 v4, v33;
	v33 =	vadd.s32 s10, v11  }
0x2e6: {  	v21 =	vld.idx.msk [tilespmem:v21+s15+$0x0], $0xffff;
	[tilespmem:s24+$0xFFFFFF30] =	vst v30;
	v30 =	vadd.s32 v4, v33;
	v33 =	vadd.s32 s19, v11  }
0x2e7: {  	v34 =	vadd.s32 s20, v11;
	v23 =	vld.idx.msk [tilespmem:v23+s15+$0x0], $0xffff;
	[tilespmem:s24+$0xFFFFFFB0] =	vst v38;
	v33 =	vadd.s32 v4, v33  }
0x2e8: {  	v31 =	vld.idx.msk [tilespmem:v31+s15+$0x0], $0xffff;
	[tilespmem:s24+$0x30] =	vst v25;
	v25 =	vadd.s32 v4, v34;
	v34 =	vadd.s32 s14, v11  }
0x2e9: {  	v32 =	vld.idx.msk [tilespmem:v32+s15+$0x0], $0xffff;
	[tilespmem:s24+$0xB0] =	vst v27;
	v27 =	vadd.s32 v4, v34;
	v34 =	vadd.s32 s17, v11  }
0x2ea: {  	v35 =	vadd.s32 s23, v11;
	v29 =	vld.idx.msk [tilespmem:v29+s15+$0x0], $0xffff;
	[tilespmem:s24+$0x130] =	vst v36;
	v34 =	vadd.s32 v4, v34  }
0x2eb: {  	v35 =	vadd.s32 v4, v35;
	v36 =	vadd.s32 s25, v10;
	v30 =	vld.idx.msk [tilespmem:v30+s15+$0x0], $0xffff;
	[tilespmem:s24+$0x1B0] =	vst v20  }
0x2ec: {  	v20 =	vadd.s32 v5, v36;
	v36 =	vadd.s32 s26, v10;
	v33 =	vld.idx.msk [tilespmem:v33+s15+$0x0], $0xffff;
	[tilespmem:s24+$0x230] =	vst v37  }
0x2ed: {  	v36 =	vadd.s32 v5, v36;
	v37 =	vadd.s32 s2, v10;
	v25 =	vld.idx.msk [tilespmem:v25+s15+$0x0], $0xffff;
	[tilespmem:s24+$0x2B0] =	vst v17  }
0x2ee: {  	v17 =	vadd.s32 v5, v37;
	v37 =	vadd.s32 s28, v10;
	v27 =	vld.idx.msk [tilespmem:v27+s15+$0x0], $0xffff;
	[tilespmem:s24+$0x330] =	vst v18  }
0x2ef: {  	v18 =	vadd.s32 v5, v37;
	[tilespmem:s24+$0xFFFFFC30] =	vst v24;
	v24 =	vadd.s32 s0, v10;
	v34 =	vld.idx.msk [tilespmem:v34+s15+$0x0], $0xffff  }
0x2f0: {  	v35 =	vld.idx.msk [tilespmem:v35+s15+$0x0], $0xffff;
	[tilespmem:s24+$0xFFFFFCC0] =	vst v19;
	v19 =	vadd.s32 v5, v24;
	v24 =	vadd.s32 s30, v10  }
0x2f1: {  	v20 =	vld.idx.msk [tilespmem:v20+s15+$0x0], $0xffff;
	[tilespmem:s24+$0xFFFFFD40] =	vst v22;
	v22 =	vadd.s32 v5, v24;
	v24 =	vadd.s32 s29, v10  }
0x2f2: {  	v36 =	vld.idx.msk [tilespmem:v36+s15+$0x0], $0xffff;
	[tilespmem:s24+$0xFFFFFDC0] =	vst v26;
	v24 =	vadd.s32 v5, v24;
	v26 =	vadd.s32 s3, v10  }
0x2f3: {  	v17 =	vld.idx.msk [tilespmem:v17+s15+$0x0], $0xffff;
	[tilespmem:s24+$0xFFFFFE40] =	vst v28;
	v26 =	vadd.s32 v5, v26;
	v28 =	vadd.s32 s7, v10  }
0x2f4: {  	v18 =	vld.idx.msk [tilespmem:v18+s15+$0x0], $0xffff;
	[tilespmem:s24+$0xFFFFFEC0] =	vst v21;
	v21 =	vadd.s32 v5, v28;
	v28 =	vadd.s32 s10, v10  }
0x2f5: {  	v19 =	vld.idx.msk [tilespmem:v19+s15+$0x0], $0xffff;
	[tilespmem:s24+$0xFFFFFF40] =	vst v23;
	v23 =	vadd.s32 v5, v28;
	v28 =	vadd.s32 s19, v10  }
0x2f6: {  	v22 =	vld.idx.msk [tilespmem:v22+s15+$0x0], $0xffff;
	[tilespmem:s24+$0xFFFFFFC0] =	vst v31;
	v28 =	vadd.s32 v5, v28;
	v31 =	vadd.s32 s20, v10  }
0x2f7: {  	v24 =	vld.idx.msk [tilespmem:v24+s15+$0x0], $0xffff;
	[tilespmem:s24+$0x40] =	vst v32;
	v31 =	vadd.s32 v5, v31;
	v32 =	vadd.s32 s14, v10  }
0x2f8: {  	v26 =	vld.idx.msk [tilespmem:v26+s15+$0x0], $0xffff;
	[tilespmem:s24+$0xC0] =	vst v29;
	v29 =	vadd.s32 v5, v32;
	v32 =	vadd.s32 s17, v10  }
0x2f9: {  	v37 =	vadd.s32 s23, v10;
	v21 =	vld.idx.msk [tilespmem:v21+s15+$0x0], $0xffff;
	[tilespmem:s24+$0x140] =	vst v30;
	v30 =	vadd.s32 v5, v32  }
0x2fa: {  	v32 =	vadd.s32 v5, v37;
	v37 =	vadd.s32 s25, v9;
	v23 =	vld.idx.msk [tilespmem:v23+s15+$0x0], $0xffff;
	[tilespmem:s24+$0x1C0] =	vst v33  }
0x2fb: {  	v33 =	vadd.s32 v6, v37;
	v37 =	vadd.s32 s26, v9;
	v28 =	vld.idx.msk [tilespmem:v28+s15+$0x0], $0xffff;
	[tilespmem:s24+$0x240] =	vst v25  }
0x2fc: {  	v25 =	vadd.s32 v6, v37;
	v37 =	vadd.s32 s2, v9;
	v31 =	vld.idx.msk [tilespmem:v31+s15+$0x0], $0xffff;
	[tilespmem:s24+$0x2C0] =	vst v27  }
0x2fd: {  	v27 =	vadd.s32 v6, v37;
	v37 =	vadd.s32 s28, v9;
	v29 =	vld.idx.msk [tilespmem:v29+s15+$0x0], $0xffff;
	[tilespmem:s24+$0x340] =	vst v34  }
0x2fe: {  	v34 =	vadd.s32 v6, v37;
	[tilespmem:s24+$0xFFFFFC40] =	vst v35;
	v35 =	vadd.s32 s0, v9;
	v30 =	vld.idx.msk [tilespmem:v30+s15+$0x0], $0xffff  }
0x2ff: {  	v32 =	vld.idx.msk [tilespmem:v32+s15+$0x0], $0xffff;
	[tilespmem:s24+$0xFFFFFCD0] =	vst v20;
	v20 =	vadd.s32 v6, v35;
	v35 =	vadd.s32 s30, v9  }
0x300: {  	v33 =	vld.idx.msk [tilespmem:v33+s15+$0x0], $0xffff;
	[tilespmem:s24+$0xFFFFFD50] =	vst v36;
	v35 =	vadd.s32 v6, v35;
	v36 =	vadd.s32 s29, v9  }
0x301: {  	v25 =	vld.idx.msk [tilespmem:v25+s15+$0x0], $0xffff;
	[tilespmem:s24+$0xFFFFFDD0] =	vst v17;
	v17 =	vadd.s32 v6, v36;
	v36 =	vadd.s32 s3, v9  }
0x302: {  	v27 =	vld.idx.msk [tilespmem:v27+s15+$0x0], $0xffff;
	[tilespmem:s24+$0xFFFFFE50] =	vst v18;
	v18 =	vadd.s32 v6, v36;
	v36 =	vadd.s32 s7, v9  }
0x303: {  	v34 =	vld.idx.msk [tilespmem:v34+s15+$0x0], $0xffff;
	[tilespmem:s24+$0xFFFFFED0] =	vst v19;
	v19 =	vadd.s32 v6, v36;
	v36 =	vadd.s32 s10, v9  }
0x304: {  	v20 =	vld.idx.msk [tilespmem:v20+s15+$0x0], $0xffff;
	[tilespmem:s24+$0xFFFFFF50] =	vst v22;
	v22 =	vadd.s32 v6, v36;
	v36 =	vadd.s32 s19, v9  }
0x305: {  	v35 =	vld.idx.msk [tilespmem:v35+s15+$0x0], $0xffff;
	[tilespmem:s24+$0xFFFFFFD0] =	vst v24;
	v24 =	vadd.s32 v6, v36;
	v36 =	vadd.s32 s20, v9  }
0x306: {  	v37 =	vld.idx.msk [tilespmem:v17+s15+$0x0], $0xffff;
	[tilespmem:s24+$0x50] =	vst v26;
	v17 =	vadd.s32 v6, v36;
	v26 =	vadd.s32 s14, v9  }
0x307: {  	v36 =	vld.idx.msk [tilespmem:v18+s15+$0x0], $0xffff;
	[tilespmem:s24+$0xD0] =	vst v21;
	v18 =	vadd.s32 v6, v26;
	v21 =	vadd.s32 s17, v9  }
0x308: {  	v26 =	vadd.s32 s23, v9;
	v38 =	vld.idx.msk [tilespmem:v19+s15+$0x0], $0xffff;
	[tilespmem:s24+$0x150] =	vst v23;
	v19 =	vadd.s32 v6, v21  }
0x309: {  	v21 =	vadd.s32 v6, v26;
	v23 =	vadd.s32 s25, v8;
	v26 =	vld.idx.msk [tilespmem:v22+s15+$0x0], $0xffff;
	[tilespmem:s24+$0x1D0] =	vst v28  }
0x30a: {  	v22 =	vadd.s32 v7, v23;
	v23 =	vadd.s32 s26, v8;
	v24 =	vld.idx.msk [tilespmem:v24+s15+$0x0], $0xffff;
	[tilespmem:s24+$0x250] =	vst v31  }
0x30b: {  	v28 =	vadd.s32 s2, v8;
	v23 =	vadd.s32 v7, v23;
	v31 =	vld.idx.msk [tilespmem:v17+s15+$0x0], $0xffff;
	[tilespmem:s24+$0x2D0] =	vst v29  }
0x30c: {  	v17 =	vadd.s32 v7, v28;
	v28 =	vadd.s32 s28, v8;
	v29 =	vld.idx.msk [tilespmem:v18+s15+$0x0], $0xffff;
	[tilespmem:s24+$0x350] =	vst v30  }
0x30d: {  	v18 =	vadd.s32 v7, v28;
	v28 =	vadd.s32 s0, v8;
	[tilespmem:s24+$0xFFFFFC50] =	vst v32;
	v30 =	vld.idx.msk [tilespmem:v19+s15+$0x0], $0xffff  }
0x30e: {  	v19 =	vadd.s32 v7, v28;
	v39 =	vld.idx.msk [tilespmem:v21+s15+$0x0], $0xffff;
	[tilespmem:s24+$0xFFFFFCE0] =	vst v33;
	v21 =	vadd.s32 s30, v8  }
0x30f: {  	v40 =	vld.idx.msk [tilespmem:v22+s15+$0x0], $0xffff;
	[tilespmem:s24+$0xFFFFFD60] =	vst v25;
	v21 =	vadd.s32 v7, v21;
	v22 =	vadd.s32 s29, v8  }
0x310: {  	v41 =	vld.idx.msk [tilespmem:v23+s15+$0x0], $0xffff;
	[tilespmem:s24+$0xFFFFFDE0] =	vst v27;
	v22 =	vadd.s32 v7, v22;
	v23 =	vadd.s32 s3, v8  }
0x311: {  	v25 =	vadd.s32 s7, v8;
	v42 =	vld.idx.msk [tilespmem:v17+s15+$0x0], $0xffff;
	[tilespmem:s24+$0xFFFFFE60] =	vst v34;
	v23 =	vadd.s32 v7, v23  }
0x312: {  	v25 =	vadd.s32 v7, v25;
	v17 =	vld.idx.msk [tilespmem:v18+s15+$0x0], $0xffff;
	[tilespmem:s24+$0xFFFFFEE0] =	vst v20;
	v20 =	vadd.s32 s10, v8  }
0x313: {  	v18 =	vld.idx.msk [tilespmem:v19+s15+$0x0], $0xffff;
	[tilespmem:s24+$0xFFFFFF60] =	vst v35;
	v27 =	vadd.s32 v7, v20;
	v20 =	vadd.s32 s19, v8  }
0x314: {  	v19 =	vld.idx.msk [tilespmem:v21+s15+$0x0], $0xffff;
	[tilespmem:s24+$0xFFFFFFE0] =	vst v37;
	v28 =	vadd.s32 v7, v20;
	v21 =	vadd.s32 s20, v8  }
0x315: {  	v20 =	vld.idx.msk [tilespmem:v22+s15+$0x0], $0xffff;
	[tilespmem:s24+$0x60] =	vst v36;
	v32 =	vadd.s32 v7, v21;
	v22 =	vadd.s32 s14, v8  }
0x316: {  	v21 =	vld.idx.msk [tilespmem:v23+s15+$0x0], $0xffff;
	[tilespmem:s24+$0xE0] =	vst v38;
	v33 =	vadd.s32 v7, v22;
	v23 =	vadd.s32 s17, v8  }
0x317: {  	s25 =	sadd.s32 $0x1, s6;
	v34 =	vadd.s32 s23, v8;
	s23 =	smov.u32 s6;
	v22 =	vld.idx.msk [tilespmem:v25+s15+$0x0], $0xffff;
	[tilespmem:s24+$0x160] =	vst v26;
	v26 =	vadd.s32 v7, v23  }
0x318: {  	s26 =	sadd.s32 $0x2, s6;
	v35 =	vadd.s32 v7, v34;
	v25 =	vadd.s32 s25, v15;
	v23 =	vld.idx.msk [tilespmem:v27+s15+$0x0], $0xffff;
	[tilespmem:s24+$0x1E0] =	vst v24  }
0x319: {  	s2 =	sadd.s32 $0x3, s6;
	v24 =	vadd.s32 v0, v25;
	v27 =	vadd.s32 s26, v15;
	v25 =	vld.idx.msk [tilespmem:v28+s15+$0x0], $0xffff;
	[tilespmem:s24+$0x260] =	vst v31  }
0x31a: {  	s28 =	sadd.s32 $0x4, s6;
	v31 =	vadd.s32 v0, v27;
	v28 =	vadd.s32 s2, v15;
	v27 =	vld.idx.msk [tilespmem:v32+s15+$0x0], $0xffff;
	[tilespmem:s24+$0x2E0] =	vst v29  }
.Ltmp1:
0x31b: {  	s0 =	sadd.s32 $0x5, s6;
	v34 =	vadd.s32 v0, v28;
	v29 =	vadd.s32 s28, v15;
	v28 =	vld.idx.msk [tilespmem:v33+s15+$0x0], $0xffff;
	[tilespmem:s24+$0x360] =	vst v30;
	(pc) =	sbr.rel @p0 .LBB2_5-.Ltmp1, $4  }
0x31c: {  	s30 =	sadd.s32 $0x6, s6;
	v32 =	vadd.s32 v0, v29;
	v30 =	vadd.s32 s0, v15;
	[tilespmem:s24+$0xFFFFFC60] =	vst v39;
	v29 =	vld.idx.msk [tilespmem:v26+s15+$0x0], $0xffff  }
0x31d: {  	s29 =	sadd.s32 $0x7, s6;
	v33 =	vadd.s32 v0, v30;
	v26 =	vadd.s32 s30, v15;
	v30 =	vld.idx.msk [tilespmem:v35+s15+$0x0], $0xffff;
	[tilespmem:s24+$0xFFFFFCF0] =	vst v40  }
0x31e: {  	s3 =	sadd.s32 $0x8, s6;
	v36 =	vadd.s32 s29, v15;
	v35 =	vadd.s32 v0, v26;
	v24 =	vld.idx.msk [tilespmem:v24+s15+$0x0], $0xffff;
	[tilespmem:s24+$0xFFFFFD70] =	vst v41  }
0x31f: {  	s6 =	sadd.s32 $0x10, s6;
	s31 =	sadd.s32 $0xF, s23;
	v26 =	vld.idx.msk [tilespmem:v31+s15+$0x0], $0xffff;
	v31 =	vadd.s32 v0, v36;
	v36 =	vadd.s32 s3, v15;
	[tilespmem:s24+$0xFFFFFDF0] =	vst v42  }
0x320: {  	[tilespmem:s24+$0xFFFFFE70] =	vst v17  }
0x321: {  	[tilespmem:s24+$0xFFFFFEF0] =	vst v18  }
0x322: {  	[tilespmem:s24+$0xFFFFFF70] =	vst v19  }
0x323: {  	[tilespmem:s24+$0xFFFFFFF0] =	vst v20  }
0x324: {  	[tilespmem:s24+$0x70] =	vst v21  }
0x325: {  	[tilespmem:s24+$0xF0] =	vst v22  }
0x326: {  	[tilespmem:s24+$0x170] =	vst v23  }
0x327: {  	[tilespmem:s24+$0x1F0] =	vst v25  }
0x328: {  	[tilespmem:s24+$0x270] =	vst v27  }
0x329: {  	[tilespmem:s24+$0x2F0] =	vst v28  }
0x32a: {  	v42 =	vadd.s32 s31, v15;
	v44 =	vld.idx.msk [tilespmem:v34+s15+$0x0], $0xffff;
	v45 =	vadd.s32 v0, v36;
	s6 =	sadd.s32 $0x800, s24;
	[tilespmem:s24+$0x370] =	vst v29  }
0x32b: {  	v46 =	vld.idx.msk [tilespmem:v32+s15+$0x0], $0xffff;
	v34 =	vadd.s32 s28, v14;
	v17 =	vadd.s32 v0, v42;
	[tilespmem:s6+$0xFFFFFC00] =	vst v16  }
0x32c: {  	s7 =	sadd.s32 $0x9, s23;
	v50 =	vld.idx.msk [tilespmem:v35+s15+$0x0], $0xffff;
	v36 =	vadd.s32 s30, v14;
	v21 =	vadd.s32 v1, v34;
	[tilespmem:s24+$0xFFFFFC70] =	vst v30  }
0x32d: {  	s10 =	sadd.s32 $0xA, s23;
	v48 =	vld.idx.msk [tilespmem:v33+s15+$0x0], $0xffff;
	v47 =	vadd.s32 s7, v15;
	v23 =	vadd.s32 v1, v36;
	[tilespmem:s6+$0xFFFFFC80] =	vst v24  }
0x32e: {  	s14 =	sadd.s32 $0xB, s23;
	v54 =	vld.idx.msk [tilespmem:v31+s15+$0x0], $0xffff;
	v49 =	vadd.s32 s10, v15;
	v22 =	vadd.s32 v0, v47;
	[tilespmem:s6+$0xFFFFFD00] =	vst v26  }
0x32f: {  	s17 =	sadd.s32 $0xC, s23;
	v51 =	vadd.s32 s14, v15;
	v25 =	vadd.s32 v0, v49;
	[tilespmem:s6+$0xFFFFFD80] =	vst v44;
	v56 =	vld.idx.msk [tilespmem:v45+s15+$0x0], $0xffff  }
0x330: {  	s19 =	sadd.s32 $0xD, s23;
	v53 =	vadd.s32 s17, v15;
	v52 =	vadd.s32 v0, v51;
	[tilespmem:s6+$0xFFFFFE00] =	vst v46;
	v17 =	vld.idx.msk [tilespmem:v17+s15+$0x0], $0xffff  }
0x331: {  	s18 =	sadd.s32 $0xE, s23;
	v57 =	vadd.s32 s19, v15;
	v27 =	vadd.s32 v0, v53;
	[tilespmem:s6+$0xFFFFFF00] =	vst v50;
	v41 =	vld.idx.msk [tilespmem:v21+s15+$0x0], $0xffff  }
0x332: {  	v58 =	vadd.s32 s18, v15;
	v20 =	vadd.s32 v0, v57;
	[tilespmem:s6+$0xFFFFFE80] =	vst v48;
	v46 =	vld.idx.msk [tilespmem:v23+s15+$0x0], $0xffff  }
0x333: {  	v43 =	vadd.s32 s31, v14;
	v15 =	vadd.s32 v0, v58;
	v30 =	vadd.s32 s2, v14;
	[tilespmem:s6+$0xFFFFFF80] =	vst v54;
	v59 =	vld.idx.msk [tilespmem:v22+s15+$0x0], $0xffff  }
0x334: {  	v61 =	vadd.s32 s25, v14;
	v37 =	vadd.s32 s29, v14;
	v32 =	vadd.s32 v1, v30;
	v60 =	vld.idx.msk [tilespmem:v25+s15+$0x0], $0xffff;
	[tilespmem:s6+$0x0] =	vst v56  }
0x335: {  	v63 =	vadd.s32 s26, v14;
	v35 =	vadd.s32 s0, v14;
	v24 =	vadd.s32 v1, v37;
	v62 =	vld.idx.msk [tilespmem:v52+s15+$0x0], $0xffff;
	[tilespmem:s6+$0x380] =	vst v17  }
0x336: {  	v38 =	vadd.s32 s3, v14;
	v18 =	vadd.s32 v1, v43;
	v40 =	vadd.s32 s7, v14;
	v29 =	vld.idx.msk [tilespmem:v27+s15+$0x0], $0xffff;
	[tilespmem:s6+$0xFFFFFE10] =	vst v41  }
0x337: {  	v47 =	vadd.s32 s14, v14;
	v49 =	vadd.s32 s17, v14;
	v20 =	vld.idx.msk [tilespmem:v20+s15+$0x0], $0xffff;
	v22 =	vadd.s32 v1, v35;
	[tilespmem:s6+$0xFFFFFF10] =	vst v46  }
0x338: {  	v39 =	vadd.s32 v1, v38;
	v51 =	vadd.s32 s19, v14;
	v53 =	vadd.s32 s23, v14;
	v15 =	vld.idx.msk [tilespmem:v15+s15+$0x0], $0xffff;
	[tilespmem:s6+$0x80] =	vst v59  }
0x339: {  	v45 =	vadd.s32 s10, v14;
	v52 =	vadd.s32 s18, v14;
	v14 =	vadd.s32 v1, v53;
	v19 =	vld.idx.msk [tilespmem:v32+s15+$0x0], $0xffff;
	[tilespmem:s6+$0x100] =	vst v60  }
0x33a: {  	v42 =	vadd.s32 v1, v40;
	v24 =	vld.idx.msk [tilespmem:v24+s15+$0x0], $0xffff;
	[tilespmem:s6+$0x180] =	vst v62  }
0x33b: {  	v50 =	vadd.s32 v1, v49;
	v18 =	vld.idx.msk [tilespmem:v18+s15+$0x0], $0xffff;
	[tilespmem:s6+$0x200] =	vst v29  }
0x33c: {  	v23 =	vadd.s32 v1, v51;
	[tilespmem:s6+$0x280] =	vst v20;
	v44 =	vld.idx.msk [tilespmem:v22+s15+$0x0], $0xffff  }
0x33d: {  	v54 =	vadd.s32 v1, v52;
	[tilespmem:s6+$0x300] =	vst v15;
	v20 =	vld.idx.msk [tilespmem:v39+s15+$0x0], $0xffff  }
0x33e: {  	v17 =	vadd.s32 v1, v61;
	v14 =	vld.idx.msk [tilespmem:v14+s15+$0x0], $0xffff;
	[tilespmem:s6+$0xFFFFFD90] =	vst v19  }
0x33f: {  	v55 =	vadd.s32 s31, v13;
	v22 =	vadd.s32 v1, v45;
	v21 =	vld.idx.msk [tilespmem:v42+s15+$0x0], $0xffff;
	[tilespmem:s6+$0xFFFFFF90] =	vst v24  }
0x340: {  	v28 =	vadd.s32 v2, v55;
	v61 =	vadd.s32 s2, v13;
	v19 =	vld.idx.msk [tilespmem:v50+s15+$0x0], $0xffff;
	[tilespmem:s6+$0x390] =	vst v18  }
0x341: {  	v35 =	vadd.s32 s3, v13;
	v62 =	vadd.s32 v2, v61;
	v23 =	vld.idx.msk [tilespmem:v23+s15+$0x0], $0xffff;
	[tilespmem:s6+$0xFFFFFE90] =	vst v44  }
0x342: {  	v37 =	vadd.s32 s7, v13;
	v36 =	vadd.s32 v2, v35;
	v15 =	vld.idx.msk [tilespmem:v54+s15+$0x0], $0xffff;
	[tilespmem:s6+$0x10] =	vst v20  }
0x343: {  	v38 =	vadd.s32 v2, v37;
	v17 =	vld.idx.msk [tilespmem:v17+s15+$0x0], $0xffff;
	[tilespmem:s6+$0xFFFFFC10] =	vst v14  }
0x344: {  	v43 =	vadd.s32 s31, v11;
	v34 =	vadd.s32 s29, v13;
	v18 =	vadd.s32 v1, v63;
	v56 =	vld.idx.msk [tilespmem:v22+s15+$0x0], $0xffff;
	[tilespmem:s6+$0x90] =	vst v21  }
0x345: {  	v26 =	vadd.s32 v4, v43;
	v43 =	vadd.s32 s17, v13;
	v20 =	vadd.s32 v2, v34;
	v31 =	vld.idx.msk [tilespmem:v28+s15+$0x0], $0xffff;
	[tilespmem:s6+$0x210] =	vst v19  }
0x346: {  	v45 =	vadd.s32 v2, v43;
	v63 =	vadd.s32 s28, v13;
	[tilespmem:s6+$0x290] =	vst v23;
	v21 =	vld.idx.msk [tilespmem:v62+s15+$0x0], $0xffff  }
0x347: {  	v33 =	vadd.s32 s31, v12;
	v24 =	vadd.s32 v2, v63;
	[tilespmem:s6+$0x310] =	vst v15;
	v15 =	vld.idx.msk [tilespmem:v36+s15+$0x0], $0xffff  }
0x348: {  	v25 =	vadd.s32 v3, v33;
	v28 =	vadd.s32 s0, v13;
	v14 =	vld.idx.msk [tilespmem:v38+s15+$0x0], $0xffff;
	[tilespmem:s6+$0xFFFFFC90] =	vst v17  }
0x349: {  	v58 =	vadd.s32 s25, v13;
	v29 =	vadd.s32 v2, v28;
	v18 =	vld.idx.msk [tilespmem:v18+s15+$0x0], $0xffff;
	[tilespmem:s6+$0x110] =	vst v56  }
0x34a: {  	v17 =	vadd.s32 v2, v58;
	v44 =	vld.idx.msk [tilespmem:v20+s15+$0x0], $0xffff;
	[tilespmem:s6+$0x3A0] =	vst v31  }
0x34b: {  	v57 =	vadd.s32 s31, v10;
	v48 =	vadd.s32 v1, v47;
	v59 =	vadd.s32 s26, v13;
	v20 =	vld.idx.msk [tilespmem:v45+s15+$0x0], $0xffff;
	[tilespmem:s6+$0xFFFFFDA0] =	vst v21  }
0x34c: {  	v60 =	vadd.s32 v2, v59;
	v22 =	vadd.s32 v5, v57;
	v57 =	vadd.s32 s28, v12;
	v24 =	vld.idx.msk [tilespmem:v24+s15+$0x0], $0xffff;
	[tilespmem:s6+$0x20] =	vst v15  }
0x34d: {  	v59 =	vadd.s32 v3, v57;
	v25 =	vld.idx.msk [tilespmem:v25+s15+$0x0], $0xffff;
	[tilespmem:s6+$0xA0] =	vst v14  }
0x34e: {  	v30 =	vadd.s32 s30, v13;
	v16 =	vld.idx.msk [tilespmem:v29+s15+$0x0], $0xffff;
	v29 =	vadd.s32 s29, v12;
	[tilespmem:s6+$0xFFFFFD10] =	vst v18  }
0x34f: {  	v47 =	vadd.s32 s19, v13;
	v31 =	vadd.s32 v2, v30;
	v30 =	vadd.s32 v3, v29;
	v17 =	vld.idx.msk [tilespmem:v17+s15+$0x0], $0xffff;
	[tilespmem:s6+$0xFFFFFFA0] =	vst v44  }
0x350: {  	v49 =	vadd.s32 s23, v13;
	v41 =	vadd.s32 s14, v13;
	v18 =	vld.idx.msk [tilespmem:v48+s15+$0x0], $0xffff;
	[tilespmem:s6+$0x220] =	vst v20  }
0x351: {  	v39 =	vadd.s32 s10, v13;
	v48 =	vadd.s32 s18, v13;
	v13 =	vadd.s32 v2, v49;
	v33 =	vld.idx.msk [tilespmem:v60+s15+$0x0], $0xffff;
	[tilespmem:s6+$0xFFFFFE20] =	vst v24  }
0x352: {  	v42 =	vadd.s32 v2, v41;
	[tilespmem:s6+$0x3B0] =	vst v25;
	v34 =	vld.idx.msk [tilespmem:v59+s15+$0x0], $0xffff  }
0x353: {  	v51 =	vadd.s32 s25, v12;
	v52 =	vadd.s32 s26, v12;
	v50 =	vadd.s32 v2, v48;
	[tilespmem:s6+$0xFFFFFEA0] =	vst v16;
	v55 =	vld.idx.msk [tilespmem:v26+s15+$0x0], $0xffff  }
0x354: {  	v32 =	vadd.s32 s31, v9;
	v53 =	vadd.s32 v3, v52;
	v60 =	vadd.s32 s0, v12;
	v43 =	vld.idx.msk [tilespmem:v30+s15+$0x0], $0xffff;
	[tilespmem:s6+$0xFFFFFCA0] =	vst v17  }
0x355: {  	v40 =	vadd.s32 v2, v39;
	v54 =	vadd.s32 s2, v12;
	v61 =	vadd.s32 v3, v60;
	[tilespmem:s6+$0x190] =	vst v18;
	v18 =	vld.idx.msk [tilespmem:v31+s15+$0x0], $0xffff  }
0x356: {  	v39 =	vadd.s32 s14, v12;
	v62 =	vadd.s32 s30, v12;
	v21 =	vadd.s32 v2, v47;
	v13 =	vld.idx.msk [tilespmem:v13+s15+$0x0], $0xffff;
	[tilespmem:s6+$0xFFFFFD20] =	vst v33  }
0x357: {  	v36 =	vadd.s32 s10, v12;
	v56 =	vadd.s32 v3, v54;
	v45 =	vadd.s32 s19, v12;
	v17 =	vld.idx.msk [tilespmem:v42+s15+$0x0], $0xffff;
	[tilespmem:s6+$0xFFFFFE30] =	vst v34  }
0x358: {  	v49 =	vadd.s32 s23, v12;
	v31 =	vadd.s32 s3, v12;
	v58 =	vld.idx.msk [tilespmem:v50+s15+$0x0], $0xffff;
	[tilespmem:s6+$0x3C0] =	vst v55  }
0x359: {  	v48 =	vadd.s32 s18, v12;
	v25 =	vadd.s32 v6, v32;
	v32 =	vadd.s32 v3, v31;
	v19 =	vld.idx.msk [tilespmem:v53+s15+$0x0], $0xffff;
	[tilespmem:s6+$0xFFFFFFB0] =	vst v43  }
0x35a: {  	v33 =	vadd.s32 s7, v12;
	v42 =	vadd.s32 s17, v12;
	v12 =	vadd.s32 v3, v49;
	v37 =	vld.idx.msk [tilespmem:v61+s15+$0x0], $0xffff;
	[tilespmem:s6+$0xFFFFFF20] =	vst v18  }
0x35b: {  	v35 =	vadd.s32 v3, v33;
	v55 =	vld.idx.msk [tilespmem:v21+s15+$0x0], $0xffff;
	[tilespmem:s6+$0xFFFFFC20] =	vst v13  }
0x35c: {  	v41 =	vadd.s32 v3, v39;
	v21 =	vld.idx.msk [tilespmem:v56+s15+$0x0], $0xffff;
	[tilespmem:s6+$0x1A0] =	vst v17  }
0x35d: {  	v46 =	vadd.s32 s31, v8;
	v60 =	vadd.s32 s28, v11;
	v44 =	vadd.s32 v3, v42;
	v22 =	vld.idx.msk [tilespmem:v22+s15+$0x0], $0xffff;
	[tilespmem:s6+$0x320] =	vst v58  }
0x35e: {  	v23 =	vadd.s32 v7, v46;
	v61 =	vadd.s32 v4, v60;
	v46 =	vld.idx.msk [tilespmem:v32+s15+$0x0], $0xffff;
	[tilespmem:s6+$0xFFFFFD30] =	vst v19  }
0x35f: {  	v50 =	vadd.s32 v3, v48;
	v12 =	vld.idx.msk [tilespmem:v12+s15+$0x0], $0xffff;
	[tilespmem:s6+$0xFFFFFEB0] =	vst v37  }
0x360: {  	v16 =	vld.idx.msk [tilespmem:v35+s15+$0x0], $0xffff;
	[tilespmem:s6+$0x2A0] =	vst v55  }
0x361: {  	v28 =	vadd.s32 v3, v62;
	v53 =	vld.idx.msk [tilespmem:v41+s15+$0x0], $0xffff;
	[tilespmem:s6+$0xFFFFFDB0] =	vst v21  }
0x362: {  	v56 =	vld.idx.msk [tilespmem:v44+s15+$0x0], $0xffff;
	[tilespmem:s6+$0x3D0] =	vst v22  }
0x363: {  	v18 =	vadd.s32 v3, v51;
	v58 =	vadd.s32 s2, v11;
	v19 =	vld.idx.msk [tilespmem:v61+s15+$0x0], $0xffff;
	[tilespmem:s6+$0x30] =	vst v46  }
0x364: {  	v30 =	vadd.s32 s3, v11;
	v59 =	vadd.s32 v4, v58;
	v21 =	vld.idx.msk [tilespmem:v50+s15+$0x0], $0xffff;
	[tilespmem:s6+$0xFFFFFC30] =	vst v12  }
0x365: {  	v39 =	vadd.s32 s17, v11;
	v32 =	vadd.s32 v4, v30;
	v22 =	vld.idx.msk [tilespmem:v40+s15+$0x0], $0xffff;
	[tilespmem:s6+$0xB0] =	vst v16  }
0x366: {  	v41 =	vadd.s32 v4, v39;
	v55 =	vadd.s32 s26, v11;
	v40 =	vld.idx.msk [tilespmem:v28+s15+$0x0], $0xffff;
	[tilespmem:s6+$0x1B0] =	vst v53  }
0x367: {  	v27 =	vadd.s32 s29, v11;
	v57 =	vadd.s32 v4, v55;
	v25 =	vld.idx.msk [tilespmem:v25+s15+$0x0], $0xffff;
	[tilespmem:s6+$0x230] =	vst v56  }
0x368: {  	v29 =	vadd.s32 v4, v27;
	v63 =	vld.idx.msk [tilespmem:v18+s15+$0x0], $0xffff;
	[tilespmem:s6+$0xFFFFFE40] =	vst v19  }
0x369: {  	v52 =	vadd.s32 s25, v11;
	v38 =	vadd.s32 v3, v36;
	v24 =	vadd.s32 s30, v11;
	v31 =	vld.idx.msk [tilespmem:v59+s15+$0x0], $0xffff;
	[tilespmem:s6+$0x330] =	vst v21  }
0x36a: {  	v62 =	vadd.s32 s0, v11;
	v36 =	vadd.s32 s14, v11;
	v26 =	vadd.s32 v4, v24;
	v43 =	vld.idx.msk [tilespmem:v32+s15+$0x0], $0xffff;
	[tilespmem:s6+$0x120] =	vst v22  }
0x36b: {  	v47 =	vadd.s32 v3, v45;
	v45 =	vadd.s32 s18, v11;
	v33 =	vadd.s32 s7, v11;
	v20 =	vld.idx.msk [tilespmem:v41+s15+$0x0], $0xffff;
	[tilespmem:s6+$0xFFFFFF30] =	vst v40  }
0x36c: {  	v54 =	vadd.s32 v4, v52;
	v34 =	vadd.s32 s10, v11;
	v46 =	vadd.s32 s23, v11;
	v28 =	vld.idx.msk [tilespmem:v57+s15+$0x0], $0xffff;
	[tilespmem:s6+$0x3E0] =	vst v25  }
0x36d: {  	v42 =	vadd.s32 s19, v11;
	v55 =	vadd.s32 s28, v10;
	v11 =	vadd.s32 v4, v46;
	v40 =	vld.idx.msk [tilespmem:v29+s15+$0x0], $0xffff;
	[tilespmem:s6+$0xFFFFFCB0] =	vst v63  }
0x36e: {  	v56 =	vadd.s32 v5, v55;
	v51 =	vld.idx.msk [tilespmem:v38+s15+$0x0], $0xffff;
	[tilespmem:s6+$0xFFFFFDC0] =	vst v31  }
0x36f: {  	v63 =	vadd.s32 v4, v62;
	v37 =	vld.idx.msk [tilespmem:v26+s15+$0x0], $0xffff;
	[tilespmem:s6+$0x40] =	vst v43  }
0x370: {  	v60 =	vadd.s32 s29, v10;
	v38 =	vadd.s32 v4, v36;
	v23 =	vld.idx.msk [tilespmem:v23+s15+$0x0], $0xffff;
	[tilespmem:s6+$0x240] =	vst v20  }
0x371: {  	v61 =	vadd.s32 v5, v60;
	v25 =	vld.idx.msk [tilespmem:v54+s15+$0x0], $0xffff;
	[tilespmem:s6+$0xFFFFFD40] =	vst v28  }
0x372: {  	v11 =	vld.idx.msk [tilespmem:v11+s15+$0x0], $0xffff;
	[tilespmem:s6+$0xFFFFFFC0] =	vst v40  }
0x373: {  	v22 =	vadd.s32 v4, v33;
	v14 =	vld.idx.msk [tilespmem:v56+s15+$0x0], $0xffff;
	[tilespmem:s6+$0x130] =	vst v51  }
0x374: {  	v35 =	vadd.s32 v4, v34;
	v16 =	vld.idx.msk [tilespmem:v63+s15+$0x0], $0xffff;
	[tilespmem:s6+$0xFFFFFF40] =	vst v37  }
0x375: {  	v48 =	vadd.s32 v4, v45;
	v53 =	vadd.s32 s2, v10;
	v18 =	vld.idx.msk [tilespmem:v38+s15+$0x0], $0xffff;
	[tilespmem:s6+$0x3F0] =	vst v23  }
0x376: {  	v59 =	vadd.s32 s30, v10;
	v54 =	vadd.s32 v5, v53;
	v31 =	vld.idx.msk [tilespmem:v61+s15+$0x0], $0xffff;
	[tilespmem:s6+$0xFFFFFCC0] =	vst v25  }
0x377: {  	v49 =	vadd.s32 s25, v10;
	v19 =	vadd.s32 v5, v59;
	v23 =	vld.idx.msk [tilespmem:v47+s15+$0x0], $0xffff;
	[tilespmem:s6+$0xFFFFFC40] =	vst v11  }
0x378: {  	v50 =	vadd.s32 v5, v49;
	v62 =	vadd.s32 s3, v10;
	v47 =	vld.idx.msk [tilespmem:v22+s15+$0x0], $0xffff;
	[tilespmem:s6+$0xFFFFFE50] =	vst v14  }
0x379: {  	v30 =	vadd.s32 s17, v10;
	v63 =	vadd.s32 v5, v62;
	v21 =	vld.idx.msk [tilespmem:v35+s15+$0x0], $0xffff;
	[tilespmem:s6+$0xFFFFFEC0] =	vst v16  }
0x37a: {  	v32 =	vadd.s32 v5, v30;
	v51 =	vadd.s32 s26, v10;
	v22 =	vld.idx.msk [tilespmem:v48+s15+$0x0], $0xffff;
	[tilespmem:s6+$0x1C0] =	vst v18  }
0x37b: {  	v57 =	vadd.s32 s0, v10;
	v52 =	vadd.s32 v5, v51;
	v15 =	vld.idx.msk [tilespmem:v54+s15+$0x0], $0xffff;
	[tilespmem:s6+$0xFFFFFFD0] =	vst v31  }
0x37c: {  	v27 =	vadd.s32 s14, v10;
	v24 =	vadd.s32 s7, v10;
	v58 =	vadd.s32 v5, v57;
	v28 =	vld.idx.msk [tilespmem:v19+s15+$0x0], $0xffff;
	[tilespmem:s6+$0x2B0] =	vst v23  }
0x37d: {  	v29 =	vadd.s32 v5, v27;
	v33 =	vadd.s32 s19, v10;
	v37 =	vadd.s32 s23, v10;
	v16 =	vld.idx.msk [tilespmem:v50+s15+$0x0], $0xffff;
	[tilespmem:s6+$0xC0] =	vst v47  }
0x37e: {  	v26 =	vadd.s32 s10, v10;
	v36 =	vadd.s32 s18, v10;
	v10 =	vadd.s32 v5, v37;
	v34 =	vld.idx.msk [tilespmem:v63+s15+$0x0], $0xffff;
	[tilespmem:s6+$0x140] =	vst v21  }
0x37f: {  	v44 =	vadd.s32 v4, v42;
	v18 =	vld.idx.msk [tilespmem:v32+s15+$0x0], $0xffff;
	[tilespmem:s6+$0x340] =	vst v22  }
0x380: {  	v25 =	vadd.s32 v5, v24;
	v12 =	vld.idx.msk [tilespmem:v52+s15+$0x0], $0xffff;
	[tilespmem:s6+$0xFFFFFDD0] =	vst v15  }
0x381: {  	v40 =	vadd.s32 s25, v9;
	v13 =	vld.idx.msk [tilespmem:v58+s15+$0x0], $0xffff;
	v21 =	vadd.s32 v5, v26;
	[tilespmem:s6+$0xFFFFFF50] =	vst v28  }
0x382: {  	v45 =	vadd.s32 s28, v9;
	v41 =	vadd.s32 v6, v40;
	v19 =	vld.idx.msk [tilespmem:v29+s15+$0x0], $0xffff;
	[tilespmem:s6+$0xFFFFFCD0] =	vst v16  }
0x383: {  	v46 =	vadd.s32 v6, v45;
	v50 =	vadd.s32 s29, v9;
	v10 =	vld.idx.msk [tilespmem:v10+s15+$0x0], $0xffff;
	[tilespmem:s6+$0x50] =	vst v34  }
0x384: {  	v61 =	vadd.s32 s17, v9;
	v51 =	vadd.s32 v6, v50;
	v17 =	vld.idx.msk [tilespmem:v44+s15+$0x0], $0xffff;
	[tilespmem:s6+$0x250] =	vst v18  }
0x385: {  	v42 =	vadd.s32 s26, v9;
	v63 =	vadd.s32 v6, v61;
	v38 =	vld.idx.msk [tilespmem:v25+s15+$0x0], $0xffff;
	[tilespmem:s6+$0xFFFFFD50] =	vst v12  }
0x386: {  	v49 =	vadd.s32 s30, v9;
	v27 =	vadd.s32 s18, v9;
	v39 =	vadd.s32 v5, v36;
	v21 =	vld.idx.msk [tilespmem:v21+s15+$0x0], $0xffff;
	[tilespmem:s6+$0xFFFFFED0] =	vst v13  }
0x387: {  	v43 =	vadd.s32 v6, v42;
	v56 =	vadd.s32 s10, v9;
	v47 =	vadd.s32 s0, v9;
	v13 =	vld.idx.msk [tilespmem:v41+s15+$0x0], $0xffff;
	[tilespmem:s6+$0x1D0] =	vst v19  }
0x388: {  	v54 =	vadd.s32 s7, v9;
	v52 =	vadd.s32 s3, v9;
	v48 =	vadd.s32 v6, v47;
	v12 =	vld.idx.msk [tilespmem:v46+s15+$0x0], $0xffff;
	[tilespmem:s6+$0xFFFFFC50] =	vst v10  }
0x389: {  	v24 =	vadd.s32 s19, v9;
	v28 =	vadd.s32 s23, v9;
	v53 =	vadd.s32 v6, v52;
	v62 =	vld.idx.msk [tilespmem:v51+s15+$0x0], $0xffff;
	[tilespmem:s6+$0x2C0] =	vst v17  }
0x38a: {  	v58 =	vadd.s32 s14, v9;
	v44 =	vadd.s32 s2, v9;
	v9 =	vadd.s32 v6, v28;
	v19 =	vld.idx.msk [tilespmem:v63+s15+$0x0], $0xffff;
	[tilespmem:s6+$0xD0] =	vst v38  }
0x38b: {  	v35 =	vadd.s32 v5, v33;
	v17 =	vld.idx.msk [tilespmem:v39+s15+$0x0], $0xffff;
	[tilespmem:s6+$0x150] =	vst v21  }
0x38c: {  	v14 =	vadd.s32 v6, v44;
	v11 =	vld.idx.msk [tilespmem:v43+s15+$0x0], $0xffff;
	[tilespmem:s6+$0xFFFFFCE0] =	vst v13  }
0x38d: {  	v55 =	vadd.s32 v6, v54;
	v15 =	vld.idx.msk [tilespmem:v48+s15+$0x0], $0xffff;
	[tilespmem:s6+$0xFFFFFE60] =	vst v12  }
0x38e: {  	v16 =	vadd.s32 v6, v49;
	v25 =	vld.idx.msk [tilespmem:v53+s15+$0x0], $0xffff;
	[tilespmem:s6+$0xFFFFFFE0] =	vst v62  }
0x38f: {  	v36 =	vadd.s32 s28, v8;
	v60 =	vadd.s32 v6, v58;
	v9 =	vld.idx.msk [tilespmem:v9+s15+$0x0], $0xffff;
	[tilespmem:s6+$0x260] =	vst v19  }
0x390: {  	v57 =	vadd.s32 v6, v56;
	v56 =	vadd.s32 s18, v8;
	v40 =	vadd.s32 s30, v8;
	v20 =	vld.idx.msk [tilespmem:v35+s15+$0x0], $0xffff;
	[tilespmem:s6+$0x350] =	vst v17  }
0x391: {  	v37 =	vadd.s32 v7, v36;
	v31 =	vadd.s32 s25, v8;
	v41 =	vadd.s32 s29, v8;
	v14 =	vld.idx.msk [tilespmem:v14+s15+$0x0], $0xffff;
	[tilespmem:s6+$0xFFFFFD60] =	vst v11  }
0x392: {  	v32 =	vadd.s32 s26, v8;
	v50 =	vadd.s32 s17, v8;
	v42 =	vadd.s32 v7, v41;
	v29 =	vld.idx.msk [tilespmem:v55+s15+$0x0], $0xffff;
	[tilespmem:s6+$0xFFFFFEE0] =	vst v15  }
0x393: {  	v47 =	vadd.s32 s14, v8;
	v52 =	vadd.s32 v7, v50;
	v44 =	vadd.s32 s7, v8;
	v59 =	vld.idx.msk [tilespmem:v16+s15+$0x0], $0xffff;
	[tilespmem:s6+$0x60] =	vst v25  }
0x394: {  	v30 =	vadd.s32 v6, v27;
	v34 =	vadd.s32 s2, v8;
	v46 =	vadd.s32 s10, v8;
	v16 =	vld.idx.msk [tilespmem:v60+s15+$0x0], $0xffff;
	[tilespmem:s6+$0xFFFFFC60] =	vst v9  }
0x395: {  	v33 =	vadd.s32 v7, v32;
	v38 =	vadd.s32 s0, v8;
	v43 =	vadd.s32 s3, v8;
	v17 =	vld.idx.msk [tilespmem:v57+s15+$0x0], $0xffff;
	[tilespmem:s6+$0x2D0] =	vst v20  }
0x396: {  	v53 =	vadd.s32 s19, v8;
	v8 =	vadd.s32 s23, v8;
	v39 =	vadd.s32 v7, v38;
	v11 =	vld.idx.msk [tilespmem:v37+s15+$0x0], $0xffff;
	[tilespmem:s6+$0xFFFFFDE0] =	vst v14  }
0x397: {  	v8 =	vadd.s32 v7, v8;
	v51 =	vld.idx.msk [tilespmem:v42+s15+$0x0], $0xffff;
	[tilespmem:s6+$0xE0] =	vst v29  }
0x398: {  	v26 =	vadd.s32 v6, v24;
	v61 =	vld.idx.msk [tilespmem:v52+s15+$0x0], $0xffff;
	[tilespmem:s6+$0xFFFFFF60] =	vst v59  }
0x399: {  	v35 =	vadd.s32 v7, v34;
	v20 =	vld.idx.msk [tilespmem:v30+s15+$0x0], $0xffff;
	[tilespmem:s6+$0x1E0] =	vst v16  }
0x39a: {  	v45 =	vadd.s32 v7, v44;
	v10 =	vld.idx.msk [tilespmem:v33+s15+$0x0], $0xffff;
	[tilespmem:s6+$0x160] =	vst v17  }
0x39b: {  	v12 =	vadd.s32 v7, v31;
	v14 =	vld.idx.msk [tilespmem:v39+s15+$0x0], $0xffff;
	[tilespmem:s6+$0xFFFFFE70] =	vst v11  }
0x39c: {  	v49 =	vadd.s32 v7, v47;
	v8 =	vld.idx.msk [tilespmem:v8+s15+$0x0], $0xffff;
	[tilespmem:s6+$0xFFFFFFF0] =	vst v51  }
0x39d: {  	v15 =	vadd.s32 v7, v40;
	v18 =	vld.idx.msk [tilespmem:v26+s15+$0x0], $0xffff;
	[tilespmem:s6+$0x270] =	vst v61  }
0x39e: {  	v19 =	vadd.s32 v7, v46;
	v13 =	vld.idx.msk [tilespmem:v35+s15+$0x0], $0xffff;
	[tilespmem:s6+$0x360] =	vst v20  }
0x39f: {  	v58 =	vadd.s32 v7, v56;
	v57 =	vld.idx.msk [tilespmem:v45+s15+$0x0], $0xffff;
	[tilespmem:s6+$0xFFFFFD70] =	vst v10  }
0x3a0: {  	v55 =	vadd.s32 v7, v53;
	v12 =	vld.idx.msk [tilespmem:v12+s15+$0x0], $0xffff;
	[tilespmem:s6+$0xFFFFFEF0] =	vst v14  }
0x3a1: {  	v60 =	vld.idx.msk [tilespmem:v49+s15+$0x0], $0xffff;
	v17 =	vadd.s32 v7, v43;
	[tilespmem:s6+$0xFFFFFC70] =	vst v8  }
0x3a2: {  	v48 =	vld.idx.msk [tilespmem:v15+s15+$0x0], $0xffff;
	[tilespmem:s6+$0x2E0] =	vst v18  }
0x3a3: {  	v59 =	vld.idx.msk [tilespmem:v19+s15+$0x0], $0xffff;
	[tilespmem:s6+$0xFFFFFDF0] =	vst v13  }
0x3a4: {  	v63 =	vld.idx.msk [tilespmem:v58+s15+$0x0], $0xffff;
	[tilespmem:s6+$0xF0] =	vst v57  }
0x3a5: {  	v62 =	vld.idx.msk [tilespmem:v55+s15+$0x0], $0xffff;
	[tilespmem:s6+$0xFFFFFCF0] =	vst v12  }
0x3a6: {  	s21 =	sadd.s32 $0x1, s21;
	[tilespmem:s6+$0x1F0] =	vst v60;
	v54 =	vld.idx.msk [tilespmem:v17+s15+$0x0], $0xffff  }
0x3a7: {  	p0 =	sne.s32 s21, $0x64;
	[tilespmem:s6+$0xFFFFFF70] =	vst v48  }
.Ltmp2:
0x3a8: {  	s30 =	sshll.u32 s22, $0x12;
	[tilespmem:s6+$0x170] =	vst v59;
	(pc) =	sbr.rel @p0 .LBB2_2-.Ltmp2, $4  }
0x3a9: {  	s0 =	sor.u32 s4, s30;
	[tilespmem:s6+$0x370] =	vst v63  }
0x3aa: {  	s0 =	sshrl.u32 s0, $0x3;
	[tilespmem:s6+$0x2F0] =	vst v62  }
0x3ab: {  	s31 =	simm.s32 $0x10600;
	s0 =	sadd.s32 s1, s0;
	[tilespmem:s6+$0x70] =	vst v54  }
0x3ac: {  	[hbm4b:s0+s8] =	stream.strided.scatter [tilespmem:s31], [sflag:$0x2], $0x2000, s9, s8, $0x38;
	[tilespmem:$0x12600] =	vst v63  }
0x3ad: {  	_ =	swait.ge [sflag:s16], $0x4000  }
0x3ae: {  	[sflag:s16] =	ssyncset.done $0x0  }
0x3af: {  	s2 =	simm.s32 $0x2;
	[sflag:s16] =	ssyncadd.s32 $0xFFFFC000  }
0x3b0: {  	_ =	swait.ge [sflag:s2], $0x2000  }
0x3b1: {  	[sflag:s2] =	ssyncset.done $0x0  }
0x3b2: {  	[sflag:s2] =	ssyncadd.s32 $0xFFFFE000  }
0x3b3: {  	_ =	swait.ge [sflag:s2], $0x2000  }
0x3b4: {  	s3 =	rddreg [dreg:$0x6]  }
0x3b5: {  	s0 =	rddreg [dreg:$0x5];
	s3 =	sadd.s32 $0x1, s3  }
0x3b6: {  	p0 =	sne.s32 s3, s0  }
.Ltmp3:
0x3b7: {  	_ = 	snop;
	(pc) =	sbr.rel @p0 .LBB2_1-.Ltmp3, $3  }
0x3b8: {  	_ =	sdelay $0x1  }
0x3b9: {  	[sflag:s2] =	ssyncset.done $0x0  }
0x3ba: {  	[sflag:s2] =	ssyncadd.s32 $0xFFFFE000  }
0x3bb: {  	_ =	sfence.sel $0x180000  }
0x3bc: {  	[bflag:$0x0] =	sbarrier.arrive $0xFFFF  }
0x3bd: {  	_ =	strace $0x9000004A  }
0x3be: {  	s0 =	stileid.u32;
	[bflag:$0x2] =	sbarrier.arrive $0xFFFF  }
0x3bf: {  	p0 =	sne.s32 s0, $0x0;
	s0 =	rddreg [dreg:$0x3]  }
0x3c0: {  	s0 =	sadd.s32 @!p0 $0x100000, s0  }
0x3c1: {  	[sflag:s0] =	ssyncadd.tile.s32 @!p0 $0x1;
	_ =	shalt  }
.Lfunc_end2:
_tile_overlayer_lowered:
.L_overlay_start_2:
0x3c2: {  	(tag) =	ssettag $0x2  }
0x3c3: {  	s0 =	rddreg [dreg:$0x0];
	s2 =	stileid.u32  }
0x3c4: {  	s1 =	rddreg [dreg:$0x1];
	p0 =	sne.s32 s2, $0x0  }
0x3c5: {  	s3 =	rddreg [dreg:$0x2];
	[bflag:$0x3] =	sbarrier.arrive $0xFFFF;
	s2 =	simm.s32 @!p0 $0x1C03  }
0x3c6: {  	[timem:s3], [sflag:s2] =	dma.local @!p0 [hbm:s0], s1  }
0x3c7: {  	s0 =	simm.s32 @!p0 $0x3  }
0x3c8: {  	_ =	swait.ge @!p0 [sflag:s0], s1  }
0x3c9: {  	s1 =	ssub.s32 @!p0 $0x0, s1;
	[sflag:s0] =	ssyncset.done @!p0 $0x0  }
0x3ca: {  	[sflag:s0] =	ssyncadd.s32 @!p0 s1  }
0x3cb: {  	[bflag:$0x3] =	sbarrier.arrive $0xFFFF  }
0x3cc: {  	_ =	shalt  }

</sc_bundles>
